<compile_context>
chip_gen: v7x
topology: tpu7x:2x2x1
jax: 0.10.2.dev20260603
libtpu: 0.0.44.dev20260713+nightly
codegen_flags: <defaults>
</compile_context>

<pallas_src>
import functools

import jax
import jax.numpy as jnp
from jax import lax
from jax.experimental import pallas as pl
from jax.experimental.pallas import tpu as pltpu
from jax.experimental.pallas import tpu_sc as plsc

N = 10000
FD = 128
K = 16
NP = 10240
RB = 256
G = NP // 128
CW = 512
MASKV = 1.0e37
PICKV = 1.0e38
IBIG = 2 ** 30
MAX_ROUNDS = 20

NC, NS = 2, 16
HF = FD // 2
EW = NP // NS
CE = 8
CS = 128
NSS = EW // CS
NGS = CS // CE
NGC = EW // CE
PUB = 64
SLAB = NP // NS
CNTW = 16

_F32 = jnp.float32
_I32 = jnp.int32


def _knn_body(xb_ref, xt_ref, out_ref, d_ref, sq_ref):
    xb = xb_ref[...]
    sqb = jnp.sum(xb * xb, axis=1, keepdims=True)

    @pl.when(pl.program_id(0) == 0)
    def _():
        for c in range(NP // CW):
            xtc = xt_ref[:, pl.ds(c * CW, CW)]
            sqc = jnp.sum(xtc * xtc, axis=0, keepdims=True)
            colio = lax.broadcasted_iota(_I32, (1, CW), 1) + c * CW
            sq_ref[:, pl.ds(c * CW, CW)] = jnp.where(colio >= N, MASKV, sqc)

    for c in range(NP // CW):
        xtc = xt_ref[:, pl.ds(c * CW, CW)]
        mm = lax.dot_general(xb, xtc, (((1,), (0,)), ((), ())),
                             precision=lax.Precision.DEFAULT,
                             preferred_element_type=_F32)
        sqc = sq_ref[:, pl.ds(c * CW, CW)]
        d_ref[:, pl.ds(c * CW, CW)] = sqb + sqc - 2.0 * mm

    lane = lax.broadcasted_iota(_I32, (RB, 128), 1).astype(_F32)
    tlane = lax.broadcasted_iota(_I32, (RB, K), 1)
    FBIG = 1.0e9

    def scan_pass(pcons, pgi):
        def gbody(g, carry):
            m, gi = carry
            gf = g.astype(_F32)
            blk = d_ref[:, pl.ds(g * 128, 128)]
            hit = jnp.logical_and(pcons, pgi == gf)
            blk = jnp.where(hit, MASKV, blk)
            d_ref[:, pl.ds(g * 128, 128)] = blk
            better = blk < m
            gi = jnp.where(better, gf, gi)
            m = jnp.where(better, blk, m)
            return m, gi
        m0 = jnp.full((RB, 128), PICKV, _F32)
        gi0 = jnp.zeros((RB, 128), _F32)
        return lax.fori_loop(0, G, gbody, (m0, gi0))

    def plain_scan():
        def gbody(g, carry):
            m, gi = carry
            gf = g.astype(_F32)
            blk = d_ref[:, pl.ds(g * 128, 128)]
            better = blk < m
            gi = jnp.where(better, gf, gi)
            m = jnp.where(better, blk, m)
            return m, gi
        m0 = jnp.full((RB, 128), PICKV, _F32)
        gi0 = jnp.zeros((RB, 128), _F32)
        return lax.fori_loop(0, G, gbody, (m0, gi0))

    def merge_round(m, gi, cv, ci):
        cidx = gi * 128.0 + lane

        c16v = jnp.max(cv, axis=1, keepdims=True)
        done = jnp.bool_(False)

        ncv = jnp.full((RB, K), PICKV, _F32)
        nci = jnp.full((RB, K), FBIG, _F32)
        for t in range(K):
            av = jnp.min(m, axis=1, keepdims=True)
            ai = jnp.min(jnp.where(m == av, cidx, FBIG), axis=1, keepdims=True)
            if t == 0:
                done = jnp.all(c16v < av)
            bv = jnp.min(cv, axis=1, keepdims=True)
            bi = jnp.min(jnp.where(cv == bv, ci, FBIG), axis=1, keepdims=True)
            pa = jnp.logical_or(av < bv, jnp.logical_and(av == bv, ai < bi))
            v = jnp.where(pa, av, bv)
            i = jnp.where(pa, ai, bi)
            m = jnp.where(jnp.logical_and(m == v, cidx == i), PICKV, m)
            cv = jnp.where(jnp.logical_and(cv == v, ci == i), PICKV, cv)
            ncv = jnp.where(tlane == t, v, ncv)
            nci = jnp.where(tlane == t, i, nci)

        consumed = jnp.where(m == PICKV, 1, 0)
        return done, consumed, ncv, nci

    def cond(carry):
        k, done = carry[0], carry[1]
        return jnp.logical_and(k < MAX_ROUNDS, jnp.logical_not(done))

    def body(carry):
        k, _, pconsi, pgi, cv, ci = carry
        m, gi = scan_pass(pconsi == 1, pgi)
        done, consumed, ncv, nci = merge_round(m, gi, cv, ci)
        return k + 1, done, consumed, gi, ncv, nci

    m1, gi1 = plain_scan()
    _, cons1, cv1, ci1 = merge_round(
        m1, gi1, jnp.full((RB, K), PICKV, _F32), jnp.full((RB, K), FBIG, _F32))
    init = (jnp.int32(1), jnp.bool_(False), cons1, gi1, cv1, ci1)
    carry = lax.while_loop(cond, body, init)
    nn = carry[5].astype(_I32)
    out_ref[:, pl.ds(0, K)] = nn
    out_ref[:, pl.ds(K, 128 - K)] = jnp.zeros((RB, 128 - K), _I32)


_knn_call = pl.pallas_call(
    _knn_body,
    grid=(NP // RB,),
    in_specs=[pl.BlockSpec((RB, FD), lambda i: (i, 0)),
              pl.BlockSpec((FD, NP), lambda i: (0, 0))],
    out_specs=pl.BlockSpec((RB, 128), lambda i: (i, 0)),
    out_shape=jax.ShapeDtypeStruct((NP, 128), _I32),
    scratch_shapes=[pltpu.VMEM((RB, NP), _F32),
                    pltpu.VMEM((1, NP), _F32)],
)


def _mm_body(x_ref, w_ref, o_ref):
    o_ref[...] = lax.dot_general(
        x_ref[...], w_ref[...], (((1,), (0,)), ((), ())),
        precision=lax.Precision.DEFAULT, preferred_element_type=_F32)


_mm_call = pl.pallas_call(
    _mm_body,
    grid=(NP // 512,),
    in_specs=[pl.BlockSpec((512, FD), lambda i: (i, 0)),
              pl.BlockSpec((FD, FD), lambda i: (0, 0))],
    out_specs=pl.BlockSpec((512, FD), lambda i: (i, 0)),
    out_shape=jax.ShapeDtypeStruct((NP, FD), _F32),
)


def _comb_body(p0_ref, p1_ref, cn_ref, b_ref, o_ref):
    s = jnp.concatenate([p0_ref[...], p1_ref[...]], axis=1)
    dn = jnp.maximum(cn_ref[...], 1.0)
    z = s / dn + b_ref[...]
    o_ref[...] = jnp.where(z >= 0.0, z, 0.01 * z)


_comb_specs = [pl.BlockSpec((512, HF), lambda i: (i, 0)),
               pl.BlockSpec((512, HF), lambda i: (i, 0)),
               pl.BlockSpec((512, 1), lambda i: (i, 0)),
               pl.BlockSpec((1, FD), lambda i: (0, 0))]

_comb_call = pl.pallas_call(
    _comb_body,
    grid=(NP // 512,),
    in_specs=_comb_specs,
    out_specs=pl.BlockSpec((512, FD), lambda i: (i, 0)),
    out_shape=jax.ShapeDtypeStruct((NP, FD), _F32),
)


def _sc_layer_body(y_hbm, ga_hbm, sct_hbm, zrow_hbm, zcnt_hbm, p_hbm,
                   cnt_hbm, gidx_all, sidx_all, rows_a, rows_b, ftc_v,
                   ones_v, acc_sh, accc_sh, sem_a, sem_b, sem_s, sem_c):
    c = lax.axis_index("c")
    s = lax.axis_index("s")
    slab = s * SLAB
    tb = c * NP

    pltpu.sync_copy(ga_hbm.at[s], gidx_all)
    pltpu.sync_copy(sct_hbm.at[s], sidx_all)

    def adj_r(r, _):
        def adj_c(i, _):
            gidx_all[r, pl.ds(i * 16, 16)] = (
                gidx_all[r, pl.ds(i * 16, 16)] + tb)
            return 0
        lax.fori_loop(0, CE * K // 16, adj_c, 0)
        return 0
    lax.fori_loop(0, NGC, adj_r, 0)

    pltpu.sync_copy(zrow_hbm, acc_sh.at[pl.ds(slab, SLAB)])
    pltpu.sync_copy(zcnt_hbm, accc_sh.at[pl.ds(slab, SLAB)])

    def ones_body(i, _):
        ones_v[i, :] = jnp.ones((CNTW,), _F32)
        return 0
    lax.fori_loop(0, CS, ones_body, 0)
    plsc.subcore_barrier()

    def start_g(t, buf, sem):
        pltpu.async_copy(y_hbm.at[gidx_all.at[t]], buf, sem)

    def wait_g(buf, sem):
        pltpu.make_async_copy(y_hbm.at[pl.ds(0, CE * K)], buf, sem).wait()

    def reduce_chunk(buf, g):
        def ebody(e, _):
            r0 = e * K
            for v in range(HF // 16):
                acc = buf[r0, pl.ds(v * 16, 16)]
                for j in range(1, K):
                    acc = acc + buf[r0 + j, pl.ds(v * 16, 16)]
                ftc_v[g * CE + e, pl.ds(v * 16, 16)] = acc * (1.0 / K)
            return 0
        lax.fori_loop(0, CE, ebody, 0)

    def drain_scatters(n, _):
        pltpu.make_async_copy(ftc_v, acc_sh.at[pl.ds(0, CS)], sem_s).wait()

        @pl.when(c == 0)
        def _():
            pltpu.make_async_copy(ones_v, accc_sh.at[pl.ds(0, CS)],
                                  sem_c).wait()
        return 0

    def schunk(u, _):
        t0 = u * NGS
        start_g(t0, rows_a, sem_a)

        @pl.when(u > 0)
        def _():
            lax.fori_loop(0, K, drain_scatters, 0)

        def gpair(p, _):
            t = t0 + 2 * p
            start_g(t + 1, rows_b, sem_b)
            wait_g(rows_a, sem_a)
            reduce_chunk(rows_a, 2 * p)

            @pl.when(p < NGS // 2 - 1)
            def _():
                start_g(t + 2, rows_a, sem_a)
            wait_g(rows_b, sem_b)
            reduce_chunk(rows_b, 2 * p + 1)
            return 0
        lax.fori_loop(0, NGS // 2, gpair, 0)

        def jfire(j, _):
            m = j * NSS + u
            pltpu.async_copy(ftc_v, acc_sh.at[sidx_all.at[m]], sem_s,
                             add=True)

            @pl.when(c == 0)
            def _():
                pltpu.async_copy(ones_v, accc_sh.at[sidx_all.at[m]], sem_c,
                                 add=True)
            return 0
        lax.fori_loop(0, K, jfire, 0)
        return 0
    lax.fori_loop(0, NSS, schunk, 0)
    lax.fori_loop(0, K, drain_scatters, 0)
    plsc.subcore_barrier()

    def pub(i, _):
        r = slab + i * PUB
        pltpu.sync_copy(acc_sh.at[pl.ds(r, PUB)], p_hbm.at[c, pl.ds(r, PUB)])
        return 0
    lax.fori_loop(0, SLAB // PUB, pub, 0)

    @pl.when(c == 0)
    def _():
        pltpu.sync_copy(accc_sh.at[pl.ds(slab, SLAB)],
                        cnt_hbm.at[pl.ds(slab, SLAB)])


@functools.cache
def _get_sc_layer():
    mesh = plsc.VectorSubcoreMesh(core_axis_name="c", subcore_axis_name="s",
                                  num_cores=NC, num_subcores=NS)
    return functools.partial(
        pl.kernel,
        out_type=(jax.ShapeDtypeStruct((NC, NP, HF), _F32),
                  jax.ShapeDtypeStruct((NP, CNTW), _F32)),
        mesh=mesh,
        compiler_params=pltpu.CompilerParams(use_tc_tiling_on_sc=False),
        scratch_types=[
            pltpu.VMEM((NGC, CE * K), _I32),
            pltpu.VMEM((K * NSS, CS), _I32),
            pltpu.VMEM((CE * K, HF), _F32),
            pltpu.VMEM((CE * K, HF), _F32),
            pltpu.VMEM((CS, HF), _F32),
            pltpu.VMEM((CS, CNTW), _F32),
            pltpu.VMEM_SHARED((NP, HF), _F32),
            pltpu.VMEM_SHARED((NP, CNTW), _F32),
            pltpu.SemaphoreType.DMA,
            pltpu.SemaphoreType.DMA,
            pltpu.SemaphoreType.DMA,
            pltpu.SemaphoreType.DMA,
        ],
    )(_sc_layer_body)


def kernel(x, W0, b0, W1, b1):
    xp = jnp.pad(x, ((0, NP - N), (0, 0)))
    xt = xp.T
    nn = _knn_call(xp, xt)[:N, :K]

    ga = jnp.pad(nn, ((0, NP - N), (0, 0))).reshape(NS, NGC, CE * K)
    sct = jnp.pad(nn, ((0, NP - N), (0, 0)), constant_values=N).T
    sct = jnp.asarray(sct, _I32).reshape(K, NS, NSS, CS)
    sct = sct.transpose(1, 0, 2, 3).reshape(NS, K * NSS, CS)
    zrow = jnp.zeros((SLAB, HF), _F32)
    zcnt = jnp.zeros((SLAB, CNTW), _F32)

    sc_layer = _get_sc_layer()
    Ws = jnp.stack([W0, W1])
    bs = jnp.stack([b0, b1])

    def step(z, wb):
        W, b = wb
        yf = _mm_call(z, W)
        y2 = jnp.concatenate([yf[:, :HF], yf[:, HF:]], axis=0)
        p, cnt = sc_layer(y2, ga, sct, zrow, zcnt)
        z2 = _comb_call(p[0], p[1], cnt[:, 0:1], b[None, :])
        return z2, 0

    z, _ = lax.scan(step, xp, (Ws, bs))
    return z[:N]

# --- scband reference (transcript-rebuilt; emitter-appended) ---
"""Pipeline reference for scband-hgnet-10754598109729 (READ-ONLY COPY).

The authoritative reference and input builder live on the scoring server;
editing this copy changes nothing except your own understanding.
"""

import jax, jax.numpy as jnp
import numpy as np

N_NODES = 10000
IN_CH = 128
HIDDENS = [128]
K_NEAREST = 16

def setup_inputs(seed: int = 0):
    key = jax.random.key(seed)
    ks = jax.random.split(key, 9)
    inp = {}
    inp["x"] = jax.random.normal(ks[0], (N_NODES, IN_CH), dtype=jnp.float32)
    dims = []
    _in = IN_CH
    for h in HIDDENS:
        dims.append((_in, h))
        dims.append((h, h))
        _in = h
    for i, (ci, co) in enumerate(dims):
        std = 1.0 / np.sqrt(co)
        inp[f"W{i}"] = jax.random.uniform(ks[2 * i + 1], (ci, co), minval=-std, maxval=std, dtype=jnp.float32)
        inp[f"b{i}"] = jax.random.uniform(ks[2 * i + 2], (co,), minval=-std, maxval=std, dtype=jnp.float32)
    return inp

def _neighbor_distance(x, k):
    # pairwise squared euclidean distance, then k nearest per node -> hyperedge incidence
    sq = jnp.sum(x * x, axis=1)
    dis = sq[:, None] + sq[None, :] - 2.0 * (x @ x.T)
    _, nn_idx = jax.lax.top_k(-dis, k)  # k smallest distances
    node_idx = nn_idx.reshape(-1)
    hyedge_idx = jnp.repeat(jnp.arange(x.shape[0]), k)
    return node_idx, hyedge_idx

def _hyconv(x, node_idx, hyedge_idx, W, b):
    # HyConv: feature transform -> node-to-hyperedge mean -> hyperedge-to-node mean -> bias
    n = x.shape[0]
    x = x @ W
    de = jnp.maximum(jnp.bincount(hyedge_idx, length=n), 1).astype(x.dtype)
    ft_e = jax.ops.segment_sum(x[node_idx], hyedge_idx, num_segments=n) / de[:, None]
    dn = jnp.maximum(jnp.bincount(node_idx, length=n), 1).astype(x.dtype)
    ft_n = jax.ops.segment_sum(ft_e[hyedge_idx], node_idx, num_segments=n) / dn[:, None]
    return ft_n + b

def reference(x, W0, b0, W1, b1):
    node_idx, hyedge_idx = _neighbor_distance(x, K_NEAREST)  # H built once from input features
    for (W, b) in ((W0, b0), (W1, b1)):
        x = _hyconv(x, node_idx, hyedge_idx, W, b)
        x = jax.nn.leaky_relu(x, negative_slope=0.01)
        # dropout p=0.0 -> identity (eval-mode reference)
    return x

if __name__ == "__main__":
    import jax
    _d = setup_inputs()
    print(jax.jit(kernel)(*tuple(_d.values())))

</pallas_src>

<mosaic_0001>
#map = affine_map<(d0, d1) -> (0, 0)>
#map1 = affine_map<(d0, d1) -> (0, 0, 0)>
module attributes {stable_mosaic.version = 14 : i64} {
  func.func @_sc_layer_body(%arg0: i32, %arg1: i32, %arg2: memref<20480x64xf32, #tpu.memory_space<hbm>>, %arg3: memref<16x80x128xi32, #tpu.memory_space<hbm>>, %arg4: memref<16x80x128xi32, #tpu.memory_space<hbm>>, %arg5: memref<640x64xf32, #tpu.memory_space<hbm>>, %arg6: memref<640x16xf32, #tpu.memory_space<hbm>>, %arg7: memref<2x10240x64xf32, #tpu.memory_space<hbm>>, %arg8: memref<10240x16xf32, #tpu.memory_space<hbm>>, %arg9: memref<80x128xi32, #tpu.memory_space<vmem>>, %arg10: memref<80x128xi32, #tpu.memory_space<vmem>>, %arg11: memref<128x64xf32, #tpu.memory_space<vmem>>, %arg12: memref<128x64xf32, #tpu.memory_space<vmem>>, %arg13: memref<128x64xf32, #tpu.memory_space<vmem>>, %arg14: memref<128x16xf32, #tpu.memory_space<vmem>>, %arg15: memref<10240x64xf32, #tpu.memory_space<vmem_shared>>, %arg16: memref<10240x16xf32, #tpu.memory_space<vmem_shared>>, %arg17: memref<!tpu.dma_semaphore, #tpu.memory_space<semaphore_mem>>, %arg18: memref<!tpu.dma_semaphore, #tpu.memory_space<semaphore_mem>>, %arg19: memref<!tpu.dma_semaphore, #tpu.memory_space<semaphore_mem>>, %arg20: memref<!tpu.dma_semaphore, #tpu.memory_space<semaphore_mem>>) attributes {dimension_semantics = [#tpu.dimension_semantics<core_parallel>, #tpu.dimension_semantics<subcore_parallel>], iteration_bounds = array<i64: 2, 16>, scalar_prefetch = 0 : i64, scratch_operands = 12 : i64, tpu.core_type = #tpu.core_type<sc_vector_subcore>, window_params = [{transform_indices = #map}, {transform_indices = #map1}, {transform_indices = #map1}, {transform_indices = #map}, {transform_indices = #map}, {transform_indices = #map1}, {transform_indices = #map}]} {
    %mul3A = arith.constant 640 : i32
    %mul3A_0 = arith.muli %arg1, %mul3A : i32
    %mul3A_1 = arith.constant 10240 : i32
    %mul3A_2 = arith.muli %arg0, %mul3A_1 : i32
    "tpu.region"() ({
      %run_scoped3A = tpu.sem_alloc : memref<!tpu.dma_semaphore, #tpu.memory_space<semaphore_mem>>
      %dma_start3A = arith.constant 0 : i32
      %dma_start3A_40 = arith.constant 0 : i32
      %dma_start3A_41 = tpu.memref_slice %arg3[%arg1, %dma_start3A, %dma_start3A_40] : memref<16x80x128xi32, #tpu.memory_space<hbm>> -> memref<1x80x128xi32, #tpu.memory_space<hbm>>
      %dma_start3A_42 = tpu.memref_squeeze %dma_start3A_41 : memref<1x80x128xi32, #tpu.memory_space<hbm>> -> memref<80x128xi32, #tpu.memory_space<hbm>>
      %dma_start3A_43 = arith.constant 0 : i32
      %dma_start3A_44 = arith.constant 0 : i32
      %dma_start3A_45 = tpu.memref_slice %arg3[%arg1, %dma_start3A_43, %dma_start3A_44] : memref<16x80x128xi32, #tpu.memory_space<hbm>> -> memref<1x80x128xi32, #tpu.memory_space<hbm>>
      %dma_start3A_46 = tpu.memref_squeeze %dma_start3A_45 : memref<1x80x128xi32, #tpu.memory_space<hbm>> -> memref<80x128xi32, #tpu.memory_space<hbm>>
      tpu.enqueue_dma source(%dma_start3A_46 : memref<80x128xi32, #tpu.memory_space<hbm>>) target(%arg9 : memref<80x128xi32, #tpu.memory_space<vmem>>) target_semaphore(%run_scoped3A : memref<!tpu.dma_semaphore, #tpu.memory_space<semaphore_mem>>)
      %dma_wait3A = arith.constant 0 : i32
      %dma_wait3A_47 = arith.constant 0 : i32
      %dma_wait3A_48 = tpu.memref_slice %arg3[%arg1, %dma_wait3A, %dma_wait3A_47] : memref<16x80x128xi32, #tpu.memory_space<hbm>> -> memref<1x80x128xi32, #tpu.memory_space<hbm>>
      %dma_wait3A_49 = tpu.memref_squeeze %dma_wait3A_48 : memref<1x80x128xi32, #tpu.memory_space<hbm>> -> memref<80x128xi32, #tpu.memory_space<hbm>>
      %dma_wait3A_50 = arith.constant 0 : i32
      %dma_wait3A_51 = arith.constant 0 : i32
      %dma_wait3A_52 = tpu.memref_slice %arg3[%arg1, %dma_wait3A_50, %dma_wait3A_51] : memref<16x80x128xi32, #tpu.memory_space<hbm>> -> memref<1x80x128xi32, #tpu.memory_space<hbm>>
      %dma_wait3A_53 = tpu.memref_squeeze %dma_wait3A_52 : memref<1x80x128xi32, #tpu.memory_space<hbm>> -> memref<80x128xi32, #tpu.memory_space<hbm>>
      tpu.wait_dma2 semaphore(%run_scoped3A : memref<!tpu.dma_semaphore, #tpu.memory_space<semaphore_mem>>) src(%dma_wait3A_53 : memref<80x128xi32, #tpu.memory_space<hbm>>) dst(%arg9 : memref<80x128xi32, #tpu.memory_space<vmem>>)
      tpu.yield
    }) : () -> ()
    "tpu.region"() ({
      %run_scoped3A = tpu.sem_alloc : memref<!tpu.dma_semaphore, #tpu.memory_space<semaphore_mem>>
      %dma_start3A = arith.constant 0 : i32
      %dma_start3A_40 = arith.constant 0 : i32
      %dma_start3A_41 = tpu.memref_slice %arg4[%arg1, %dma_start3A, %dma_start3A_40] : memref<16x80x128xi32, #tpu.memory_space<hbm>> -> memref<1x80x128xi32, #tpu.memory_space<hbm>>
      %dma_start3A_42 = tpu.memref_squeeze %dma_start3A_41 : memref<1x80x128xi32, #tpu.memory_space<hbm>> -> memref<80x128xi32, #tpu.memory_space<hbm>>
      %dma_start3A_43 = arith.constant 0 : i32
      %dma_start3A_44 = arith.constant 0 : i32
      %dma_start3A_45 = tpu.memref_slice %arg4[%arg1, %dma_start3A_43, %dma_start3A_44] : memref<16x80x128xi32, #tpu.memory_space<hbm>> -> memref<1x80x128xi32, #tpu.memory_space<hbm>>
      %dma_start3A_46 = tpu.memref_squeeze %dma_start3A_45 : memref<1x80x128xi32, #tpu.memory_space<hbm>> -> memref<80x128xi32, #tpu.memory_space<hbm>>
      tpu.enqueue_dma source(%dma_start3A_46 : memref<80x128xi32, #tpu.memory_space<hbm>>) target(%arg10 : memref<80x128xi32, #tpu.memory_space<vmem>>) target_semaphore(%run_scoped3A : memref<!tpu.dma_semaphore, #tpu.memory_space<semaphore_mem>>)
      %dma_wait3A = arith.constant 0 : i32
      %dma_wait3A_47 = arith.constant 0 : i32
      %dma_wait3A_48 = tpu.memref_slice %arg4[%arg1, %dma_wait3A, %dma_wait3A_47] : memref<16x80x128xi32, #tpu.memory_space<hbm>> -> memref<1x80x128xi32, #tpu.memory_space<hbm>>
      %dma_wait3A_49 = tpu.memref_squeeze %dma_wait3A_48 : memref<1x80x128xi32, #tpu.memory_space<hbm>> -> memref<80x128xi32, #tpu.memory_space<hbm>>
      %dma_wait3A_50 = arith.constant 0 : i32
      %dma_wait3A_51 = arith.constant 0 : i32
      %dma_wait3A_52 = tpu.memref_slice %arg4[%arg1, %dma_wait3A_50, %dma_wait3A_51] : memref<16x80x128xi32, #tpu.memory_space<hbm>> -> memref<1x80x128xi32, #tpu.memory_space<hbm>>
      %dma_wait3A_53 = tpu.memref_squeeze %dma_wait3A_52 : memref<1x80x128xi32, #tpu.memory_space<hbm>> -> memref<80x128xi32, #tpu.memory_space<hbm>>
      tpu.wait_dma2 semaphore(%run_scoped3A : memref<!tpu.dma_semaphore, #tpu.memory_space<semaphore_mem>>) src(%dma_wait3A_53 : memref<80x128xi32, #tpu.memory_space<hbm>>) dst(%arg10 : memref<80x128xi32, #tpu.memory_space<vmem>>)
      tpu.yield
    }) : () -> ()
    %scan3A = arith.constant 0 : i32
    %scan3A_3 = arith.constant 0 : i32
    %scan3A_4 = arith.constant 80 : i32
    %scan3A_5 = arith.addi %scan3A_3, %scan3A_4 : i32
    %scan3A_6 = arith.constant 1 : i32
    %scan3A_7 = scf.for %scan3A_40 = %scan3A_3 to %scan3A_5 step %scan3A_6 iter_args(%scan3A_41 = %scan3A) -> (i32)  : i32 {
      %scan3A_42 = arith.constant 0 : i32
      %scan3A_43 = arith.constant 0 : i32
      %scan3A_44 = arith.constant 8 : i32
      %scan3A_45 = arith.addi %scan3A_43, %scan3A_44 : i32
      %scan3A_46 = arith.constant 1 : i32
      %scan3A_47 = scf.for %scan3A_50 = %scan3A_43 to %scan3A_45 step %scan3A_46 iter_args(%scan3A_51 = %scan3A_42) -> (i32)  : i32 {
        %mul3A_52 = arith.constant 16 : i32
        %mul3A_53 = arith.muli %scan3A_50, %mul3A_52 : i32
        %get3A = arith.index_cast %scan3A_40 : i32 to index
        %get3A_54 = arith.index_cast %mul3A_53 : i32 to index
        %get3A_55 = tpu.vector_load %arg9[%get3A, %get3A_54] {strides = array<i32>} : memref<80x128xi32, #tpu.memory_space<vmem>>, vector<1x16xi32>,
        %get3A_56 = vector.shape_cast %get3A_55 : vector<1x16xi32> to vector<16xi32>
        %add3A = vector.broadcast %mul3A_2 : i32 to vector<16xi32>
        %add3A_57 = arith.addi %get3A_56, %add3A : vector<16xi32>
        %mul3A_58 = arith.constant 16 : i32
        %mul3A_59 = arith.muli %scan3A_50, %mul3A_58 : i32
        %swap3A = arith.index_cast %scan3A_40 : i32 to index
        %swap3A_60 = arith.index_cast %mul3A_59 : i32 to index
        %swap3A_61 = tpu.vector_load %arg9[%swap3A, %swap3A_60] {strides = array<i32>} : memref<80x128xi32, #tpu.memory_space<vmem>>, vector<1x16xi32>,
        %swap3A_62 = vector.shape_cast %swap3A_61 : vector<1x16xi32> to vector<16xi32>
        %swap3A_63 = vector.shape_cast %add3A_57 : vector<16xi32> to vector<1x16xi32>
        tpu.vector_store %arg9[%swap3A, %swap3A_60], %swap3A_63 {strides = array<i32>} : memref<80x128xi32, #tpu.memory_space<vmem>>, vector<1x16xi32>,
        %scan3A_64 = arith.constant 0 : i32
        scf.yield %scan3A_64 : i32
      }
      %scan3A_48 = arith.constant 8 : i32
      %scan3A_49 = arith.constant 0 : i32
      scf.yield %scan3A_49 : i32
    }
    %scan3A_8 = arith.constant 80 : i32
    "tpu.region"() ({
      %run_scoped3A = tpu.sem_alloc : memref<!tpu.dma_semaphore, #tpu.memory_space<semaphore_mem>>
      %dma_start3A = arith.constant 0 : i32
      %dma_start3A_40 = tpu.memref_slice %arg15[%mul3A_0, %dma_start3A] : memref<10240x64xf32, #tpu.memory_space<vmem_shared>> -> memref<640x64xf32, #tpu.memory_space<vmem_shared>>
      tpu.enqueue_dma source(%arg5 : memref<640x64xf32, #tpu.memory_space<hbm>>) target(%dma_start3A_40 : memref<640x64xf32, #tpu.memory_space<vmem_shared>>) target_semaphore(%run_scoped3A : memref<!tpu.dma_semaphore, #tpu.memory_space<semaphore_mem>>)
      %dma_wait3A = arith.constant 0 : i32
      %dma_wait3A_41 = tpu.memref_slice %arg15[%mul3A_0, %dma_wait3A] : memref<10240x64xf32, #tpu.memory_space<vmem_shared>> -> memref<640x64xf32, #tpu.memory_space<vmem_shared>>
      tpu.wait_dma2 semaphore(%run_scoped3A : memref<!tpu.dma_semaphore, #tpu.memory_space<semaphore_mem>>) src(%arg5 : memref<640x64xf32, #tpu.memory_space<hbm>>) dst(%dma_wait3A_41 : memref<640x64xf32, #tpu.memory_space<vmem_shared>>)
      tpu.yield
    }) : () -> ()
    "tpu.region"() ({
      %run_scoped3A = tpu.sem_alloc : memref<!tpu.dma_semaphore, #tpu.memory_space<semaphore_mem>>
      %dma_start3A = arith.constant 0 : i32
      %dma_start3A_40 = tpu.memref_slice %arg16[%mul3A_0, %dma_start3A] : memref<10240x16xf32, #tpu.memory_space<vmem_shared>> -> memref<640x16xf32, #tpu.memory_space<vmem_shared>>
      tpu.enqueue_dma source(%arg6 : memref<640x16xf32, #tpu.memory_space<hbm>>) target(%dma_start3A_40 : memref<640x16xf32, #tpu.memory_space<vmem_shared>>) target_semaphore(%run_scoped3A : memref<!tpu.dma_semaphore, #tpu.memory_space<semaphore_mem>>)
      %dma_wait3A = arith.constant 0 : i32
      %dma_wait3A_41 = tpu.memref_slice %arg16[%mul3A_0, %dma_wait3A] : memref<10240x16xf32, #tpu.memory_space<vmem_shared>> -> memref<640x16xf32, #tpu.memory_space<vmem_shared>>
      tpu.wait_dma2 semaphore(%run_scoped3A : memref<!tpu.dma_semaphore, #tpu.memory_space<semaphore_mem>>) src(%arg6 : memref<640x16xf32, #tpu.memory_space<hbm>>) dst(%dma_wait3A_41 : memref<640x16xf32, #tpu.memory_space<vmem_shared>>)
      tpu.yield
    }) : () -> ()
    %scan3A_9 = arith.constant 0 : i32
    %scan3A_10 = arith.constant 0 : i32
    %scan3A_11 = arith.constant 128 : i32
    %scan3A_12 = arith.addi %scan3A_10, %scan3A_11 : i32
    %scan3A_13 = arith.constant 1 : i32
    %scan3A_14 = scf.for %scan3A_40 = %scan3A_10 to %scan3A_12 step %scan3A_13 iter_args(%scan3A_41 = %scan3A_9) -> (i32)  : i32 {
      %broadcast_in_dim3A = arith.constant 1.000000e+00 : f32
      %broadcast_in_dim3A_42 = vector.broadcast %broadcast_in_dim3A : f32 to vector<16xf32>
      %swap3A = arith.index_cast %scan3A_40 : i32 to index
      %swap3A_43 = arith.constant 0 : index
      %swap3A_44 = tpu.vector_load %arg14[%swap3A, %swap3A_43] {strides = array<i32>} : memref<128x16xf32, #tpu.memory_space<vmem>>, vector<1x16xf32>,
      %swap3A_45 = vector.shape_cast %swap3A_44 : vector<1x16xf32> to vector<16xf32>
      %swap3A_46 = vector.shape_cast %broadcast_in_dim3A_42 : vector<16xf32> to vector<1x16xf32>
      tpu.vector_store %arg14[%swap3A, %swap3A_43], %swap3A_46 {strides = array<i32>} : memref<128x16xf32, #tpu.memory_space<vmem>>, vector<1x16xf32>,
      %scan3A_47 = arith.constant 0 : i32
      scf.yield %scan3A_47 : i32
    }
    %scan3A_15 = arith.constant 128 : i32
    %barrier3A = arith.constant 0 : index
    tpu.barrier barrier_id(%barrier3A)
    %scan3A_16 = arith.constant 0 : i32
    %scan3A_17 = arith.constant 0 : i32
    %scan3A_18 = arith.constant 5 : i32
    %scan3A_19 = arith.addi %scan3A_17, %scan3A_18 : i32
    %scan3A_20 = arith.constant 1 : i32
    %scan3A_21 = scf.for %scan3A_40 = %scan3A_17 to %scan3A_19 step %scan3A_20 iter_args(%scan3A_41 = %scan3A_16) -> (i32)  : i32 {
      %mul3A_42 = arith.constant 16 : i32
      %mul3A_43 = arith.muli %scan3A_40, %mul3A_42 : i32
      %dma_start3A = arith.constant 0 : i32
      %dma_start3A_44 = tpu.memref_slice %arg9[%mul3A_43, %dma_start3A] : memref<80x128xi32, #tpu.memory_space<vmem>> -> memref<1x128xi32, #tpu.memory_space<vmem>>
      %dma_start3A_45 = tpu.memref_squeeze %dma_start3A_44 : memref<1x128xi32, #tpu.memory_space<vmem>> -> memref<128xi32, #tpu.memory_space<vmem>>
      %dma_start3A_46 = arith.constant 0 : i32
      %dma_start3A_47 = arith.constant 0 : i32
      %dma_start3A_48 = tpu.memref_slice %arg2[%dma_start3A_46, %dma_start3A_47] : memref<20480x64xf32, #tpu.memory_space<hbm>> -> memref<20480x64xf32, #tpu.memory_space<hbm>>
      tpu.enqueue_indirect_dma source(%dma_start3A_48 : memref<20480x64xf32, #tpu.memory_space<hbm>>) target(%arg11 : memref<128x64xf32, #tpu.memory_space<vmem>>) offsets(%dma_start3A_45 : memref<128xi32, #tpu.memory_space<vmem>>) semaphore(%arg17 : memref<!tpu.dma_semaphore, #tpu.memory_space<semaphore_mem>>)
      %gt3A = arith.constant 0 : i32
      %gt3A_49 = arith.cmpi sgt, %scan3A_40, %gt3A : i32
      %convert_element_type3A_50 = arith.extui %gt3A_49 : i1 to i32
      %cond3A_51 = arith.constant 0 : i32
      %cond3A_52 = arith.cmpi ne, %convert_element_type3A_50, %cond3A_51 : i32
      scf.if %cond3A_52 {
        %scan3A_68 = arith.constant 0 : i32
        %scan3A_69 = arith.constant 0 : i32
        %scan3A_70 = arith.constant 16 : i32
        %scan3A_71 = arith.addi %scan3A_69, %scan3A_70 : i32
        %scan3A_72 = arith.constant 1 : i32
        %scan3A_73 = scf.for %scan3A_75 = %scan3A_69 to %scan3A_71 step %scan3A_72 iter_args(%scan3A_76 = %scan3A_68) -> (i32)  : i32 {
          %dma_wait3A = arith.constant 0 : i32
          %dma_wait3A_77 = arith.constant 0 : i32
          %dma_wait3A_78 = tpu.memref_slice %arg15[%dma_wait3A, %dma_wait3A_77] : memref<10240x64xf32, #tpu.memory_space<vmem_shared>> -> memref<128x64xf32, #tpu.memory_space<vmem_shared>>
          %dma_wait3A_79 = arith.constant 0 : i32
          %dma_wait3A_80 = arith.constant 0 : i32
          %dma_wait3A_81 = tpu.memref_slice %arg15[%dma_wait3A_79, %dma_wait3A_80] : memref<10240x64xf32, #tpu.memory_space<vmem_shared>> -> memref<128x64xf32, #tpu.memory_space<vmem_shared>>
          tpu.wait_dma2 semaphore(%arg19 : memref<!tpu.dma_semaphore, #tpu.memory_space<semaphore_mem>>) src(%arg13 : memref<128x64xf32, #tpu.memory_space<vmem>>) dst(%dma_wait3A_81 : memref<128x64xf32, #tpu.memory_space<vmem_shared>>)
          %eq3A_82 = arith.constant 0 : i32
          %eq3A_83 = arith.cmpi eq, %arg0, %eq3A_82 : i32
          %convert_element_type3A_84 = arith.extui %eq3A_83 : i1 to i32
          %cond3A_85 = arith.constant 0 : i32
          %cond3A_86 = arith.cmpi ne, %convert_element_type3A_84, %cond3A_85 : i32
          scf.if %cond3A_86 {
            %dma_wait3A_88 = arith.constant 0 : i32
            %dma_wait3A_89 = arith.constant 0 : i32
            %dma_wait3A_90 = tpu.memref_slice %arg16[%dma_wait3A_88, %dma_wait3A_89] : memref<10240x16xf32, #tpu.memory_space<vmem_shared>> -> memref<128x16xf32, #tpu.memory_space<vmem_shared>>
            %dma_wait3A_91 = arith.constant 0 : i32
            %dma_wait3A_92 = arith.constant 0 : i32
            %dma_wait3A_93 = tpu.memref_slice %arg16[%dma_wait3A_91, %dma_wait3A_92] : memref<10240x16xf32, #tpu.memory_space<vmem_shared>> -> memref<128x16xf32, #tpu.memory_space<vmem_shared>>
            tpu.wait_dma2 semaphore(%arg20 : memref<!tpu.dma_semaphore, #tpu.memory_space<semaphore_mem>>) src(%arg14 : memref<128x16xf32, #tpu.memory_space<vmem>>) dst(%dma_wait3A_93 : memref<128x16xf32, #tpu.memory_space<vmem_shared>>)
          } else {
          }
          %scan3A_87 = arith.constant 0 : i32
          scf.yield %scan3A_87 : i32
        }
        %scan3A_74 = arith.constant 16 : i32
      } else {
      }
      %scan3A_53 = arith.constant 0 : i32
      %scan3A_54 = arith.constant 0 : i32
      %scan3A_55 = arith.constant 8 : i32
      %scan3A_56 = arith.addi %scan3A_54, %scan3A_55 : i32
      %scan3A_57 = arith.constant 1 : i32
      %scan3A_58 = scf.for %scan3A_68 = %scan3A_54 to %scan3A_56 step %scan3A_57 iter_args(%scan3A_69 = %scan3A_53) -> (i32)  : i32 {
        %mul3A_70 = arith.constant 2 : i32
        %mul3A_71 = arith.muli %mul3A_70, %scan3A_68 : i32
        %add3A = arith.addi %mul3A_43, %mul3A_71 : i32
        %add3A_72 = arith.constant 1 : i32
        %add3A_73 = arith.addi %add3A, %add3A_72 : i32
        %dma_start3A_74 = arith.constant 0 : i32
        %dma_start3A_75 = tpu.memref_slice %arg9[%add3A_73, %dma_start3A_74] : memref<80x128xi32, #tpu.memory_space<vmem>> -> memref<1x128xi32, #tpu.memory_space<vmem>>
        %dma_start3A_76 = tpu.memref_squeeze %dma_start3A_75 : memref<1x128xi32, #tpu.memory_space<vmem>> -> memref<128xi32, #tpu.memory_space<vmem>>
        %dma_start3A_77 = arith.constant 0 : i32
        %dma_start3A_78 = arith.constant 0 : i32
        %dma_start3A_79 = tpu.memref_slice %arg2[%dma_start3A_77, %dma_start3A_78] : memref<20480x64xf32, #tpu.memory_space<hbm>> -> memref<20480x64xf32, #tpu.memory_space<hbm>>
        tpu.enqueue_indirect_dma source(%dma_start3A_79 : memref<20480x64xf32, #tpu.memory_space<hbm>>) target(%arg12 : memref<128x64xf32, #tpu.memory_space<vmem>>) offsets(%dma_start3A_76 : memref<128xi32, #tpu.memory_space<vmem>>) semaphore(%arg18 : memref<!tpu.dma_semaphore, #tpu.memory_space<semaphore_mem>>)
        %dma_wait3A = arith.constant 0 : i32
        %dma_wait3A_80 = arith.constant 0 : i32
        %dma_wait3A_81 = tpu.memref_slice %arg2[%dma_wait3A, %dma_wait3A_80] : memref<20480x64xf32, #tpu.memory_space<hbm>> -> memref<128x64xf32, #tpu.memory_space<hbm>>
        %dma_wait3A_82 = arith.constant 0 : i32
        %dma_wait3A_83 = arith.constant 0 : i32
        %dma_wait3A_84 = tpu.memref_slice %arg2[%dma_wait3A_82, %dma_wait3A_83] : memref<20480x64xf32, #tpu.memory_space<hbm>> -> memref<128x64xf32, #tpu.memory_space<hbm>>
        tpu.wait_dma2 semaphore(%arg17 : memref<!tpu.dma_semaphore, #tpu.memory_space<semaphore_mem>>) src(%dma_wait3A_84 : memref<128x64xf32, #tpu.memory_space<hbm>>) dst(%arg11 : memref<128x64xf32, #tpu.memory_space<vmem>>)
        %mul3A_85 = arith.constant 2 : i32
        %mul3A_86 = arith.muli %mul3A_85, %scan3A_68 : i32
        %scan3A_87 = arith.constant 0 : i32
        %scan3A_88 = arith.constant 0 : i32
        %scan3A_89 = arith.constant 8 : i32
        %scan3A_90 = arith.addi %scan3A_88, %scan3A_89 : i32
        %scan3A_91 = arith.constant 1 : i32
        %scan3A_92 = scf.for %scan3A_116 = %scan3A_88 to %scan3A_90 step %scan3A_91 iter_args(%scan3A_117 = %scan3A_87) -> (i32)  : i32 {
          %mul3A_118 = arith.constant 16 : i32
          %mul3A_119 = arith.muli %scan3A_116, %mul3A_118 : i32
          %get3A = arith.index_cast %mul3A_119 : i32 to index
          %get3A_120 = arith.constant 0 : index
          %get3A_121 = tpu.vector_load %arg11[%get3A, %get3A_120] {strides = array<i32>} : memref<128x64xf32, #tpu.memory_space<vmem>>, vector<1x16xf32>,
          %get3A_122 = vector.shape_cast %get3A_121 : vector<1x16xf32> to vector<16xf32>
          %add3A_123 = arith.constant 1 : i32
          %add3A_124 = arith.addi %mul3A_119, %add3A_123 : i32
          %get3A_125 = arith.index_cast %add3A_124 : i32 to index
          %get3A_126 = arith.constant 0 : index
          %get3A_127 = tpu.vector_load %arg11[%get3A_125, %get3A_126] {strides = array<i32>} : memref<128x64xf32, #tpu.memory_space<vmem>>, vector<1x16xf32>,
          %get3A_128 = vector.shape_cast %get3A_127 : vector<1x16xf32> to vector<16xf32>
          %add3A_129 = arith.addf %get3A_122, %get3A_128 : vector<16xf32>
          %add3A_130 = arith.constant 2 : i32
          %add3A_131 = arith.addi %mul3A_119, %add3A_130 : i32
          %get3A_132 = arith.index_cast %add3A_131 : i32 to index
          %get3A_133 = arith.constant 0 : index
          %get3A_134 = tpu.vector_load %arg11[%get3A_132, %get3A_133] {strides = array<i32>} : memref<128x64xf32, #tpu.memory_space<vmem>>, vector<1x16xf32>,
          %get3A_135 = vector.shape_cast %get3A_134 : vector<1x16xf32> to vector<16xf32>
          %add3A_136 = arith.addf %add3A_129, %get3A_135 : vector<16xf32>
          %add3A_137 = arith.constant 3 : i32
          %add3A_138 = arith.addi %mul3A_119, %add3A_137 : i32
          %get3A_139 = arith.index_cast %add3A_138 : i32 to index
          %get3A_140 = arith.constant 0 : index
          %get3A_141 = tpu.vector_load %arg11[%get3A_139, %get3A_140] {strides = array<i32>} : memref<128x64xf32, #tpu.memory_space<vmem>>, vector<1x16xf32>,
          %get3A_142 = vector.shape_cast %get3A_141 : vector<1x16xf32> to vector<16xf32>
          %add3A_143 = arith.addf %add3A_136, %get3A_142 : vector<16xf32>
          %add3A_144 = arith.constant 4 : i32
          %add3A_145 = arith.addi %mul3A_119, %add3A_144 : i32
          %get3A_146 = arith.index_cast %add3A_145 : i32 to index
          %get3A_147 = arith.constant 0 : index
          %get3A_148 = tpu.vector_load %arg11[%get3A_146, %get3A_147] {strides = array<i32>} : memref<128x64xf32, #tpu.memory_space<vmem>>, vector<1x16xf32>,
          %get3A_149 = vector.shape_cast %get3A_148 : vector<1x16xf32> to vector<16xf32>
          %add3A_150 = arith.addf %add3A_143, %get3A_149 : vector<16xf32>
          %add3A_151 = arith.constant 5 : i32
          %add3A_152 = arith.addi %mul3A_119, %add3A_151 : i32
          %get3A_153 = arith.index_cast %add3A_152 : i32 to index
          %get3A_154 = arith.constant 0 : index
          %get3A_155 = tpu.vector_load %arg11[%get3A_153, %get3A_154] {strides = array<i32>} : memref<128x64xf32, #tpu.memory_space<vmem>>, vector<1x16xf32>,
          %get3A_156 = vector.shape_cast %get3A_155 : vector<1x16xf32> to vector<16xf32>
          %add3A_157 = arith.addf %add3A_150, %get3A_156 : vector<16xf32>
          %add3A_158 = arith.constant 6 : i32
          %add3A_159 = arith.addi %mul3A_119, %add3A_158 : i32
          %get3A_160 = arith.index_cast %add3A_159 : i32 to index
          %get3A_161 = arith.constant 0 : index
          %get3A_162 = tpu.vector_load %arg11[%get3A_160, %get3A_161] {strides = array<i32>} : memref<128x64xf32, #tpu.memory_space<vmem>>, vector<1x16xf32>,
          %get3A_163 = vector.shape_cast %get3A_162 : vector<1x16xf32> to vector<16xf32>
          %add3A_164 = arith.addf %add3A_157, %get3A_163 : vector<16xf32>
          %add3A_165 = arith.constant 7 : i32
          %add3A_166 = arith.addi %mul3A_119, %add3A_165 : i32
          %get3A_167 = arith.index_cast %add3A_166 : i32 to index
          %get3A_168 = arith.constant 0 : index
          %get3A_169 = tpu.vector_load %arg11[%get3A_167, %get3A_168] {strides = array<i32>} : memref<128x64xf32, #tpu.memory_space<vmem>>, vector<1x16xf32>,
          %get3A_170 = vector.shape_cast %get3A_169 : vector<1x16xf32> to vector<16xf32>
          %add3A_171 = arith.addf %add3A_164, %get3A_170 : vector<16xf32>
          %add3A_172 = arith.constant 8 : i32
          %add3A_173 = arith.addi %mul3A_119, %add3A_172 : i32
          %get3A_174 = arith.index_cast %add3A_173 : i32 to index
          %get3A_175 = arith.constant 0 : index
          %get3A_176 = tpu.vector_load %arg11[%get3A_174, %get3A_175] {strides = array<i32>} : memref<128x64xf32, #tpu.memory_space<vmem>>, vector<1x16xf32>,
          %get3A_177 = vector.shape_cast %get3A_176 : vector<1x16xf32> to vector<16xf32>
          %add3A_178 = arith.addf %add3A_171, %get3A_177 : vector<16xf32>
          %add3A_179 = arith.constant 9 : i32
          %add3A_180 = arith.addi %mul3A_119, %add3A_179 : i32
          %get3A_181 = arith.index_cast %add3A_180 : i32 to index
          %get3A_182 = arith.constant 0 : index
          %get3A_183 = tpu.vector_load %arg11[%get3A_181, %get3A_182] {strides = array<i32>} : memref<128x64xf32, #tpu.memory_space<vmem>>, vector<1x16xf32>,
          %get3A_184 = vector.shape_cast %get3A_183 : vector<1x16xf32> to vector<16xf32>
          %add3A_185 = arith.addf %add3A_178, %get3A_184 : vector<16xf32>
          %add3A_186 = arith.constant 10 : i32
          %add3A_187 = arith.addi %mul3A_119, %add3A_186 : i32
          %get3A_188 = arith.index_cast %add3A_187 : i32 to index
          %get3A_189 = arith.constant 0 : index
          %get3A_190 = tpu.vector_load %arg11[%get3A_188, %get3A_189] {strides = array<i32>} : memref<128x64xf32, #tpu.memory_space<vmem>>, vector<1x16xf32>,
          %get3A_191 = vector.shape_cast %get3A_190 : vector<1x16xf32> to vector<16xf32>
          %add3A_192 = arith.addf %add3A_185, %get3A_191 : vector<16xf32>
          %add3A_193 = arith.constant 11 : i32
          %add3A_194 = arith.addi %mul3A_119, %add3A_193 : i32
          %get3A_195 = arith.index_cast %add3A_194 : i32 to index
          %get3A_196 = arith.constant 0 : index
          %get3A_197 = tpu.vector_load %arg11[%get3A_195, %get3A_196] {strides = array<i32>} : memref<128x64xf32, #tpu.memory_space<vmem>>, vector<1x16xf32>,
          %get3A_198 = vector.shape_cast %get3A_197 : vector<1x16xf32> to vector<16xf32>
          %add3A_199 = arith.addf %add3A_192, %get3A_198 : vector<16xf32>
          %add3A_200 = arith.constant 12 : i32
          %add3A_201 = arith.addi %mul3A_119, %add3A_200 : i32
          %get3A_202 = arith.index_cast %add3A_201 : i32 to index
          %get3A_203 = arith.constant 0 : index
          %get3A_204 = tpu.vector_load %arg11[%get3A_202, %get3A_203] {strides = array<i32>} : memref<128x64xf32, #tpu.memory_space<vmem>>, vector<1x16xf32>,
          %get3A_205 = vector.shape_cast %get3A_204 : vector<1x16xf32> to vector<16xf32>
          %add3A_206 = arith.addf %add3A_199, %get3A_205 : vector<16xf32>
          %add3A_207 = arith.constant 13 : i32
          %add3A_208 = arith.addi %mul3A_119, %add3A_207 : i32
          %get3A_209 = arith.index_cast %add3A_208 : i32 to index
          %get3A_210 = arith.constant 0 : index
          %get3A_211 = tpu.vector_load %arg11[%get3A_209, %get3A_210] {strides = array<i32>} : memref<128x64xf32, #tpu.memory_space<vmem>>, vector<1x16xf32>,
          %get3A_212 = vector.shape_cast %get3A_211 : vector<1x16xf32> to vector<16xf32>
          %add3A_213 = arith.addf %add3A_206, %get3A_212 : vector<16xf32>
          %add3A_214 = arith.constant 14 : i32
          %add3A_215 = arith.addi %mul3A_119, %add3A_214 : i32
          %get3A_216 = arith.index_cast %add3A_215 : i32 to index
          %get3A_217 = arith.constant 0 : index
          %get3A_218 = tpu.vector_load %arg11[%get3A_216, %get3A_217] {strides = array<i32>} : memref<128x64xf32, #tpu.memory_space<vmem>>, vector<1x16xf32>,
          %get3A_219 = vector.shape_cast %get3A_218 : vector<1x16xf32> to vector<16xf32>
          %add3A_220 = arith.addf %add3A_213, %get3A_219 : vector<16xf32>
          %add3A_221 = arith.constant 15 : i32
          %add3A_222 = arith.addi %mul3A_119, %add3A_221 : i32
          %get3A_223 = arith.index_cast %add3A_222 : i32 to index
          %get3A_224 = arith.constant 0 : index
          %get3A_225 = tpu.vector_load %arg11[%get3A_223, %get3A_224] {strides = array<i32>} : memref<128x64xf32, #tpu.memory_space<vmem>>, vector<1x16xf32>,
          %get3A_226 = vector.shape_cast %get3A_225 : vector<1x16xf32> to vector<16xf32>
          %add3A_227 = arith.addf %add3A_220, %get3A_226 : vector<16xf32>
          %mul3A_228 = arith.constant 6.250000e-02 : f32
          %mul3A_229 = vector.broadcast %mul3A_228 : f32 to vector<16xf32>
          %mul3A_230 = arith.mulf %add3A_227, %mul3A_229 : vector<16xf32>
          %mul3A_231 = arith.constant 8 : i32
          %mul3A_232 = arith.muli %mul3A_86, %mul3A_231 : i32
          %add3A_233 = arith.addi %mul3A_232, %scan3A_116 : i32
          %swap3A = arith.index_cast %add3A_233 : i32 to index
          %swap3A_234 = arith.constant 0 : index
          %swap3A_235 = tpu.vector_load %arg13[%swap3A, %swap3A_234] {strides = array<i32>} : memref<128x64xf32, #tpu.memory_space<vmem>>, vector<1x16xf32>,
          %swap3A_236 = vector.shape_cast %swap3A_235 : vector<1x16xf32> to vector<16xf32>
          %swap3A_237 = vector.shape_cast %mul3A_230 : vector<16xf32> to vector<1x16xf32>
          tpu.vector_store %arg13[%swap3A, %swap3A_234], %swap3A_237 {strides = array<i32>} : memref<128x64xf32, #tpu.memory_space<vmem>>, vector<1x16xf32>,
          %get3A_238 = arith.index_cast %mul3A_119 : i32 to index
          %get3A_239 = arith.constant 16 : index
          %get3A_240 = tpu.vector_load %arg11[%get3A_238, %get3A_239] {strides = array<i32>} : memref<128x64xf32, #tpu.memory_space<vmem>>, vector<1x16xf32>,
          %get3A_241 = vector.shape_cast %get3A_240 : vector<1x16xf32> to vector<16xf32>
          %add3A_242 = arith.constant 1 : i32
          %add3A_243 = arith.addi %mul3A_119, %add3A_242 : i32
          %get3A_244 = arith.index_cast %add3A_243 : i32 to index
          %get3A_245 = arith.constant 16 : index
          %get3A_246 = tpu.vector_load %arg11[%get3A_244, %get3A_245] {strides = array<i32>} : memref<128x64xf32, #tpu.memory_space<vmem>>, vector<1x16xf32>,
          %get3A_247 = vector.shape_cast %get3A_246 : vector<1x16xf32> to vector<16xf32>
          %add3A_248 = arith.addf %get3A_241, %get3A_247 : vector<16xf32>
          %add3A_249 = arith.constant 2 : i32
          %add3A_250 = arith.addi %mul3A_119, %add3A_249 : i32
          %get3A_251 = arith.index_cast %add3A_250 : i32 to index
          %get3A_252 = arith.constant 16 : index
          %get3A_253 = tpu.vector_load %arg11[%get3A_251, %get3A_252] {strides = array<i32>} : memref<128x64xf32, #tpu.memory_space<vmem>>, vector<1x16xf32>,
          %get3A_254 = vector.shape_cast %get3A_253 : vector<1x16xf32> to vector<16xf32>
          %add3A_255 = arith.addf %add3A_248, %get3A_254 : vector<16xf32>
          %add3A_256 = arith.constant 3 : i32
          %add3A_257 = arith.addi %mul3A_119, %add3A_256 : i32
          %get3A_258 = arith.index_cast %add3A_257 : i32 to index
          %get3A_259 = arith.constant 16 : index
          %get3A_260 = tpu.vector_load %arg11[%get3A_258, %get3A_259] {strides = array<i32>} : memref<128x64xf32, #tpu.memory_space<vmem>>, vector<1x16xf32>,
          %get3A_261 = vector.shape_cast %get3A_260 : vector<1x16xf32> to vector<16xf32>
          %add3A_262 = arith.addf %add3A_255, %get3A_261 : vector<16xf32>
          %add3A_263 = arith.constant 4 : i32
          %add3A_264 = arith.addi %mul3A_119, %add3A_263 : i32
          %get3A_265 = arith.index_cast %add3A_264 : i32 to index
          %get3A_266 = arith.constant 16 : index
          %get3A_267 = tpu.vector_load %arg11[%get3A_265, %get3A_266] {strides = array<i32>} : memref<128x64xf32, #tpu.memory_space<vmem>>, vector<1x16xf32>,
          %get3A_268 = vector.shape_cast %get3A_267 : vector<1x16xf32> to vector<16xf32>
          %add3A_269 = arith.addf %add3A_262, %get3A_268 : vector<16xf32>
          %add3A_270 = arith.constant 5 : i32
          %add3A_271 = arith.addi %mul3A_119, %add3A_270 : i32
          %get3A_272 = arith.index_cast %add3A_271 : i32 to index
          %get3A_273 = arith.constant 16 : index
          %get3A_274 = tpu.vector_load %arg11[%get3A_272, %get3A_273] {strides = array<i32>} : memref<128x64xf32, #tpu.memory_space<vmem>>, vector<1x16xf32>,
          %get3A_275 = vector.shape_cast %get3A_274 : vector<1x16xf32> to vector<16xf32>
          %add3A_276 = arith.addf %add3A_269, %get3A_275 : vector<16xf32>
          %add3A_277 = arith.constant 6 : i32
          %add3A_278 = arith.addi %mul3A_119, %add3A_277 : i32
          %get3A_279 = arith.index_cast %add3A_278 : i32 to index
          %get3A_280 = arith.constant 16 : index
          %get3A_281 = tpu.vector_load %arg11[%get3A_279, %get3A_280] {strides = array<i32>} : memref<128x64xf32, #tpu.memory_space<vmem>>, vector<1x16xf32>,
          %get3A_282 = vector.shape_cast %get3A_281 : vector<1x16xf32> to vector<16xf32>
          %add3A_283 = arith.addf %add3A_276, %get3A_282 : vector<16xf32>
          %add3A_284 = arith.constant 7 : i32
          %add3A_285 = arith.addi %mul3A_119, %add3A_284 : i32
          %get3A_286 = arith.index_cast %add3A_285 : i32 to index
          %get3A_287 = arith.constant 16 : index
          %get3A_288 = tpu.vector_load %arg11[%get3A_286, %get3A_287] {strides = array<i32>} : memref<128x64xf32, #tpu.memory_space<vmem>>, vector<1x16xf32>,
          %get3A_289 = vector.shape_cast %get3A_288 : vector<1x16xf32> to vector<16xf32>
          %add3A_290 = arith.addf %add3A_283, %get3A_289 : vector<16xf32>
          %add3A_291 = arith.constant 8 : i32
          %add3A_292 = arith.addi %mul3A_119, %add3A_291 : i32
          %get3A_293 = arith.index_cast %add3A_292 : i32 to index
          %get3A_294 = arith.constant 16 : index
          %get3A_295 = tpu.vector_load %arg11[%get3A_293, %get3A_294] {strides = array<i32>} : memref<128x64xf32, #tpu.memory_space<vmem>>, vector<1x16xf32>,
          %get3A_296 = vector.shape_cast %get3A_295 : vector<1x16xf32> to vector<16xf32>
          %add3A_297 = arith.addf %add3A_290, %get3A_296 : vector<16xf32>
          %add3A_298 = arith.constant 9 : i32
          %add3A_299 = arith.addi %mul3A_119, %add3A_298 : i32
          %get3A_300 = arith.index_cast %add3A_299 : i32 to index
          %get3A_301 = arith.constant 16 : index
          %get3A_302 = tpu.vector_load %arg11[%get3A_300, %get3A_301] {strides = array<i32>} : memref<128x64xf32, #tpu.memory_space<vmem>>, vector<1x16xf32>,
          %get3A_303 = vector.shape_cast %get3A_302 : vector<1x16xf32> to vector<16xf32>
          %add3A_304 = arith.addf %add3A_297, %get3A_303 : vector<16xf32>
          %add3A_305 = arith.constant 10 : i32
          %add3A_306 = arith.addi %mul3A_119, %add3A_305 : i32
          %get3A_307 = arith.index_cast %add3A_306 : i32 to index
          %get3A_308 = arith.constant 16 : index
          %get3A_309 = tpu.vector_load %arg11[%get3A_307, %get3A_308] {strides = array<i32>} : memref<128x64xf32, #tpu.memory_space<vmem>>, vector<1x16xf32>,
          %get3A_310 = vector.shape_cast %get3A_309 : vector<1x16xf32> to vector<16xf32>
          %add3A_311 = arith.addf %add3A_304, %get3A_310 : vector<16xf32>
          %add3A_312 = arith.constant 11 : i32
          %add3A_313 = arith.addi %mul3A_119, %add3A_312 : i32
          %get3A_314 = arith.index_cast %add3A_313 : i32 to index
          %get3A_315 = arith.constant 16 : index
          %get3A_316 = tpu.vector_load %arg11[%get3A_314, %get3A_315] {strides = array<i32>} : memref<128x64xf32, #tpu.memory_space<vmem>>, vector<1x16xf32>,
          %get3A_317 = vector.shape_cast %get3A_316 : vector<1x16xf32> to vector<16xf32>
          %add3A_318 = arith.addf %add3A_311, %get3A_317 : vector<16xf32>
          %add3A_319 = arith.constant 12 : i32
          %add3A_320 = arith.addi %mul3A_119, %add3A_319 : i32
          %get3A_321 = arith.index_cast %add3A_320 : i32 to index
          %get3A_322 = arith.constant 16 : index
          %get3A_323 = tpu.vector_load %arg11[%get3A_321, %get3A_322] {strides = array<i32>} : memref<128x64xf32, #tpu.memory_space<vmem>>, vector<1x16xf32>,
          %get3A_324 = vector.shape_cast %get3A_323 : vector<1x16xf32> to vector<16xf32>
          %add3A_325 = arith.addf %add3A_318, %get3A_324 : vector<16xf32>
          %add3A_326 = arith.constant 13 : i32
          %add3A_327 = arith.addi %mul3A_119, %add3A_326 : i32
          %get3A_328 = arith.index_cast %add3A_327 : i32 to index
          %get3A_329 = arith.constant 16 : index
          %get3A_330 = tpu.vector_load %arg11[%get3A_328, %get3A_329] {strides = array<i32>} : memref<128x64xf32, #tpu.memory_space<vmem>>, vector<1x16xf32>,
          %get3A_331 = vector.shape_cast %get3A_330 : vector<1x16xf32> to vector<16xf32>
          %add3A_332 = arith.addf %add3A_325, %get3A_331 : vector<16xf32>
          %add3A_333 = arith.constant 14 : i32
          %add3A_334 = arith.addi %mul3A_119, %add3A_333 : i32
          %get3A_335 = arith.index_cast %add3A_334 : i32 to index
          %get3A_336 = arith.constant 16 : index
          %get3A_337 = tpu.vector_load %arg11[%get3A_335, %get3A_336] {strides = array<i32>} : memref<128x64xf32, #tpu.memory_space<vmem>>, vector<1x16xf32>,
          %get3A_338 = vector.shape_cast %get3A_337 : vector<1x16xf32> to vector<16xf32>
          %add3A_339 = arith.addf %add3A_332, %get3A_338 : vector<16xf32>
          %add3A_340 = arith.constant 15 : i32
          %add3A_341 = arith.addi %mul3A_119, %add3A_340 : i32
          %get3A_342 = arith.index_cast %add3A_341 : i32 to index
          %get3A_343 = arith.constant 16 : index
          %get3A_344 = tpu.vector_load %arg11[%get3A_342, %get3A_343] {strides = array<i32>} : memref<128x64xf32, #tpu.memory_space<vmem>>, vector<1x16xf32>,
          %get3A_345 = vector.shape_cast %get3A_344 : vector<1x16xf32> to vector<16xf32>
          %add3A_346 = arith.addf %add3A_339, %get3A_345 : vector<16xf32>
          %mul3A_347 = arith.constant 6.250000e-02 : f32
          %mul3A_348 = vector.broadcast %mul3A_347 : f32 to vector<16xf32>
          %mul3A_349 = arith.mulf %add3A_346, %mul3A_348 : vector<16xf32>
          %mul3A_350 = arith.constant 8 : i32
          %mul3A_351 = arith.muli %mul3A_86, %mul3A_350 : i32
          %add3A_352 = arith.addi %mul3A_351, %scan3A_116 : i32
          %swap3A_353 = arith.index_cast %add3A_352 : i32 to index
          %swap3A_354 = arith.constant 16 : index
          %swap3A_355 = tpu.vector_load %arg13[%swap3A_353, %swap3A_354] {strides = array<i32>} : memref<128x64xf32, #tpu.memory_space<vmem>>, vector<1x16xf32>,
          %swap3A_356 = vector.shape_cast %swap3A_355 : vector<1x16xf32> to vector<16xf32>
          %swap3A_357 = vector.shape_cast %mul3A_349 : vector<16xf32> to vector<1x16xf32>
          tpu.vector_store %arg13[%swap3A_353, %swap3A_354], %swap3A_357 {strides = array<i32>} : memref<128x64xf32, #tpu.memory_space<vmem>>, vector<1x16xf32>,
          %get3A_358 = arith.index_cast %mul3A_119 : i32 to index
          %get3A_359 = arith.constant 32 : index
          %get3A_360 = tpu.vector_load %arg11[%get3A_358, %get3A_359] {strides = array<i32>} : memref<128x64xf32, #tpu.memory_space<vmem>>, vector<1x16xf32>,
          %get3A_361 = vector.shape_cast %get3A_360 : vector<1x16xf32> to vector<16xf32>
          %add3A_362 = arith.constant 1 : i32
          %add3A_363 = arith.addi %mul3A_119, %add3A_362 : i32
          %get3A_364 = arith.index_cast %add3A_363 : i32 to index
          %get3A_365 = arith.constant 32 : index
          %get3A_366 = tpu.vector_load %arg11[%get3A_364, %get3A_365] {strides = array<i32>} : memref<128x64xf32, #tpu.memory_space<vmem>>, vector<1x16xf32>,
          %get3A_367 = vector.shape_cast %get3A_366 : vector<1x16xf32> to vector<16xf32>
          %add3A_368 = arith.addf %get3A_361, %get3A_367 : vector<16xf32>
          %add3A_369 = arith.constant 2 : i32
          %add3A_370 = arith.addi %mul3A_119, %add3A_369 : i32
          %get3A_371 = arith.index_cast %add3A_370 : i32 to index
          %get3A_372 = arith.constant 32 : index
          %get3A_373 = tpu.vector_load %arg11[%get3A_371, %get3A_372] {strides = array<i32>} : memref<128x64xf32, #tpu.memory_space<vmem>>, vector<1x16xf32>,
          %get3A_374 = vector.shape_cast %get3A_373 : vector<1x16xf32> to vector<16xf32>
          %add3A_375 = arith.addf %add3A_368, %get3A_374 : vector<16xf32>
          %add3A_376 = arith.constant 3 : i32
          %add3A_377 = arith.addi %mul3A_119, %add3A_376 : i32
          %get3A_378 = arith.index_cast %add3A_377 : i32 to index
          %get3A_379 = arith.constant 32 : index
          %get3A_380 = tpu.vector_load %arg11[%get3A_378, %get3A_379] {strides = array<i32>} : memref<128x64xf32, #tpu.memory_space<vmem>>, vector<1x16xf32>,
          %get3A_381 = vector.shape_cast %get3A_380 : vector<1x16xf32> to vector<16xf32>
          %add3A_382 = arith.addf %add3A_375, %get3A_381 : vector<16xf32>
          %add3A_383 = arith.constant 4 : i32
          %add3A_384 = arith.addi %mul3A_119, %add3A_383 : i32
          %get3A_385 = arith.index_cast %add3A_384 : i32 to index
          %get3A_386 = arith.constant 32 : index
          %get3A_387 = tpu.vector_load %arg11[%get3A_385, %get3A_386] {strides = array<i32>} : memref<128x64xf32, #tpu.memory_space<vmem>>, vector<1x16xf32>,
          %get3A_388 = vector.shape_cast %get3A_387 : vector<1x16xf32> to vector<16xf32>
          %add3A_389 = arith.addf %add3A_382, %get3A_388 : vector<16xf32>
          %add3A_390 = arith.constant 5 : i32
          %add3A_391 = arith.addi %mul3A_119, %add3A_390 : i32
          %get3A_392 = arith.index_cast %add3A_391 : i32 to index
          %get3A_393 = arith.constant 32 : index
          %get3A_394 = tpu.vector_load %arg11[%get3A_392, %get3A_393] {strides = array<i32>} : memref<128x64xf32, #tpu.memory_space<vmem>>, vector<1x16xf32>,
          %get3A_395 = vector.shape_cast %get3A_394 : vector<1x16xf32> to vector<16xf32>
          %add3A_396 = arith.addf %add3A_389, %get3A_395 : vector<16xf32>
          %add3A_397 = arith.constant 6 : i32
          %add3A_398 = arith.addi %mul3A_119, %add3A_397 : i32
          %get3A_399 = arith.index_cast %add3A_398 : i32 to index
          %get3A_400 = arith.constant 32 : index
          %get3A_401 = tpu.vector_load %arg11[%get3A_399, %get3A_400] {strides = array<i32>} : memref<128x64xf32, #tpu.memory_space<vmem>>, vector<1x16xf32>,
          %get3A_402 = vector.shape_cast %get3A_401 : vector<1x16xf32> to vector<16xf32>
          %add3A_403 = arith.addf %add3A_396, %get3A_402 : vector<16xf32>
          %add3A_404 = arith.constant 7 : i32
          %add3A_405 = arith.addi %mul3A_119, %add3A_404 : i32
          %get3A_406 = arith.index_cast %add3A_405 : i32 to index
          %get3A_407 = arith.constant 32 : index
          %get3A_408 = tpu.vector_load %arg11[%get3A_406, %get3A_407] {strides = array<i32>} : memref<128x64xf32, #tpu.memory_space<vmem>>, vector<1x16xf32>,
          %get3A_409 = vector.shape_cast %get3A_408 : vector<1x16xf32> to vector<16xf32>
          %add3A_410 = arith.addf %add3A_403, %get3A_409 : vector<16xf32>
          %add3A_411 = arith.constant 8 : i32
          %add3A_412 = arith.addi %mul3A_119, %add3A_411 : i32
          %get3A_413 = arith.index_cast %add3A_412 : i32 to index
          %get3A_414 = arith.constant 32 : index
          %get3A_415 = tpu.vector_load %arg11[%get3A_413, %get3A_414] {strides = array<i32>} : memref<128x64xf32, #tpu.memory_space<vmem>>, vector<1x16xf32>,
          %get3A_416 = vector.shape_cast %get3A_415 : vector<1x16xf32> to vector<16xf32>
          %add3A_417 = arith.addf %add3A_410, %get3A_416 : vector<16xf32>
          %add3A_418 = arith.constant 9 : i32
          %add3A_419 = arith.addi %mul3A_119, %add3A_418 : i32
          %get3A_420 = arith.index_cast %add3A_419 : i32 to index
          %get3A_421 = arith.constant 32 : index
          %get3A_422 = tpu.vector_load %arg11[%get3A_420, %get3A_421] {strides = array<i32>} : memref<128x64xf32, #tpu.memory_space<vmem>>, vector<1x16xf32>,
          %get3A_423 = vector.shape_cast %get3A_422 : vector<1x16xf32> to vector<16xf32>
          %add3A_424 = arith.addf %add3A_417, %get3A_423 : vector<16xf32>
          %add3A_425 = arith.constant 10 : i32
          %add3A_426 = arith.addi %mul3A_119, %add3A_425 : i32
          %get3A_427 = arith.index_cast %add3A_426 : i32 to index
          %get3A_428 = arith.constant 32 : index
          %get3A_429 = tpu.vector_load %arg11[%get3A_427, %get3A_428] {strides = array<i32>} : memref<128x64xf32, #tpu.memory_space<vmem>>, vector<1x16xf32>,
          %get3A_430 = vector.shape_cast %get3A_429 : vector<1x16xf32> to vector<16xf32>
          %add3A_431 = arith.addf %add3A_424, %get3A_430 : vector<16xf32>
          %add3A_432 = arith.constant 11 : i32
          %add3A_433 = arith.addi %mul3A_119, %add3A_432 : i32
          %get3A_434 = arith.index_cast %add3A_433 : i32 to index
          %get3A_435 = arith.constant 32 : index
          %get3A_436 = tpu.vector_load %arg11[%get3A_434, %get3A_435] {strides = array<i32>} : memref<128x64xf32, #tpu.memory_space<vmem>>, vector<1x16xf32>,
          %get3A_437 = vector.shape_cast %get3A_436 : vector<1x16xf32> to vector<16xf32>
          %add3A_438 = arith.addf %add3A_431, %get3A_437 : vector<16xf32>
          %add3A_439 = arith.constant 12 : i32
          %add3A_440 = arith.addi %mul3A_119, %add3A_439 : i32
          %get3A_441 = arith.index_cast %add3A_440 : i32 to index
          %get3A_442 = arith.constant 32 : index
          %get3A_443 = tpu.vector_load %arg11[%get3A_441, %get3A_442] {strides = array<i32>} : memref<128x64xf32, #tpu.memory_space<vmem>>, vector<1x16xf32>,
          %get3A_444 = vector.shape_cast %get3A_443 : vector<1x16xf32> to vector<16xf32>
          %add3A_445 = arith.addf %add3A_438, %get3A_444 : vector<16xf32>
          %add3A_446 = arith.constant 13 : i32
          %add3A_447 = arith.addi %mul3A_119, %add3A_446 : i32
          %get3A_448 = arith.index_cast %add3A_447 : i32 to index
          %get3A_449 = arith.constant 32 : index
          %get3A_450 = tpu.vector_load %arg11[%get3A_448, %get3A_449] {strides = array<i32>} : memref<128x64xf32, #tpu.memory_space<vmem>>, vector<1x16xf32>,
          %get3A_451 = vector.shape_cast %get3A_450 : vector<1x16xf32> to vector<16xf32>
          %add3A_452 = arith.addf %add3A_445, %get3A_451 : vector<16xf32>
          %add3A_453 = arith.constant 14 : i32
          %add3A_454 = arith.addi %mul3A_119, %add3A_453 : i32
          %get3A_455 = arith.index_cast %add3A_454 : i32 to index
          %get3A_456 = arith.constant 32 : index
          %get3A_457 = tpu.vector_load %arg11[%get3A_455, %get3A_456] {strides = array<i32>} : memref<128x64xf32, #tpu.memory_space<vmem>>, vector<1x16xf32>,
          %get3A_458 = vector.shape_cast %get3A_457 : vector<1x16xf32> to vector<16xf32>
          %add3A_459 = arith.addf %add3A_452, %get3A_458 : vector<16xf32>
          %add3A_460 = arith.constant 15 : i32
          %add3A_461 = arith.addi %mul3A_119, %add3A_460 : i32
          %get3A_462 = arith.index_cast %add3A_461 : i32 to index
          %get3A_463 = arith.constant 32 : index
          %get3A_464 = tpu.vector_load %arg11[%get3A_462, %get3A_463] {strides = array<i32>} : memref<128x64xf32, #tpu.memory_space<vmem>>, vector<1x16xf32>,
          %get3A_465 = vector.shape_cast %get3A_464 : vector<1x16xf32> to vector<16xf32>
          %add3A_466 = arith.addf %add3A_459, %get3A_465 : vector<16xf32>
          %mul3A_467 = arith.constant 6.250000e-02 : f32
          %mul3A_468 = vector.broadcast %mul3A_467 : f32 to vector<16xf32>
          %mul3A_469 = arith.mulf %add3A_466, %mul3A_468 : vector<16xf32>
          %mul3A_470 = arith.constant 8 : i32
          %mul3A_471 = arith.muli %mul3A_86, %mul3A_470 : i32
          %add3A_472 = arith.addi %mul3A_471, %scan3A_116 : i32
          %swap3A_473 = arith.index_cast %add3A_472 : i32 to index
          %swap3A_474 = arith.constant 32 : index
          %swap3A_475 = tpu.vector_load %arg13[%swap3A_473, %swap3A_474] {strides = array<i32>} : memref<128x64xf32, #tpu.memory_space<vmem>>, vector<1x16xf32>,
          %swap3A_476 = vector.shape_cast %swap3A_475 : vector<1x16xf32> to vector<16xf32>
          %swap3A_477 = vector.shape_cast %mul3A_469 : vector<16xf32> to vector<1x16xf32>
          tpu.vector_store %arg13[%swap3A_473, %swap3A_474], %swap3A_477 {strides = array<i32>} : memref<128x64xf32, #tpu.memory_space<vmem>>, vector<1x16xf32>,
          %get3A_478 = arith.index_cast %mul3A_119 : i32 to index
          %get3A_479 = arith.constant 48 : index
          %get3A_480 = tpu.vector_load %arg11[%get3A_478, %get3A_479] {strides = array<i32>} : memref<128x64xf32, #tpu.memory_space<vmem>>, vector<1x16xf32>,
          %get3A_481 = vector.shape_cast %get3A_480 : vector<1x16xf32> to vector<16xf32>
          %add3A_482 = arith.constant 1 : i32
          %add3A_483 = arith.addi %mul3A_119, %add3A_482 : i32
          %get3A_484 = arith.index_cast %add3A_483 : i32 to index
          %get3A_485 = arith.constant 48 : index
          %get3A_486 = tpu.vector_load %arg11[%get3A_484, %get3A_485] {strides = array<i32>} : memref<128x64xf32, #tpu.memory_space<vmem>>, vector<1x16xf32>,
          %get3A_487 = vector.shape_cast %get3A_486 : vector<1x16xf32> to vector<16xf32>
          %add3A_488 = arith.addf %get3A_481, %get3A_487 : vector<16xf32>
          %add3A_489 = arith.constant 2 : i32
          %add3A_490 = arith.addi %mul3A_119, %add3A_489 : i32
          %get3A_491 = arith.index_cast %add3A_490 : i32 to index
          %get3A_492 = arith.constant 48 : index
          %get3A_493 = tpu.vector_load %arg11[%get3A_491, %get3A_492] {strides = array<i32>} : memref<128x64xf32, #tpu.memory_space<vmem>>, vector<1x16xf32>,
          %get3A_494 = vector.shape_cast %get3A_493 : vector<1x16xf32> to vector<16xf32>
          %add3A_495 = arith.addf %add3A_488, %get3A_494 : vector<16xf32>
          %add3A_496 = arith.constant 3 : i32
          %add3A_497 = arith.addi %mul3A_119, %add3A_496 : i32
          %get3A_498 = arith.index_cast %add3A_497 : i32 to index
          %get3A_499 = arith.constant 48 : index
          %get3A_500 = tpu.vector_load %arg11[%get3A_498, %get3A_499] {strides = array<i32>} : memref<128x64xf32, #tpu.memory_space<vmem>>, vector<1x16xf32>,
          %get3A_501 = vector.shape_cast %get3A_500 : vector<1x16xf32> to vector<16xf32>
          %add3A_502 = arith.addf %add3A_495, %get3A_501 : vector<16xf32>
          %add3A_503 = arith.constant 4 : i32
          %add3A_504 = arith.addi %mul3A_119, %add3A_503 : i32
          %get3A_505 = arith.index_cast %add3A_504 : i32 to index
          %get3A_506 = arith.constant 48 : index
          %get3A_507 = tpu.vector_load %arg11[%get3A_505, %get3A_506] {strides = array<i32>} : memref<128x64xf32, #tpu.memory_space<vmem>>, vector<1x16xf32>,
          %get3A_508 = vector.shape_cast %get3A_507 : vector<1x16xf32> to vector<16xf32>
          %add3A_509 = arith.addf %add3A_502, %get3A_508 : vector<16xf32>
          %add3A_510 = arith.constant 5 : i32
          %add3A_511 = arith.addi %mul3A_119, %add3A_510 : i32
          %get3A_512 = arith.index_cast %add3A_511 : i32 to index
          %get3A_513 = arith.constant 48 : index
          %get3A_514 = tpu.vector_load %arg11[%get3A_512, %get3A_513] {strides = array<i32>} : memref<128x64xf32, #tpu.memory_space<vmem>>, vector<1x16xf32>,
          %get3A_515 = vector.shape_cast %get3A_514 : vector<1x16xf32> to vector<16xf32>
          %add3A_516 = arith.addf %add3A_509, %get3A_515 : vector<16xf32>
          %add3A_517 = arith.constant 6 : i32
          %add3A_518 = arith.addi %mul3A_119, %add3A_517 : i32
          %get3A_519 = arith.index_cast %add3A_518 : i32 to index
          %get3A_520 = arith.constant 48 : index
          %get3A_521 = tpu.vector_load %arg11[%get3A_519, %get3A_520] {strides = array<i32>} : memref<128x64xf32, #tpu.memory_space<vmem>>, vector<1x16xf32>,
          %get3A_522 = vector.shape_cast %get3A_521 : vector<1x16xf32> to vector<16xf32>
          %add3A_523 = arith.addf %add3A_516, %get3A_522 : vector<16xf32>
          %add3A_524 = arith.constant 7 : i32
          %add3A_525 = arith.addi %mul3A_119, %add3A_524 : i32
          %get3A_526 = arith.index_cast %add3A_525 : i32 to index
          %get3A_527 = arith.constant 48 : index
          %get3A_528 = tpu.vector_load %arg11[%get3A_526, %get3A_527] {strides = array<i32>} : memref<128x64xf32, #tpu.memory_space<vmem>>, vector<1x16xf32>,
          %get3A_529 = vector.shape_cast %get3A_528 : vector<1x16xf32> to vector<16xf32>
          %add3A_530 = arith.addf %add3A_523, %get3A_529 : vector<16xf32>
          %add3A_531 = arith.constant 8 : i32
          %add3A_532 = arith.addi %mul3A_119, %add3A_531 : i32
          %get3A_533 = arith.index_cast %add3A_532 : i32 to index
          %get3A_534 = arith.constant 48 : index
          %get3A_535 = tpu.vector_load %arg11[%get3A_533, %get3A_534] {strides = array<i32>} : memref<128x64xf32, #tpu.memory_space<vmem>>, vector<1x16xf32>,
          %get3A_536 = vector.shape_cast %get3A_535 : vector<1x16xf32> to vector<16xf32>
          %add3A_537 = arith.addf %add3A_530, %get3A_536 : vector<16xf32>
          %add3A_538 = arith.constant 9 : i32
          %add3A_539 = arith.addi %mul3A_119, %add3A_538 : i32
          %get3A_540 = arith.index_cast %add3A_539 : i32 to index
          %get3A_541 = arith.constant 48 : index
          %get3A_542 = tpu.vector_load %arg11[%get3A_540, %get3A_541] {strides = array<i32>} : memref<128x64xf32, #tpu.memory_space<vmem>>, vector<1x16xf32>,
          %get3A_543 = vector.shape_cast %get3A_542 : vector<1x16xf32> to vector<16xf32>
          %add3A_544 = arith.addf %add3A_537, %get3A_543 : vector<16xf32>
          %add3A_545 = arith.constant 10 : i32
          %add3A_546 = arith.addi %mul3A_119, %add3A_545 : i32
          %get3A_547 = arith.index_cast %add3A_546 : i32 to index
          %get3A_548 = arith.constant 48 : index
          %get3A_549 = tpu.vector_load %arg11[%get3A_547, %get3A_548] {strides = array<i32>} : memref<128x64xf32, #tpu.memory_space<vmem>>, vector<1x16xf32>,
          %get3A_550 = vector.shape_cast %get3A_549 : vector<1x16xf32> to vector<16xf32>
          %add3A_551 = arith.addf %add3A_544, %get3A_550 : vector<16xf32>
          %add3A_552 = arith.constant 11 : i32
          %add3A_553 = arith.addi %mul3A_119, %add3A_552 : i32
          %get3A_554 = arith.index_cast %add3A_553 : i32 to index
          %get3A_555 = arith.constant 48 : index
          %get3A_556 = tpu.vector_load %arg11[%get3A_554, %get3A_555] {strides = array<i32>} : memref<128x64xf32, #tpu.memory_space<vmem>>, vector<1x16xf32>,
          %get3A_557 = vector.shape_cast %get3A_556 : vector<1x16xf32> to vector<16xf32>
          %add3A_558 = arith.addf %add3A_551, %get3A_557 : vector<16xf32>
          %add3A_559 = arith.constant 12 : i32
          %add3A_560 = arith.addi %mul3A_119, %add3A_559 : i32
          %get3A_561 = arith.index_cast %add3A_560 : i32 to index
          %get3A_562 = arith.constant 48 : index
          %get3A_563 = tpu.vector_load %arg11[%get3A_561, %get3A_562] {strides = array<i32>} : memref<128x64xf32, #tpu.memory_space<vmem>>, vector<1x16xf32>,
          %get3A_564 = vector.shape_cast %get3A_563 : vector<1x16xf32> to vector<16xf32>
          %add3A_565 = arith.addf %add3A_558, %get3A_564 : vector<16xf32>
          %add3A_566 = arith.constant 13 : i32
          %add3A_567 = arith.addi %mul3A_119, %add3A_566 : i32
          %get3A_568 = arith.index_cast %add3A_567 : i32 to index
          %get3A_569 = arith.constant 48 : index
          %get3A_570 = tpu.vector_load %arg11[%get3A_568, %get3A_569] {strides = array<i32>} : memref<128x64xf32, #tpu.memory_space<vmem>>, vector<1x16xf32>,
          %get3A_571 = vector.shape_cast %get3A_570 : vector<1x16xf32> to vector<16xf32>
          %add3A_572 = arith.addf %add3A_565, %get3A_571 : vector<16xf32>
          %add3A_573 = arith.constant 14 : i32
          %add3A_574 = arith.addi %mul3A_119, %add3A_573 : i32
          %get3A_575 = arith.index_cast %add3A_574 : i32 to index
          %get3A_576 = arith.constant 48 : index
          %get3A_577 = tpu.vector_load %arg11[%get3A_575, %get3A_576] {strides = array<i32>} : memref<128x64xf32, #tpu.memory_space<vmem>>, vector<1x16xf32>,
          %get3A_578 = vector.shape_cast %get3A_577 : vector<1x16xf32> to vector<16xf32>
          %add3A_579 = arith.addf %add3A_572, %get3A_578 : vector<16xf32>
          %add3A_580 = arith.constant 15 : i32
          %add3A_581 = arith.addi %mul3A_119, %add3A_580 : i32
          %get3A_582 = arith.index_cast %add3A_581 : i32 to index
          %get3A_583 = arith.constant 48 : index
          %get3A_584 = tpu.vector_load %arg11[%get3A_582, %get3A_583] {strides = array<i32>} : memref<128x64xf32, #tpu.memory_space<vmem>>, vector<1x16xf32>,
          %get3A_585 = vector.shape_cast %get3A_584 : vector<1x16xf32> to vector<16xf32>
          %add3A_586 = arith.addf %add3A_579, %get3A_585 : vector<16xf32>
          %mul3A_587 = arith.constant 6.250000e-02 : f32
          %mul3A_588 = vector.broadcast %mul3A_587 : f32 to vector<16xf32>
          %mul3A_589 = arith.mulf %add3A_586, %mul3A_588 : vector<16xf32>
          %mul3A_590 = arith.constant 8 : i32
          %mul3A_591 = arith.muli %mul3A_86, %mul3A_590 : i32
          %add3A_592 = arith.addi %mul3A_591, %scan3A_116 : i32
          %swap3A_593 = arith.index_cast %add3A_592 : i32 to index
          %swap3A_594 = arith.constant 48 : index
          %swap3A_595 = tpu.vector_load %arg13[%swap3A_593, %swap3A_594] {strides = array<i32>} : memref<128x64xf32, #tpu.memory_space<vmem>>, vector<1x16xf32>,
          %swap3A_596 = vector.shape_cast %swap3A_595 : vector<1x16xf32> to vector<16xf32>
          %swap3A_597 = vector.shape_cast %mul3A_589 : vector<16xf32> to vector<1x16xf32>
          tpu.vector_store %arg13[%swap3A_593, %swap3A_594], %swap3A_597 {strides = array<i32>} : memref<128x64xf32, #tpu.memory_space<vmem>>, vector<1x16xf32>,
          %scan3A_598 = arith.constant 0 : i32
          scf.yield %scan3A_598 : i32
        }
        %scan3A_93 = arith.constant 8 : i32
        %lt3A = arith.constant 7 : i32
        %lt3A_94 = arith.cmpi slt, %scan3A_68, %lt3A : i32
        %convert_element_type3A_95 = arith.extui %lt3A_94 : i1 to i32
        %cond3A_96 = arith.constant 0 : i32
        %cond3A_97 = arith.cmpi ne, %convert_element_type3A_95, %cond3A_96 : i32
        scf.if %cond3A_97 {
          %add3A_116 = arith.constant 2 : i32
          %add3A_117 = arith.addi %add3A, %add3A_116 : i32
          %dma_start3A_118 = arith.constant 0 : i32
          %dma_start3A_119 = tpu.memref_slice %arg9[%add3A_117, %dma_start3A_118] : memref<80x128xi32, #tpu.memory_space<vmem>> -> memref<1x128xi32, #tpu.memory_space<vmem>>
          %dma_start3A_120 = tpu.memref_squeeze %dma_start3A_119 : memref<1x128xi32, #tpu.memory_space<vmem>> -> memref<128xi32, #tpu.memory_space<vmem>>
          %dma_start3A_121 = arith.constant 0 : i32
          %dma_start3A_122 = arith.constant 0 : i32
          %dma_start3A_123 = tpu.memref_slice %arg2[%dma_start3A_121, %dma_start3A_122] : memref<20480x64xf32, #tpu.memory_space<hbm>> -> memref<20480x64xf32, #tpu.memory_space<hbm>>
          tpu.enqueue_indirect_dma source(%dma_start3A_123 : memref<20480x64xf32, #tpu.memory_space<hbm>>) target(%arg11 : memref<128x64xf32, #tpu.memory_space<vmem>>) offsets(%dma_start3A_120 : memref<128xi32, #tpu.memory_space<vmem>>) semaphore(%arg17 : memref<!tpu.dma_semaphore, #tpu.memory_space<semaphore_mem>>)
        } else {
        }
        %dma_wait3A_98 = arith.constant 0 : i32
        %dma_wait3A_99 = arith.constant 0 : i32
        %dma_wait3A_100 = tpu.memref_slice %arg2[%dma_wait3A_98, %dma_wait3A_99] : memref<20480x64xf32, #tpu.memory_space<hbm>> -> memref<128x64xf32, #tpu.memory_space<hbm>>
        %dma_wait3A_101 = arith.constant 0 : i32
        %dma_wait3A_102 = arith.constant 0 : i32
        %dma_wait3A_103 = tpu.memref_slice %arg2[%dma_wait3A_101, %dma_wait3A_102] : memref<20480x64xf32, #tpu.memory_space<hbm>> -> memref<128x64xf32, #tpu.memory_space<hbm>>
        tpu.wait_dma2 semaphore(%arg18 : memref<!tpu.dma_semaphore, #tpu.memory_space<semaphore_mem>>) src(%dma_wait3A_103 : memref<128x64xf32, #tpu.memory_space<hbm>>) dst(%arg12 : memref<128x64xf32, #tpu.memory_space<vmem>>)
        %mul3A_104 = arith.constant 2 : i32
        %mul3A_105 = arith.muli %mul3A_104, %scan3A_68 : i32
        %add3A_106 = arith.constant 1 : i32
        %add3A_107 = arith.addi %mul3A_105, %add3A_106 : i32
        %scan3A_108 = arith.constant 0 : i32
        %scan3A_109 = arith.constant 0 : i32
        %scan3A_110 = arith.constant 8 : i32
        %scan3A_111 = arith.addi %scan3A_109, %scan3A_110 : i32
        %scan3A_112 = arith.constant 1 : i32
        %scan3A_113 = scf.for %scan3A_116 = %scan3A_109 to %scan3A_111 step %scan3A_112 iter_args(%scan3A_117 = %scan3A_108) -> (i32)  : i32 {
          %mul3A_118 = arith.constant 16 : i32
          %mul3A_119 = arith.muli %scan3A_116, %mul3A_118 : i32
          %get3A = arith.index_cast %mul3A_119 : i32 to index
          %get3A_120 = arith.constant 0 : index
          %get3A_121 = tpu.vector_load %arg12[%get3A, %get3A_120] {strides = array<i32>} : memref<128x64xf32, #tpu.memory_space<vmem>>, vector<1x16xf32>,
          %get3A_122 = vector.shape_cast %get3A_121 : vector<1x16xf32> to vector<16xf32>
          %add3A_123 = arith.constant 1 : i32
          %add3A_124 = arith.addi %mul3A_119, %add3A_123 : i32
          %get3A_125 = arith.index_cast %add3A_124 : i32 to index
          %get3A_126 = arith.constant 0 : index
          %get3A_127 = tpu.vector_load %arg12[%get3A_125, %get3A_126] {strides = array<i32>} : memref<128x64xf32, #tpu.memory_space<vmem>>, vector<1x16xf32>,
          %get3A_128 = vector.shape_cast %get3A_127 : vector<1x16xf32> to vector<16xf32>
          %add3A_129 = arith.addf %get3A_122, %get3A_128 : vector<16xf32>
          %add3A_130 = arith.constant 2 : i32
          %add3A_131 = arith.addi %mul3A_119, %add3A_130 : i32
          %get3A_132 = arith.index_cast %add3A_131 : i32 to index
          %get3A_133 = arith.constant 0 : index
          %get3A_134 = tpu.vector_load %arg12[%get3A_132, %get3A_133] {strides = array<i32>} : memref<128x64xf32, #tpu.memory_space<vmem>>, vector<1x16xf32>,
          %get3A_135 = vector.shape_cast %get3A_134 : vector<1x16xf32> to vector<16xf32>
          %add3A_136 = arith.addf %add3A_129, %get3A_135 : vector<16xf32>
          %add3A_137 = arith.constant 3 : i32
          %add3A_138 = arith.addi %mul3A_119, %add3A_137 : i32
          %get3A_139 = arith.index_cast %add3A_138 : i32 to index
          %get3A_140 = arith.constant 0 : index
          %get3A_141 = tpu.vector_load %arg12[%get3A_139, %get3A_140] {strides = array<i32>} : memref<128x64xf32, #tpu.memory_space<vmem>>, vector<1x16xf32>,
          %get3A_142 = vector.shape_cast %get3A_141 : vector<1x16xf32> to vector<16xf32>
          %add3A_143 = arith.addf %add3A_136, %get3A_142 : vector<16xf32>
          %add3A_144 = arith.constant 4 : i32
          %add3A_145 = arith.addi %mul3A_119, %add3A_144 : i32
          %get3A_146 = arith.index_cast %add3A_145 : i32 to index
          %get3A_147 = arith.constant 0 : index
          %get3A_148 = tpu.vector_load %arg12[%get3A_146, %get3A_147] {strides = array<i32>} : memref<128x64xf32, #tpu.memory_space<vmem>>, vector<1x16xf32>,
          %get3A_149 = vector.shape_cast %get3A_148 : vector<1x16xf32> to vector<16xf32>
          %add3A_150 = arith.addf %add3A_143, %get3A_149 : vector<16xf32>
          %add3A_151 = arith.constant 5 : i32
          %add3A_152 = arith.addi %mul3A_119, %add3A_151 : i32
          %get3A_153 = arith.index_cast %add3A_152 : i32 to index
          %get3A_154 = arith.constant 0 : index
          %get3A_155 = tpu.vector_load %arg12[%get3A_153, %get3A_154] {strides = array<i32>} : memref<128x64xf32, #tpu.memory_space<vmem>>, vector<1x16xf32>,
          %get3A_156 = vector.shape_cast %get3A_155 : vector<1x16xf32> to vector<16xf32>
          %add3A_157 = arith.addf %add3A_150, %get3A_156 : vector<16xf32>
          %add3A_158 = arith.constant 6 : i32
          %add3A_159 = arith.addi %mul3A_119, %add3A_158 : i32
          %get3A_160 = arith.index_cast %add3A_159 : i32 to index
          %get3A_161 = arith.constant 0 : index
          %get3A_162 = tpu.vector_load %arg12[%get3A_160, %get3A_161] {strides = array<i32>} : memref<128x64xf32, #tpu.memory_space<vmem>>, vector<1x16xf32>,
          %get3A_163 = vector.shape_cast %get3A_162 : vector<1x16xf32> to vector<16xf32>
          %add3A_164 = arith.addf %add3A_157, %get3A_163 : vector<16xf32>
          %add3A_165 = arith.constant 7 : i32
          %add3A_166 = arith.addi %mul3A_119, %add3A_165 : i32
          %get3A_167 = arith.index_cast %add3A_166 : i32 to index
          %get3A_168 = arith.constant 0 : index
          %get3A_169 = tpu.vector_load %arg12[%get3A_167, %get3A_168] {strides = array<i32>} : memref<128x64xf32, #tpu.memory_space<vmem>>, vector<1x16xf32>,
          %get3A_170 = vector.shape_cast %get3A_169 : vector<1x16xf32> to vector<16xf32>
          %add3A_171 = arith.addf %add3A_164, %get3A_170 : vector<16xf32>
          %add3A_172 = arith.constant 8 : i32
          %add3A_173 = arith.addi %mul3A_119, %add3A_172 : i32
          %get3A_174 = arith.index_cast %add3A_173 : i32 to index
          %get3A_175 = arith.constant 0 : index
          %get3A_176 = tpu.vector_load %arg12[%get3A_174, %get3A_175] {strides = array<i32>} : memref<128x64xf32, #tpu.memory_space<vmem>>, vector<1x16xf32>,
          %get3A_177 = vector.shape_cast %get3A_176 : vector<1x16xf32> to vector<16xf32>
          %add3A_178 = arith.addf %add3A_171, %get3A_177 : vector<16xf32>
          %add3A_179 = arith.constant 9 : i32
          %add3A_180 = arith.addi %mul3A_119, %add3A_179 : i32
          %get3A_181 = arith.index_cast %add3A_180 : i32 to index
          %get3A_182 = arith.constant 0 : index
          %get3A_183 = tpu.vector_load %arg12[%get3A_181, %get3A_182] {strides = array<i32>} : memref<128x64xf32, #tpu.memory_space<vmem>>, vector<1x16xf32>,
          %get3A_184 = vector.shape_cast %get3A_183 : vector<1x16xf32> to vector<16xf32>
          %add3A_185 = arith.addf %add3A_178, %get3A_184 : vector<16xf32>
          %add3A_186 = arith.constant 10 : i32
          %add3A_187 = arith.addi %mul3A_119, %add3A_186 : i32
          %get3A_188 = arith.index_cast %add3A_187 : i32 to index
          %get3A_189 = arith.constant 0 : index
          %get3A_190 = tpu.vector_load %arg12[%get3A_188, %get3A_189] {strides = array<i32>} : memref<128x64xf32, #tpu.memory_space<vmem>>, vector<1x16xf32>,
          %get3A_191 = vector.shape_cast %get3A_190 : vector<1x16xf32> to vector<16xf32>
          %add3A_192 = arith.addf %add3A_185, %get3A_191 : vector<16xf32>
          %add3A_193 = arith.constant 11 : i32
          %add3A_194 = arith.addi %mul3A_119, %add3A_193 : i32
          %get3A_195 = arith.index_cast %add3A_194 : i32 to index
          %get3A_196 = arith.constant 0 : index
          %get3A_197 = tpu.vector_load %arg12[%get3A_195, %get3A_196] {strides = array<i32>} : memref<128x64xf32, #tpu.memory_space<vmem>>, vector<1x16xf32>,
          %get3A_198 = vector.shape_cast %get3A_197 : vector<1x16xf32> to vector<16xf32>
          %add3A_199 = arith.addf %add3A_192, %get3A_198 : vector<16xf32>
          %add3A_200 = arith.constant 12 : i32
          %add3A_201 = arith.addi %mul3A_119, %add3A_200 : i32
          %get3A_202 = arith.index_cast %add3A_201 : i32 to index
          %get3A_203 = arith.constant 0 : index
          %get3A_204 = tpu.vector_load %arg12[%get3A_202, %get3A_203] {strides = array<i32>} : memref<128x64xf32, #tpu.memory_space<vmem>>, vector<1x16xf32>,
          %get3A_205 = vector.shape_cast %get3A_204 : vector<1x16xf32> to vector<16xf32>
          %add3A_206 = arith.addf %add3A_199, %get3A_205 : vector<16xf32>
          %add3A_207 = arith.constant 13 : i32
          %add3A_208 = arith.addi %mul3A_119, %add3A_207 : i32
          %get3A_209 = arith.index_cast %add3A_208 : i32 to index
          %get3A_210 = arith.constant 0 : index
          %get3A_211 = tpu.vector_load %arg12[%get3A_209, %get3A_210] {strides = array<i32>} : memref<128x64xf32, #tpu.memory_space<vmem>>, vector<1x16xf32>,
          %get3A_212 = vector.shape_cast %get3A_211 : vector<1x16xf32> to vector<16xf32>
          %add3A_213 = arith.addf %add3A_206, %get3A_212 : vector<16xf32>
          %add3A_214 = arith.constant 14 : i32
          %add3A_215 = arith.addi %mul3A_119, %add3A_214 : i32
          %get3A_216 = arith.index_cast %add3A_215 : i32 to index
          %get3A_217 = arith.constant 0 : index
          %get3A_218 = tpu.vector_load %arg12[%get3A_216, %get3A_217] {strides = array<i32>} : memref<128x64xf32, #tpu.memory_space<vmem>>, vector<1x16xf32>,
          %get3A_219 = vector.shape_cast %get3A_218 : vector<1x16xf32> to vector<16xf32>
          %add3A_220 = arith.addf %add3A_213, %get3A_219 : vector<16xf32>
          %add3A_221 = arith.constant 15 : i32
          %add3A_222 = arith.addi %mul3A_119, %add3A_221 : i32
          %get3A_223 = arith.index_cast %add3A_222 : i32 to index
          %get3A_224 = arith.constant 0 : index
          %get3A_225 = tpu.vector_load %arg12[%get3A_223, %get3A_224] {strides = array<i32>} : memref<128x64xf32, #tpu.memory_space<vmem>>, vector<1x16xf32>,
          %get3A_226 = vector.shape_cast %get3A_225 : vector<1x16xf32> to vector<16xf32>
          %add3A_227 = arith.addf %add3A_220, %get3A_226 : vector<16xf32>
          %mul3A_228 = arith.constant 6.250000e-02 : f32
          %mul3A_229 = vector.broadcast %mul3A_228 : f32 to vector<16xf32>
          %mul3A_230 = arith.mulf %add3A_227, %mul3A_229 : vector<16xf32>
          %mul3A_231 = arith.constant 8 : i32
          %mul3A_232 = arith.muli %add3A_107, %mul3A_231 : i32
          %add3A_233 = arith.addi %mul3A_232, %scan3A_116 : i32
          %swap3A = arith.index_cast %add3A_233 : i32 to index
          %swap3A_234 = arith.constant 0 : index
          %swap3A_235 = tpu.vector_load %arg13[%swap3A, %swap3A_234] {strides = array<i32>} : memref<128x64xf32, #tpu.memory_space<vmem>>, vector<1x16xf32>,
          %swap3A_236 = vector.shape_cast %swap3A_235 : vector<1x16xf32> to vector<16xf32>
          %swap3A_237 = vector.shape_cast %mul3A_230 : vector<16xf32> to vector<1x16xf32>
          tpu.vector_store %arg13[%swap3A, %swap3A_234], %swap3A_237 {strides = array<i32>} : memref<128x64xf32, #tpu.memory_space<vmem>>, vector<1x16xf32>,
          %get3A_238 = arith.index_cast %mul3A_119 : i32 to index
          %get3A_239 = arith.constant 16 : index
          %get3A_240 = tpu.vector_load %arg12[%get3A_238, %get3A_239] {strides = array<i32>} : memref<128x64xf32, #tpu.memory_space<vmem>>, vector<1x16xf32>,
          %get3A_241 = vector.shape_cast %get3A_240 : vector<1x16xf32> to vector<16xf32>
          %add3A_242 = arith.constant 1 : i32
          %add3A_243 = arith.addi %mul3A_119, %add3A_242 : i32
          %get3A_244 = arith.index_cast %add3A_243 : i32 to index
          %get3A_245 = arith.constant 16 : index
          %get3A_246 = tpu.vector_load %arg12[%get3A_244, %get3A_245] {strides = array<i32>} : memref<128x64xf32, #tpu.memory_space<vmem>>, vector<1x16xf32>,
          %get3A_247 = vector.shape_cast %get3A_246 : vector<1x16xf32> to vector<16xf32>
          %add3A_248 = arith.addf %get3A_241, %get3A_247 : vector<16xf32>
          %add3A_249 = arith.constant 2 : i32
          %add3A_250 = arith.addi %mul3A_119, %add3A_249 : i32
          %get3A_251 = arith.index_cast %add3A_250 : i32 to index
          %get3A_252 = arith.constant 16 : index
          %get3A_253 = tpu.vector_load %arg12[%get3A_251, %get3A_252] {strides = array<i32>} : memref<128x64xf32, #tpu.memory_space<vmem>>, vector<1x16xf32>,
          %get3A_254 = vector.shape_cast %get3A_253 : vector<1x16xf32> to vector<16xf32>
          %add3A_255 = arith.addf %add3A_248, %get3A_254 : vector<16xf32>
          %add3A_256 = arith.constant 3 : i32
          %add3A_257 = arith.addi %mul3A_119, %add3A_256 : i32
          %get3A_258 = arith.index_cast %add3A_257 : i32 to index
          %get3A_259 = arith.constant 16 : index
          %get3A_260 = tpu.vector_load %arg12[%get3A_258, %get3A_259] {strides = array<i32>} : memref<128x64xf32, #tpu.memory_space<vmem>>, vector<1x16xf32>,
          %get3A_261 = vector.shape_cast %get3A_260 : vector<1x16xf32> to vector<16xf32>
          %add3A_262 = arith.addf %add3A_255, %get3A_261 : vector<16xf32>
          %add3A_263 = arith.constant 4 : i32
          %add3A_264 = arith.addi %mul3A_119, %add3A_263 : i32
          %get3A_265 = arith.index_cast %add3A_264 : i32 to index
          %get3A_266 = arith.constant 16 : index
          %get3A_267 = tpu.vector_load %arg12[%get3A_265, %get3A_266] {strides = array<i32>} : memref<128x64xf32, #tpu.memory_space<vmem>>, vector<1x16xf32>,
          %get3A_268 = vector.shape_cast %get3A_267 : vector<1x16xf32> to vector<16xf32>
          %add3A_269 = arith.addf %add3A_262, %get3A_268 : vector<16xf32>
          %add3A_270 = arith.constant 5 : i32
          %add3A_271 = arith.addi %mul3A_119, %add3A_270 : i32
          %get3A_272 = arith.index_cast %add3A_271 : i32 to index
          %get3A_273 = arith.constant 16 : index
          %get3A_274 = tpu.vector_load %arg12[%get3A_272, %get3A_273] {strides = array<i32>} : memref<128x64xf32, #tpu.memory_space<vmem>>, vector<1x16xf32>,
          %get3A_275 = vector.shape_cast %get3A_274 : vector<1x16xf32> to vector<16xf32>
          %add3A_276 = arith.addf %add3A_269, %get3A_275 : vector<16xf32>
          %add3A_277 = arith.constant 6 : i32
          %add3A_278 = arith.addi %mul3A_119, %add3A_277 : i32
          %get3A_279 = arith.index_cast %add3A_278 : i32 to index
          %get3A_280 = arith.constant 16 : index
          %get3A_281 = tpu.vector_load %arg12[%get3A_279, %get3A_280] {strides = array<i32>} : memref<128x64xf32, #tpu.memory_space<vmem>>, vector<1x16xf32>,
          %get3A_282 = vector.shape_cast %get3A_281 : vector<1x16xf32> to vector<16xf32>
          %add3A_283 = arith.addf %add3A_276, %get3A_282 : vector<16xf32>
          %add3A_284 = arith.constant 7 : i32
          %add3A_285 = arith.addi %mul3A_119, %add3A_284 : i32
          %get3A_286 = arith.index_cast %add3A_285 : i32 to index
          %get3A_287 = arith.constant 16 : index
          %get3A_288 = tpu.vector_load %arg12[%get3A_286, %get3A_287] {strides = array<i32>} : memref<128x64xf32, #tpu.memory_space<vmem>>, vector<1x16xf32>,
          %get3A_289 = vector.shape_cast %get3A_288 : vector<1x16xf32> to vector<16xf32>
          %add3A_290 = arith.addf %add3A_283, %get3A_289 : vector<16xf32>
          %add3A_291 = arith.constant 8 : i32
          %add3A_292 = arith.addi %mul3A_119, %add3A_291 : i32
          %get3A_293 = arith.index_cast %add3A_292 : i32 to index
          %get3A_294 = arith.constant 16 : index
          %get3A_295 = tpu.vector_load %arg12[%get3A_293, %get3A_294] {strides = array<i32>} : memref<128x64xf32, #tpu.memory_space<vmem>>, vector<1x16xf32>,
          %get3A_296 = vector.shape_cast %get3A_295 : vector<1x16xf32> to vector<16xf32>
          %add3A_297 = arith.addf %add3A_290, %get3A_296 : vector<16xf32>
          %add3A_298 = arith.constant 9 : i32
          %add3A_299 = arith.addi %mul3A_119, %add3A_298 : i32
          %get3A_300 = arith.index_cast %add3A_299 : i32 to index
          %get3A_301 = arith.constant 16 : index
          %get3A_302 = tpu.vector_load %arg12[%get3A_300, %get3A_301] {strides = array<i32>} : memref<128x64xf32, #tpu.memory_space<vmem>>, vector<1x16xf32>,
          %get3A_303 = vector.shape_cast %get3A_302 : vector<1x16xf32> to vector<16xf32>
          %add3A_304 = arith.addf %add3A_297, %get3A_303 : vector<16xf32>
          %add3A_305 = arith.constant 10 : i32
          %add3A_306 = arith.addi %mul3A_119, %add3A_305 : i32
          %get3A_307 = arith.index_cast %add3A_306 : i32 to index
          %get3A_308 = arith.constant 16 : index
          %get3A_309 = tpu.vector_load %arg12[%get3A_307, %get3A_308] {strides = array<i32>} : memref<128x64xf32, #tpu.memory_space<vmem>>, vector<1x16xf32>,
          %get3A_310 = vector.shape_cast %get3A_309 : vector<1x16xf32> to vector<16xf32>
          %add3A_311 = arith.addf %add3A_304, %get3A_310 : vector<16xf32>
          %add3A_312 = arith.constant 11 : i32
          %add3A_313 = arith.addi %mul3A_119, %add3A_312 : i32
          %get3A_314 = arith.index_cast %add3A_313 : i32 to index
          %get3A_315 = arith.constant 16 : index
          %get3A_316 = tpu.vector_load %arg12[%get3A_314, %get3A_315] {strides = array<i32>} : memref<128x64xf32, #tpu.memory_space<vmem>>, vector<1x16xf32>,
          %get3A_317 = vector.shape_cast %get3A_316 : vector<1x16xf32> to vector<16xf32>
          %add3A_318 = arith.addf %add3A_311, %get3A_317 : vector<16xf32>
          %add3A_319 = arith.constant 12 : i32
          %add3A_320 = arith.addi %mul3A_119, %add3A_319 : i32
          %get3A_321 = arith.index_cast %add3A_320 : i32 to index
          %get3A_322 = arith.constant 16 : index
          %get3A_323 = tpu.vector_load %arg12[%get3A_321, %get3A_322] {strides = array<i32>} : memref<128x64xf32, #tpu.memory_space<vmem>>, vector<1x16xf32>,
          %get3A_324 = vector.shape_cast %get3A_323 : vector<1x16xf32> to vector<16xf32>
          %add3A_325 = arith.addf %add3A_318, %get3A_324 : vector<16xf32>
          %add3A_326 = arith.constant 13 : i32
          %add3A_327 = arith.addi %mul3A_119, %add3A_326 : i32
          %get3A_328 = arith.index_cast %add3A_327 : i32 to index
          %get3A_329 = arith.constant 16 : index
          %get3A_330 = tpu.vector_load %arg12[%get3A_328, %get3A_329] {strides = array<i32>} : memref<128x64xf32, #tpu.memory_space<vmem>>, vector<1x16xf32>,
          %get3A_331 = vector.shape_cast %get3A_330 : vector<1x16xf32> to vector<16xf32>
          %add3A_332 = arith.addf %add3A_325, %get3A_331 : vector<16xf32>
          %add3A_333 = arith.constant 14 : i32
          %add3A_334 = arith.addi %mul3A_119, %add3A_333 : i32
          %get3A_335 = arith.index_cast %add3A_334 : i32 to index
          %get3A_336 = arith.constant 16 : index
          %get3A_337 = tpu.vector_load %arg12[%get3A_335, %get3A_336] {strides = array<i32>} : memref<128x64xf32, #tpu.memory_space<vmem>>, vector<1x16xf32>,
          %get3A_338 = vector.shape_cast %get3A_337 : vector<1x16xf32> to vector<16xf32>
          %add3A_339 = arith.addf %add3A_332, %get3A_338 : vector<16xf32>
          %add3A_340 = arith.constant 15 : i32
          %add3A_341 = arith.addi %mul3A_119, %add3A_340 : i32
          %get3A_342 = arith.index_cast %add3A_341 : i32 to index
          %get3A_343 = arith.constant 16 : index
          %get3A_344 = tpu.vector_load %arg12[%get3A_342, %get3A_343] {strides = array<i32>} : memref<128x64xf32, #tpu.memory_space<vmem>>, vector<1x16xf32>,
          %get3A_345 = vector.shape_cast %get3A_344 : vector<1x16xf32> to vector<16xf32>
          %add3A_346 = arith.addf %add3A_339, %get3A_345 : vector<16xf32>
          %mul3A_347 = arith.constant 6.250000e-02 : f32
          %mul3A_348 = vector.broadcast %mul3A_347 : f32 to vector<16xf32>
          %mul3A_349 = arith.mulf %add3A_346, %mul3A_348 : vector<16xf32>
          %mul3A_350 = arith.constant 8 : i32
          %mul3A_351 = arith.muli %add3A_107, %mul3A_350 : i32
          %add3A_352 = arith.addi %mul3A_351, %scan3A_116 : i32
          %swap3A_353 = arith.index_cast %add3A_352 : i32 to index
          %swap3A_354 = arith.constant 16 : index
          %swap3A_355 = tpu.vector_load %arg13[%swap3A_353, %swap3A_354] {strides = array<i32>} : memref<128x64xf32, #tpu.memory_space<vmem>>, vector<1x16xf32>,
          %swap3A_356 = vector.shape_cast %swap3A_355 : vector<1x16xf32> to vector<16xf32>
          %swap3A_357 = vector.shape_cast %mul3A_349 : vector<16xf32> to vector<1x16xf32>
          tpu.vector_store %arg13[%swap3A_353, %swap3A_354], %swap3A_357 {strides = array<i32>} : memref<128x64xf32, #tpu.memory_space<vmem>>, vector<1x16xf32>,
          %get3A_358 = arith.index_cast %mul3A_119 : i32 to index
          %get3A_359 = arith.constant 32 : index
          %get3A_360 = tpu.vector_load %arg12[%get3A_358, %get3A_359] {strides = array<i32>} : memref<128x64xf32, #tpu.memory_space<vmem>>, vector<1x16xf32>,
          %get3A_361 = vector.shape_cast %get3A_360 : vector<1x16xf32> to vector<16xf32>
          %add3A_362 = arith.constant 1 : i32
          %add3A_363 = arith.addi %mul3A_119, %add3A_362 : i32
          %get3A_364 = arith.index_cast %add3A_363 : i32 to index
          %get3A_365 = arith.constant 32 : index
          %get3A_366 = tpu.vector_load %arg12[%get3A_364, %get3A_365] {strides = array<i32>} : memref<128x64xf32, #tpu.memory_space<vmem>>, vector<1x16xf32>,
          %get3A_367 = vector.shape_cast %get3A_366 : vector<1x16xf32> to vector<16xf32>
          %add3A_368 = arith.addf %get3A_361, %get3A_367 : vector<16xf32>
          %add3A_369 = arith.constant 2 : i32
          %add3A_370 = arith.addi %mul3A_119, %add3A_369 : i32
          %get3A_371 = arith.index_cast %add3A_370 : i32 to index
          %get3A_372 = arith.constant 32 : index
          %get3A_373 = tpu.vector_load %arg12[%get3A_371, %get3A_372] {strides = array<i32>} : memref<128x64xf32, #tpu.memory_space<vmem>>, vector<1x16xf32>,
          %get3A_374 = vector.shape_cast %get3A_373 : vector<1x16xf32> to vector<16xf32>
          %add3A_375 = arith.addf %add3A_368, %get3A_374 : vector<16xf32>
          %add3A_376 = arith.constant 3 : i32
          %add3A_377 = arith.addi %mul3A_119, %add3A_376 : i32
          %get3A_378 = arith.index_cast %add3A_377 : i32 to index
          %get3A_379 = arith.constant 32 : index
          %get3A_380 = tpu.vector_load %arg12[%get3A_378, %get3A_379] {strides = array<i32>} : memref<128x64xf32, #tpu.memory_space<vmem>>, vector<1x16xf32>,
          %get3A_381 = vector.shape_cast %get3A_380 : vector<1x16xf32> to vector<16xf32>
          %add3A_382 = arith.addf %add3A_375, %get3A_381 : vector<16xf32>
          %add3A_383 = arith.constant 4 : i32
          %add3A_384 = arith.addi %mul3A_119, %add3A_383 : i32
          %get3A_385 = arith.index_cast %add3A_384 : i32 to index
          %get3A_386 = arith.constant 32 : index
          %get3A_387 = tpu.vector_load %arg12[%get3A_385, %get3A_386] {strides = array<i32>} : memref<128x64xf32, #tpu.memory_space<vmem>>, vector<1x16xf32>,
          %get3A_388 = vector.shape_cast %get3A_387 : vector<1x16xf32> to vector<16xf32>
          %add3A_389 = arith.addf %add3A_382, %get3A_388 : vector<16xf32>
          %add3A_390 = arith.constant 5 : i32
          %add3A_391 = arith.addi %mul3A_119, %add3A_390 : i32
          %get3A_392 = arith.index_cast %add3A_391 : i32 to index
          %get3A_393 = arith.constant 32 : index
          %get3A_394 = tpu.vector_load %arg12[%get3A_392, %get3A_393] {strides = array<i32>} : memref<128x64xf32, #tpu.memory_space<vmem>>, vector<1x16xf32>,
          %get3A_395 = vector.shape_cast %get3A_394 : vector<1x16xf32> to vector<16xf32>
          %add3A_396 = arith.addf %add3A_389, %get3A_395 : vector<16xf32>
          %add3A_397 = arith.constant 6 : i32
          %add3A_398 = arith.addi %mul3A_119, %add3A_397 : i32
          %get3A_399 = arith.index_cast %add3A_398 : i32 to index
          %get3A_400 = arith.constant 32 : index
          %get3A_401 = tpu.vector_load %arg12[%get3A_399, %get3A_400] {strides = array<i32>} : memref<128x64xf32, #tpu.memory_space<vmem>>, vector<1x16xf32>,
          %get3A_402 = vector.shape_cast %get3A_401 : vector<1x16xf32> to vector<16xf32>
          %add3A_403 = arith.addf %add3A_396, %get3A_402 : vector<16xf32>
          %add3A_404 = arith.constant 7 : i32
          %add3A_405 = arith.addi %mul3A_119, %add3A_404 : i32
          %get3A_406 = arith.index_cast %add3A_405 : i32 to index
          %get3A_407 = arith.constant 32 : index
          %get3A_408 = tpu.vector_load %arg12[%get3A_406, %get3A_407] {strides = array<i32>} : memref<128x64xf32, #tpu.memory_space<vmem>>, vector<1x16xf32>,
          %get3A_409 = vector.shape_cast %get3A_408 : vector<1x16xf32> to vector<16xf32>
          %add3A_410 = arith.addf %add3A_403, %get3A_409 : vector<16xf32>
          %add3A_411 = arith.constant 8 : i32
          %add3A_412 = arith.addi %mul3A_119, %add3A_411 : i32
          %get3A_413 = arith.index_cast %add3A_412 : i32 to index
          %get3A_414 = arith.constant 32 : index
          %get3A_415 = tpu.vector_load %arg12[%get3A_413, %get3A_414] {strides = array<i32>} : memref<128x64xf32, #tpu.memory_space<vmem>>, vector<1x16xf32>,
          %get3A_416 = vector.shape_cast %get3A_415 : vector<1x16xf32> to vector<16xf32>
          %add3A_417 = arith.addf %add3A_410, %get3A_416 : vector<16xf32>
          %add3A_418 = arith.constant 9 : i32
          %add3A_419 = arith.addi %mul3A_119, %add3A_418 : i32
          %get3A_420 = arith.index_cast %add3A_419 : i32 to index
          %get3A_421 = arith.constant 32 : index
          %get3A_422 = tpu.vector_load %arg12[%get3A_420, %get3A_421] {strides = array<i32>} : memref<128x64xf32, #tpu.memory_space<vmem>>, vector<1x16xf32>,
          %get3A_423 = vector.shape_cast %get3A_422 : vector<1x16xf32> to vector<16xf32>
          %add3A_424 = arith.addf %add3A_417, %get3A_423 : vector<16xf32>
          %add3A_425 = arith.constant 10 : i32
          %add3A_426 = arith.addi %mul3A_119, %add3A_425 : i32
          %get3A_427 = arith.index_cast %add3A_426 : i32 to index
          %get3A_428 = arith.constant 32 : index
          %get3A_429 = tpu.vector_load %arg12[%get3A_427, %get3A_428] {strides = array<i32>} : memref<128x64xf32, #tpu.memory_space<vmem>>, vector<1x16xf32>,
          %get3A_430 = vector.shape_cast %get3A_429 : vector<1x16xf32> to vector<16xf32>
          %add3A_431 = arith.addf %add3A_424, %get3A_430 : vector<16xf32>
          %add3A_432 = arith.constant 11 : i32
          %add3A_433 = arith.addi %mul3A_119, %add3A_432 : i32
          %get3A_434 = arith.index_cast %add3A_433 : i32 to index
          %get3A_435 = arith.constant 32 : index
          %get3A_436 = tpu.vector_load %arg12[%get3A_434, %get3A_435] {strides = array<i32>} : memref<128x64xf32, #tpu.memory_space<vmem>>, vector<1x16xf32>,
          %get3A_437 = vector.shape_cast %get3A_436 : vector<1x16xf32> to vector<16xf32>
          %add3A_438 = arith.addf %add3A_431, %get3A_437 : vector<16xf32>
          %add3A_439 = arith.constant 12 : i32
          %add3A_440 = arith.addi %mul3A_119, %add3A_439 : i32
          %get3A_441 = arith.index_cast %add3A_440 : i32 to index
          %get3A_442 = arith.constant 32 : index
          %get3A_443 = tpu.vector_load %arg12[%get3A_441, %get3A_442] {strides = array<i32>} : memref<128x64xf32, #tpu.memory_space<vmem>>, vector<1x16xf32>,
          %get3A_444 = vector.shape_cast %get3A_443 : vector<1x16xf32> to vector<16xf32>
          %add3A_445 = arith.addf %add3A_438, %get3A_444 : vector<16xf32>
          %add3A_446 = arith.constant 13 : i32
          %add3A_447 = arith.addi %mul3A_119, %add3A_446 : i32
          %get3A_448 = arith.index_cast %add3A_447 : i32 to index
          %get3A_449 = arith.constant 32 : index
          %get3A_450 = tpu.vector_load %arg12[%get3A_448, %get3A_449] {strides = array<i32>} : memref<128x64xf32, #tpu.memory_space<vmem>>, vector<1x16xf32>,
          %get3A_451 = vector.shape_cast %get3A_450 : vector<1x16xf32> to vector<16xf32>
          %add3A_452 = arith.addf %add3A_445, %get3A_451 : vector<16xf32>
          %add3A_453 = arith.constant 14 : i32
          %add3A_454 = arith.addi %mul3A_119, %add3A_453 : i32
          %get3A_455 = arith.index_cast %add3A_454 : i32 to index
          %get3A_456 = arith.constant 32 : index
          %get3A_457 = tpu.vector_load %arg12[%get3A_455, %get3A_456] {strides = array<i32>} : memref<128x64xf32, #tpu.memory_space<vmem>>, vector<1x16xf32>,
          %get3A_458 = vector.shape_cast %get3A_457 : vector<1x16xf32> to vector<16xf32>
          %add3A_459 = arith.addf %add3A_452, %get3A_458 : vector<16xf32>
          %add3A_460 = arith.constant 15 : i32
          %add3A_461 = arith.addi %mul3A_119, %add3A_460 : i32
          %get3A_462 = arith.index_cast %add3A_461 : i32 to index
          %get3A_463 = arith.constant 32 : index
          %get3A_464 = tpu.vector_load %arg12[%get3A_462, %get3A_463] {strides = array<i32>} : memref<128x64xf32, #tpu.memory_space<vmem>>, vector<1x16xf32>,
          %get3A_465 = vector.shape_cast %get3A_464 : vector<1x16xf32> to vector<16xf32>
          %add3A_466 = arith.addf %add3A_459, %get3A_465 : vector<16xf32>
          %mul3A_467 = arith.constant 6.250000e-02 : f32
          %mul3A_468 = vector.broadcast %mul3A_467 : f32 to vector<16xf32>
          %mul3A_469 = arith.mulf %add3A_466, %mul3A_468 : vector<16xf32>
          %mul3A_470 = arith.constant 8 : i32
          %mul3A_471 = arith.muli %add3A_107, %mul3A_470 : i32
          %add3A_472 = arith.addi %mul3A_471, %scan3A_116 : i32
          %swap3A_473 = arith.index_cast %add3A_472 : i32 to index
          %swap3A_474 = arith.constant 32 : index
          %swap3A_475 = tpu.vector_load %arg13[%swap3A_473, %swap3A_474] {strides = array<i32>} : memref<128x64xf32, #tpu.memory_space<vmem>>, vector<1x16xf32>,
          %swap3A_476 = vector.shape_cast %swap3A_475 : vector<1x16xf32> to vector<16xf32>
          %swap3A_477 = vector.shape_cast %mul3A_469 : vector<16xf32> to vector<1x16xf32>
          tpu.vector_store %arg13[%swap3A_473, %swap3A_474], %swap3A_477 {strides = array<i32>} : memref<128x64xf32, #tpu.memory_space<vmem>>, vector<1x16xf32>,
          %get3A_478 = arith.index_cast %mul3A_119 : i32 to index
          %get3A_479 = arith.constant 48 : index
          %get3A_480 = tpu.vector_load %arg12[%get3A_478, %get3A_479] {strides = array<i32>} : memref<128x64xf32, #tpu.memory_space<vmem>>, vector<1x16xf32>,
          %get3A_481 = vector.shape_cast %get3A_480 : vector<1x16xf32> to vector<16xf32>
          %add3A_482 = arith.constant 1 : i32
          %add3A_483 = arith.addi %mul3A_119, %add3A_482 : i32
          %get3A_484 = arith.index_cast %add3A_483 : i32 to index
          %get3A_485 = arith.constant 48 : index
          %get3A_486 = tpu.vector_load %arg12[%get3A_484, %get3A_485] {strides = array<i32>} : memref<128x64xf32, #tpu.memory_space<vmem>>, vector<1x16xf32>,
          %get3A_487 = vector.shape_cast %get3A_486 : vector<1x16xf32> to vector<16xf32>
          %add3A_488 = arith.addf %get3A_481, %get3A_487 : vector<16xf32>
          %add3A_489 = arith.constant 2 : i32
          %add3A_490 = arith.addi %mul3A_119, %add3A_489 : i32
          %get3A_491 = arith.index_cast %add3A_490 : i32 to index
          %get3A_492 = arith.constant 48 : index
          %get3A_493 = tpu.vector_load %arg12[%get3A_491, %get3A_492] {strides = array<i32>} : memref<128x64xf32, #tpu.memory_space<vmem>>, vector<1x16xf32>,
          %get3A_494 = vector.shape_cast %get3A_493 : vector<1x16xf32> to vector<16xf32>
          %add3A_495 = arith.addf %add3A_488, %get3A_494 : vector<16xf32>
          %add3A_496 = arith.constant 3 : i32
          %add3A_497 = arith.addi %mul3A_119, %add3A_496 : i32
          %get3A_498 = arith.index_cast %add3A_497 : i32 to index
          %get3A_499 = arith.constant 48 : index
          %get3A_500 = tpu.vector_load %arg12[%get3A_498, %get3A_499] {strides = array<i32>} : memref<128x64xf32, #tpu.memory_space<vmem>>, vector<1x16xf32>,
          %get3A_501 = vector.shape_cast %get3A_500 : vector<1x16xf32> to vector<16xf32>
          %add3A_502 = arith.addf %add3A_495, %get3A_501 : vector<16xf32>
          %add3A_503 = arith.constant 4 : i32
          %add3A_504 = arith.addi %mul3A_119, %add3A_503 : i32
          %get3A_505 = arith.index_cast %add3A_504 : i32 to index
          %get3A_506 = arith.constant 48 : index
          %get3A_507 = tpu.vector_load %arg12[%get3A_505, %get3A_506] {strides = array<i32>} : memref<128x64xf32, #tpu.memory_space<vmem>>, vector<1x16xf32>,
          %get3A_508 = vector.shape_cast %get3A_507 : vector<1x16xf32> to vector<16xf32>
          %add3A_509 = arith.addf %add3A_502, %get3A_508 : vector<16xf32>
          %add3A_510 = arith.constant 5 : i32
          %add3A_511 = arith.addi %mul3A_119, %add3A_510 : i32
          %get3A_512 = arith.index_cast %add3A_511 : i32 to index
          %get3A_513 = arith.constant 48 : index
          %get3A_514 = tpu.vector_load %arg12[%get3A_512, %get3A_513] {strides = array<i32>} : memref<128x64xf32, #tpu.memory_space<vmem>>, vector<1x16xf32>,
          %get3A_515 = vector.shape_cast %get3A_514 : vector<1x16xf32> to vector<16xf32>
          %add3A_516 = arith.addf %add3A_509, %get3A_515 : vector<16xf32>
          %add3A_517 = arith.constant 6 : i32
          %add3A_518 = arith.addi %mul3A_119, %add3A_517 : i32
          %get3A_519 = arith.index_cast %add3A_518 : i32 to index
          %get3A_520 = arith.constant 48 : index
          %get3A_521 = tpu.vector_load %arg12[%get3A_519, %get3A_520] {strides = array<i32>} : memref<128x64xf32, #tpu.memory_space<vmem>>, vector<1x16xf32>,
          %get3A_522 = vector.shape_cast %get3A_521 : vector<1x16xf32> to vector<16xf32>
          %add3A_523 = arith.addf %add3A_516, %get3A_522 : vector<16xf32>
          %add3A_524 = arith.constant 7 : i32
          %add3A_525 = arith.addi %mul3A_119, %add3A_524 : i32
          %get3A_526 = arith.index_cast %add3A_525 : i32 to index
          %get3A_527 = arith.constant 48 : index
          %get3A_528 = tpu.vector_load %arg12[%get3A_526, %get3A_527] {strides = array<i32>} : memref<128x64xf32, #tpu.memory_space<vmem>>, vector<1x16xf32>,
          %get3A_529 = vector.shape_cast %get3A_528 : vector<1x16xf32> to vector<16xf32>
          %add3A_530 = arith.addf %add3A_523, %get3A_529 : vector<16xf32>
          %add3A_531 = arith.constant 8 : i32
          %add3A_532 = arith.addi %mul3A_119, %add3A_531 : i32
          %get3A_533 = arith.index_cast %add3A_532 : i32 to index
          %get3A_534 = arith.constant 48 : index
          %get3A_535 = tpu.vector_load %arg12[%get3A_533, %get3A_534] {strides = array<i32>} : memref<128x64xf32, #tpu.memory_space<vmem>>, vector<1x16xf32>,
          %get3A_536 = vector.shape_cast %get3A_535 : vector<1x16xf32> to vector<16xf32>
          %add3A_537 = arith.addf %add3A_530, %get3A_536 : vector<16xf32>
          %add3A_538 = arith.constant 9 : i32
          %add3A_539 = arith.addi %mul3A_119, %add3A_538 : i32
          %get3A_540 = arith.index_cast %add3A_539 : i32 to index
          %get3A_541 = arith.constant 48 : index
          %get3A_542 = tpu.vector_load %arg12[%get3A_540, %get3A_541] {strides = array<i32>} : memref<128x64xf32, #tpu.memory_space<vmem>>, vector<1x16xf32>,
          %get3A_543 = vector.shape_cast %get3A_542 : vector<1x16xf32> to vector<16xf32>
          %add3A_544 = arith.addf %add3A_537, %get3A_543 : vector<16xf32>
          %add3A_545 = arith.constant 10 : i32
          %add3A_546 = arith.addi %mul3A_119, %add3A_545 : i32
          %get3A_547 = arith.index_cast %add3A_546 : i32 to index
          %get3A_548 = arith.constant 48 : index
          %get3A_549 = tpu.vector_load %arg12[%get3A_547, %get3A_548] {strides = array<i32>} : memref<128x64xf32, #tpu.memory_space<vmem>>, vector<1x16xf32>,
          %get3A_550 = vector.shape_cast %get3A_549 : vector<1x16xf32> to vector<16xf32>
          %add3A_551 = arith.addf %add3A_544, %get3A_550 : vector<16xf32>
          %add3A_552 = arith.constant 11 : i32
          %add3A_553 = arith.addi %mul3A_119, %add3A_552 : i32
          %get3A_554 = arith.index_cast %add3A_553 : i32 to index
          %get3A_555 = arith.constant 48 : index
          %get3A_556 = tpu.vector_load %arg12[%get3A_554, %get3A_555] {strides = array<i32>} : memref<128x64xf32, #tpu.memory_space<vmem>>, vector<1x16xf32>,
          %get3A_557 = vector.shape_cast %get3A_556 : vector<1x16xf32> to vector<16xf32>
          %add3A_558 = arith.addf %add3A_551, %get3A_557 : vector<16xf32>
          %add3A_559 = arith.constant 12 : i32
          %add3A_560 = arith.addi %mul3A_119, %add3A_559 : i32
          %get3A_561 = arith.index_cast %add3A_560 : i32 to index
          %get3A_562 = arith.constant 48 : index
          %get3A_563 = tpu.vector_load %arg12[%get3A_561, %get3A_562] {strides = array<i32>} : memref<128x64xf32, #tpu.memory_space<vmem>>, vector<1x16xf32>,
          %get3A_564 = vector.shape_cast %get3A_563 : vector<1x16xf32> to vector<16xf32>
          %add3A_565 = arith.addf %add3A_558, %get3A_564 : vector<16xf32>
          %add3A_566 = arith.constant 13 : i32
          %add3A_567 = arith.addi %mul3A_119, %add3A_566 : i32
          %get3A_568 = arith.index_cast %add3A_567 : i32 to index
          %get3A_569 = arith.constant 48 : index
          %get3A_570 = tpu.vector_load %arg12[%get3A_568, %get3A_569] {strides = array<i32>} : memref<128x64xf32, #tpu.memory_space<vmem>>, vector<1x16xf32>,
          %get3A_571 = vector.shape_cast %get3A_570 : vector<1x16xf32> to vector<16xf32>
          %add3A_572 = arith.addf %add3A_565, %get3A_571 : vector<16xf32>
          %add3A_573 = arith.constant 14 : i32
          %add3A_574 = arith.addi %mul3A_119, %add3A_573 : i32
          %get3A_575 = arith.index_cast %add3A_574 : i32 to index
          %get3A_576 = arith.constant 48 : index
          %get3A_577 = tpu.vector_load %arg12[%get3A_575, %get3A_576] {strides = array<i32>} : memref<128x64xf32, #tpu.memory_space<vmem>>, vector<1x16xf32>,
          %get3A_578 = vector.shape_cast %get3A_577 : vector<1x16xf32> to vector<16xf32>
          %add3A_579 = arith.addf %add3A_572, %get3A_578 : vector<16xf32>
          %add3A_580 = arith.constant 15 : i32
          %add3A_581 = arith.addi %mul3A_119, %add3A_580 : i32
          %get3A_582 = arith.index_cast %add3A_581 : i32 to index
          %get3A_583 = arith.constant 48 : index
          %get3A_584 = tpu.vector_load %arg12[%get3A_582, %get3A_583] {strides = array<i32>} : memref<128x64xf32, #tpu.memory_space<vmem>>, vector<1x16xf32>,
          %get3A_585 = vector.shape_cast %get3A_584 : vector<1x16xf32> to vector<16xf32>
          %add3A_586 = arith.addf %add3A_579, %get3A_585 : vector<16xf32>
          %mul3A_587 = arith.constant 6.250000e-02 : f32
          %mul3A_588 = vector.broadcast %mul3A_587 : f32 to vector<16xf32>
          %mul3A_589 = arith.mulf %add3A_586, %mul3A_588 : vector<16xf32>
          %mul3A_590 = arith.constant 8 : i32
          %mul3A_591 = arith.muli %add3A_107, %mul3A_590 : i32
          %add3A_592 = arith.addi %mul3A_591, %scan3A_116 : i32
          %swap3A_593 = arith.index_cast %add3A_592 : i32 to index
          %swap3A_594 = arith.constant 48 : index
          %swap3A_595 = tpu.vector_load %arg13[%swap3A_593, %swap3A_594] {strides = array<i32>} : memref<128x64xf32, #tpu.memory_space<vmem>>, vector<1x16xf32>,
          %swap3A_596 = vector.shape_cast %swap3A_595 : vector<1x16xf32> to vector<16xf32>
          %swap3A_597 = vector.shape_cast %mul3A_589 : vector<16xf32> to vector<1x16xf32>
          tpu.vector_store %arg13[%swap3A_593, %swap3A_594], %swap3A_597 {strides = array<i32>} : memref<128x64xf32, #tpu.memory_space<vmem>>, vector<1x16xf32>,
          %scan3A_598 = arith.constant 0 : i32
          scf.yield %scan3A_598 : i32
        }
        %scan3A_114 = arith.constant 8 : i32
        %scan3A_115 = arith.constant 0 : i32
        scf.yield %scan3A_115 : i32
      }
      %scan3A_59 = arith.constant 8 : i32
      %scan3A_60 = arith.constant 0 : i32
      %scan3A_61 = arith.constant 0 : i32
      %scan3A_62 = arith.constant 16 : i32
      %scan3A_63 = arith.addi %scan3A_61, %scan3A_62 : i32
      %scan3A_64 = arith.constant 1 : i32
      %scan3A_65 = scf.for %scan3A_68 = %scan3A_61 to %scan3A_63 step %scan3A_64 iter_args(%scan3A_69 = %scan3A_60) -> (i32)  : i32 {
        %mul3A_70 = arith.constant 5 : i32
        %mul3A_71 = arith.muli %scan3A_68, %mul3A_70 : i32
        %add3A = arith.addi %mul3A_71, %scan3A_40 : i32
        %dma_start3A_72 = arith.constant 0 : i32
        %dma_start3A_73 = tpu.memref_slice %arg10[%add3A, %dma_start3A_72] : memref<80x128xi32, #tpu.memory_space<vmem>> -> memref<1x128xi32, #tpu.memory_space<vmem>>
        %dma_start3A_74 = tpu.memref_squeeze %dma_start3A_73 : memref<1x128xi32, #tpu.memory_space<vmem>> -> memref<128xi32, #tpu.memory_space<vmem>>
        %dma_start3A_75 = arith.constant 0 : i32
        %dma_start3A_76 = arith.constant 0 : i32
        %dma_start3A_77 = tpu.memref_slice %arg15[%dma_start3A_75, %dma_start3A_76] : memref<10240x64xf32, #tpu.memory_space<vmem_shared>> -> memref<10240x64xf32, #tpu.memory_space<vmem_shared>>
        tpu.enqueue_indirect_dma source(%arg13 : memref<128x64xf32, #tpu.memory_space<vmem>>) target(%dma_start3A_77 : memref<10240x64xf32, #tpu.memory_space<vmem_shared>>) offsets(%dma_start3A_74 : memref<128xi32, #tpu.memory_space<vmem>>) semaphore(%arg19 : memref<!tpu.dma_semaphore, #tpu.memory_space<semaphore_mem>>) {add = true}
        %eq3A_78 = arith.constant 0 : i32
        %eq3A_79 = arith.cmpi eq, %arg0, %eq3A_78 : i32
        %convert_element_type3A_80 = arith.extui %eq3A_79 : i1 to i32
        %cond3A_81 = arith.constant 0 : i32
        %cond3A_82 = arith.cmpi ne, %convert_element_type3A_80, %cond3A_81 : i32
        scf.if %cond3A_82 {
          %dma_start3A_84 = arith.constant 0 : i32
          %dma_start3A_85 = tpu.memref_slice %arg10[%add3A, %dma_start3A_84] : memref<80x128xi32, #tpu.memory_space<vmem>> -> memref<1x128xi32, #tpu.memory_space<vmem>>
          %dma_start3A_86 = tpu.memref_squeeze %dma_start3A_85 : memref<1x128xi32, #tpu.memory_space<vmem>> -> memref<128xi32, #tpu.memory_space<vmem>>
          %dma_start3A_87 = arith.constant 0 : i32
          %dma_start3A_88 = arith.constant 0 : i32
          %dma_start3A_89 = tpu.memref_slice %arg16[%dma_start3A_87, %dma_start3A_88] : memref<10240x16xf32, #tpu.memory_space<vmem_shared>> -> memref<10240x16xf32, #tpu.memory_space<vmem_shared>>
          tpu.enqueue_indirect_dma source(%arg14 : memref<128x16xf32, #tpu.memory_space<vmem>>) target(%dma_start3A_89 : memref<10240x16xf32, #tpu.memory_space<vmem_shared>>) offsets(%dma_start3A_86 : memref<128xi32, #tpu.memory_space<vmem>>) semaphore(%arg20 : memref<!tpu.dma_semaphore, #tpu.memory_space<semaphore_mem>>) {add = true}
        } else {
        }
        %scan3A_83 = arith.constant 0 : i32
        scf.yield %scan3A_83 : i32
      }
      %scan3A_66 = arith.constant 16 : i32
      %scan3A_67 = arith.constant 0 : i32
      scf.yield %scan3A_67 : i32
    }
    %scan3A_22 = arith.constant 5 : i32
    %scan3A_23 = arith.constant 0 : i32
    %scan3A_24 = arith.constant 0 : i32
    %scan3A_25 = arith.constant 16 : i32
    %scan3A_26 = arith.addi %scan3A_24, %scan3A_25 : i32
    %scan3A_27 = arith.constant 1 : i32
    %scan3A_28 = scf.for %scan3A_40 = %scan3A_24 to %scan3A_26 step %scan3A_27 iter_args(%scan3A_41 = %scan3A_23) -> (i32)  : i32 {
      %dma_wait3A = arith.constant 0 : i32
      %dma_wait3A_42 = arith.constant 0 : i32
      %dma_wait3A_43 = tpu.memref_slice %arg15[%dma_wait3A, %dma_wait3A_42] : memref<10240x64xf32, #tpu.memory_space<vmem_shared>> -> memref<128x64xf32, #tpu.memory_space<vmem_shared>>
      %dma_wait3A_44 = arith.constant 0 : i32
      %dma_wait3A_45 = arith.constant 0 : i32
      %dma_wait3A_46 = tpu.memref_slice %arg15[%dma_wait3A_44, %dma_wait3A_45] : memref<10240x64xf32, #tpu.memory_space<vmem_shared>> -> memref<128x64xf32, #tpu.memory_space<vmem_shared>>
      tpu.wait_dma2 semaphore(%arg19 : memref<!tpu.dma_semaphore, #tpu.memory_space<semaphore_mem>>) src(%arg13 : memref<128x64xf32, #tpu.memory_space<vmem>>) dst(%dma_wait3A_46 : memref<128x64xf32, #tpu.memory_space<vmem_shared>>)
      %eq3A_47 = arith.constant 0 : i32
      %eq3A_48 = arith.cmpi eq, %arg0, %eq3A_47 : i32
      %convert_element_type3A_49 = arith.extui %eq3A_48 : i1 to i32
      %cond3A_50 = arith.constant 0 : i32
      %cond3A_51 = arith.cmpi ne, %convert_element_type3A_49, %cond3A_50 : i32
      scf.if %cond3A_51 {
        %dma_wait3A_53 = arith.constant 0 : i32
        %dma_wait3A_54 = arith.constant 0 : i32
        %dma_wait3A_55 = tpu.memref_slice %arg16[%dma_wait3A_53, %dma_wait3A_54] : memref<10240x16xf32, #tpu.memory_space<vmem_shared>> -> memref<128x16xf32, #tpu.memory_space<vmem_shared>>
        %dma_wait3A_56 = arith.constant 0 : i32
        %dma_wait3A_57 = arith.constant 0 : i32
        %dma_wait3A_58 = tpu.memref_slice %arg16[%dma_wait3A_56, %dma_wait3A_57] : memref<10240x16xf32, #tpu.memory_space<vmem_shared>> -> memref<128x16xf32, #tpu.memory_space<vmem_shared>>
        tpu.wait_dma2 semaphore(%arg20 : memref<!tpu.dma_semaphore, #tpu.memory_space<semaphore_mem>>) src(%arg14 : memref<128x16xf32, #tpu.memory_space<vmem>>) dst(%dma_wait3A_58 : memref<128x16xf32, #tpu.memory_space<vmem_shared>>)
      } else {
      }
      %scan3A_52 = arith.constant 0 : i32
      scf.yield %scan3A_52 : i32
    }
    %scan3A_29 = arith.constant 16 : i32
    %barrier3A_30 = arith.constant 0 : index
    tpu.barrier barrier_id(%barrier3A_30)
    %scan3A_31 = arith.constant 0 : i32
    %scan3A_32 = arith.constant 0 : i32
    %scan3A_33 = arith.constant 10 : i32
    %scan3A_34 = arith.addi %scan3A_32, %scan3A_33 : i32
    %scan3A_35 = arith.constant 1 : i32
    %scan3A_36 = scf.for %scan3A_40 = %scan3A_32 to %scan3A_34 step %scan3A_35 iter_args(%scan3A_41 = %scan3A_31) -> (i32)  : i32 {
      %mul3A_42 = arith.constant 64 : i32
      %mul3A_43 = arith.muli %scan3A_40, %mul3A_42 : i32
      %add3A = arith.addi %mul3A_0, %mul3A_43 : i32
      "tpu.region"() ({
        %run_scoped3A = tpu.sem_alloc : memref<!tpu.dma_semaphore, #tpu.memory_space<semaphore_mem>>
        %dma_start3A = arith.constant 0 : i32
        %dma_start3A_45 = tpu.memref_slice %arg7[%arg0, %add3A, %dma_start3A] : memref<2x10240x64xf32, #tpu.memory_space<hbm>> -> memref<1x64x64xf32, #tpu.memory_space<hbm>>
        %dma_start3A_46 = tpu.memref_squeeze %dma_start3A_45 : memref<1x64x64xf32, #tpu.memory_space<hbm>> -> memref<64x64xf32, #tpu.memory_space<hbm>>
        %dma_start3A_47 = arith.constant 0 : i32
        %dma_start3A_48 = tpu.memref_slice %arg15[%add3A, %dma_start3A_47] : memref<10240x64xf32, #tpu.memory_space<vmem_shared>> -> memref<64x64xf32, #tpu.memory_space<vmem_shared>>
        tpu.enqueue_dma source(%dma_start3A_48 : memref<64x64xf32, #tpu.memory_space<vmem_shared>>) target(%dma_start3A_46 : memref<64x64xf32, #tpu.memory_space<hbm>>) target_semaphore(%run_scoped3A : memref<!tpu.dma_semaphore, #tpu.memory_space<semaphore_mem>>)
        %dma_wait3A = arith.constant 0 : i32
        %dma_wait3A_49 = tpu.memref_slice %arg7[%arg0, %add3A, %dma_wait3A] : memref<2x10240x64xf32, #tpu.memory_space<hbm>> -> memref<1x64x64xf32, #tpu.memory_space<hbm>>
        %dma_wait3A_50 = tpu.memref_squeeze %dma_wait3A_49 : memref<1x64x64xf32, #tpu.memory_space<hbm>> -> memref<64x64xf32, #tpu.memory_space<hbm>>
        %dma_wait3A_51 = arith.constant 0 : i32
        %dma_wait3A_52 = tpu.memref_slice %arg15[%add3A, %dma_wait3A_51] : memref<10240x64xf32, #tpu.memory_space<vmem_shared>> -> memref<64x64xf32, #tpu.memory_space<vmem_shared>>
        tpu.wait_dma2 semaphore(%run_scoped3A : memref<!tpu.dma_semaphore, #tpu.memory_space<semaphore_mem>>) src(%dma_wait3A_52 : memref<64x64xf32, #tpu.memory_space<vmem_shared>>) dst(%dma_wait3A_50 : memref<64x64xf32, #tpu.memory_space<hbm>>)
        tpu.yield
      }) : () -> ()
      %scan3A_44 = arith.constant 0 : i32
      scf.yield %scan3A_44 : i32
    }
    %scan3A_37 = arith.constant 10 : i32
    %eq3A = arith.constant 0 : i32
    %eq3A_38 = arith.cmpi eq, %arg0, %eq3A : i32
    %convert_element_type3A = arith.extui %eq3A_38 : i1 to i32
    %cond3A = arith.constant 0 : i32
    %cond3A_39 = arith.cmpi ne, %convert_element_type3A, %cond3A : i32
    scf.if %cond3A_39 {
      "tpu.region"() ({
        %run_scoped3A = tpu.sem_alloc : memref<!tpu.dma_semaphore, #tpu.memory_space<semaphore_mem>>
        %dma_start3A = arith.constant 0 : i32
        %dma_start3A_40 = tpu.memref_slice %arg8[%mul3A_0, %dma_start3A] : memref<10240x16xf32, #tpu.memory_space<hbm>> -> memref<640x16xf32, #tpu.memory_space<hbm>>
        %dma_start3A_41 = arith.constant 0 : i32
        %dma_start3A_42 = tpu.memref_slice %arg16[%mul3A_0, %dma_start3A_41] : memref<10240x16xf32, #tpu.memory_space<vmem_shared>> -> memref<640x16xf32, #tpu.memory_space<vmem_shared>>
        tpu.enqueue_dma source(%dma_start3A_42 : memref<640x16xf32, #tpu.memory_space<vmem_shared>>) target(%dma_start3A_40 : memref<640x16xf32, #tpu.memory_space<hbm>>) target_semaphore(%run_scoped3A : memref<!tpu.dma_semaphore, #tpu.memory_space<semaphore_mem>>)
        %dma_wait3A = arith.constant 0 : i32
        %dma_wait3A_43 = tpu.memref_slice %arg8[%mul3A_0, %dma_wait3A] : memref<10240x16xf32, #tpu.memory_space<hbm>> -> memref<640x16xf32, #tpu.memory_space<hbm>>
        %dma_wait3A_44 = arith.constant 0 : i32
        %dma_wait3A_45 = tpu.memref_slice %arg16[%mul3A_0, %dma_wait3A_44] : memref<10240x16xf32, #tpu.memory_space<vmem_shared>> -> memref<640x16xf32, #tpu.memory_space<vmem_shared>>
        tpu.wait_dma2 semaphore(%run_scoped3A : memref<!tpu.dma_semaphore, #tpu.memory_space<semaphore_mem>>) src(%dma_wait3A_45 : memref<640x16xf32, #tpu.memory_space<vmem_shared>>) dst(%dma_wait3A_43 : memref<640x16xf32, #tpu.memory_space<hbm>>)
        tpu.yield
      }) : () -> ()
    } else {
    }
    return
  }
}

module attributes {stable_mosaic.version = 14 : i64} {
  func.func @_knn_body(%arg0: i32, %arg1: memref<256x128xf32, #tpu.memory_space<vmem>>, %arg2: memref<128x10240xf32, #tpu.memory_space<vmem>>, %arg3: memref<256x128xi32, #tpu.memory_space<vmem>>, %arg4: memref<256x10240xf32, #tpu.memory_space<vmem>>, %arg5: memref<1x10240xf32, #tpu.memory_space<vmem>>) attributes {dimension_semantics = [#tpu.dimension_semantics<arbitrary>], iteration_bounds = array<i64: 40>, scalar_prefetch = 0 : i64, scratch_operands = 2 : i64, tpu.core_type = #tpu.core_type<tc>, window_params = [{transform_indices = @transform_0, window_bounds = array<i64: 256, 128>}, {pipeline_mode = #tpu.pipeline_mode<synchronous>, transform_indices = @transform_1, window_bounds = array<i64: 128, 10240>}, {transform_indices = @transform_2, window_bounds = array<i64: 256, 128>}]} {
    %get3A = arith.constant 0 : index
    %get3A_0 = arith.constant 0 : index
    %get3A_1 = vector.load %arg1[%get3A, %get3A_0] : memref<256x128xf32, #tpu.memory_space<vmem>>, vector<256x128xf32>
    %mul3A = arith.mulf %get3A_1, %get3A_1 : vector<256x128xf32>
    %reduce_sum3A = arith.constant dense<0.000000e+00> : vector<256xf32>
    %reduce_sum3A_2 = vector.multi_reduction <add>, %mul3A, %reduce_sum3A [1] : vector<256x128xf32> to vector<256xf32>
    %broadcast_in_dim3A = vector.shape_cast %reduce_sum3A_2 : vector<256xf32> to vector<256x1xf32>
    %eq3A = arith.constant 0 : i32
    %eq3A_3 = arith.cmpi eq, %arg0, %eq3A : i32
    %convert_element_type3A = arith.extui %eq3A_3 : i1 to i32
    %cond3A = arith.constant 0 : i32
    %cond3A_4 = arith.cmpi ne, %convert_element_type3A, %cond3A : i32
    scf.if %cond3A_4 {
      %get3A_1301 = arith.constant 0 : index
      %get3A_1302 = arith.constant 0 : index
      %get3A_1303 = vector.load %arg2[%get3A_1301, %get3A_1302] : memref<128x10240xf32, #tpu.memory_space<vmem>>, vector<128x512xf32>
      %mul3A_1304 = arith.mulf %get3A_1303, %get3A_1303 : vector<128x512xf32>
      %reduce_sum3A_1305 = arith.constant dense<0.000000e+00> : vector<512xf32>
      %reduce_sum3A_1306 = vector.multi_reduction <add>, %mul3A_1304, %reduce_sum3A_1305 [0] : vector<128x512xf32> to vector<512xf32>
      %broadcast_in_dim3A_1307 = vector.shape_cast %reduce_sum3A_1306 : vector<512xf32> to vector<1x512xf32>
      %iota3A_1308 = tpu.iota {dimensions = array<i32: 1>} : vector<1x512xi32>
      %add3A_1309 = arith.constant 0 : i32
      %add3A_1310 = vector.broadcast %add3A_1309 : i32 to vector<1x512xi32>
      %add3A_1311 = arith.addi %iota3A_1308, %add3A_1310 : vector<1x512xi32>
      %ge3A = arith.constant 10000 : i32
      %ge3A_1312 = vector.broadcast %ge3A : i32 to vector<1x512xi32>
      %ge3A_1313 = arith.cmpi sge, %add3A_1311, %ge3A_1312 : vector<1x512xi32>
      %jit3A_1314 = arith.constant 9.99999993E+36 : f32
      %broadcast_in_dim3A_1315 = vector.broadcast %jit3A_1314 : f32 to vector<1x512xf32>
      %select_n3A_1316 = arith.select %ge3A_1313, %broadcast_in_dim3A_1315, %broadcast_in_dim3A_1307 : vector<1x512xi1>, vector<1x512xf32>
      %swap3A_1317 = arith.constant 0 : index
      %swap3A_1318 = arith.constant 0 : index
      %swap3A_1319 = vector.load %arg5[%swap3A_1317, %swap3A_1318] : memref<1x10240xf32, #tpu.memory_space<vmem>>, vector<1x512xf32>
      tpu.vector_store %arg5[%swap3A_1317, %swap3A_1318], %select_n3A_1316 {strides = array<i32>} : memref<1x10240xf32, #tpu.memory_space<vmem>>, vector<1x512xf32>,
      %get3A_1320 = arith.constant 0 : index
      %get3A_1321 = arith.constant 512 : index
      %get3A_1322 = vector.load %arg2[%get3A_1320, %get3A_1321] : memref<128x10240xf32, #tpu.memory_space<vmem>>, vector<128x512xf32>
      %mul3A_1323 = arith.mulf %get3A_1322, %get3A_1322 : vector<128x512xf32>
      %reduce_sum3A_1324 = arith.constant dense<0.000000e+00> : vector<512xf32>
      %reduce_sum3A_1325 = vector.multi_reduction <add>, %mul3A_1323, %reduce_sum3A_1324 [0] : vector<128x512xf32> to vector<512xf32>
      %broadcast_in_dim3A_1326 = vector.shape_cast %reduce_sum3A_1325 : vector<512xf32> to vector<1x512xf32>
      %iota3A_1327 = tpu.iota {dimensions = array<i32: 1>} : vector<1x512xi32>
      %add3A_1328 = arith.constant 512 : i32
      %add3A_1329 = vector.broadcast %add3A_1328 : i32 to vector<1x512xi32>
      %add3A_1330 = arith.addi %iota3A_1327, %add3A_1329 : vector<1x512xi32>
      %ge3A_1331 = arith.constant 10000 : i32
      %ge3A_1332 = vector.broadcast %ge3A_1331 : i32 to vector<1x512xi32>
      %ge3A_1333 = arith.cmpi sge, %add3A_1330, %ge3A_1332 : vector<1x512xi32>
      %jit3A_1334 = arith.constant 9.99999993E+36 : f32
      %broadcast_in_dim3A_1335 = vector.broadcast %jit3A_1334 : f32 to vector<1x512xf32>
      %select_n3A_1336 = arith.select %ge3A_1333, %broadcast_in_dim3A_1335, %broadcast_in_dim3A_1326 : vector<1x512xi1>, vector<1x512xf32>
      %swap3A_1337 = arith.constant 0 : index
      %swap3A_1338 = arith.constant 512 : index
      %swap3A_1339 = vector.load %arg5[%swap3A_1337, %swap3A_1338] : memref<1x10240xf32, #tpu.memory_space<vmem>>, vector<1x512xf32>
      tpu.vector_store %arg5[%swap3A_1337, %swap3A_1338], %select_n3A_1336 {strides = array<i32>} : memref<1x10240xf32, #tpu.memory_space<vmem>>, vector<1x512xf32>,
      %get3A_1340 = arith.constant 0 : index
      %get3A_1341 = arith.constant 1024 : index
      %get3A_1342 = vector.load %arg2[%get3A_1340, %get3A_1341] : memref<128x10240xf32, #tpu.memory_space<vmem>>, vector<128x512xf32>
      %mul3A_1343 = arith.mulf %get3A_1342, %get3A_1342 : vector<128x512xf32>
      %reduce_sum3A_1344 = arith.constant dense<0.000000e+00> : vector<512xf32>
      %reduce_sum3A_1345 = vector.multi_reduction <add>, %mul3A_1343, %reduce_sum3A_1344 [0] : vector<128x512xf32> to vector<512xf32>
      %broadcast_in_dim3A_1346 = vector.shape_cast %reduce_sum3A_1345 : vector<512xf32> to vector<1x512xf32>
      %iota3A_1347 = tpu.iota {dimensions = array<i32: 1>} : vector<1x512xi32>
      %add3A_1348 = arith.constant 1024 : i32
      %add3A_1349 = vector.broadcast %add3A_1348 : i32 to vector<1x512xi32>
      %add3A_1350 = arith.addi %iota3A_1347, %add3A_1349 : vector<1x512xi32>
      %ge3A_1351 = arith.constant 10000 : i32
      %ge3A_1352 = vector.broadcast %ge3A_1351 : i32 to vector<1x512xi32>
      %ge3A_1353 = arith.cmpi sge, %add3A_1350, %ge3A_1352 : vector<1x512xi32>
      %jit3A_1354 = arith.constant 9.99999993E+36 : f32
      %broadcast_in_dim3A_1355 = vector.broadcast %jit3A_1354 : f32 to vector<1x512xf32>
      %select_n3A_1356 = arith.select %ge3A_1353, %broadcast_in_dim3A_1355, %broadcast_in_dim3A_1346 : vector<1x512xi1>, vector<1x512xf32>
      %swap3A_1357 = arith.constant 0 : index
      %swap3A_1358 = arith.constant 1024 : index
      %swap3A_1359 = vector.load %arg5[%swap3A_1357, %swap3A_1358] : memref<1x10240xf32, #tpu.memory_space<vmem>>, vector<1x512xf32>
      tpu.vector_store %arg5[%swap3A_1357, %swap3A_1358], %select_n3A_1356 {strides = array<i32>} : memref<1x10240xf32, #tpu.memory_space<vmem>>, vector<1x512xf32>,
      %get3A_1360 = arith.constant 0 : index
      %get3A_1361 = arith.constant 1536 : index
      %get3A_1362 = vector.load %arg2[%get3A_1360, %get3A_1361] : memref<128x10240xf32, #tpu.memory_space<vmem>>, vector<128x512xf32>
      %mul3A_1363 = arith.mulf %get3A_1362, %get3A_1362 : vector<128x512xf32>
      %reduce_sum3A_1364 = arith.constant dense<0.000000e+00> : vector<512xf32>
      %reduce_sum3A_1365 = vector.multi_reduction <add>, %mul3A_1363, %reduce_sum3A_1364 [0] : vector<128x512xf32> to vector<512xf32>
      %broadcast_in_dim3A_1366 = vector.shape_cast %reduce_sum3A_1365 : vector<512xf32> to vector<1x512xf32>
      %iota3A_1367 = tpu.iota {dimensions = array<i32: 1>} : vector<1x512xi32>
      %add3A_1368 = arith.constant 1536 : i32
      %add3A_1369 = vector.broadcast %add3A_1368 : i32 to vector<1x512xi32>
      %add3A_1370 = arith.addi %iota3A_1367, %add3A_1369 : vector<1x512xi32>
      %ge3A_1371 = arith.constant 10000 : i32
      %ge3A_1372 = vector.broadcast %ge3A_1371 : i32 to vector<1x512xi32>
      %ge3A_1373 = arith.cmpi sge, %add3A_1370, %ge3A_1372 : vector<1x512xi32>
      %jit3A_1374 = arith.constant 9.99999993E+36 : f32
      %broadcast_in_dim3A_1375 = vector.broadcast %jit3A_1374 : f32 to vector<1x512xf32>
      %select_n3A_1376 = arith.select %ge3A_1373, %broadcast_in_dim3A_1375, %broadcast_in_dim3A_1366 : vector<1x512xi1>, vector<1x512xf32>
      %swap3A_1377 = arith.constant 0 : index
      %swap3A_1378 = arith.constant 1536 : index
      %swap3A_1379 = vector.load %arg5[%swap3A_1377, %swap3A_1378] : memref<1x10240xf32, #tpu.memory_space<vmem>>, vector<1x512xf32>
      tpu.vector_store %arg5[%swap3A_1377, %swap3A_1378], %select_n3A_1376 {strides = array<i32>} : memref<1x10240xf32, #tpu.memory_space<vmem>>, vector<1x512xf32>,
      %get3A_1380 = arith.constant 0 : index
      %get3A_1381 = arith.constant 2048 : index
      %get3A_1382 = vector.load %arg2[%get3A_1380, %get3A_1381] : memref<128x10240xf32, #tpu.memory_space<vmem>>, vector<128x512xf32>
      %mul3A_1383 = arith.mulf %get3A_1382, %get3A_1382 : vector<128x512xf32>
      %reduce_sum3A_1384 = arith.constant dense<0.000000e+00> : vector<512xf32>
      %reduce_sum3A_1385 = vector.multi_reduction <add>, %mul3A_1383, %reduce_sum3A_1384 [0] : vector<128x512xf32> to vector<512xf32>
      %broadcast_in_dim3A_1386 = vector.shape_cast %reduce_sum3A_1385 : vector<512xf32> to vector<1x512xf32>
      %iota3A_1387 = tpu.iota {dimensions = array<i32: 1>} : vector<1x512xi32>
      %add3A_1388 = arith.constant 2048 : i32
      %add3A_1389 = vector.broadcast %add3A_1388 : i32 to vector<1x512xi32>
      %add3A_1390 = arith.addi %iota3A_1387, %add3A_1389 : vector<1x512xi32>
      %ge3A_1391 = arith.constant 10000 : i32
      %ge3A_1392 = vector.broadcast %ge3A_1391 : i32 to vector<1x512xi32>
      %ge3A_1393 = arith.cmpi sge, %add3A_1390, %ge3A_1392 : vector<1x512xi32>
      %jit3A_1394 = arith.constant 9.99999993E+36 : f32
      %broadcast_in_dim3A_1395 = vector.broadcast %jit3A_1394 : f32 to vector<1x512xf32>
      %select_n3A_1396 = arith.select %ge3A_1393, %broadcast_in_dim3A_1395, %broadcast_in_dim3A_1386 : vector<1x512xi1>, vector<1x512xf32>
      %swap3A_1397 = arith.constant 0 : index
      %swap3A_1398 = arith.constant 2048 : index
      %swap3A_1399 = vector.load %arg5[%swap3A_1397, %swap3A_1398] : memref<1x10240xf32, #tpu.memory_space<vmem>>, vector<1x512xf32>
      tpu.vector_store %arg5[%swap3A_1397, %swap3A_1398], %select_n3A_1396 {strides = array<i32>} : memref<1x10240xf32, #tpu.memory_space<vmem>>, vector<1x512xf32>,
      %get3A_1400 = arith.constant 0 : index
      %get3A_1401 = arith.constant 2560 : index
      %get3A_1402 = vector.load %arg2[%get3A_1400, %get3A_1401] : memref<128x10240xf32, #tpu.memory_space<vmem>>, vector<128x512xf32>
      %mul3A_1403 = arith.mulf %get3A_1402, %get3A_1402 : vector<128x512xf32>
      %reduce_sum3A_1404 = arith.constant dense<0.000000e+00> : vector<512xf32>
      %reduce_sum3A_1405 = vector.multi_reduction <add>, %mul3A_1403, %reduce_sum3A_1404 [0] : vector<128x512xf32> to vector<512xf32>
      %broadcast_in_dim3A_1406 = vector.shape_cast %reduce_sum3A_1405 : vector<512xf32> to vector<1x512xf32>
      %iota3A_1407 = tpu.iota {dimensions = array<i32: 1>} : vector<1x512xi32>
      %add3A_1408 = arith.constant 2560 : i32
      %add3A_1409 = vector.broadcast %add3A_1408 : i32 to vector<1x512xi32>
      %add3A_1410 = arith.addi %iota3A_1407, %add3A_1409 : vector<1x512xi32>
      %ge3A_1411 = arith.constant 10000 : i32
      %ge3A_1412 = vector.broadcast %ge3A_1411 : i32 to vector<1x512xi32>
      %ge3A_1413 = arith.cmpi sge, %add3A_1410, %ge3A_1412 : vector<1x512xi32>
      %jit3A_1414 = arith.constant 9.99999993E+36 : f32
      %broadcast_in_dim3A_1415 = vector.broadcast %jit3A_1414 : f32 to vector<1x512xf32>
      %select_n3A_1416 = arith.select %ge3A_1413, %broadcast_in_dim3A_1415, %broadcast_in_dim3A_1406 : vector<1x512xi1>, vector<1x512xf32>
      %swap3A_1417 = arith.constant 0 : index
      %swap3A_1418 = arith.constant 2560 : index
      %swap3A_1419 = vector.load %arg5[%swap3A_1417, %swap3A_1418] : memref<1x10240xf32, #tpu.memory_space<vmem>>, vector<1x512xf32>
      tpu.vector_store %arg5[%swap3A_1417, %swap3A_1418], %select_n3A_1416 {strides = array<i32>} : memref<1x10240xf32, #tpu.memory_space<vmem>>, vector<1x512xf32>,
      %get3A_1420 = arith.constant 0 : index
      %get3A_1421 = arith.constant 3072 : index
      %get3A_1422 = vector.load %arg2[%get3A_1420, %get3A_1421] : memref<128x10240xf32, #tpu.memory_space<vmem>>, vector<128x512xf32>
      %mul3A_1423 = arith.mulf %get3A_1422, %get3A_1422 : vector<128x512xf32>
      %reduce_sum3A_1424 = arith.constant dense<0.000000e+00> : vector<512xf32>
      %reduce_sum3A_1425 = vector.multi_reduction <add>, %mul3A_1423, %reduce_sum3A_1424 [0] : vector<128x512xf32> to vector<512xf32>
      %broadcast_in_dim3A_1426 = vector.shape_cast %reduce_sum3A_1425 : vector<512xf32> to vector<1x512xf32>
      %iota3A_1427 = tpu.iota {dimensions = array<i32: 1>} : vector<1x512xi32>
      %add3A_1428 = arith.constant 3072 : i32
      %add3A_1429 = vector.broadcast %add3A_1428 : i32 to vector<1x512xi32>
      %add3A_1430 = arith.addi %iota3A_1427, %add3A_1429 : vector<1x512xi32>
      %ge3A_1431 = arith.constant 10000 : i32
      %ge3A_1432 = vector.broadcast %ge3A_1431 : i32 to vector<1x512xi32>
      %ge3A_1433 = arith.cmpi sge, %add3A_1430, %ge3A_1432 : vector<1x512xi32>
      %jit3A_1434 = arith.constant 9.99999993E+36 : f32
      %broadcast_in_dim3A_1435 = vector.broadcast %jit3A_1434 : f32 to vector<1x512xf32>
      %select_n3A_1436 = arith.select %ge3A_1433, %broadcast_in_dim3A_1435, %broadcast_in_dim3A_1426 : vector<1x512xi1>, vector<1x512xf32>
      %swap3A_1437 = arith.constant 0 : index
      %swap3A_1438 = arith.constant 3072 : index
      %swap3A_1439 = vector.load %arg5[%swap3A_1437, %swap3A_1438] : memref<1x10240xf32, #tpu.memory_space<vmem>>, vector<1x512xf32>
      tpu.vector_store %arg5[%swap3A_1437, %swap3A_1438], %select_n3A_1436 {strides = array<i32>} : memref<1x10240xf32, #tpu.memory_space<vmem>>, vector<1x512xf32>,
      %get3A_1440 = arith.constant 0 : index
      %get3A_1441 = arith.constant 3584 : index
      %get3A_1442 = vector.load %arg2[%get3A_1440, %get3A_1441] : memref<128x10240xf32, #tpu.memory_space<vmem>>, vector<128x512xf32>
      %mul3A_1443 = arith.mulf %get3A_1442, %get3A_1442 : vector<128x512xf32>
      %reduce_sum3A_1444 = arith.constant dense<0.000000e+00> : vector<512xf32>
      %reduce_sum3A_1445 = vector.multi_reduction <add>, %mul3A_1443, %reduce_sum3A_1444 [0] : vector<128x512xf32> to vector<512xf32>
      %broadcast_in_dim3A_1446 = vector.shape_cast %reduce_sum3A_1445 : vector<512xf32> to vector<1x512xf32>
      %iota3A_1447 = tpu.iota {dimensions = array<i32: 1>} : vector<1x512xi32>
      %add3A_1448 = arith.constant 3584 : i32
      %add3A_1449 = vector.broadcast %add3A_1448 : i32 to vector<1x512xi32>
      %add3A_1450 = arith.addi %iota3A_1447, %add3A_1449 : vector<1x512xi32>
      %ge3A_1451 = arith.constant 10000 : i32
      %ge3A_1452 = vector.broadcast %ge3A_1451 : i32 to vector<1x512xi32>
      %ge3A_1453 = arith.cmpi sge, %add3A_1450, %ge3A_1452 : vector<1x512xi32>
      %jit3A_1454 = arith.constant 9.99999993E+36 : f32
      %broadcast_in_dim3A_1455 = vector.broadcast %jit3A_1454 : f32 to vector<1x512xf32>
      %select_n3A_1456 = arith.select %ge3A_1453, %broadcast_in_dim3A_1455, %broadcast_in_dim3A_1446 : vector<1x512xi1>, vector<1x512xf32>
      %swap3A_1457 = arith.constant 0 : index
      %swap3A_1458 = arith.constant 3584 : index
      %swap3A_1459 = vector.load %arg5[%swap3A_1457, %swap3A_1458] : memref<1x10240xf32, #tpu.memory_space<vmem>>, vector<1x512xf32>
      tpu.vector_store %arg5[%swap3A_1457, %swap3A_1458], %select_n3A_1456 {strides = array<i32>} : memref<1x10240xf32, #tpu.memory_space<vmem>>, vector<1x512xf32>,
      %get3A_1460 = arith.constant 0 : index
      %get3A_1461 = arith.constant 4096 : index
      %get3A_1462 = vector.load %arg2[%get3A_1460, %get3A_1461] : memref<128x10240xf32, #tpu.memory_space<vmem>>, vector<128x512xf32>
      %mul3A_1463 = arith.mulf %get3A_1462, %get3A_1462 : vector<128x512xf32>
      %reduce_sum3A_1464 = arith.constant dense<0.000000e+00> : vector<512xf32>
      %reduce_sum3A_1465 = vector.multi_reduction <add>, %mul3A_1463, %reduce_sum3A_1464 [0] : vector<128x512xf32> to vector<512xf32>
      %broadcast_in_dim3A_1466 = vector.shape_cast %reduce_sum3A_1465 : vector<512xf32> to vector<1x512xf32>
      %iota3A_1467 = tpu.iota {dimensions = array<i32: 1>} : vector<1x512xi32>
      %add3A_1468 = arith.constant 4096 : i32
      %add3A_1469 = vector.broadcast %add3A_1468 : i32 to vector<1x512xi32>
      %add3A_1470 = arith.addi %iota3A_1467, %add3A_1469 : vector<1x512xi32>
      %ge3A_1471 = arith.constant 10000 : i32
      %ge3A_1472 = vector.broadcast %ge3A_1471 : i32 to vector<1x512xi32>
      %ge3A_1473 = arith.cmpi sge, %add3A_1470, %ge3A_1472 : vector<1x512xi32>
      %jit3A_1474 = arith.constant 9.99999993E+36 : f32
      %broadcast_in_dim3A_1475 = vector.broadcast %jit3A_1474 : f32 to vector<1x512xf32>
      %select_n3A_1476 = arith.select %ge3A_1473, %broadcast_in_dim3A_1475, %broadcast_in_dim3A_1466 : vector<1x512xi1>, vector<1x512xf32>
      %swap3A_1477 = arith.constant 0 : index
      %swap3A_1478 = arith.constant 4096 : index
      %swap3A_1479 = vector.load %arg5[%swap3A_1477, %swap3A_1478] : memref<1x10240xf32, #tpu.memory_space<vmem>>, vector<1x512xf32>
      tpu.vector_store %arg5[%swap3A_1477, %swap3A_1478], %select_n3A_1476 {strides = array<i32>} : memref<1x10240xf32, #tpu.memory_space<vmem>>, vector<1x512xf32>,
      %get3A_1480 = arith.constant 0 : index
      %get3A_1481 = arith.constant 4608 : index
      %get3A_1482 = vector.load %arg2[%get3A_1480, %get3A_1481] : memref<128x10240xf32, #tpu.memory_space<vmem>>, vector<128x512xf32>
      %mul3A_1483 = arith.mulf %get3A_1482, %get3A_1482 : vector<128x512xf32>
      %reduce_sum3A_1484 = arith.constant dense<0.000000e+00> : vector<512xf32>
      %reduce_sum3A_1485 = vector.multi_reduction <add>, %mul3A_1483, %reduce_sum3A_1484 [0] : vector<128x512xf32> to vector<512xf32>
      %broadcast_in_dim3A_1486 = vector.shape_cast %reduce_sum3A_1485 : vector<512xf32> to vector<1x512xf32>
      %iota3A_1487 = tpu.iota {dimensions = array<i32: 1>} : vector<1x512xi32>
      %add3A_1488 = arith.constant 4608 : i32
      %add3A_1489 = vector.broadcast %add3A_1488 : i32 to vector<1x512xi32>
      %add3A_1490 = arith.addi %iota3A_1487, %add3A_1489 : vector<1x512xi32>
      %ge3A_1491 = arith.constant 10000 : i32
      %ge3A_1492 = vector.broadcast %ge3A_1491 : i32 to vector<1x512xi32>
      %ge3A_1493 = arith.cmpi sge, %add3A_1490, %ge3A_1492 : vector<1x512xi32>
      %jit3A_1494 = arith.constant 9.99999993E+36 : f32
      %broadcast_in_dim3A_1495 = vector.broadcast %jit3A_1494 : f32 to vector<1x512xf32>
      %select_n3A_1496 = arith.select %ge3A_1493, %broadcast_in_dim3A_1495, %broadcast_in_dim3A_1486 : vector<1x512xi1>, vector<1x512xf32>
      %swap3A_1497 = arith.constant 0 : index
      %swap3A_1498 = arith.constant 4608 : index
      %swap3A_1499 = vector.load %arg5[%swap3A_1497, %swap3A_1498] : memref<1x10240xf32, #tpu.memory_space<vmem>>, vector<1x512xf32>
      tpu.vector_store %arg5[%swap3A_1497, %swap3A_1498], %select_n3A_1496 {strides = array<i32>} : memref<1x10240xf32, #tpu.memory_space<vmem>>, vector<1x512xf32>,
      %get3A_1500 = arith.constant 0 : index
      %get3A_1501 = arith.constant 5120 : index
      %get3A_1502 = vector.load %arg2[%get3A_1500, %get3A_1501] : memref<128x10240xf32, #tpu.memory_space<vmem>>, vector<128x512xf32>
      %mul3A_1503 = arith.mulf %get3A_1502, %get3A_1502 : vector<128x512xf32>
      %reduce_sum3A_1504 = arith.constant dense<0.000000e+00> : vector<512xf32>
      %reduce_sum3A_1505 = vector.multi_reduction <add>, %mul3A_1503, %reduce_sum3A_1504 [0] : vector<128x512xf32> to vector<512xf32>
      %broadcast_in_dim3A_1506 = vector.shape_cast %reduce_sum3A_1505 : vector<512xf32> to vector<1x512xf32>
      %iota3A_1507 = tpu.iota {dimensions = array<i32: 1>} : vector<1x512xi32>
      %add3A_1508 = arith.constant 5120 : i32
      %add3A_1509 = vector.broadcast %add3A_1508 : i32 to vector<1x512xi32>
      %add3A_1510 = arith.addi %iota3A_1507, %add3A_1509 : vector<1x512xi32>
      %ge3A_1511 = arith.constant 10000 : i32
      %ge3A_1512 = vector.broadcast %ge3A_1511 : i32 to vector<1x512xi32>
      %ge3A_1513 = arith.cmpi sge, %add3A_1510, %ge3A_1512 : vector<1x512xi32>
      %jit3A_1514 = arith.constant 9.99999993E+36 : f32
      %broadcast_in_dim3A_1515 = vector.broadcast %jit3A_1514 : f32 to vector<1x512xf32>
      %select_n3A_1516 = arith.select %ge3A_1513, %broadcast_in_dim3A_1515, %broadcast_in_dim3A_1506 : vector<1x512xi1>, vector<1x512xf32>
      %swap3A_1517 = arith.constant 0 : index
      %swap3A_1518 = arith.constant 5120 : index
      %swap3A_1519 = vector.load %arg5[%swap3A_1517, %swap3A_1518] : memref<1x10240xf32, #tpu.memory_space<vmem>>, vector<1x512xf32>
      tpu.vector_store %arg5[%swap3A_1517, %swap3A_1518], %select_n3A_1516 {strides = array<i32>} : memref<1x10240xf32, #tpu.memory_space<vmem>>, vector<1x512xf32>,
      %get3A_1520 = arith.constant 0 : index
      %get3A_1521 = arith.constant 5632 : index
      %get3A_1522 = vector.load %arg2[%get3A_1520, %get3A_1521] : memref<128x10240xf32, #tpu.memory_space<vmem>>, vector<128x512xf32>
      %mul3A_1523 = arith.mulf %get3A_1522, %get3A_1522 : vector<128x512xf32>
      %reduce_sum3A_1524 = arith.constant dense<0.000000e+00> : vector<512xf32>
      %reduce_sum3A_1525 = vector.multi_reduction <add>, %mul3A_1523, %reduce_sum3A_1524 [0] : vector<128x512xf32> to vector<512xf32>
      %broadcast_in_dim3A_1526 = vector.shape_cast %reduce_sum3A_1525 : vector<512xf32> to vector<1x512xf32>
      %iota3A_1527 = tpu.iota {dimensions = array<i32: 1>} : vector<1x512xi32>
      %add3A_1528 = arith.constant 5632 : i32
      %add3A_1529 = vector.broadcast %add3A_1528 : i32 to vector<1x512xi32>
      %add3A_1530 = arith.addi %iota3A_1527, %add3A_1529 : vector<1x512xi32>
      %ge3A_1531 = arith.constant 10000 : i32
      %ge3A_1532 = vector.broadcast %ge3A_1531 : i32 to vector<1x512xi32>
      %ge3A_1533 = arith.cmpi sge, %add3A_1530, %ge3A_1532 : vector<1x512xi32>
      %jit3A_1534 = arith.constant 9.99999993E+36 : f32
      %broadcast_in_dim3A_1535 = vector.broadcast %jit3A_1534 : f32 to vector<1x512xf32>
      %select_n3A_1536 = arith.select %ge3A_1533, %broadcast_in_dim3A_1535, %broadcast_in_dim3A_1526 : vector<1x512xi1>, vector<1x512xf32>
      %swap3A_1537 = arith.constant 0 : index
      %swap3A_1538 = arith.constant 5632 : index
      %swap3A_1539 = vector.load %arg5[%swap3A_1537, %swap3A_1538] : memref<1x10240xf32, #tpu.memory_space<vmem>>, vector<1x512xf32>
      tpu.vector_store %arg5[%swap3A_1537, %swap3A_1538], %select_n3A_1536 {strides = array<i32>} : memref<1x10240xf32, #tpu.memory_space<vmem>>, vector<1x512xf32>,
      %get3A_1540 = arith.constant 0 : index
      %get3A_1541 = arith.constant 6144 : index
      %get3A_1542 = vector.load %arg2[%get3A_1540, %get3A_1541] : memref<128x10240xf32, #tpu.memory_space<vmem>>, vector<128x512xf32>
      %mul3A_1543 = arith.mulf %get3A_1542, %get3A_1542 : vector<128x512xf32>
      %reduce_sum3A_1544 = arith.constant dense<0.000000e+00> : vector<512xf32>
      %reduce_sum3A_1545 = vector.multi_reduction <add>, %mul3A_1543, %reduce_sum3A_1544 [0] : vector<128x512xf32> to vector<512xf32>
      %broadcast_in_dim3A_1546 = vector.shape_cast %reduce_sum3A_1545 : vector<512xf32> to vector<1x512xf32>
      %iota3A_1547 = tpu.iota {dimensions = array<i32: 1>} : vector<1x512xi32>
      %add3A_1548 = arith.constant 6144 : i32
      %add3A_1549 = vector.broadcast %add3A_1548 : i32 to vector<1x512xi32>
      %add3A_1550 = arith.addi %iota3A_1547, %add3A_1549 : vector<1x512xi32>
      %ge3A_1551 = arith.constant 10000 : i32
      %ge3A_1552 = vector.broadcast %ge3A_1551 : i32 to vector<1x512xi32>
      %ge3A_1553 = arith.cmpi sge, %add3A_1550, %ge3A_1552 : vector<1x512xi32>
      %jit3A_1554 = arith.constant 9.99999993E+36 : f32
      %broadcast_in_dim3A_1555 = vector.broadcast %jit3A_1554 : f32 to vector<1x512xf32>
      %select_n3A_1556 = arith.select %ge3A_1553, %broadcast_in_dim3A_1555, %broadcast_in_dim3A_1546 : vector<1x512xi1>, vector<1x512xf32>
      %swap3A_1557 = arith.constant 0 : index
      %swap3A_1558 = arith.constant 6144 : index
      %swap3A_1559 = vector.load %arg5[%swap3A_1557, %swap3A_1558] : memref<1x10240xf32, #tpu.memory_space<vmem>>, vector<1x512xf32>
      tpu.vector_store %arg5[%swap3A_1557, %swap3A_1558], %select_n3A_1556 {strides = array<i32>} : memref<1x10240xf32, #tpu.memory_space<vmem>>, vector<1x512xf32>,
      %get3A_1560 = arith.constant 0 : index
      %get3A_1561 = arith.constant 6656 : index
      %get3A_1562 = vector.load %arg2[%get3A_1560, %get3A_1561] : memref<128x10240xf32, #tpu.memory_space<vmem>>, vector<128x512xf32>
      %mul3A_1563 = arith.mulf %get3A_1562, %get3A_1562 : vector<128x512xf32>
      %reduce_sum3A_1564 = arith.constant dense<0.000000e+00> : vector<512xf32>
      %reduce_sum3A_1565 = vector.multi_reduction <add>, %mul3A_1563, %reduce_sum3A_1564 [0] : vector<128x512xf32> to vector<512xf32>
      %broadcast_in_dim3A_1566 = vector.shape_cast %reduce_sum3A_1565 : vector<512xf32> to vector<1x512xf32>
      %iota3A_1567 = tpu.iota {dimensions = array<i32: 1>} : vector<1x512xi32>
      %add3A_1568 = arith.constant 6656 : i32
      %add3A_1569 = vector.broadcast %add3A_1568 : i32 to vector<1x512xi32>
      %add3A_1570 = arith.addi %iota3A_1567, %add3A_1569 : vector<1x512xi32>
      %ge3A_1571 = arith.constant 10000 : i32
      %ge3A_1572 = vector.broadcast %ge3A_1571 : i32 to vector<1x512xi32>
      %ge3A_1573 = arith.cmpi sge, %add3A_1570, %ge3A_1572 : vector<1x512xi32>
      %jit3A_1574 = arith.constant 9.99999993E+36 : f32
      %broadcast_in_dim3A_1575 = vector.broadcast %jit3A_1574 : f32 to vector<1x512xf32>
      %select_n3A_1576 = arith.select %ge3A_1573, %broadcast_in_dim3A_1575, %broadcast_in_dim3A_1566 : vector<1x512xi1>, vector<1x512xf32>
      %swap3A_1577 = arith.constant 0 : index
      %swap3A_1578 = arith.constant 6656 : index
      %swap3A_1579 = vector.load %arg5[%swap3A_1577, %swap3A_1578] : memref<1x10240xf32, #tpu.memory_space<vmem>>, vector<1x512xf32>
      tpu.vector_store %arg5[%swap3A_1577, %swap3A_1578], %select_n3A_1576 {strides = array<i32>} : memref<1x10240xf32, #tpu.memory_space<vmem>>, vector<1x512xf32>,
      %get3A_1580 = arith.constant 0 : index
      %get3A_1581 = arith.constant 7168 : index
      %get3A_1582 = vector.load %arg2[%get3A_1580, %get3A_1581] : memref<128x10240xf32, #tpu.memory_space<vmem>>, vector<128x512xf32>
      %mul3A_1583 = arith.mulf %get3A_1582, %get3A_1582 : vector<128x512xf32>
      %reduce_sum3A_1584 = arith.constant dense<0.000000e+00> : vector<512xf32>
      %reduce_sum3A_1585 = vector.multi_reduction <add>, %mul3A_1583, %reduce_sum3A_1584 [0] : vector<128x512xf32> to vector<512xf32>
      %broadcast_in_dim3A_1586 = vector.shape_cast %reduce_sum3A_1585 : vector<512xf32> to vector<1x512xf32>
      %iota3A_1587 = tpu.iota {dimensions = array<i32: 1>} : vector<1x512xi32>
      %add3A_1588 = arith.constant 7168 : i32
      %add3A_1589 = vector.broadcast %add3A_1588 : i32 to vector<1x512xi32>
      %add3A_1590 = arith.addi %iota3A_1587, %add3A_1589 : vector<1x512xi32>
      %ge3A_1591 = arith.constant 10000 : i32
      %ge3A_1592 = vector.broadcast %ge3A_1591 : i32 to vector<1x512xi32>
      %ge3A_1593 = arith.cmpi sge, %add3A_1590, %ge3A_1592 : vector<1x512xi32>
      %jit3A_1594 = arith.constant 9.99999993E+36 : f32
      %broadcast_in_dim3A_1595 = vector.broadcast %jit3A_1594 : f32 to vector<1x512xf32>
      %select_n3A_1596 = arith.select %ge3A_1593, %broadcast_in_dim3A_1595, %broadcast_in_dim3A_1586 : vector<1x512xi1>, vector<1x512xf32>
      %swap3A_1597 = arith.constant 0 : index
      %swap3A_1598 = arith.constant 7168 : index
      %swap3A_1599 = vector.load %arg5[%swap3A_1597, %swap3A_1598] : memref<1x10240xf32, #tpu.memory_space<vmem>>, vector<1x512xf32>
      tpu.vector_store %arg5[%swap3A_1597, %swap3A_1598], %select_n3A_1596 {strides = array<i32>} : memref<1x10240xf32, #tpu.memory_space<vmem>>, vector<1x512xf32>,
      %get3A_1600 = arith.constant 0 : index
      %get3A_1601 = arith.constant 7680 : index
      %get3A_1602 = vector.load %arg2[%get3A_1600, %get3A_1601] : memref<128x10240xf32, #tpu.memory_space<vmem>>, vector<128x512xf32>
      %mul3A_1603 = arith.mulf %get3A_1602, %get3A_1602 : vector<128x512xf32>
      %reduce_sum3A_1604 = arith.constant dense<0.000000e+00> : vector<512xf32>
      %reduce_sum3A_1605 = vector.multi_reduction <add>, %mul3A_1603, %reduce_sum3A_1604 [0] : vector<128x512xf32> to vector<512xf32>
      %broadcast_in_dim3A_1606 = vector.shape_cast %reduce_sum3A_1605 : vector<512xf32> to vector<1x512xf32>
      %iota3A_1607 = tpu.iota {dimensions = array<i32: 1>} : vector<1x512xi32>
      %add3A_1608 = arith.constant 7680 : i32
      %add3A_1609 = vector.broadcast %add3A_1608 : i32 to vector<1x512xi32>
      %add3A_1610 = arith.addi %iota3A_1607, %add3A_1609 : vector<1x512xi32>
      %ge3A_1611 = arith.constant 10000 : i32
      %ge3A_1612 = vector.broadcast %ge3A_1611 : i32 to vector<1x512xi32>
      %ge3A_1613 = arith.cmpi sge, %add3A_1610, %ge3A_1612 : vector<1x512xi32>
      %jit3A_1614 = arith.constant 9.99999993E+36 : f32
      %broadcast_in_dim3A_1615 = vector.broadcast %jit3A_1614 : f32 to vector<1x512xf32>
      %select_n3A_1616 = arith.select %ge3A_1613, %broadcast_in_dim3A_1615, %broadcast_in_dim3A_1606 : vector<1x512xi1>, vector<1x512xf32>
      %swap3A_1617 = arith.constant 0 : index
      %swap3A_1618 = arith.constant 7680 : index
      %swap3A_1619 = vector.load %arg5[%swap3A_1617, %swap3A_1618] : memref<1x10240xf32, #tpu.memory_space<vmem>>, vector<1x512xf32>
      tpu.vector_store %arg5[%swap3A_1617, %swap3A_1618], %select_n3A_1616 {strides = array<i32>} : memref<1x10240xf32, #tpu.memory_space<vmem>>, vector<1x512xf32>,
      %get3A_1620 = arith.constant 0 : index
      %get3A_1621 = arith.constant 8192 : index
      %get3A_1622 = vector.load %arg2[%get3A_1620, %get3A_1621] : memref<128x10240xf32, #tpu.memory_space<vmem>>, vector<128x512xf32>
      %mul3A_1623 = arith.mulf %get3A_1622, %get3A_1622 : vector<128x512xf32>
      %reduce_sum3A_1624 = arith.constant dense<0.000000e+00> : vector<512xf32>
      %reduce_sum3A_1625 = vector.multi_reduction <add>, %mul3A_1623, %reduce_sum3A_1624 [0] : vector<128x512xf32> to vector<512xf32>
      %broadcast_in_dim3A_1626 = vector.shape_cast %reduce_sum3A_1625 : vector<512xf32> to vector<1x512xf32>
      %iota3A_1627 = tpu.iota {dimensions = array<i32: 1>} : vector<1x512xi32>
      %add3A_1628 = arith.constant 8192 : i32
      %add3A_1629 = vector.broadcast %add3A_1628 : i32 to vector<1x512xi32>
      %add3A_1630 = arith.addi %iota3A_1627, %add3A_1629 : vector<1x512xi32>
      %ge3A_1631 = arith.constant 10000 : i32
      %ge3A_1632 = vector.broadcast %ge3A_1631 : i32 to vector<1x512xi32>
      %ge3A_1633 = arith.cmpi sge, %add3A_1630, %ge3A_1632 : vector<1x512xi32>
      %jit3A_1634 = arith.constant 9.99999993E+36 : f32
      %broadcast_in_dim3A_1635 = vector.broadcast %jit3A_1634 : f32 to vector<1x512xf32>
      %select_n3A_1636 = arith.select %ge3A_1633, %broadcast_in_dim3A_1635, %broadcast_in_dim3A_1626 : vector<1x512xi1>, vector<1x512xf32>
      %swap3A_1637 = arith.constant 0 : index
      %swap3A_1638 = arith.constant 8192 : index
      %swap3A_1639 = vector.load %arg5[%swap3A_1637, %swap3A_1638] : memref<1x10240xf32, #tpu.memory_space<vmem>>, vector<1x512xf32>
      tpu.vector_store %arg5[%swap3A_1637, %swap3A_1638], %select_n3A_1636 {strides = array<i32>} : memref<1x10240xf32, #tpu.memory_space<vmem>>, vector<1x512xf32>,
      %get3A_1640 = arith.constant 0 : index
      %get3A_1641 = arith.constant 8704 : index
      %get3A_1642 = vector.load %arg2[%get3A_1640, %get3A_1641] : memref<128x10240xf32, #tpu.memory_space<vmem>>, vector<128x512xf32>
      %mul3A_1643 = arith.mulf %get3A_1642, %get3A_1642 : vector<128x512xf32>
      %reduce_sum3A_1644 = arith.constant dense<0.000000e+00> : vector<512xf32>
      %reduce_sum3A_1645 = vector.multi_reduction <add>, %mul3A_1643, %reduce_sum3A_1644 [0] : vector<128x512xf32> to vector<512xf32>
      %broadcast_in_dim3A_1646 = vector.shape_cast %reduce_sum3A_1645 : vector<512xf32> to vector<1x512xf32>
      %iota3A_1647 = tpu.iota {dimensions = array<i32: 1>} : vector<1x512xi32>
      %add3A_1648 = arith.constant 8704 : i32
      %add3A_1649 = vector.broadcast %add3A_1648 : i32 to vector<1x512xi32>
      %add3A_1650 = arith.addi %iota3A_1647, %add3A_1649 : vector<1x512xi32>
      %ge3A_1651 = arith.constant 10000 : i32
      %ge3A_1652 = vector.broadcast %ge3A_1651 : i32 to vector<1x512xi32>
      %ge3A_1653 = arith.cmpi sge, %add3A_1650, %ge3A_1652 : vector<1x512xi32>
      %jit3A_1654 = arith.constant 9.99999993E+36 : f32
      %broadcast_in_dim3A_1655 = vector.broadcast %jit3A_1654 : f32 to vector<1x512xf32>
      %select_n3A_1656 = arith.select %ge3A_1653, %broadcast_in_dim3A_1655, %broadcast_in_dim3A_1646 : vector<1x512xi1>, vector<1x512xf32>
      %swap3A_1657 = arith.constant 0 : index
      %swap3A_1658 = arith.constant 8704 : index
      %swap3A_1659 = vector.load %arg5[%swap3A_1657, %swap3A_1658] : memref<1x10240xf32, #tpu.memory_space<vmem>>, vector<1x512xf32>
      tpu.vector_store %arg5[%swap3A_1657, %swap3A_1658], %select_n3A_1656 {strides = array<i32>} : memref<1x10240xf32, #tpu.memory_space<vmem>>, vector<1x512xf32>,
      %get3A_1660 = arith.constant 0 : index
      %get3A_1661 = arith.constant 9216 : index
      %get3A_1662 = vector.load %arg2[%get3A_1660, %get3A_1661] : memref<128x10240xf32, #tpu.memory_space<vmem>>, vector<128x512xf32>
      %mul3A_1663 = arith.mulf %get3A_1662, %get3A_1662 : vector<128x512xf32>
      %reduce_sum3A_1664 = arith.constant dense<0.000000e+00> : vector<512xf32>
      %reduce_sum3A_1665 = vector.multi_reduction <add>, %mul3A_1663, %reduce_sum3A_1664 [0] : vector<128x512xf32> to vector<512xf32>
      %broadcast_in_dim3A_1666 = vector.shape_cast %reduce_sum3A_1665 : vector<512xf32> to vector<1x512xf32>
      %iota3A_1667 = tpu.iota {dimensions = array<i32: 1>} : vector<1x512xi32>
      %add3A_1668 = arith.constant 9216 : i32
      %add3A_1669 = vector.broadcast %add3A_1668 : i32 to vector<1x512xi32>
      %add3A_1670 = arith.addi %iota3A_1667, %add3A_1669 : vector<1x512xi32>
      %ge3A_1671 = arith.constant 10000 : i32
      %ge3A_1672 = vector.broadcast %ge3A_1671 : i32 to vector<1x512xi32>
      %ge3A_1673 = arith.cmpi sge, %add3A_1670, %ge3A_1672 : vector<1x512xi32>
      %jit3A_1674 = arith.constant 9.99999993E+36 : f32
      %broadcast_in_dim3A_1675 = vector.broadcast %jit3A_1674 : f32 to vector<1x512xf32>
      %select_n3A_1676 = arith.select %ge3A_1673, %broadcast_in_dim3A_1675, %broadcast_in_dim3A_1666 : vector<1x512xi1>, vector<1x512xf32>
      %swap3A_1677 = arith.constant 0 : index
      %swap3A_1678 = arith.constant 9216 : index
      %swap3A_1679 = vector.load %arg5[%swap3A_1677, %swap3A_1678] : memref<1x10240xf32, #tpu.memory_space<vmem>>, vector<1x512xf32>
      tpu.vector_store %arg5[%swap3A_1677, %swap3A_1678], %select_n3A_1676 {strides = array<i32>} : memref<1x10240xf32, #tpu.memory_space<vmem>>, vector<1x512xf32>,
      %get3A_1680 = arith.constant 0 : index
      %get3A_1681 = arith.constant 9728 : index
      %get3A_1682 = vector.load %arg2[%get3A_1680, %get3A_1681] : memref<128x10240xf32, #tpu.memory_space<vmem>>, vector<128x512xf32>
      %mul3A_1683 = arith.mulf %get3A_1682, %get3A_1682 : vector<128x512xf32>
      %reduce_sum3A_1684 = arith.constant dense<0.000000e+00> : vector<512xf32>
      %reduce_sum3A_1685 = vector.multi_reduction <add>, %mul3A_1683, %reduce_sum3A_1684 [0] : vector<128x512xf32> to vector<512xf32>
      %broadcast_in_dim3A_1686 = vector.shape_cast %reduce_sum3A_1685 : vector<512xf32> to vector<1x512xf32>
      %iota3A_1687 = tpu.iota {dimensions = array<i32: 1>} : vector<1x512xi32>
      %add3A_1688 = arith.constant 9728 : i32
      %add3A_1689 = vector.broadcast %add3A_1688 : i32 to vector<1x512xi32>
      %add3A_1690 = arith.addi %iota3A_1687, %add3A_1689 : vector<1x512xi32>
      %ge3A_1691 = arith.constant 10000 : i32
      %ge3A_1692 = vector.broadcast %ge3A_1691 : i32 to vector<1x512xi32>
      %ge3A_1693 = arith.cmpi sge, %add3A_1690, %ge3A_1692 : vector<1x512xi32>
      %jit3A_1694 = arith.constant 9.99999993E+36 : f32
      %broadcast_in_dim3A_1695 = vector.broadcast %jit3A_1694 : f32 to vector<1x512xf32>
      %select_n3A_1696 = arith.select %ge3A_1693, %broadcast_in_dim3A_1695, %broadcast_in_dim3A_1686 : vector<1x512xi1>, vector<1x512xf32>
      %swap3A_1697 = arith.constant 0 : index
      %swap3A_1698 = arith.constant 9728 : index
      %swap3A_1699 = vector.load %arg5[%swap3A_1697, %swap3A_1698] : memref<1x10240xf32, #tpu.memory_space<vmem>>, vector<1x512xf32>
      tpu.vector_store %arg5[%swap3A_1697, %swap3A_1698], %select_n3A_1696 {strides = array<i32>} : memref<1x10240xf32, #tpu.memory_space<vmem>>, vector<1x512xf32>,
    } else {
    }
    %get3A_5 = arith.constant 0 : index
    %get3A_6 = arith.constant 0 : index
    %get3A_7 = vector.load %arg2[%get3A_5, %get3A_6] : memref<128x10240xf32, #tpu.memory_space<vmem>>, vector<128x512xf32>
    %dot_general3A = arith.constant dense<0.000000e+00> : vector<256x512xf32>
    %dot_general3A_8 = tpu.matmul %get3A_1, %get3A_7, %dot_general3A {dimension_numbers = #tpu.dot_dimension_numbers<[1], [0], [0], [1], [0, 0, 1, 1], [], []>, transpose_lhs_hint = false} : vector<256x128xf32>, vector<128x512xf32>, vector<256x512xf32> -> vector<256x512xf32>
    %get3A_9 = arith.constant 0 : index
    %get3A_10 = arith.constant 0 : index
    %get3A_11 = vector.load %arg5[%get3A_9, %get3A_10] : memref<1x10240xf32, #tpu.memory_space<vmem>>, vector<1x512xf32>
    %add3A = vector.broadcast %broadcast_in_dim3A : vector<256x1xf32> to vector<256x512xf32>
    %add3A_12 = vector.broadcast %get3A_11 : vector<1x512xf32> to vector<256x512xf32>
    %add3A_13 = arith.addf %add3A, %add3A_12 : vector<256x512xf32>
    %mul3A_14 = arith.constant 2.000000e+00 : f32
    %mul3A_15 = vector.broadcast %mul3A_14 : f32 to vector<256x512xf32>
    %mul3A_16 = arith.mulf %mul3A_15, %dot_general3A_8 : vector<256x512xf32>
    %sub3A = arith.subf %add3A_13, %mul3A_16 : vector<256x512xf32>
    %swap3A = arith.constant 0 : index
    %swap3A_17 = arith.constant 0 : index
    %swap3A_18 = vector.load %arg4[%swap3A, %swap3A_17] : memref<256x10240xf32, #tpu.memory_space<vmem>>, vector<256x512xf32>
    tpu.vector_store %arg4[%swap3A, %swap3A_17], %sub3A {strides = array<i32>} : memref<256x10240xf32, #tpu.memory_space<vmem>>, vector<256x512xf32>,
    %get3A_19 = arith.constant 0 : index
    %get3A_20 = arith.constant 512 : index
    %get3A_21 = vector.load %arg2[%get3A_19, %get3A_20] : memref<128x10240xf32, #tpu.memory_space<vmem>>, vector<128x512xf32>
    %dot_general3A_22 = arith.constant dense<0.000000e+00> : vector<256x512xf32>
    %dot_general3A_23 = tpu.matmul %get3A_1, %get3A_21, %dot_general3A_22 {dimension_numbers = #tpu.dot_dimension_numbers<[1], [0], [0], [1], [0, 0, 1, 1], [], []>, transpose_lhs_hint = false} : vector<256x128xf32>, vector<128x512xf32>, vector<256x512xf32> -> vector<256x512xf32>
    %get3A_24 = arith.constant 0 : index
    %get3A_25 = arith.constant 512 : index
    %get3A_26 = vector.load %arg5[%get3A_24, %get3A_25] : memref<1x10240xf32, #tpu.memory_space<vmem>>, vector<1x512xf32>
    %add3A_27 = vector.broadcast %broadcast_in_dim3A : vector<256x1xf32> to vector<256x512xf32>
    %add3A_28 = vector.broadcast %get3A_26 : vector<1x512xf32> to vector<256x512xf32>
    %add3A_29 = arith.addf %add3A_27, %add3A_28 : vector<256x512xf32>
    %mul3A_30 = arith.constant 2.000000e+00 : f32
    %mul3A_31 = vector.broadcast %mul3A_30 : f32 to vector<256x512xf32>
    %mul3A_32 = arith.mulf %mul3A_31, %dot_general3A_23 : vector<256x512xf32>
    %sub3A_33 = arith.subf %add3A_29, %mul3A_32 : vector<256x512xf32>
    %swap3A_34 = arith.constant 0 : index
    %swap3A_35 = arith.constant 512 : index
    %swap3A_36 = vector.load %arg4[%swap3A_34, %swap3A_35] : memref<256x10240xf32, #tpu.memory_space<vmem>>, vector<256x512xf32>
    tpu.vector_store %arg4[%swap3A_34, %swap3A_35], %sub3A_33 {strides = array<i32>} : memref<256x10240xf32, #tpu.memory_space<vmem>>, vector<256x512xf32>,
    %get3A_37 = arith.constant 0 : index
    %get3A_38 = arith.constant 1024 : index
    %get3A_39 = vector.load %arg2[%get3A_37, %get3A_38] : memref<128x10240xf32, #tpu.memory_space<vmem>>, vector<128x512xf32>
    %dot_general3A_40 = arith.constant dense<0.000000e+00> : vector<256x512xf32>
    %dot_general3A_41 = tpu.matmul %get3A_1, %get3A_39, %dot_general3A_40 {dimension_numbers = #tpu.dot_dimension_numbers<[1], [0], [0], [1], [0, 0, 1, 1], [], []>, transpose_lhs_hint = false} : vector<256x128xf32>, vector<128x512xf32>, vector<256x512xf32> -> vector<256x512xf32>
    %get3A_42 = arith.constant 0 : index
    %get3A_43 = arith.constant 1024 : index
    %get3A_44 = vector.load %arg5[%get3A_42, %get3A_43] : memref<1x10240xf32, #tpu.memory_space<vmem>>, vector<1x512xf32>
    %add3A_45 = vector.broadcast %broadcast_in_dim3A : vector<256x1xf32> to vector<256x512xf32>
    %add3A_46 = vector.broadcast %get3A_44 : vector<1x512xf32> to vector<256x512xf32>
    %add3A_47 = arith.addf %add3A_45, %add3A_46 : vector<256x512xf32>
    %mul3A_48 = arith.constant 2.000000e+00 : f32
    %mul3A_49 = vector.broadcast %mul3A_48 : f32 to vector<256x512xf32>
    %mul3A_50 = arith.mulf %mul3A_49, %dot_general3A_41 : vector<256x512xf32>
    %sub3A_51 = arith.subf %add3A_47, %mul3A_50 : vector<256x512xf32>
    %swap3A_52 = arith.constant 0 : index
    %swap3A_53 = arith.constant 1024 : index
    %swap3A_54 = vector.load %arg4[%swap3A_52, %swap3A_53] : memref<256x10240xf32, #tpu.memory_space<vmem>>, vector<256x512xf32>
    tpu.vector_store %arg4[%swap3A_52, %swap3A_53], %sub3A_51 {strides = array<i32>} : memref<256x10240xf32, #tpu.memory_space<vmem>>, vector<256x512xf32>,
    %get3A_55 = arith.constant 0 : index
    %get3A_56 = arith.constant 1536 : index
    %get3A_57 = vector.load %arg2[%get3A_55, %get3A_56] : memref<128x10240xf32, #tpu.memory_space<vmem>>, vector<128x512xf32>
    %dot_general3A_58 = arith.constant dense<0.000000e+00> : vector<256x512xf32>
    %dot_general3A_59 = tpu.matmul %get3A_1, %get3A_57, %dot_general3A_58 {dimension_numbers = #tpu.dot_dimension_numbers<[1], [0], [0], [1], [0, 0, 1, 1], [], []>, transpose_lhs_hint = false} : vector<256x128xf32>, vector<128x512xf32>, vector<256x512xf32> -> vector<256x512xf32>
    %get3A_60 = arith.constant 0 : index
    %get3A_61 = arith.constant 1536 : index
    %get3A_62 = vector.load %arg5[%get3A_60, %get3A_61] : memref<1x10240xf32, #tpu.memory_space<vmem>>, vector<1x512xf32>
    %add3A_63 = vector.broadcast %broadcast_in_dim3A : vector<256x1xf32> to vector<256x512xf32>
    %add3A_64 = vector.broadcast %get3A_62 : vector<1x512xf32> to vector<256x512xf32>
    %add3A_65 = arith.addf %add3A_63, %add3A_64 : vector<256x512xf32>
    %mul3A_66 = arith.constant 2.000000e+00 : f32
    %mul3A_67 = vector.broadcast %mul3A_66 : f32 to vector<256x512xf32>
    %mul3A_68 = arith.mulf %mul3A_67, %dot_general3A_59 : vector<256x512xf32>
    %sub3A_69 = arith.subf %add3A_65, %mul3A_68 : vector<256x512xf32>
    %swap3A_70 = arith.constant 0 : index
    %swap3A_71 = arith.constant 1536 : index
    %swap3A_72 = vector.load %arg4[%swap3A_70, %swap3A_71] : memref<256x10240xf32, #tpu.memory_space<vmem>>, vector<256x512xf32>
    tpu.vector_store %arg4[%swap3A_70, %swap3A_71], %sub3A_69 {strides = array<i32>} : memref<256x10240xf32, #tpu.memory_space<vmem>>, vector<256x512xf32>,
    %get3A_73 = arith.constant 0 : index
    %get3A_74 = arith.constant 2048 : index
    %get3A_75 = vector.load %arg2[%get3A_73, %get3A_74] : memref<128x10240xf32, #tpu.memory_space<vmem>>, vector<128x512xf32>
    %dot_general3A_76 = arith.constant dense<0.000000e+00> : vector<256x512xf32>
    %dot_general3A_77 = tpu.matmul %get3A_1, %get3A_75, %dot_general3A_76 {dimension_numbers = #tpu.dot_dimension_numbers<[1], [0], [0], [1], [0, 0, 1, 1], [], []>, transpose_lhs_hint = false} : vector<256x128xf32>, vector<128x512xf32>, vector<256x512xf32> -> vector<256x512xf32>
    %get3A_78 = arith.constant 0 : index
    %get3A_79 = arith.constant 2048 : index
    %get3A_80 = vector.load %arg5[%get3A_78, %get3A_79] : memref<1x10240xf32, #tpu.memory_space<vmem>>, vector<1x512xf32>
    %add3A_81 = vector.broadcast %broadcast_in_dim3A : vector<256x1xf32> to vector<256x512xf32>
    %add3A_82 = vector.broadcast %get3A_80 : vector<1x512xf32> to vector<256x512xf32>
    %add3A_83 = arith.addf %add3A_81, %add3A_82 : vector<256x512xf32>
    %mul3A_84 = arith.constant 2.000000e+00 : f32
    %mul3A_85 = vector.broadcast %mul3A_84 : f32 to vector<256x512xf32>
    %mul3A_86 = arith.mulf %mul3A_85, %dot_general3A_77 : vector<256x512xf32>
    %sub3A_87 = arith.subf %add3A_83, %mul3A_86 : vector<256x512xf32>
    %swap3A_88 = arith.constant 0 : index
    %swap3A_89 = arith.constant 2048 : index
    %swap3A_90 = vector.load %arg4[%swap3A_88, %swap3A_89] : memref<256x10240xf32, #tpu.memory_space<vmem>>, vector<256x512xf32>
    tpu.vector_store %arg4[%swap3A_88, %swap3A_89], %sub3A_87 {strides = array<i32>} : memref<256x10240xf32, #tpu.memory_space<vmem>>, vector<256x512xf32>,
    %get3A_91 = arith.constant 0 : index
    %get3A_92 = arith.constant 2560 : index
    %get3A_93 = vector.load %arg2[%get3A_91, %get3A_92] : memref<128x10240xf32, #tpu.memory_space<vmem>>, vector<128x512xf32>
    %dot_general3A_94 = arith.constant dense<0.000000e+00> : vector<256x512xf32>
    %dot_general3A_95 = tpu.matmul %get3A_1, %get3A_93, %dot_general3A_94 {dimension_numbers = #tpu.dot_dimension_numbers<[1], [0], [0], [1], [0, 0, 1, 1], [], []>, transpose_lhs_hint = false} : vector<256x128xf32>, vector<128x512xf32>, vector<256x512xf32> -> vector<256x512xf32>
    %get3A_96 = arith.constant 0 : index
    %get3A_97 = arith.constant 2560 : index
    %get3A_98 = vector.load %arg5[%get3A_96, %get3A_97] : memref<1x10240xf32, #tpu.memory_space<vmem>>, vector<1x512xf32>
    %add3A_99 = vector.broadcast %broadcast_in_dim3A : vector<256x1xf32> to vector<256x512xf32>
    %add3A_100 = vector.broadcast %get3A_98 : vector<1x512xf32> to vector<256x512xf32>
    %add3A_101 = arith.addf %add3A_99, %add3A_100 : vector<256x512xf32>
    %mul3A_102 = arith.constant 2.000000e+00 : f32
    %mul3A_103 = vector.broadcast %mul3A_102 : f32 to vector<256x512xf32>
    %mul3A_104 = arith.mulf %mul3A_103, %dot_general3A_95 : vector<256x512xf32>
    %sub3A_105 = arith.subf %add3A_101, %mul3A_104 : vector<256x512xf32>
    %swap3A_106 = arith.constant 0 : index
    %swap3A_107 = arith.constant 2560 : index
    %swap3A_108 = vector.load %arg4[%swap3A_106, %swap3A_107] : memref<256x10240xf32, #tpu.memory_space<vmem>>, vector<256x512xf32>
    tpu.vector_store %arg4[%swap3A_106, %swap3A_107], %sub3A_105 {strides = array<i32>} : memref<256x10240xf32, #tpu.memory_space<vmem>>, vector<256x512xf32>,
    %get3A_109 = arith.constant 0 : index
    %get3A_110 = arith.constant 3072 : index
    %get3A_111 = vector.load %arg2[%get3A_109, %get3A_110] : memref<128x10240xf32, #tpu.memory_space<vmem>>, vector<128x512xf32>
    %dot_general3A_112 = arith.constant dense<0.000000e+00> : vector<256x512xf32>
    %dot_general3A_113 = tpu.matmul %get3A_1, %get3A_111, %dot_general3A_112 {dimension_numbers = #tpu.dot_dimension_numbers<[1], [0], [0], [1], [0, 0, 1, 1], [], []>, transpose_lhs_hint = false} : vector<256x128xf32>, vector<128x512xf32>, vector<256x512xf32> -> vector<256x512xf32>
    %get3A_114 = arith.constant 0 : index
    %get3A_115 = arith.constant 3072 : index
    %get3A_116 = vector.load %arg5[%get3A_114, %get3A_115] : memref<1x10240xf32, #tpu.memory_space<vmem>>, vector<1x512xf32>
    %add3A_117 = vector.broadcast %broadcast_in_dim3A : vector<256x1xf32> to vector<256x512xf32>
    %add3A_118 = vector.broadcast %get3A_116 : vector<1x512xf32> to vector<256x512xf32>
    %add3A_119 = arith.addf %add3A_117, %add3A_118 : vector<256x512xf32>
    %mul3A_120 = arith.constant 2.000000e+00 : f32
    %mul3A_121 = vector.broadcast %mul3A_120 : f32 to vector<256x512xf32>
    %mul3A_122 = arith.mulf %mul3A_121, %dot_general3A_113 : vector<256x512xf32>
    %sub3A_123 = arith.subf %add3A_119, %mul3A_122 : vector<256x512xf32>
    %swap3A_124 = arith.constant 0 : index
    %swap3A_125 = arith.constant 3072 : index
    %swap3A_126 = vector.load %arg4[%swap3A_124, %swap3A_125] : memref<256x10240xf32, #tpu.memory_space<vmem>>, vector<256x512xf32>
    tpu.vector_store %arg4[%swap3A_124, %swap3A_125], %sub3A_123 {strides = array<i32>} : memref<256x10240xf32, #tpu.memory_space<vmem>>, vector<256x512xf32>,
    %get3A_127 = arith.constant 0 : index
    %get3A_128 = arith.constant 3584 : index
    %get3A_129 = vector.load %arg2[%get3A_127, %get3A_128] : memref<128x10240xf32, #tpu.memory_space<vmem>>, vector<128x512xf32>
    %dot_general3A_130 = arith.constant dense<0.000000e+00> : vector<256x512xf32>
    %dot_general3A_131 = tpu.matmul %get3A_1, %get3A_129, %dot_general3A_130 {dimension_numbers = #tpu.dot_dimension_numbers<[1], [0], [0], [1], [0, 0, 1, 1], [], []>, transpose_lhs_hint = false} : vector<256x128xf32>, vector<128x512xf32>, vector<256x512xf32> -> vector<256x512xf32>
    %get3A_132 = arith.constant 0 : index
    %get3A_133 = arith.constant 3584 : index
    %get3A_134 = vector.load %arg5[%get3A_132, %get3A_133] : memref<1x10240xf32, #tpu.memory_space<vmem>>, vector<1x512xf32>
    %add3A_135 = vector.broadcast %broadcast_in_dim3A : vector<256x1xf32> to vector<256x512xf32>
    %add3A_136 = vector.broadcast %get3A_134 : vector<1x512xf32> to vector<256x512xf32>
    %add3A_137 = arith.addf %add3A_135, %add3A_136 : vector<256x512xf32>
    %mul3A_138 = arith.constant 2.000000e+00 : f32
    %mul3A_139 = vector.broadcast %mul3A_138 : f32 to vector<256x512xf32>
    %mul3A_140 = arith.mulf %mul3A_139, %dot_general3A_131 : vector<256x512xf32>
    %sub3A_141 = arith.subf %add3A_137, %mul3A_140 : vector<256x512xf32>
    %swap3A_142 = arith.constant 0 : index
    %swap3A_143 = arith.constant 3584 : index
    %swap3A_144 = vector.load %arg4[%swap3A_142, %swap3A_143] : memref<256x10240xf32, #tpu.memory_space<vmem>>, vector<256x512xf32>
    tpu.vector_store %arg4[%swap3A_142, %swap3A_143], %sub3A_141 {strides = array<i32>} : memref<256x10240xf32, #tpu.memory_space<vmem>>, vector<256x512xf32>,
    %get3A_145 = arith.constant 0 : index
    %get3A_146 = arith.constant 4096 : index
    %get3A_147 = vector.load %arg2[%get3A_145, %get3A_146] : memref<128x10240xf32, #tpu.memory_space<vmem>>, vector<128x512xf32>
    %dot_general3A_148 = arith.constant dense<0.000000e+00> : vector<256x512xf32>
    %dot_general3A_149 = tpu.matmul %get3A_1, %get3A_147, %dot_general3A_148 {dimension_numbers = #tpu.dot_dimension_numbers<[1], [0], [0], [1], [0, 0, 1, 1], [], []>, transpose_lhs_hint = false} : vector<256x128xf32>, vector<128x512xf32>, vector<256x512xf32> -> vector<256x512xf32>
    %get3A_150 = arith.constant 0 : index
    %get3A_151 = arith.constant 4096 : index
    %get3A_152 = vector.load %arg5[%get3A_150, %get3A_151] : memref<1x10240xf32, #tpu.memory_space<vmem>>, vector<1x512xf32>
    %add3A_153 = vector.broadcast %broadcast_in_dim3A : vector<256x1xf32> to vector<256x512xf32>
    %add3A_154 = vector.broadcast %get3A_152 : vector<1x512xf32> to vector<256x512xf32>
    %add3A_155 = arith.addf %add3A_153, %add3A_154 : vector<256x512xf32>
    %mul3A_156 = arith.constant 2.000000e+00 : f32
    %mul3A_157 = vector.broadcast %mul3A_156 : f32 to vector<256x512xf32>
    %mul3A_158 = arith.mulf %mul3A_157, %dot_general3A_149 : vector<256x512xf32>
    %sub3A_159 = arith.subf %add3A_155, %mul3A_158 : vector<256x512xf32>
    %swap3A_160 = arith.constant 0 : index
    %swap3A_161 = arith.constant 4096 : index
    %swap3A_162 = vector.load %arg4[%swap3A_160, %swap3A_161] : memref<256x10240xf32, #tpu.memory_space<vmem>>, vector<256x512xf32>
    tpu.vector_store %arg4[%swap3A_160, %swap3A_161], %sub3A_159 {strides = array<i32>} : memref<256x10240xf32, #tpu.memory_space<vmem>>, vector<256x512xf32>,
    %get3A_163 = arith.constant 0 : index
    %get3A_164 = arith.constant 4608 : index
    %get3A_165 = vector.load %arg2[%get3A_163, %get3A_164] : memref<128x10240xf32, #tpu.memory_space<vmem>>, vector<128x512xf32>
    %dot_general3A_166 = arith.constant dense<0.000000e+00> : vector<256x512xf32>
    %dot_general3A_167 = tpu.matmul %get3A_1, %get3A_165, %dot_general3A_166 {dimension_numbers = #tpu.dot_dimension_numbers<[1], [0], [0], [1], [0, 0, 1, 1], [], []>, transpose_lhs_hint = false} : vector<256x128xf32>, vector<128x512xf32>, vector<256x512xf32> -> vector<256x512xf32>
    %get3A_168 = arith.constant 0 : index
    %get3A_169 = arith.constant 4608 : index
    %get3A_170 = vector.load %arg5[%get3A_168, %get3A_169] : memref<1x10240xf32, #tpu.memory_space<vmem>>, vector<1x512xf32>
    %add3A_171 = vector.broadcast %broadcast_in_dim3A : vector<256x1xf32> to vector<256x512xf32>
    %add3A_172 = vector.broadcast %get3A_170 : vector<1x512xf32> to vector<256x512xf32>
    %add3A_173 = arith.addf %add3A_171, %add3A_172 : vector<256x512xf32>
    %mul3A_174 = arith.constant 2.000000e+00 : f32
    %mul3A_175 = vector.broadcast %mul3A_174 : f32 to vector<256x512xf32>
    %mul3A_176 = arith.mulf %mul3A_175, %dot_general3A_167 : vector<256x512xf32>
    %sub3A_177 = arith.subf %add3A_173, %mul3A_176 : vector<256x512xf32>
    %swap3A_178 = arith.constant 0 : index
    %swap3A_179 = arith.constant 4608 : index
    %swap3A_180 = vector.load %arg4[%swap3A_178, %swap3A_179] : memref<256x10240xf32, #tpu.memory_space<vmem>>, vector<256x512xf32>
    tpu.vector_store %arg4[%swap3A_178, %swap3A_179], %sub3A_177 {strides = array<i32>} : memref<256x10240xf32, #tpu.memory_space<vmem>>, vector<256x512xf32>,
    %get3A_181 = arith.constant 0 : index
    %get3A_182 = arith.constant 5120 : index
    %get3A_183 = vector.load %arg2[%get3A_181, %get3A_182] : memref<128x10240xf32, #tpu.memory_space<vmem>>, vector<128x512xf32>
    %dot_general3A_184 = arith.constant dense<0.000000e+00> : vector<256x512xf32>
    %dot_general3A_185 = tpu.matmul %get3A_1, %get3A_183, %dot_general3A_184 {dimension_numbers = #tpu.dot_dimension_numbers<[1], [0], [0], [1], [0, 0, 1, 1], [], []>, transpose_lhs_hint = false} : vector<256x128xf32>, vector<128x512xf32>, vector<256x512xf32> -> vector<256x512xf32>
    %get3A_186 = arith.constant 0 : index
    %get3A_187 = arith.constant 5120 : index
    %get3A_188 = vector.load %arg5[%get3A_186, %get3A_187] : memref<1x10240xf32, #tpu.memory_space<vmem>>, vector<1x512xf32>
    %add3A_189 = vector.broadcast %broadcast_in_dim3A : vector<256x1xf32> to vector<256x512xf32>
    %add3A_190 = vector.broadcast %get3A_188 : vector<1x512xf32> to vector<256x512xf32>
    %add3A_191 = arith.addf %add3A_189, %add3A_190 : vector<256x512xf32>
    %mul3A_192 = arith.constant 2.000000e+00 : f32
    %mul3A_193 = vector.broadcast %mul3A_192 : f32 to vector<256x512xf32>
    %mul3A_194 = arith.mulf %mul3A_193, %dot_general3A_185 : vector<256x512xf32>
    %sub3A_195 = arith.subf %add3A_191, %mul3A_194 : vector<256x512xf32>
    %swap3A_196 = arith.constant 0 : index
    %swap3A_197 = arith.constant 5120 : index
    %swap3A_198 = vector.load %arg4[%swap3A_196, %swap3A_197] : memref<256x10240xf32, #tpu.memory_space<vmem>>, vector<256x512xf32>
    tpu.vector_store %arg4[%swap3A_196, %swap3A_197], %sub3A_195 {strides = array<i32>} : memref<256x10240xf32, #tpu.memory_space<vmem>>, vector<256x512xf32>,
    %get3A_199 = arith.constant 0 : index
    %get3A_200 = arith.constant 5632 : index
    %get3A_201 = vector.load %arg2[%get3A_199, %get3A_200] : memref<128x10240xf32, #tpu.memory_space<vmem>>, vector<128x512xf32>
    %dot_general3A_202 = arith.constant dense<0.000000e+00> : vector<256x512xf32>
    %dot_general3A_203 = tpu.matmul %get3A_1, %get3A_201, %dot_general3A_202 {dimension_numbers = #tpu.dot_dimension_numbers<[1], [0], [0], [1], [0, 0, 1, 1], [], []>, transpose_lhs_hint = false} : vector<256x128xf32>, vector<128x512xf32>, vector<256x512xf32> -> vector<256x512xf32>
    %get3A_204 = arith.constant 0 : index
    %get3A_205 = arith.constant 5632 : index
    %get3A_206 = vector.load %arg5[%get3A_204, %get3A_205] : memref<1x10240xf32, #tpu.memory_space<vmem>>, vector<1x512xf32>
    %add3A_207 = vector.broadcast %broadcast_in_dim3A : vector<256x1xf32> to vector<256x512xf32>
    %add3A_208 = vector.broadcast %get3A_206 : vector<1x512xf32> to vector<256x512xf32>
    %add3A_209 = arith.addf %add3A_207, %add3A_208 : vector<256x512xf32>
    %mul3A_210 = arith.constant 2.000000e+00 : f32
    %mul3A_211 = vector.broadcast %mul3A_210 : f32 to vector<256x512xf32>
    %mul3A_212 = arith.mulf %mul3A_211, %dot_general3A_203 : vector<256x512xf32>
    %sub3A_213 = arith.subf %add3A_209, %mul3A_212 : vector<256x512xf32>
    %swap3A_214 = arith.constant 0 : index
    %swap3A_215 = arith.constant 5632 : index
    %swap3A_216 = vector.load %arg4[%swap3A_214, %swap3A_215] : memref<256x10240xf32, #tpu.memory_space<vmem>>, vector<256x512xf32>
    tpu.vector_store %arg4[%swap3A_214, %swap3A_215], %sub3A_213 {strides = array<i32>} : memref<256x10240xf32, #tpu.memory_space<vmem>>, vector<256x512xf32>,
    %get3A_217 = arith.constant 0 : index
    %get3A_218 = arith.constant 6144 : index
    %get3A_219 = vector.load %arg2[%get3A_217, %get3A_218] : memref<128x10240xf32, #tpu.memory_space<vmem>>, vector<128x512xf32>
    %dot_general3A_220 = arith.constant dense<0.000000e+00> : vector<256x512xf32>
    %dot_general3A_221 = tpu.matmul %get3A_1, %get3A_219, %dot_general3A_220 {dimension_numbers = #tpu.dot_dimension_numbers<[1], [0], [0], [1], [0, 0, 1, 1], [], []>, transpose_lhs_hint = false} : vector<256x128xf32>, vector<128x512xf32>, vector<256x512xf32> -> vector<256x512xf32>
    %get3A_222 = arith.constant 0 : index
    %get3A_223 = arith.constant 6144 : index
    %get3A_224 = vector.load %arg5[%get3A_222, %get3A_223] : memref<1x10240xf32, #tpu.memory_space<vmem>>, vector<1x512xf32>
    %add3A_225 = vector.broadcast %broadcast_in_dim3A : vector<256x1xf32> to vector<256x512xf32>
    %add3A_226 = vector.broadcast %get3A_224 : vector<1x512xf32> to vector<256x512xf32>
    %add3A_227 = arith.addf %add3A_225, %add3A_226 : vector<256x512xf32>
    %mul3A_228 = arith.constant 2.000000e+00 : f32
    %mul3A_229 = vector.broadcast %mul3A_228 : f32 to vector<256x512xf32>
    %mul3A_230 = arith.mulf %mul3A_229, %dot_general3A_221 : vector<256x512xf32>
    %sub3A_231 = arith.subf %add3A_227, %mul3A_230 : vector<256x512xf32>
    %swap3A_232 = arith.constant 0 : index
    %swap3A_233 = arith.constant 6144 : index
    %swap3A_234 = vector.load %arg4[%swap3A_232, %swap3A_233] : memref<256x10240xf32, #tpu.memory_space<vmem>>, vector<256x512xf32>
    tpu.vector_store %arg4[%swap3A_232, %swap3A_233], %sub3A_231 {strides = array<i32>} : memref<256x10240xf32, #tpu.memory_space<vmem>>, vector<256x512xf32>,
    %get3A_235 = arith.constant 0 : index
    %get3A_236 = arith.constant 6656 : index
    %get3A_237 = vector.load %arg2[%get3A_235, %get3A_236] : memref<128x10240xf32, #tpu.memory_space<vmem>>, vector<128x512xf32>
    %dot_general3A_238 = arith.constant dense<0.000000e+00> : vector<256x512xf32>
    %dot_general3A_239 = tpu.matmul %get3A_1, %get3A_237, %dot_general3A_238 {dimension_numbers = #tpu.dot_dimension_numbers<[1], [0], [0], [1], [0, 0, 1, 1], [], []>, transpose_lhs_hint = false} : vector<256x128xf32>, vector<128x512xf32>, vector<256x512xf32> -> vector<256x512xf32>
    %get3A_240 = arith.constant 0 : index
    %get3A_241 = arith.constant 6656 : index
    %get3A_242 = vector.load %arg5[%get3A_240, %get3A_241] : memref<1x10240xf32, #tpu.memory_space<vmem>>, vector<1x512xf32>
    %add3A_243 = vector.broadcast %broadcast_in_dim3A : vector<256x1xf32> to vector<256x512xf32>
    %add3A_244 = vector.broadcast %get3A_242 : vector<1x512xf32> to vector<256x512xf32>
    %add3A_245 = arith.addf %add3A_243, %add3A_244 : vector<256x512xf32>
    %mul3A_246 = arith.constant 2.000000e+00 : f32
    %mul3A_247 = vector.broadcast %mul3A_246 : f32 to vector<256x512xf32>
    %mul3A_248 = arith.mulf %mul3A_247, %dot_general3A_239 : vector<256x512xf32>
    %sub3A_249 = arith.subf %add3A_245, %mul3A_248 : vector<256x512xf32>
    %swap3A_250 = arith.constant 0 : index
    %swap3A_251 = arith.constant 6656 : index
    %swap3A_252 = vector.load %arg4[%swap3A_250, %swap3A_251] : memref<256x10240xf32, #tpu.memory_space<vmem>>, vector<256x512xf32>
    tpu.vector_store %arg4[%swap3A_250, %swap3A_251], %sub3A_249 {strides = array<i32>} : memref<256x10240xf32, #tpu.memory_space<vmem>>, vector<256x512xf32>,
    %get3A_253 = arith.constant 0 : index
    %get3A_254 = arith.constant 7168 : index
    %get3A_255 = vector.load %arg2[%get3A_253, %get3A_254] : memref<128x10240xf32, #tpu.memory_space<vmem>>, vector<128x512xf32>
    %dot_general3A_256 = arith.constant dense<0.000000e+00> : vector<256x512xf32>
    %dot_general3A_257 = tpu.matmul %get3A_1, %get3A_255, %dot_general3A_256 {dimension_numbers = #tpu.dot_dimension_numbers<[1], [0], [0], [1], [0, 0, 1, 1], [], []>, transpose_lhs_hint = false} : vector<256x128xf32>, vector<128x512xf32>, vector<256x512xf32> -> vector<256x512xf32>
    %get3A_258 = arith.constant 0 : index
    %get3A_259 = arith.constant 7168 : index
    %get3A_260 = vector.load %arg5[%get3A_258, %get3A_259] : memref<1x10240xf32, #tpu.memory_space<vmem>>, vector<1x512xf32>
    %add3A_261 = vector.broadcast %broadcast_in_dim3A : vector<256x1xf32> to vector<256x512xf32>
    %add3A_262 = vector.broadcast %get3A_260 : vector<1x512xf32> to vector<256x512xf32>
    %add3A_263 = arith.addf %add3A_261, %add3A_262 : vector<256x512xf32>
    %mul3A_264 = arith.constant 2.000000e+00 : f32
    %mul3A_265 = vector.broadcast %mul3A_264 : f32 to vector<256x512xf32>
    %mul3A_266 = arith.mulf %mul3A_265, %dot_general3A_257 : vector<256x512xf32>
    %sub3A_267 = arith.subf %add3A_263, %mul3A_266 : vector<256x512xf32>
    %swap3A_268 = arith.constant 0 : index
    %swap3A_269 = arith.constant 7168 : index
    %swap3A_270 = vector.load %arg4[%swap3A_268, %swap3A_269] : memref<256x10240xf32, #tpu.memory_space<vmem>>, vector<256x512xf32>
    tpu.vector_store %arg4[%swap3A_268, %swap3A_269], %sub3A_267 {strides = array<i32>} : memref<256x10240xf32, #tpu.memory_space<vmem>>, vector<256x512xf32>,
    %get3A_271 = arith.constant 0 : index
    %get3A_272 = arith.constant 7680 : index
    %get3A_273 = vector.load %arg2[%get3A_271, %get3A_272] : memref<128x10240xf32, #tpu.memory_space<vmem>>, vector<128x512xf32>
    %dot_general3A_274 = arith.constant dense<0.000000e+00> : vector<256x512xf32>
    %dot_general3A_275 = tpu.matmul %get3A_1, %get3A_273, %dot_general3A_274 {dimension_numbers = #tpu.dot_dimension_numbers<[1], [0], [0], [1], [0, 0, 1, 1], [], []>, transpose_lhs_hint = false} : vector<256x128xf32>, vector<128x512xf32>, vector<256x512xf32> -> vector<256x512xf32>
    %get3A_276 = arith.constant 0 : index
    %get3A_277 = arith.constant 7680 : index
    %get3A_278 = vector.load %arg5[%get3A_276, %get3A_277] : memref<1x10240xf32, #tpu.memory_space<vmem>>, vector<1x512xf32>
    %add3A_279 = vector.broadcast %broadcast_in_dim3A : vector<256x1xf32> to vector<256x512xf32>
    %add3A_280 = vector.broadcast %get3A_278 : vector<1x512xf32> to vector<256x512xf32>
    %add3A_281 = arith.addf %add3A_279, %add3A_280 : vector<256x512xf32>
    %mul3A_282 = arith.constant 2.000000e+00 : f32
    %mul3A_283 = vector.broadcast %mul3A_282 : f32 to vector<256x512xf32>
    %mul3A_284 = arith.mulf %mul3A_283, %dot_general3A_275 : vector<256x512xf32>
    %sub3A_285 = arith.subf %add3A_281, %mul3A_284 : vector<256x512xf32>
    %swap3A_286 = arith.constant 0 : index
    %swap3A_287 = arith.constant 7680 : index
    %swap3A_288 = vector.load %arg4[%swap3A_286, %swap3A_287] : memref<256x10240xf32, #tpu.memory_space<vmem>>, vector<256x512xf32>
    tpu.vector_store %arg4[%swap3A_286, %swap3A_287], %sub3A_285 {strides = array<i32>} : memref<256x10240xf32, #tpu.memory_space<vmem>>, vector<256x512xf32>,
    %get3A_289 = arith.constant 0 : index
    %get3A_290 = arith.constant 8192 : index
    %get3A_291 = vector.load %arg2[%get3A_289, %get3A_290] : memref<128x10240xf32, #tpu.memory_space<vmem>>, vector<128x512xf32>
    %dot_general3A_292 = arith.constant dense<0.000000e+00> : vector<256x512xf32>
    %dot_general3A_293 = tpu.matmul %get3A_1, %get3A_291, %dot_general3A_292 {dimension_numbers = #tpu.dot_dimension_numbers<[1], [0], [0], [1], [0, 0, 1, 1], [], []>, transpose_lhs_hint = false} : vector<256x128xf32>, vector<128x512xf32>, vector<256x512xf32> -> vector<256x512xf32>
    %get3A_294 = arith.constant 0 : index
    %get3A_295 = arith.constant 8192 : index
    %get3A_296 = vector.load %arg5[%get3A_294, %get3A_295] : memref<1x10240xf32, #tpu.memory_space<vmem>>, vector<1x512xf32>
    %add3A_297 = vector.broadcast %broadcast_in_dim3A : vector<256x1xf32> to vector<256x512xf32>
    %add3A_298 = vector.broadcast %get3A_296 : vector<1x512xf32> to vector<256x512xf32>
    %add3A_299 = arith.addf %add3A_297, %add3A_298 : vector<256x512xf32>
    %mul3A_300 = arith.constant 2.000000e+00 : f32
    %mul3A_301 = vector.broadcast %mul3A_300 : f32 to vector<256x512xf32>
    %mul3A_302 = arith.mulf %mul3A_301, %dot_general3A_293 : vector<256x512xf32>
    %sub3A_303 = arith.subf %add3A_299, %mul3A_302 : vector<256x512xf32>
    %swap3A_304 = arith.constant 0 : index
    %swap3A_305 = arith.constant 8192 : index
    %swap3A_306 = vector.load %arg4[%swap3A_304, %swap3A_305] : memref<256x10240xf32, #tpu.memory_space<vmem>>, vector<256x512xf32>
    tpu.vector_store %arg4[%swap3A_304, %swap3A_305], %sub3A_303 {strides = array<i32>} : memref<256x10240xf32, #tpu.memory_space<vmem>>, vector<256x512xf32>,
    %get3A_307 = arith.constant 0 : index
    %get3A_308 = arith.constant 8704 : index
    %get3A_309 = vector.load %arg2[%get3A_307, %get3A_308] : memref<128x10240xf32, #tpu.memory_space<vmem>>, vector<128x512xf32>
    %dot_general3A_310 = arith.constant dense<0.000000e+00> : vector<256x512xf32>
    %dot_general3A_311 = tpu.matmul %get3A_1, %get3A_309, %dot_general3A_310 {dimension_numbers = #tpu.dot_dimension_numbers<[1], [0], [0], [1], [0, 0, 1, 1], [], []>, transpose_lhs_hint = false} : vector<256x128xf32>, vector<128x512xf32>, vector<256x512xf32> -> vector<256x512xf32>
    %get3A_312 = arith.constant 0 : index
    %get3A_313 = arith.constant 8704 : index
    %get3A_314 = vector.load %arg5[%get3A_312, %get3A_313] : memref<1x10240xf32, #tpu.memory_space<vmem>>, vector<1x512xf32>
    %add3A_315 = vector.broadcast %broadcast_in_dim3A : vector<256x1xf32> to vector<256x512xf32>
    %add3A_316 = vector.broadcast %get3A_314 : vector<1x512xf32> to vector<256x512xf32>
    %add3A_317 = arith.addf %add3A_315, %add3A_316 : vector<256x512xf32>
    %mul3A_318 = arith.constant 2.000000e+00 : f32
    %mul3A_319 = vector.broadcast %mul3A_318 : f32 to vector<256x512xf32>
    %mul3A_320 = arith.mulf %mul3A_319, %dot_general3A_311 : vector<256x512xf32>
    %sub3A_321 = arith.subf %add3A_317, %mul3A_320 : vector<256x512xf32>
    %swap3A_322 = arith.constant 0 : index
    %swap3A_323 = arith.constant 8704 : index
    %swap3A_324 = vector.load %arg4[%swap3A_322, %swap3A_323] : memref<256x10240xf32, #tpu.memory_space<vmem>>, vector<256x512xf32>
    tpu.vector_store %arg4[%swap3A_322, %swap3A_323], %sub3A_321 {strides = array<i32>} : memref<256x10240xf32, #tpu.memory_space<vmem>>, vector<256x512xf32>,
    %get3A_325 = arith.constant 0 : index
    %get3A_326 = arith.constant 9216 : index
    %get3A_327 = vector.load %arg2[%get3A_325, %get3A_326] : memref<128x10240xf32, #tpu.memory_space<vmem>>, vector<128x512xf32>
    %dot_general3A_328 = arith.constant dense<0.000000e+00> : vector<256x512xf32>
    %dot_general3A_329 = tpu.matmul %get3A_1, %get3A_327, %dot_general3A_328 {dimension_numbers = #tpu.dot_dimension_numbers<[1], [0], [0], [1], [0, 0, 1, 1], [], []>, transpose_lhs_hint = false} : vector<256x128xf32>, vector<128x512xf32>, vector<256x512xf32> -> vector<256x512xf32>
    %get3A_330 = arith.constant 0 : index
    %get3A_331 = arith.constant 9216 : index
    %get3A_332 = vector.load %arg5[%get3A_330, %get3A_331] : memref<1x10240xf32, #tpu.memory_space<vmem>>, vector<1x512xf32>
    %add3A_333 = vector.broadcast %broadcast_in_dim3A : vector<256x1xf32> to vector<256x512xf32>
    %add3A_334 = vector.broadcast %get3A_332 : vector<1x512xf32> to vector<256x512xf32>
    %add3A_335 = arith.addf %add3A_333, %add3A_334 : vector<256x512xf32>
    %mul3A_336 = arith.constant 2.000000e+00 : f32
    %mul3A_337 = vector.broadcast %mul3A_336 : f32 to vector<256x512xf32>
    %mul3A_338 = arith.mulf %mul3A_337, %dot_general3A_329 : vector<256x512xf32>
    %sub3A_339 = arith.subf %add3A_335, %mul3A_338 : vector<256x512xf32>
    %swap3A_340 = arith.constant 0 : index
    %swap3A_341 = arith.constant 9216 : index
    %swap3A_342 = vector.load %arg4[%swap3A_340, %swap3A_341] : memref<256x10240xf32, #tpu.memory_space<vmem>>, vector<256x512xf32>
    tpu.vector_store %arg4[%swap3A_340, %swap3A_341], %sub3A_339 {strides = array<i32>} : memref<256x10240xf32, #tpu.memory_space<vmem>>, vector<256x512xf32>,
    %get3A_343 = arith.constant 0 : index
    %get3A_344 = arith.constant 9728 : index
    %get3A_345 = vector.load %arg2[%get3A_343, %get3A_344] : memref<128x10240xf32, #tpu.memory_space<vmem>>, vector<128x512xf32>
    %dot_general3A_346 = arith.constant dense<0.000000e+00> : vector<256x512xf32>
    %dot_general3A_347 = tpu.matmul %get3A_1, %get3A_345, %dot_general3A_346 {dimension_numbers = #tpu.dot_dimension_numbers<[1], [0], [0], [1], [0, 0, 1, 1], [], []>, transpose_lhs_hint = false} : vector<256x128xf32>, vector<128x512xf32>, vector<256x512xf32> -> vector<256x512xf32>
    %get3A_348 = arith.constant 0 : index
    %get3A_349 = arith.constant 9728 : index
    %get3A_350 = vector.load %arg5[%get3A_348, %get3A_349] : memref<1x10240xf32, #tpu.memory_space<vmem>>, vector<1x512xf32>
    %add3A_351 = vector.broadcast %broadcast_in_dim3A : vector<256x1xf32> to vector<256x512xf32>
    %add3A_352 = vector.broadcast %get3A_350 : vector<1x512xf32> to vector<256x512xf32>
    %add3A_353 = arith.addf %add3A_351, %add3A_352 : vector<256x512xf32>
    %mul3A_354 = arith.constant 2.000000e+00 : f32
    %mul3A_355 = vector.broadcast %mul3A_354 : f32 to vector<256x512xf32>
    %mul3A_356 = arith.mulf %mul3A_355, %dot_general3A_347 : vector<256x512xf32>
    %sub3A_357 = arith.subf %add3A_353, %mul3A_356 : vector<256x512xf32>
    %swap3A_358 = arith.constant 0 : index
    %swap3A_359 = arith.constant 9728 : index
    %swap3A_360 = vector.load %arg4[%swap3A_358, %swap3A_359] : memref<256x10240xf32, #tpu.memory_space<vmem>>, vector<256x512xf32>
    tpu.vector_store %arg4[%swap3A_358, %swap3A_359], %sub3A_357 {strides = array<i32>} : memref<256x10240xf32, #tpu.memory_space<vmem>>, vector<256x512xf32>,
    %iota3A = tpu.iota {dimensions = array<i32: 1>} : vector<256x128xi32>
    %convert_element_type3A_361 = arith.sitofp %iota3A : vector<256x128xi32> to vector<256x128xf32>
    %iota3A_362 = tpu.iota {dimensions = array<i32: 1>} : vector<256x16xi32>
    %broadcast_in_dim3A_363 = arith.constant 9.99999968E+37 : f32
    %broadcast_in_dim3A_364 = vector.broadcast %broadcast_in_dim3A_363 : f32 to vector<256x128xf32>
    %broadcast_in_dim3A_365 = arith.constant 0.000000e+00 : f32
    %broadcast_in_dim3A_366 = vector.broadcast %broadcast_in_dim3A_365 : f32 to vector<256x128xf32>
    %scan3A = arith.constant 0 : i32
    %scan3A_367 = arith.constant 80 : i32
    %scan3A_368 = arith.addi %scan3A, %scan3A_367 : i32
    %scan3A_369 = arith.constant 1 : i32
    %scan3A_370:2 = scf.for %scan3A_1301 = %scan3A to %scan3A_368 step %scan3A_369 iter_args(%scan3A_1302 = %broadcast_in_dim3A_364, %scan3A_1303 = %broadcast_in_dim3A_366) -> (vector<256x128xf32>, vector<256x128xf32>)  : i32 {
      %convert_element_type3A_1304 = arith.sitofp %scan3A_1301 : i32 to f32
      %mul3A_1305 = arith.constant 128 : i32
      %mul3A_1306 = arith.muli %scan3A_1301, %mul3A_1305 : i32
      %get3A_1307 = arith.constant 0 : index
      %get3A_1308 = arith.index_cast %mul3A_1306 : i32 to index
      %get3A_1309 = vector.load %arg4[%get3A_1307, %get3A_1308] : memref<256x10240xf32, #tpu.memory_space<vmem>>, vector<256x128xf32>
      %lt3A_1310 = arith.cmpf olt, %get3A_1309, %scan3A_1302 : vector<256x128xf32>
      %broadcast_in_dim3A_1311 = vector.broadcast %convert_element_type3A_1304 : f32 to vector<256x128xf32>
      %select_n3A_1312 = arith.select %lt3A_1310, %broadcast_in_dim3A_1311, %scan3A_1303 : vector<256x128xi1>, vector<256x128xf32>
      %select_n3A_1313 = arith.select %lt3A_1310, %get3A_1309, %scan3A_1302 : vector<256x128xi1>, vector<256x128xf32>
      scf.yield %select_n3A_1313, %select_n3A_1312 : vector<256x128xf32>, vector<256x128xf32>
    }
    %scan3A_371 = arith.constant 80 : i32
    %broadcast_in_dim3A_372 = arith.constant 9.99999968E+37 : f32
    %broadcast_in_dim3A_373 = vector.broadcast %broadcast_in_dim3A_372 : f32 to vector<256x16xf32>
    %broadcast_in_dim3A_374 = arith.constant 1.000000e+09 : f32
    %broadcast_in_dim3A_375 = vector.broadcast %broadcast_in_dim3A_374 : f32 to vector<256x16xf32>
    %mul3A_376 = arith.constant 1.280000e+02 : f32
    %mul3A_377 = vector.broadcast %mul3A_376 : f32 to vector<256x128xf32>
    %mul3A_378 = arith.mulf %scan3A_370#1, %mul3A_377 : vector<256x128xf32>
    %add3A_379 = arith.addf %mul3A_378, %convert_element_type3A_361 : vector<256x128xf32>
    %broadcast_in_dim3A_380 = arith.constant 9.99999968E+37 : f32
    %broadcast_in_dim3A_381 = vector.broadcast %broadcast_in_dim3A_380 : f32 to vector<256x16xf32>
    %broadcast_in_dim3A_382 = arith.constant 1.000000e+09 : f32
    %broadcast_in_dim3A_383 = vector.broadcast %broadcast_in_dim3A_382 : f32 to vector<256x16xf32>
    %reduce_min3A = arith.constant dense<0x7F800000> : vector<256xf32>
    %reduce_min3A_384 = vector.multi_reduction <minimumf>, %scan3A_370#0, %reduce_min3A [1] : vector<256x128xf32> to vector<256xf32>
    %broadcast_in_dim3A_385 = vector.shape_cast %reduce_min3A_384 : vector<256xf32> to vector<256x1xf32>
    %eq3A_386 = vector.broadcast %broadcast_in_dim3A_385 : vector<256x1xf32> to vector<256x128xf32>
    %eq3A_387 = arith.cmpf oeq, %scan3A_370#0, %eq3A_386 : vector<256x128xf32>
    %jit3A = arith.constant 1.000000e+09 : f32
    %broadcast_in_dim3A_388 = vector.broadcast %jit3A : f32 to vector<256x128xf32>
    %select_n3A = arith.select %eq3A_387, %add3A_379, %broadcast_in_dim3A_388 : vector<256x128xi1>, vector<256x128xf32>
    %reduce_min3A_389 = arith.constant dense<0x7F800000> : vector<256xf32>
    %reduce_min3A_390 = vector.multi_reduction <minimumf>, %select_n3A, %reduce_min3A_389 [1] : vector<256x128xf32> to vector<256xf32>
    %broadcast_in_dim3A_391 = vector.shape_cast %reduce_min3A_390 : vector<256xf32> to vector<256x1xf32>
    %reduce_min3A_392 = arith.constant dense<0x7F800000> : vector<256xf32>
    %reduce_min3A_393 = vector.multi_reduction <minimumf>, %broadcast_in_dim3A_373, %reduce_min3A_392 [1] : vector<256x16xf32> to vector<256xf32>
    %broadcast_in_dim3A_394 = vector.shape_cast %reduce_min3A_393 : vector<256xf32> to vector<256x1xf32>
    %eq3A_395 = vector.broadcast %broadcast_in_dim3A_394 : vector<256x1xf32> to vector<256x16xf32>
    %eq3A_396 = arith.cmpf oeq, %broadcast_in_dim3A_373, %eq3A_395 : vector<256x16xf32>
    %jit3A_397 = arith.constant 1.000000e+09 : f32
    %broadcast_in_dim3A_398 = vector.broadcast %jit3A_397 : f32 to vector<256x16xf32>
    %select_n3A_399 = arith.select %eq3A_396, %broadcast_in_dim3A_375, %broadcast_in_dim3A_398 : vector<256x16xi1>, vector<256x16xf32>
    %reduce_min3A_400 = arith.constant dense<0x7F800000> : vector<256xf32>
    %reduce_min3A_401 = vector.multi_reduction <minimumf>, %select_n3A_399, %reduce_min3A_400 [1] : vector<256x16xf32> to vector<256xf32>
    %broadcast_in_dim3A_402 = vector.shape_cast %reduce_min3A_401 : vector<256xf32> to vector<256x1xf32>
    %lt3A = arith.cmpf olt, %broadcast_in_dim3A_385, %broadcast_in_dim3A_394 : vector<256x1xf32>
    %eq3A_403 = arith.cmpf oeq, %broadcast_in_dim3A_385, %broadcast_in_dim3A_394 : vector<256x1xf32>
    %lt3A_404 = arith.cmpf olt, %broadcast_in_dim3A_391, %broadcast_in_dim3A_402 : vector<256x1xf32>
    %and3A = arith.andi %eq3A_403, %lt3A_404 : vector<256x1xi1>
    %or3A = arith.ori %lt3A, %and3A : vector<256x1xi1>
    %select_n3A_405 = arith.select %or3A, %broadcast_in_dim3A_385, %broadcast_in_dim3A_394 : vector<256x1xi1>, vector<256x1xf32>
    %select_n3A_406 = arith.select %or3A, %broadcast_in_dim3A_391, %broadcast_in_dim3A_402 : vector<256x1xi1>, vector<256x1xf32>
    %eq3A_407 = vector.broadcast %select_n3A_405 : vector<256x1xf32> to vector<256x128xf32>
    %eq3A_408 = arith.cmpf oeq, %scan3A_370#0, %eq3A_407 : vector<256x128xf32>
    %eq3A_409 = vector.broadcast %select_n3A_406 : vector<256x1xf32> to vector<256x128xf32>
    %eq3A_410 = arith.cmpf oeq, %add3A_379, %eq3A_409 : vector<256x128xf32>
    %and3A_411 = arith.andi %eq3A_408, %eq3A_410 : vector<256x128xi1>
    %jit3A_412 = arith.constant 9.99999968E+37 : f32
    %broadcast_in_dim3A_413 = vector.broadcast %jit3A_412 : f32 to vector<256x128xf32>
    %select_n3A_414 = arith.select %and3A_411, %broadcast_in_dim3A_413, %scan3A_370#0 : vector<256x128xi1>, vector<256x128xf32>
    %eq3A_415 = vector.broadcast %select_n3A_405 : vector<256x1xf32> to vector<256x16xf32>
    %eq3A_416 = arith.cmpf oeq, %broadcast_in_dim3A_373, %eq3A_415 : vector<256x16xf32>
    %eq3A_417 = vector.broadcast %select_n3A_406 : vector<256x1xf32> to vector<256x16xf32>
    %eq3A_418 = arith.cmpf oeq, %broadcast_in_dim3A_375, %eq3A_417 : vector<256x16xf32>
    %and3A_419 = arith.andi %eq3A_416, %eq3A_418 : vector<256x16xi1>
    %jit3A_420 = arith.constant 9.99999968E+37 : f32
    %broadcast_in_dim3A_421 = vector.broadcast %jit3A_420 : f32 to vector<256x16xf32>
    %select_n3A_422 = arith.select %and3A_419, %broadcast_in_dim3A_421, %broadcast_in_dim3A_373 : vector<256x16xi1>, vector<256x16xf32>
    %eq3A_423 = arith.constant 0 : i32
    %eq3A_424 = vector.broadcast %eq3A_423 : i32 to vector<256x16xi32>
    %eq3A_425 = arith.cmpi eq, %iota3A_362, %eq3A_424 : vector<256x16xi32>
    %broadcast_in_dim3A_426 = vector.shape_cast %select_n3A_405 : vector<256x1xf32> to vector<256x1xf32>
    %broadcast_in_dim3A_427 = vector.broadcast %broadcast_in_dim3A_426 : vector<256x1xf32> to vector<256x16xf32>
    %select_n3A_428 = arith.select %eq3A_425, %broadcast_in_dim3A_427, %broadcast_in_dim3A_381 : vector<256x16xi1>, vector<256x16xf32>
    %eq3A_429 = arith.constant 0 : i32
    %eq3A_430 = vector.broadcast %eq3A_429 : i32 to vector<256x16xi32>
    %eq3A_431 = arith.cmpi eq, %iota3A_362, %eq3A_430 : vector<256x16xi32>
    %broadcast_in_dim3A_432 = vector.shape_cast %select_n3A_406 : vector<256x1xf32> to vector<256x1xf32>
    %broadcast_in_dim3A_433 = vector.broadcast %broadcast_in_dim3A_432 : vector<256x1xf32> to vector<256x16xf32>
    %select_n3A_434 = arith.select %eq3A_431, %broadcast_in_dim3A_433, %broadcast_in_dim3A_383 : vector<256x16xi1>, vector<256x16xf32>
    %reduce_min3A_435 = arith.constant dense<0x7F800000> : vector<256xf32>
    %reduce_min3A_436 = vector.multi_reduction <minimumf>, %select_n3A_414, %reduce_min3A_435 [1] : vector<256x128xf32> to vector<256xf32>
    %broadcast_in_dim3A_437 = vector.shape_cast %reduce_min3A_436 : vector<256xf32> to vector<256x1xf32>
    %eq3A_438 = vector.broadcast %broadcast_in_dim3A_437 : vector<256x1xf32> to vector<256x128xf32>
    %eq3A_439 = arith.cmpf oeq, %select_n3A_414, %eq3A_438 : vector<256x128xf32>
    %jit3A_440 = arith.constant 1.000000e+09 : f32
    %broadcast_in_dim3A_441 = vector.broadcast %jit3A_440 : f32 to vector<256x128xf32>
    %select_n3A_442 = arith.select %eq3A_439, %add3A_379, %broadcast_in_dim3A_441 : vector<256x128xi1>, vector<256x128xf32>
    %reduce_min3A_443 = arith.constant dense<0x7F800000> : vector<256xf32>
    %reduce_min3A_444 = vector.multi_reduction <minimumf>, %select_n3A_442, %reduce_min3A_443 [1] : vector<256x128xf32> to vector<256xf32>
    %broadcast_in_dim3A_445 = vector.shape_cast %reduce_min3A_444 : vector<256xf32> to vector<256x1xf32>
    %reduce_min3A_446 = arith.constant dense<0x7F800000> : vector<256xf32>
    %reduce_min3A_447 = vector.multi_reduction <minimumf>, %select_n3A_422, %reduce_min3A_446 [1] : vector<256x16xf32> to vector<256xf32>
    %broadcast_in_dim3A_448 = vector.shape_cast %reduce_min3A_447 : vector<256xf32> to vector<256x1xf32>
    %eq3A_449 = vector.broadcast %broadcast_in_dim3A_448 : vector<256x1xf32> to vector<256x16xf32>
    %eq3A_450 = arith.cmpf oeq, %select_n3A_422, %eq3A_449 : vector<256x16xf32>
    %jit3A_451 = arith.constant 1.000000e+09 : f32
    %broadcast_in_dim3A_452 = vector.broadcast %jit3A_451 : f32 to vector<256x16xf32>
    %select_n3A_453 = arith.select %eq3A_450, %broadcast_in_dim3A_375, %broadcast_in_dim3A_452 : vector<256x16xi1>, vector<256x16xf32>
    %reduce_min3A_454 = arith.constant dense<0x7F800000> : vector<256xf32>
    %reduce_min3A_455 = vector.multi_reduction <minimumf>, %select_n3A_453, %reduce_min3A_454 [1] : vector<256x16xf32> to vector<256xf32>
    %broadcast_in_dim3A_456 = vector.shape_cast %reduce_min3A_455 : vector<256xf32> to vector<256x1xf32>
    %lt3A_457 = arith.cmpf olt, %broadcast_in_dim3A_437, %broadcast_in_dim3A_448 : vector<256x1xf32>
    %eq3A_458 = arith.cmpf oeq, %broadcast_in_dim3A_437, %broadcast_in_dim3A_448 : vector<256x1xf32>
    %lt3A_459 = arith.cmpf olt, %broadcast_in_dim3A_445, %broadcast_in_dim3A_456 : vector<256x1xf32>
    %and3A_460 = arith.andi %eq3A_458, %lt3A_459 : vector<256x1xi1>
    %or3A_461 = arith.ori %lt3A_457, %and3A_460 : vector<256x1xi1>
    %select_n3A_462 = arith.select %or3A_461, %broadcast_in_dim3A_437, %broadcast_in_dim3A_448 : vector<256x1xi1>, vector<256x1xf32>
    %select_n3A_463 = arith.select %or3A_461, %broadcast_in_dim3A_445, %broadcast_in_dim3A_456 : vector<256x1xi1>, vector<256x1xf32>
    %eq3A_464 = vector.broadcast %select_n3A_462 : vector<256x1xf32> to vector<256x128xf32>
    %eq3A_465 = arith.cmpf oeq, %select_n3A_414, %eq3A_464 : vector<256x128xf32>
    %eq3A_466 = vector.broadcast %select_n3A_463 : vector<256x1xf32> to vector<256x128xf32>
    %eq3A_467 = arith.cmpf oeq, %add3A_379, %eq3A_466 : vector<256x128xf32>
    %and3A_468 = arith.andi %eq3A_465, %eq3A_467 : vector<256x128xi1>
    %jit3A_469 = arith.constant 9.99999968E+37 : f32
    %broadcast_in_dim3A_470 = vector.broadcast %jit3A_469 : f32 to vector<256x128xf32>
    %select_n3A_471 = arith.select %and3A_468, %broadcast_in_dim3A_470, %select_n3A_414 : vector<256x128xi1>, vector<256x128xf32>
    %eq3A_472 = vector.broadcast %select_n3A_462 : vector<256x1xf32> to vector<256x16xf32>
    %eq3A_473 = arith.cmpf oeq, %select_n3A_422, %eq3A_472 : vector<256x16xf32>
    %eq3A_474 = vector.broadcast %select_n3A_463 : vector<256x1xf32> to vector<256x16xf32>
    %eq3A_475 = arith.cmpf oeq, %broadcast_in_dim3A_375, %eq3A_474 : vector<256x16xf32>
    %and3A_476 = arith.andi %eq3A_473, %eq3A_475 : vector<256x16xi1>
    %jit3A_477 = arith.constant 9.99999968E+37 : f32
    %broadcast_in_dim3A_478 = vector.broadcast %jit3A_477 : f32 to vector<256x16xf32>
    %select_n3A_479 = arith.select %and3A_476, %broadcast_in_dim3A_478, %select_n3A_422 : vector<256x16xi1>, vector<256x16xf32>
    %eq3A_480 = arith.constant 1 : i32
    %eq3A_481 = vector.broadcast %eq3A_480 : i32 to vector<256x16xi32>
    %eq3A_482 = arith.cmpi eq, %iota3A_362, %eq3A_481 : vector<256x16xi32>
    %broadcast_in_dim3A_483 = vector.shape_cast %select_n3A_462 : vector<256x1xf32> to vector<256x1xf32>
    %broadcast_in_dim3A_484 = vector.broadcast %broadcast_in_dim3A_483 : vector<256x1xf32> to vector<256x16xf32>
    %select_n3A_485 = arith.select %eq3A_482, %broadcast_in_dim3A_484, %select_n3A_428 : vector<256x16xi1>, vector<256x16xf32>
    %eq3A_486 = arith.constant 1 : i32
    %eq3A_487 = vector.broadcast %eq3A_486 : i32 to vector<256x16xi32>
    %eq3A_488 = arith.cmpi eq, %iota3A_362, %eq3A_487 : vector<256x16xi32>
    %broadcast_in_dim3A_489 = vector.shape_cast %select_n3A_463 : vector<256x1xf32> to vector<256x1xf32>
    %broadcast_in_dim3A_490 = vector.broadcast %broadcast_in_dim3A_489 : vector<256x1xf32> to vector<256x16xf32>
    %select_n3A_491 = arith.select %eq3A_488, %broadcast_in_dim3A_490, %select_n3A_434 : vector<256x16xi1>, vector<256x16xf32>
    %reduce_min3A_492 = arith.constant dense<0x7F800000> : vector<256xf32>
    %reduce_min3A_493 = vector.multi_reduction <minimumf>, %select_n3A_471, %reduce_min3A_492 [1] : vector<256x128xf32> to vector<256xf32>
    %broadcast_in_dim3A_494 = vector.shape_cast %reduce_min3A_493 : vector<256xf32> to vector<256x1xf32>
    %eq3A_495 = vector.broadcast %broadcast_in_dim3A_494 : vector<256x1xf32> to vector<256x128xf32>
    %eq3A_496 = arith.cmpf oeq, %select_n3A_471, %eq3A_495 : vector<256x128xf32>
    %jit3A_497 = arith.constant 1.000000e+09 : f32
    %broadcast_in_dim3A_498 = vector.broadcast %jit3A_497 : f32 to vector<256x128xf32>
    %select_n3A_499 = arith.select %eq3A_496, %add3A_379, %broadcast_in_dim3A_498 : vector<256x128xi1>, vector<256x128xf32>
    %reduce_min3A_500 = arith.constant dense<0x7F800000> : vector<256xf32>
    %reduce_min3A_501 = vector.multi_reduction <minimumf>, %select_n3A_499, %reduce_min3A_500 [1] : vector<256x128xf32> to vector<256xf32>
    %broadcast_in_dim3A_502 = vector.shape_cast %reduce_min3A_501 : vector<256xf32> to vector<256x1xf32>
    %reduce_min3A_503 = arith.constant dense<0x7F800000> : vector<256xf32>
    %reduce_min3A_504 = vector.multi_reduction <minimumf>, %select_n3A_479, %reduce_min3A_503 [1] : vector<256x16xf32> to vector<256xf32>
    %broadcast_in_dim3A_505 = vector.shape_cast %reduce_min3A_504 : vector<256xf32> to vector<256x1xf32>
    %eq3A_506 = vector.broadcast %broadcast_in_dim3A_505 : vector<256x1xf32> to vector<256x16xf32>
    %eq3A_507 = arith.cmpf oeq, %select_n3A_479, %eq3A_506 : vector<256x16xf32>
    %jit3A_508 = arith.constant 1.000000e+09 : f32
    %broadcast_in_dim3A_509 = vector.broadcast %jit3A_508 : f32 to vector<256x16xf32>
    %select_n3A_510 = arith.select %eq3A_507, %broadcast_in_dim3A_375, %broadcast_in_dim3A_509 : vector<256x16xi1>, vector<256x16xf32>
    %reduce_min3A_511 = arith.constant dense<0x7F800000> : vector<256xf32>
    %reduce_min3A_512 = vector.multi_reduction <minimumf>, %select_n3A_510, %reduce_min3A_511 [1] : vector<256x16xf32> to vector<256xf32>
    %broadcast_in_dim3A_513 = vector.shape_cast %reduce_min3A_512 : vector<256xf32> to vector<256x1xf32>
    %lt3A_514 = arith.cmpf olt, %broadcast_in_dim3A_494, %broadcast_in_dim3A_505 : vector<256x1xf32>
    %eq3A_515 = arith.cmpf oeq, %broadcast_in_dim3A_494, %broadcast_in_dim3A_505 : vector<256x1xf32>
    %lt3A_516 = arith.cmpf olt, %broadcast_in_dim3A_502, %broadcast_in_dim3A_513 : vector<256x1xf32>
    %and3A_517 = arith.andi %eq3A_515, %lt3A_516 : vector<256x1xi1>
    %or3A_518 = arith.ori %lt3A_514, %and3A_517 : vector<256x1xi1>
    %select_n3A_519 = arith.select %or3A_518, %broadcast_in_dim3A_494, %broadcast_in_dim3A_505 : vector<256x1xi1>, vector<256x1xf32>
    %select_n3A_520 = arith.select %or3A_518, %broadcast_in_dim3A_502, %broadcast_in_dim3A_513 : vector<256x1xi1>, vector<256x1xf32>
    %eq3A_521 = vector.broadcast %select_n3A_519 : vector<256x1xf32> to vector<256x128xf32>
    %eq3A_522 = arith.cmpf oeq, %select_n3A_471, %eq3A_521 : vector<256x128xf32>
    %eq3A_523 = vector.broadcast %select_n3A_520 : vector<256x1xf32> to vector<256x128xf32>
    %eq3A_524 = arith.cmpf oeq, %add3A_379, %eq3A_523 : vector<256x128xf32>
    %and3A_525 = arith.andi %eq3A_522, %eq3A_524 : vector<256x128xi1>
    %jit3A_526 = arith.constant 9.99999968E+37 : f32
    %broadcast_in_dim3A_527 = vector.broadcast %jit3A_526 : f32 to vector<256x128xf32>
    %select_n3A_528 = arith.select %and3A_525, %broadcast_in_dim3A_527, %select_n3A_471 : vector<256x128xi1>, vector<256x128xf32>
    %eq3A_529 = vector.broadcast %select_n3A_519 : vector<256x1xf32> to vector<256x16xf32>
    %eq3A_530 = arith.cmpf oeq, %select_n3A_479, %eq3A_529 : vector<256x16xf32>
    %eq3A_531 = vector.broadcast %select_n3A_520 : vector<256x1xf32> to vector<256x16xf32>
    %eq3A_532 = arith.cmpf oeq, %broadcast_in_dim3A_375, %eq3A_531 : vector<256x16xf32>
    %and3A_533 = arith.andi %eq3A_530, %eq3A_532 : vector<256x16xi1>
    %jit3A_534 = arith.constant 9.99999968E+37 : f32
    %broadcast_in_dim3A_535 = vector.broadcast %jit3A_534 : f32 to vector<256x16xf32>
    %select_n3A_536 = arith.select %and3A_533, %broadcast_in_dim3A_535, %select_n3A_479 : vector<256x16xi1>, vector<256x16xf32>
    %eq3A_537 = arith.constant 2 : i32
    %eq3A_538 = vector.broadcast %eq3A_537 : i32 to vector<256x16xi32>
    %eq3A_539 = arith.cmpi eq, %iota3A_362, %eq3A_538 : vector<256x16xi32>
    %broadcast_in_dim3A_540 = vector.shape_cast %select_n3A_519 : vector<256x1xf32> to vector<256x1xf32>
    %broadcast_in_dim3A_541 = vector.broadcast %broadcast_in_dim3A_540 : vector<256x1xf32> to vector<256x16xf32>
    %select_n3A_542 = arith.select %eq3A_539, %broadcast_in_dim3A_541, %select_n3A_485 : vector<256x16xi1>, vector<256x16xf32>
    %eq3A_543 = arith.constant 2 : i32
    %eq3A_544 = vector.broadcast %eq3A_543 : i32 to vector<256x16xi32>
    %eq3A_545 = arith.cmpi eq, %iota3A_362, %eq3A_544 : vector<256x16xi32>
    %broadcast_in_dim3A_546 = vector.shape_cast %select_n3A_520 : vector<256x1xf32> to vector<256x1xf32>
    %broadcast_in_dim3A_547 = vector.broadcast %broadcast_in_dim3A_546 : vector<256x1xf32> to vector<256x16xf32>
    %select_n3A_548 = arith.select %eq3A_545, %broadcast_in_dim3A_547, %select_n3A_491 : vector<256x16xi1>, vector<256x16xf32>
    %reduce_min3A_549 = arith.constant dense<0x7F800000> : vector<256xf32>
    %reduce_min3A_550 = vector.multi_reduction <minimumf>, %select_n3A_528, %reduce_min3A_549 [1] : vector<256x128xf32> to vector<256xf32>
    %broadcast_in_dim3A_551 = vector.shape_cast %reduce_min3A_550 : vector<256xf32> to vector<256x1xf32>
    %eq3A_552 = vector.broadcast %broadcast_in_dim3A_551 : vector<256x1xf32> to vector<256x128xf32>
    %eq3A_553 = arith.cmpf oeq, %select_n3A_528, %eq3A_552 : vector<256x128xf32>
    %jit3A_554 = arith.constant 1.000000e+09 : f32
    %broadcast_in_dim3A_555 = vector.broadcast %jit3A_554 : f32 to vector<256x128xf32>
    %select_n3A_556 = arith.select %eq3A_553, %add3A_379, %broadcast_in_dim3A_555 : vector<256x128xi1>, vector<256x128xf32>
    %reduce_min3A_557 = arith.constant dense<0x7F800000> : vector<256xf32>
    %reduce_min3A_558 = vector.multi_reduction <minimumf>, %select_n3A_556, %reduce_min3A_557 [1] : vector<256x128xf32> to vector<256xf32>
    %broadcast_in_dim3A_559 = vector.shape_cast %reduce_min3A_558 : vector<256xf32> to vector<256x1xf32>
    %reduce_min3A_560 = arith.constant dense<0x7F800000> : vector<256xf32>
    %reduce_min3A_561 = vector.multi_reduction <minimumf>, %select_n3A_536, %reduce_min3A_560 [1] : vector<256x16xf32> to vector<256xf32>
    %broadcast_in_dim3A_562 = vector.shape_cast %reduce_min3A_561 : vector<256xf32> to vector<256x1xf32>
    %eq3A_563 = vector.broadcast %broadcast_in_dim3A_562 : vector<256x1xf32> to vector<256x16xf32>
    %eq3A_564 = arith.cmpf oeq, %select_n3A_536, %eq3A_563 : vector<256x16xf32>
    %jit3A_565 = arith.constant 1.000000e+09 : f32
    %broadcast_in_dim3A_566 = vector.broadcast %jit3A_565 : f32 to vector<256x16xf32>
    %select_n3A_567 = arith.select %eq3A_564, %broadcast_in_dim3A_375, %broadcast_in_dim3A_566 : vector<256x16xi1>, vector<256x16xf32>
    %reduce_min3A_568 = arith.constant dense<0x7F800000> : vector<256xf32>
    %reduce_min3A_569 = vector.multi_reduction <minimumf>, %select_n3A_567, %reduce_min3A_568 [1] : vector<256x16xf32> to vector<256xf32>
    %broadcast_in_dim3A_570 = vector.shape_cast %reduce_min3A_569 : vector<256xf32> to vector<256x1xf32>
    %lt3A_571 = arith.cmpf olt, %broadcast_in_dim3A_551, %broadcast_in_dim3A_562 : vector<256x1xf32>
    %eq3A_572 = arith.cmpf oeq, %broadcast_in_dim3A_551, %broadcast_in_dim3A_562 : vector<256x1xf32>
    %lt3A_573 = arith.cmpf olt, %broadcast_in_dim3A_559, %broadcast_in_dim3A_570 : vector<256x1xf32>
    %and3A_574 = arith.andi %eq3A_572, %lt3A_573 : vector<256x1xi1>
    %or3A_575 = arith.ori %lt3A_571, %and3A_574 : vector<256x1xi1>
    %select_n3A_576 = arith.select %or3A_575, %broadcast_in_dim3A_551, %broadcast_in_dim3A_562 : vector<256x1xi1>, vector<256x1xf32>
    %select_n3A_577 = arith.select %or3A_575, %broadcast_in_dim3A_559, %broadcast_in_dim3A_570 : vector<256x1xi1>, vector<256x1xf32>
    %eq3A_578 = vector.broadcast %select_n3A_576 : vector<256x1xf32> to vector<256x128xf32>
    %eq3A_579 = arith.cmpf oeq, %select_n3A_528, %eq3A_578 : vector<256x128xf32>
    %eq3A_580 = vector.broadcast %select_n3A_577 : vector<256x1xf32> to vector<256x128xf32>
    %eq3A_581 = arith.cmpf oeq, %add3A_379, %eq3A_580 : vector<256x128xf32>
    %and3A_582 = arith.andi %eq3A_579, %eq3A_581 : vector<256x128xi1>
    %jit3A_583 = arith.constant 9.99999968E+37 : f32
    %broadcast_in_dim3A_584 = vector.broadcast %jit3A_583 : f32 to vector<256x128xf32>
    %select_n3A_585 = arith.select %and3A_582, %broadcast_in_dim3A_584, %select_n3A_528 : vector<256x128xi1>, vector<256x128xf32>
    %eq3A_586 = vector.broadcast %select_n3A_576 : vector<256x1xf32> to vector<256x16xf32>
    %eq3A_587 = arith.cmpf oeq, %select_n3A_536, %eq3A_586 : vector<256x16xf32>
    %eq3A_588 = vector.broadcast %select_n3A_577 : vector<256x1xf32> to vector<256x16xf32>
    %eq3A_589 = arith.cmpf oeq, %broadcast_in_dim3A_375, %eq3A_588 : vector<256x16xf32>
    %and3A_590 = arith.andi %eq3A_587, %eq3A_589 : vector<256x16xi1>
    %jit3A_591 = arith.constant 9.99999968E+37 : f32
    %broadcast_in_dim3A_592 = vector.broadcast %jit3A_591 : f32 to vector<256x16xf32>
    %select_n3A_593 = arith.select %and3A_590, %broadcast_in_dim3A_592, %select_n3A_536 : vector<256x16xi1>, vector<256x16xf32>
    %eq3A_594 = arith.constant 3 : i32
    %eq3A_595 = vector.broadcast %eq3A_594 : i32 to vector<256x16xi32>
    %eq3A_596 = arith.cmpi eq, %iota3A_362, %eq3A_595 : vector<256x16xi32>
    %broadcast_in_dim3A_597 = vector.shape_cast %select_n3A_576 : vector<256x1xf32> to vector<256x1xf32>
    %broadcast_in_dim3A_598 = vector.broadcast %broadcast_in_dim3A_597 : vector<256x1xf32> to vector<256x16xf32>
    %select_n3A_599 = arith.select %eq3A_596, %broadcast_in_dim3A_598, %select_n3A_542 : vector<256x16xi1>, vector<256x16xf32>
    %eq3A_600 = arith.constant 3 : i32
    %eq3A_601 = vector.broadcast %eq3A_600 : i32 to vector<256x16xi32>
    %eq3A_602 = arith.cmpi eq, %iota3A_362, %eq3A_601 : vector<256x16xi32>
    %broadcast_in_dim3A_603 = vector.shape_cast %select_n3A_577 : vector<256x1xf32> to vector<256x1xf32>
    %broadcast_in_dim3A_604 = vector.broadcast %broadcast_in_dim3A_603 : vector<256x1xf32> to vector<256x16xf32>
    %select_n3A_605 = arith.select %eq3A_602, %broadcast_in_dim3A_604, %select_n3A_548 : vector<256x16xi1>, vector<256x16xf32>
    %reduce_min3A_606 = arith.constant dense<0x7F800000> : vector<256xf32>
    %reduce_min3A_607 = vector.multi_reduction <minimumf>, %select_n3A_585, %reduce_min3A_606 [1] : vector<256x128xf32> to vector<256xf32>
    %broadcast_in_dim3A_608 = vector.shape_cast %reduce_min3A_607 : vector<256xf32> to vector<256x1xf32>
    %eq3A_609 = vector.broadcast %broadcast_in_dim3A_608 : vector<256x1xf32> to vector<256x128xf32>
    %eq3A_610 = arith.cmpf oeq, %select_n3A_585, %eq3A_609 : vector<256x128xf32>
    %jit3A_611 = arith.constant 1.000000e+09 : f32
    %broadcast_in_dim3A_612 = vector.broadcast %jit3A_611 : f32 to vector<256x128xf32>
    %select_n3A_613 = arith.select %eq3A_610, %add3A_379, %broadcast_in_dim3A_612 : vector<256x128xi1>, vector<256x128xf32>
    %reduce_min3A_614 = arith.constant dense<0x7F800000> : vector<256xf32>
    %reduce_min3A_615 = vector.multi_reduction <minimumf>, %select_n3A_613, %reduce_min3A_614 [1] : vector<256x128xf32> to vector<256xf32>
    %broadcast_in_dim3A_616 = vector.shape_cast %reduce_min3A_615 : vector<256xf32> to vector<256x1xf32>
    %reduce_min3A_617 = arith.constant dense<0x7F800000> : vector<256xf32>
    %reduce_min3A_618 = vector.multi_reduction <minimumf>, %select_n3A_593, %reduce_min3A_617 [1] : vector<256x16xf32> to vector<256xf32>
    %broadcast_in_dim3A_619 = vector.shape_cast %reduce_min3A_618 : vector<256xf32> to vector<256x1xf32>
    %eq3A_620 = vector.broadcast %broadcast_in_dim3A_619 : vector<256x1xf32> to vector<256x16xf32>
    %eq3A_621 = arith.cmpf oeq, %select_n3A_593, %eq3A_620 : vector<256x16xf32>
    %jit3A_622 = arith.constant 1.000000e+09 : f32
    %broadcast_in_dim3A_623 = vector.broadcast %jit3A_622 : f32 to vector<256x16xf32>
    %select_n3A_624 = arith.select %eq3A_621, %broadcast_in_dim3A_375, %broadcast_in_dim3A_623 : vector<256x16xi1>, vector<256x16xf32>
    %reduce_min3A_625 = arith.constant dense<0x7F800000> : vector<256xf32>
    %reduce_min3A_626 = vector.multi_reduction <minimumf>, %select_n3A_624, %reduce_min3A_625 [1] : vector<256x16xf32> to vector<256xf32>
    %broadcast_in_dim3A_627 = vector.shape_cast %reduce_min3A_626 : vector<256xf32> to vector<256x1xf32>
    %lt3A_628 = arith.cmpf olt, %broadcast_in_dim3A_608, %broadcast_in_dim3A_619 : vector<256x1xf32>
    %eq3A_629 = arith.cmpf oeq, %broadcast_in_dim3A_608, %broadcast_in_dim3A_619 : vector<256x1xf32>
    %lt3A_630 = arith.cmpf olt, %broadcast_in_dim3A_616, %broadcast_in_dim3A_627 : vector<256x1xf32>
    %and3A_631 = arith.andi %eq3A_629, %lt3A_630 : vector<256x1xi1>
    %or3A_632 = arith.ori %lt3A_628, %and3A_631 : vector<256x1xi1>
    %select_n3A_633 = arith.select %or3A_632, %broadcast_in_dim3A_608, %broadcast_in_dim3A_619 : vector<256x1xi1>, vector<256x1xf32>
    %select_n3A_634 = arith.select %or3A_632, %broadcast_in_dim3A_616, %broadcast_in_dim3A_627 : vector<256x1xi1>, vector<256x1xf32>
    %eq3A_635 = vector.broadcast %select_n3A_633 : vector<256x1xf32> to vector<256x128xf32>
    %eq3A_636 = arith.cmpf oeq, %select_n3A_585, %eq3A_635 : vector<256x128xf32>
    %eq3A_637 = vector.broadcast %select_n3A_634 : vector<256x1xf32> to vector<256x128xf32>
    %eq3A_638 = arith.cmpf oeq, %add3A_379, %eq3A_637 : vector<256x128xf32>
    %and3A_639 = arith.andi %eq3A_636, %eq3A_638 : vector<256x128xi1>
    %jit3A_640 = arith.constant 9.99999968E+37 : f32
    %broadcast_in_dim3A_641 = vector.broadcast %jit3A_640 : f32 to vector<256x128xf32>
    %select_n3A_642 = arith.select %and3A_639, %broadcast_in_dim3A_641, %select_n3A_585 : vector<256x128xi1>, vector<256x128xf32>
    %eq3A_643 = vector.broadcast %select_n3A_633 : vector<256x1xf32> to vector<256x16xf32>
    %eq3A_644 = arith.cmpf oeq, %select_n3A_593, %eq3A_643 : vector<256x16xf32>
    %eq3A_645 = vector.broadcast %select_n3A_634 : vector<256x1xf32> to vector<256x16xf32>
    %eq3A_646 = arith.cmpf oeq, %broadcast_in_dim3A_375, %eq3A_645 : vector<256x16xf32>
    %and3A_647 = arith.andi %eq3A_644, %eq3A_646 : vector<256x16xi1>
    %jit3A_648 = arith.constant 9.99999968E+37 : f32
    %broadcast_in_dim3A_649 = vector.broadcast %jit3A_648 : f32 to vector<256x16xf32>
    %select_n3A_650 = arith.select %and3A_647, %broadcast_in_dim3A_649, %select_n3A_593 : vector<256x16xi1>, vector<256x16xf32>
    %eq3A_651 = arith.constant 4 : i32
    %eq3A_652 = vector.broadcast %eq3A_651 : i32 to vector<256x16xi32>
    %eq3A_653 = arith.cmpi eq, %iota3A_362, %eq3A_652 : vector<256x16xi32>
    %broadcast_in_dim3A_654 = vector.shape_cast %select_n3A_633 : vector<256x1xf32> to vector<256x1xf32>
    %broadcast_in_dim3A_655 = vector.broadcast %broadcast_in_dim3A_654 : vector<256x1xf32> to vector<256x16xf32>
    %select_n3A_656 = arith.select %eq3A_653, %broadcast_in_dim3A_655, %select_n3A_599 : vector<256x16xi1>, vector<256x16xf32>
    %eq3A_657 = arith.constant 4 : i32
    %eq3A_658 = vector.broadcast %eq3A_657 : i32 to vector<256x16xi32>
    %eq3A_659 = arith.cmpi eq, %iota3A_362, %eq3A_658 : vector<256x16xi32>
    %broadcast_in_dim3A_660 = vector.shape_cast %select_n3A_634 : vector<256x1xf32> to vector<256x1xf32>
    %broadcast_in_dim3A_661 = vector.broadcast %broadcast_in_dim3A_660 : vector<256x1xf32> to vector<256x16xf32>
    %select_n3A_662 = arith.select %eq3A_659, %broadcast_in_dim3A_661, %select_n3A_605 : vector<256x16xi1>, vector<256x16xf32>
    %reduce_min3A_663 = arith.constant dense<0x7F800000> : vector<256xf32>
    %reduce_min3A_664 = vector.multi_reduction <minimumf>, %select_n3A_642, %reduce_min3A_663 [1] : vector<256x128xf32> to vector<256xf32>
    %broadcast_in_dim3A_665 = vector.shape_cast %reduce_min3A_664 : vector<256xf32> to vector<256x1xf32>
    %eq3A_666 = vector.broadcast %broadcast_in_dim3A_665 : vector<256x1xf32> to vector<256x128xf32>
    %eq3A_667 = arith.cmpf oeq, %select_n3A_642, %eq3A_666 : vector<256x128xf32>
    %jit3A_668 = arith.constant 1.000000e+09 : f32
    %broadcast_in_dim3A_669 = vector.broadcast %jit3A_668 : f32 to vector<256x128xf32>
    %select_n3A_670 = arith.select %eq3A_667, %add3A_379, %broadcast_in_dim3A_669 : vector<256x128xi1>, vector<256x128xf32>
    %reduce_min3A_671 = arith.constant dense<0x7F800000> : vector<256xf32>
    %reduce_min3A_672 = vector.multi_reduction <minimumf>, %select_n3A_670, %reduce_min3A_671 [1] : vector<256x128xf32> to vector<256xf32>
    %broadcast_in_dim3A_673 = vector.shape_cast %reduce_min3A_672 : vector<256xf32> to vector<256x1xf32>
    %reduce_min3A_674 = arith.constant dense<0x7F800000> : vector<256xf32>
    %reduce_min3A_675 = vector.multi_reduction <minimumf>, %select_n3A_650, %reduce_min3A_674 [1] : vector<256x16xf32> to vector<256xf32>
    %broadcast_in_dim3A_676 = vector.shape_cast %reduce_min3A_675 : vector<256xf32> to vector<256x1xf32>
    %eq3A_677 = vector.broadcast %broadcast_in_dim3A_676 : vector<256x1xf32> to vector<256x16xf32>
    %eq3A_678 = arith.cmpf oeq, %select_n3A_650, %eq3A_677 : vector<256x16xf32>
    %jit3A_679 = arith.constant 1.000000e+09 : f32
    %broadcast_in_dim3A_680 = vector.broadcast %jit3A_679 : f32 to vector<256x16xf32>
    %select_n3A_681 = arith.select %eq3A_678, %broadcast_in_dim3A_375, %broadcast_in_dim3A_680 : vector<256x16xi1>, vector<256x16xf32>
    %reduce_min3A_682 = arith.constant dense<0x7F800000> : vector<256xf32>
    %reduce_min3A_683 = vector.multi_reduction <minimumf>, %select_n3A_681, %reduce_min3A_682 [1] : vector<256x16xf32> to vector<256xf32>
    %broadcast_in_dim3A_684 = vector.shape_cast %reduce_min3A_683 : vector<256xf32> to vector<256x1xf32>
    %lt3A_685 = arith.cmpf olt, %broadcast_in_dim3A_665, %broadcast_in_dim3A_676 : vector<256x1xf32>
    %eq3A_686 = arith.cmpf oeq, %broadcast_in_dim3A_665, %broadcast_in_dim3A_676 : vector<256x1xf32>
    %lt3A_687 = arith.cmpf olt, %broadcast_in_dim3A_673, %broadcast_in_dim3A_684 : vector<256x1xf32>
    %and3A_688 = arith.andi %eq3A_686, %lt3A_687 : vector<256x1xi1>
    %or3A_689 = arith.ori %lt3A_685, %and3A_688 : vector<256x1xi1>
    %select_n3A_690 = arith.select %or3A_689, %broadcast_in_dim3A_665, %broadcast_in_dim3A_676 : vector<256x1xi1>, vector<256x1xf32>
    %select_n3A_691 = arith.select %or3A_689, %broadcast_in_dim3A_673, %broadcast_in_dim3A_684 : vector<256x1xi1>, vector<256x1xf32>
    %eq3A_692 = vector.broadcast %select_n3A_690 : vector<256x1xf32> to vector<256x128xf32>
    %eq3A_693 = arith.cmpf oeq, %select_n3A_642, %eq3A_692 : vector<256x128xf32>
    %eq3A_694 = vector.broadcast %select_n3A_691 : vector<256x1xf32> to vector<256x128xf32>
    %eq3A_695 = arith.cmpf oeq, %add3A_379, %eq3A_694 : vector<256x128xf32>
    %and3A_696 = arith.andi %eq3A_693, %eq3A_695 : vector<256x128xi1>
    %jit3A_697 = arith.constant 9.99999968E+37 : f32
    %broadcast_in_dim3A_698 = vector.broadcast %jit3A_697 : f32 to vector<256x128xf32>
    %select_n3A_699 = arith.select %and3A_696, %broadcast_in_dim3A_698, %select_n3A_642 : vector<256x128xi1>, vector<256x128xf32>
    %eq3A_700 = vector.broadcast %select_n3A_690 : vector<256x1xf32> to vector<256x16xf32>
    %eq3A_701 = arith.cmpf oeq, %select_n3A_650, %eq3A_700 : vector<256x16xf32>
    %eq3A_702 = vector.broadcast %select_n3A_691 : vector<256x1xf32> to vector<256x16xf32>
    %eq3A_703 = arith.cmpf oeq, %broadcast_in_dim3A_375, %eq3A_702 : vector<256x16xf32>
    %and3A_704 = arith.andi %eq3A_701, %eq3A_703 : vector<256x16xi1>
    %jit3A_705 = arith.constant 9.99999968E+37 : f32
    %broadcast_in_dim3A_706 = vector.broadcast %jit3A_705 : f32 to vector<256x16xf32>
    %select_n3A_707 = arith.select %and3A_704, %broadcast_in_dim3A_706, %select_n3A_650 : vector<256x16xi1>, vector<256x16xf32>
    %eq3A_708 = arith.constant 5 : i32
    %eq3A_709 = vector.broadcast %eq3A_708 : i32 to vector<256x16xi32>
    %eq3A_710 = arith.cmpi eq, %iota3A_362, %eq3A_709 : vector<256x16xi32>
    %broadcast_in_dim3A_711 = vector.shape_cast %select_n3A_690 : vector<256x1xf32> to vector<256x1xf32>
    %broadcast_in_dim3A_712 = vector.broadcast %broadcast_in_dim3A_711 : vector<256x1xf32> to vector<256x16xf32>
    %select_n3A_713 = arith.select %eq3A_710, %broadcast_in_dim3A_712, %select_n3A_656 : vector<256x16xi1>, vector<256x16xf32>
    %eq3A_714 = arith.constant 5 : i32
    %eq3A_715 = vector.broadcast %eq3A_714 : i32 to vector<256x16xi32>
    %eq3A_716 = arith.cmpi eq, %iota3A_362, %eq3A_715 : vector<256x16xi32>
    %broadcast_in_dim3A_717 = vector.shape_cast %select_n3A_691 : vector<256x1xf32> to vector<256x1xf32>
    %broadcast_in_dim3A_718 = vector.broadcast %broadcast_in_dim3A_717 : vector<256x1xf32> to vector<256x16xf32>
    %select_n3A_719 = arith.select %eq3A_716, %broadcast_in_dim3A_718, %select_n3A_662 : vector<256x16xi1>, vector<256x16xf32>
    %reduce_min3A_720 = arith.constant dense<0x7F800000> : vector<256xf32>
    %reduce_min3A_721 = vector.multi_reduction <minimumf>, %select_n3A_699, %reduce_min3A_720 [1] : vector<256x128xf32> to vector<256xf32>
    %broadcast_in_dim3A_722 = vector.shape_cast %reduce_min3A_721 : vector<256xf32> to vector<256x1xf32>
    %eq3A_723 = vector.broadcast %broadcast_in_dim3A_722 : vector<256x1xf32> to vector<256x128xf32>
    %eq3A_724 = arith.cmpf oeq, %select_n3A_699, %eq3A_723 : vector<256x128xf32>
    %jit3A_725 = arith.constant 1.000000e+09 : f32
    %broadcast_in_dim3A_726 = vector.broadcast %jit3A_725 : f32 to vector<256x128xf32>
    %select_n3A_727 = arith.select %eq3A_724, %add3A_379, %broadcast_in_dim3A_726 : vector<256x128xi1>, vector<256x128xf32>
    %reduce_min3A_728 = arith.constant dense<0x7F800000> : vector<256xf32>
    %reduce_min3A_729 = vector.multi_reduction <minimumf>, %select_n3A_727, %reduce_min3A_728 [1] : vector<256x128xf32> to vector<256xf32>
    %broadcast_in_dim3A_730 = vector.shape_cast %reduce_min3A_729 : vector<256xf32> to vector<256x1xf32>
    %reduce_min3A_731 = arith.constant dense<0x7F800000> : vector<256xf32>
    %reduce_min3A_732 = vector.multi_reduction <minimumf>, %select_n3A_707, %reduce_min3A_731 [1] : vector<256x16xf32> to vector<256xf32>
    %broadcast_in_dim3A_733 = vector.shape_cast %reduce_min3A_732 : vector<256xf32> to vector<256x1xf32>
    %eq3A_734 = vector.broadcast %broadcast_in_dim3A_733 : vector<256x1xf32> to vector<256x16xf32>
    %eq3A_735 = arith.cmpf oeq, %select_n3A_707, %eq3A_734 : vector<256x16xf32>
    %jit3A_736 = arith.constant 1.000000e+09 : f32
    %broadcast_in_dim3A_737 = vector.broadcast %jit3A_736 : f32 to vector<256x16xf32>
    %select_n3A_738 = arith.select %eq3A_735, %broadcast_in_dim3A_375, %broadcast_in_dim3A_737 : vector<256x16xi1>, vector<256x16xf32>
    %reduce_min3A_739 = arith.constant dense<0x7F800000> : vector<256xf32>
    %reduce_min3A_740 = vector.multi_reduction <minimumf>, %select_n3A_738, %reduce_min3A_739 [1] : vector<256x16xf32> to vector<256xf32>
    %broadcast_in_dim3A_741 = vector.shape_cast %reduce_min3A_740 : vector<256xf32> to vector<256x1xf32>
    %lt3A_742 = arith.cmpf olt, %broadcast_in_dim3A_722, %broadcast_in_dim3A_733 : vector<256x1xf32>
    %eq3A_743 = arith.cmpf oeq, %broadcast_in_dim3A_722, %broadcast_in_dim3A_733 : vector<256x1xf32>
    %lt3A_744 = arith.cmpf olt, %broadcast_in_dim3A_730, %broadcast_in_dim3A_741 : vector<256x1xf32>
    %and3A_745 = arith.andi %eq3A_743, %lt3A_744 : vector<256x1xi1>
    %or3A_746 = arith.ori %lt3A_742, %and3A_745 : vector<256x1xi1>
    %select_n3A_747 = arith.select %or3A_746, %broadcast_in_dim3A_722, %broadcast_in_dim3A_733 : vector<256x1xi1>, vector<256x1xf32>
    %select_n3A_748 = arith.select %or3A_746, %broadcast_in_dim3A_730, %broadcast_in_dim3A_741 : vector<256x1xi1>, vector<256x1xf32>
    %eq3A_749 = vector.broadcast %select_n3A_747 : vector<256x1xf32> to vector<256x128xf32>
    %eq3A_750 = arith.cmpf oeq, %select_n3A_699, %eq3A_749 : vector<256x128xf32>
    %eq3A_751 = vector.broadcast %select_n3A_748 : vector<256x1xf32> to vector<256x128xf32>
    %eq3A_752 = arith.cmpf oeq, %add3A_379, %eq3A_751 : vector<256x128xf32>
    %and3A_753 = arith.andi %eq3A_750, %eq3A_752 : vector<256x128xi1>
    %jit3A_754 = arith.constant 9.99999968E+37 : f32
    %broadcast_in_dim3A_755 = vector.broadcast %jit3A_754 : f32 to vector<256x128xf32>
    %select_n3A_756 = arith.select %and3A_753, %broadcast_in_dim3A_755, %select_n3A_699 : vector<256x128xi1>, vector<256x128xf32>
    %eq3A_757 = vector.broadcast %select_n3A_747 : vector<256x1xf32> to vector<256x16xf32>
    %eq3A_758 = arith.cmpf oeq, %select_n3A_707, %eq3A_757 : vector<256x16xf32>
    %eq3A_759 = vector.broadcast %select_n3A_748 : vector<256x1xf32> to vector<256x16xf32>
    %eq3A_760 = arith.cmpf oeq, %broadcast_in_dim3A_375, %eq3A_759 : vector<256x16xf32>
    %and3A_761 = arith.andi %eq3A_758, %eq3A_760 : vector<256x16xi1>
    %jit3A_762 = arith.constant 9.99999968E+37 : f32
    %broadcast_in_dim3A_763 = vector.broadcast %jit3A_762 : f32 to vector<256x16xf32>
    %select_n3A_764 = arith.select %and3A_761, %broadcast_in_dim3A_763, %select_n3A_707 : vector<256x16xi1>, vector<256x16xf32>
    %eq3A_765 = arith.constant 6 : i32
    %eq3A_766 = vector.broadcast %eq3A_765 : i32 to vector<256x16xi32>
    %eq3A_767 = arith.cmpi eq, %iota3A_362, %eq3A_766 : vector<256x16xi32>
    %broadcast_in_dim3A_768 = vector.shape_cast %select_n3A_747 : vector<256x1xf32> to vector<256x1xf32>
    %broadcast_in_dim3A_769 = vector.broadcast %broadcast_in_dim3A_768 : vector<256x1xf32> to vector<256x16xf32>
    %select_n3A_770 = arith.select %eq3A_767, %broadcast_in_dim3A_769, %select_n3A_713 : vector<256x16xi1>, vector<256x16xf32>
    %eq3A_771 = arith.constant 6 : i32
    %eq3A_772 = vector.broadcast %eq3A_771 : i32 to vector<256x16xi32>
    %eq3A_773 = arith.cmpi eq, %iota3A_362, %eq3A_772 : vector<256x16xi32>
    %broadcast_in_dim3A_774 = vector.shape_cast %select_n3A_748 : vector<256x1xf32> to vector<256x1xf32>
    %broadcast_in_dim3A_775 = vector.broadcast %broadcast_in_dim3A_774 : vector<256x1xf32> to vector<256x16xf32>
    %select_n3A_776 = arith.select %eq3A_773, %broadcast_in_dim3A_775, %select_n3A_719 : vector<256x16xi1>, vector<256x16xf32>
    %reduce_min3A_777 = arith.constant dense<0x7F800000> : vector<256xf32>
    %reduce_min3A_778 = vector.multi_reduction <minimumf>, %select_n3A_756, %reduce_min3A_777 [1] : vector<256x128xf32> to vector<256xf32>
    %broadcast_in_dim3A_779 = vector.shape_cast %reduce_min3A_778 : vector<256xf32> to vector<256x1xf32>
    %eq3A_780 = vector.broadcast %broadcast_in_dim3A_779 : vector<256x1xf32> to vector<256x128xf32>
    %eq3A_781 = arith.cmpf oeq, %select_n3A_756, %eq3A_780 : vector<256x128xf32>
    %jit3A_782 = arith.constant 1.000000e+09 : f32
    %broadcast_in_dim3A_783 = vector.broadcast %jit3A_782 : f32 to vector<256x128xf32>
    %select_n3A_784 = arith.select %eq3A_781, %add3A_379, %broadcast_in_dim3A_783 : vector<256x128xi1>, vector<256x128xf32>
    %reduce_min3A_785 = arith.constant dense<0x7F800000> : vector<256xf32>
    %reduce_min3A_786 = vector.multi_reduction <minimumf>, %select_n3A_784, %reduce_min3A_785 [1] : vector<256x128xf32> to vector<256xf32>
    %broadcast_in_dim3A_787 = vector.shape_cast %reduce_min3A_786 : vector<256xf32> to vector<256x1xf32>
    %reduce_min3A_788 = arith.constant dense<0x7F800000> : vector<256xf32>
    %reduce_min3A_789 = vector.multi_reduction <minimumf>, %select_n3A_764, %reduce_min3A_788 [1] : vector<256x16xf32> to vector<256xf32>
    %broadcast_in_dim3A_790 = vector.shape_cast %reduce_min3A_789 : vector<256xf32> to vector<256x1xf32>
    %eq3A_791 = vector.broadcast %broadcast_in_dim3A_790 : vector<256x1xf32> to vector<256x16xf32>
    %eq3A_792 = arith.cmpf oeq, %select_n3A_764, %eq3A_791 : vector<256x16xf32>
    %jit3A_793 = arith.constant 1.000000e+09 : f32
    %broadcast_in_dim3A_794 = vector.broadcast %jit3A_793 : f32 to vector<256x16xf32>
    %select_n3A_795 = arith.select %eq3A_792, %broadcast_in_dim3A_375, %broadcast_in_dim3A_794 : vector<256x16xi1>, vector<256x16xf32>
    %reduce_min3A_796 = arith.constant dense<0x7F800000> : vector<256xf32>
    %reduce_min3A_797 = vector.multi_reduction <minimumf>, %select_n3A_795, %reduce_min3A_796 [1] : vector<256x16xf32> to vector<256xf32>
    %broadcast_in_dim3A_798 = vector.shape_cast %reduce_min3A_797 : vector<256xf32> to vector<256x1xf32>
    %lt3A_799 = arith.cmpf olt, %broadcast_in_dim3A_779, %broadcast_in_dim3A_790 : vector<256x1xf32>
    %eq3A_800 = arith.cmpf oeq, %broadcast_in_dim3A_779, %broadcast_in_dim3A_790 : vector<256x1xf32>
    %lt3A_801 = arith.cmpf olt, %broadcast_in_dim3A_787, %broadcast_in_dim3A_798 : vector<256x1xf32>
    %and3A_802 = arith.andi %eq3A_800, %lt3A_801 : vector<256x1xi1>
    %or3A_803 = arith.ori %lt3A_799, %and3A_802 : vector<256x1xi1>
    %select_n3A_804 = arith.select %or3A_803, %broadcast_in_dim3A_779, %broadcast_in_dim3A_790 : vector<256x1xi1>, vector<256x1xf32>
    %select_n3A_805 = arith.select %or3A_803, %broadcast_in_dim3A_787, %broadcast_in_dim3A_798 : vector<256x1xi1>, vector<256x1xf32>
    %eq3A_806 = vector.broadcast %select_n3A_804 : vector<256x1xf32> to vector<256x128xf32>
    %eq3A_807 = arith.cmpf oeq, %select_n3A_756, %eq3A_806 : vector<256x128xf32>
    %eq3A_808 = vector.broadcast %select_n3A_805 : vector<256x1xf32> to vector<256x128xf32>
    %eq3A_809 = arith.cmpf oeq, %add3A_379, %eq3A_808 : vector<256x128xf32>
    %and3A_810 = arith.andi %eq3A_807, %eq3A_809 : vector<256x128xi1>
    %jit3A_811 = arith.constant 9.99999968E+37 : f32
    %broadcast_in_dim3A_812 = vector.broadcast %jit3A_811 : f32 to vector<256x128xf32>
    %select_n3A_813 = arith.select %and3A_810, %broadcast_in_dim3A_812, %select_n3A_756 : vector<256x128xi1>, vector<256x128xf32>
    %eq3A_814 = vector.broadcast %select_n3A_804 : vector<256x1xf32> to vector<256x16xf32>
    %eq3A_815 = arith.cmpf oeq, %select_n3A_764, %eq3A_814 : vector<256x16xf32>
    %eq3A_816 = vector.broadcast %select_n3A_805 : vector<256x1xf32> to vector<256x16xf32>
    %eq3A_817 = arith.cmpf oeq, %broadcast_in_dim3A_375, %eq3A_816 : vector<256x16xf32>
    %and3A_818 = arith.andi %eq3A_815, %eq3A_817 : vector<256x16xi1>
    %jit3A_819 = arith.constant 9.99999968E+37 : f32
    %broadcast_in_dim3A_820 = vector.broadcast %jit3A_819 : f32 to vector<256x16xf32>
    %select_n3A_821 = arith.select %and3A_818, %broadcast_in_dim3A_820, %select_n3A_764 : vector<256x16xi1>, vector<256x16xf32>
    %eq3A_822 = arith.constant 7 : i32
    %eq3A_823 = vector.broadcast %eq3A_822 : i32 to vector<256x16xi32>
    %eq3A_824 = arith.cmpi eq, %iota3A_362, %eq3A_823 : vector<256x16xi32>
    %broadcast_in_dim3A_825 = vector.shape_cast %select_n3A_804 : vector<256x1xf32> to vector<256x1xf32>
    %broadcast_in_dim3A_826 = vector.broadcast %broadcast_in_dim3A_825 : vector<256x1xf32> to vector<256x16xf32>
    %select_n3A_827 = arith.select %eq3A_824, %broadcast_in_dim3A_826, %select_n3A_770 : vector<256x16xi1>, vector<256x16xf32>
    %eq3A_828 = arith.constant 7 : i32
    %eq3A_829 = vector.broadcast %eq3A_828 : i32 to vector<256x16xi32>
    %eq3A_830 = arith.cmpi eq, %iota3A_362, %eq3A_829 : vector<256x16xi32>
    %broadcast_in_dim3A_831 = vector.shape_cast %select_n3A_805 : vector<256x1xf32> to vector<256x1xf32>
    %broadcast_in_dim3A_832 = vector.broadcast %broadcast_in_dim3A_831 : vector<256x1xf32> to vector<256x16xf32>
    %select_n3A_833 = arith.select %eq3A_830, %broadcast_in_dim3A_832, %select_n3A_776 : vector<256x16xi1>, vector<256x16xf32>
    %reduce_min3A_834 = arith.constant dense<0x7F800000> : vector<256xf32>
    %reduce_min3A_835 = vector.multi_reduction <minimumf>, %select_n3A_813, %reduce_min3A_834 [1] : vector<256x128xf32> to vector<256xf32>
    %broadcast_in_dim3A_836 = vector.shape_cast %reduce_min3A_835 : vector<256xf32> to vector<256x1xf32>
    %eq3A_837 = vector.broadcast %broadcast_in_dim3A_836 : vector<256x1xf32> to vector<256x128xf32>
    %eq3A_838 = arith.cmpf oeq, %select_n3A_813, %eq3A_837 : vector<256x128xf32>
    %jit3A_839 = arith.constant 1.000000e+09 : f32
    %broadcast_in_dim3A_840 = vector.broadcast %jit3A_839 : f32 to vector<256x128xf32>
    %select_n3A_841 = arith.select %eq3A_838, %add3A_379, %broadcast_in_dim3A_840 : vector<256x128xi1>, vector<256x128xf32>
    %reduce_min3A_842 = arith.constant dense<0x7F800000> : vector<256xf32>
    %reduce_min3A_843 = vector.multi_reduction <minimumf>, %select_n3A_841, %reduce_min3A_842 [1] : vector<256x128xf32> to vector<256xf32>
    %broadcast_in_dim3A_844 = vector.shape_cast %reduce_min3A_843 : vector<256xf32> to vector<256x1xf32>
    %reduce_min3A_845 = arith.constant dense<0x7F800000> : vector<256xf32>
    %reduce_min3A_846 = vector.multi_reduction <minimumf>, %select_n3A_821, %reduce_min3A_845 [1] : vector<256x16xf32> to vector<256xf32>
    %broadcast_in_dim3A_847 = vector.shape_cast %reduce_min3A_846 : vector<256xf32> to vector<256x1xf32>
    %eq3A_848 = vector.broadcast %broadcast_in_dim3A_847 : vector<256x1xf32> to vector<256x16xf32>
    %eq3A_849 = arith.cmpf oeq, %select_n3A_821, %eq3A_848 : vector<256x16xf32>
    %jit3A_850 = arith.constant 1.000000e+09 : f32
    %broadcast_in_dim3A_851 = vector.broadcast %jit3A_850 : f32 to vector<256x16xf32>
    %select_n3A_852 = arith.select %eq3A_849, %broadcast_in_dim3A_375, %broadcast_in_dim3A_851 : vector<256x16xi1>, vector<256x16xf32>
    %reduce_min3A_853 = arith.constant dense<0x7F800000> : vector<256xf32>
    %reduce_min3A_854 = vector.multi_reduction <minimumf>, %select_n3A_852, %reduce_min3A_853 [1] : vector<256x16xf32> to vector<256xf32>
    %broadcast_in_dim3A_855 = vector.shape_cast %reduce_min3A_854 : vector<256xf32> to vector<256x1xf32>
    %lt3A_856 = arith.cmpf olt, %broadcast_in_dim3A_836, %broadcast_in_dim3A_847 : vector<256x1xf32>
    %eq3A_857 = arith.cmpf oeq, %broadcast_in_dim3A_836, %broadcast_in_dim3A_847 : vector<256x1xf32>
    %lt3A_858 = arith.cmpf olt, %broadcast_in_dim3A_844, %broadcast_in_dim3A_855 : vector<256x1xf32>
    %and3A_859 = arith.andi %eq3A_857, %lt3A_858 : vector<256x1xi1>
    %or3A_860 = arith.ori %lt3A_856, %and3A_859 : vector<256x1xi1>
    %select_n3A_861 = arith.select %or3A_860, %broadcast_in_dim3A_836, %broadcast_in_dim3A_847 : vector<256x1xi1>, vector<256x1xf32>
    %select_n3A_862 = arith.select %or3A_860, %broadcast_in_dim3A_844, %broadcast_in_dim3A_855 : vector<256x1xi1>, vector<256x1xf32>
    %eq3A_863 = vector.broadcast %select_n3A_861 : vector<256x1xf32> to vector<256x128xf32>
    %eq3A_864 = arith.cmpf oeq, %select_n3A_813, %eq3A_863 : vector<256x128xf32>
    %eq3A_865 = vector.broadcast %select_n3A_862 : vector<256x1xf32> to vector<256x128xf32>
    %eq3A_866 = arith.cmpf oeq, %add3A_379, %eq3A_865 : vector<256x128xf32>
    %and3A_867 = arith.andi %eq3A_864, %eq3A_866 : vector<256x128xi1>
    %jit3A_868 = arith.constant 9.99999968E+37 : f32
    %broadcast_in_dim3A_869 = vector.broadcast %jit3A_868 : f32 to vector<256x128xf32>
    %select_n3A_870 = arith.select %and3A_867, %broadcast_in_dim3A_869, %select_n3A_813 : vector<256x128xi1>, vector<256x128xf32>
    %eq3A_871 = vector.broadcast %select_n3A_861 : vector<256x1xf32> to vector<256x16xf32>
    %eq3A_872 = arith.cmpf oeq, %select_n3A_821, %eq3A_871 : vector<256x16xf32>
    %eq3A_873 = vector.broadcast %select_n3A_862 : vector<256x1xf32> to vector<256x16xf32>
    %eq3A_874 = arith.cmpf oeq, %broadcast_in_dim3A_375, %eq3A_873 : vector<256x16xf32>
    %and3A_875 = arith.andi %eq3A_872, %eq3A_874 : vector<256x16xi1>
    %jit3A_876 = arith.constant 9.99999968E+37 : f32
    %broadcast_in_dim3A_877 = vector.broadcast %jit3A_876 : f32 to vector<256x16xf32>
    %select_n3A_878 = arith.select %and3A_875, %broadcast_in_dim3A_877, %select_n3A_821 : vector<256x16xi1>, vector<256x16xf32>
    %eq3A_879 = arith.constant 8 : i32
    %eq3A_880 = vector.broadcast %eq3A_879 : i32 to vector<256x16xi32>
    %eq3A_881 = arith.cmpi eq, %iota3A_362, %eq3A_880 : vector<256x16xi32>
    %broadcast_in_dim3A_882 = vector.shape_cast %select_n3A_861 : vector<256x1xf32> to vector<256x1xf32>
    %broadcast_in_dim3A_883 = vector.broadcast %broadcast_in_dim3A_882 : vector<256x1xf32> to vector<256x16xf32>
    %select_n3A_884 = arith.select %eq3A_881, %broadcast_in_dim3A_883, %select_n3A_827 : vector<256x16xi1>, vector<256x16xf32>
    %eq3A_885 = arith.constant 8 : i32
    %eq3A_886 = vector.broadcast %eq3A_885 : i32 to vector<256x16xi32>
    %eq3A_887 = arith.cmpi eq, %iota3A_362, %eq3A_886 : vector<256x16xi32>
    %broadcast_in_dim3A_888 = vector.shape_cast %select_n3A_862 : vector<256x1xf32> to vector<256x1xf32>
    %broadcast_in_dim3A_889 = vector.broadcast %broadcast_in_dim3A_888 : vector<256x1xf32> to vector<256x16xf32>
    %select_n3A_890 = arith.select %eq3A_887, %broadcast_in_dim3A_889, %select_n3A_833 : vector<256x16xi1>, vector<256x16xf32>
    %reduce_min3A_891 = arith.constant dense<0x7F800000> : vector<256xf32>
    %reduce_min3A_892 = vector.multi_reduction <minimumf>, %select_n3A_870, %reduce_min3A_891 [1] : vector<256x128xf32> to vector<256xf32>
    %broadcast_in_dim3A_893 = vector.shape_cast %reduce_min3A_892 : vector<256xf32> to vector<256x1xf32>
    %eq3A_894 = vector.broadcast %broadcast_in_dim3A_893 : vector<256x1xf32> to vector<256x128xf32>
    %eq3A_895 = arith.cmpf oeq, %select_n3A_870, %eq3A_894 : vector<256x128xf32>
    %jit3A_896 = arith.constant 1.000000e+09 : f32
    %broadcast_in_dim3A_897 = vector.broadcast %jit3A_896 : f32 to vector<256x128xf32>
    %select_n3A_898 = arith.select %eq3A_895, %add3A_379, %broadcast_in_dim3A_897 : vector<256x128xi1>, vector<256x128xf32>
    %reduce_min3A_899 = arith.constant dense<0x7F800000> : vector<256xf32>
    %reduce_min3A_900 = vector.multi_reduction <minimumf>, %select_n3A_898, %reduce_min3A_899 [1] : vector<256x128xf32> to vector<256xf32>
    %broadcast_in_dim3A_901 = vector.shape_cast %reduce_min3A_900 : vector<256xf32> to vector<256x1xf32>
    %reduce_min3A_902 = arith.constant dense<0x7F800000> : vector<256xf32>
    %reduce_min3A_903 = vector.multi_reduction <minimumf>, %select_n3A_878, %reduce_min3A_902 [1] : vector<256x16xf32> to vector<256xf32>
    %broadcast_in_dim3A_904 = vector.shape_cast %reduce_min3A_903 : vector<256xf32> to vector<256x1xf32>
    %eq3A_905 = vector.broadcast %broadcast_in_dim3A_904 : vector<256x1xf32> to vector<256x16xf32>
    %eq3A_906 = arith.cmpf oeq, %select_n3A_878, %eq3A_905 : vector<256x16xf32>
    %jit3A_907 = arith.constant 1.000000e+09 : f32
    %broadcast_in_dim3A_908 = vector.broadcast %jit3A_907 : f32 to vector<256x16xf32>
    %select_n3A_909 = arith.select %eq3A_906, %broadcast_in_dim3A_375, %broadcast_in_dim3A_908 : vector<256x16xi1>, vector<256x16xf32>
    %reduce_min3A_910 = arith.constant dense<0x7F800000> : vector<256xf32>
    %reduce_min3A_911 = vector.multi_reduction <minimumf>, %select_n3A_909, %reduce_min3A_910 [1] : vector<256x16xf32> to vector<256xf32>
    %broadcast_in_dim3A_912 = vector.shape_cast %reduce_min3A_911 : vector<256xf32> to vector<256x1xf32>
    %lt3A_913 = arith.cmpf olt, %broadcast_in_dim3A_893, %broadcast_in_dim3A_904 : vector<256x1xf32>
    %eq3A_914 = arith.cmpf oeq, %broadcast_in_dim3A_893, %broadcast_in_dim3A_904 : vector<256x1xf32>
    %lt3A_915 = arith.cmpf olt, %broadcast_in_dim3A_901, %broadcast_in_dim3A_912 : vector<256x1xf32>
    %and3A_916 = arith.andi %eq3A_914, %lt3A_915 : vector<256x1xi1>
    %or3A_917 = arith.ori %lt3A_913, %and3A_916 : vector<256x1xi1>
    %select_n3A_918 = arith.select %or3A_917, %broadcast_in_dim3A_893, %broadcast_in_dim3A_904 : vector<256x1xi1>, vector<256x1xf32>
    %select_n3A_919 = arith.select %or3A_917, %broadcast_in_dim3A_901, %broadcast_in_dim3A_912 : vector<256x1xi1>, vector<256x1xf32>
    %eq3A_920 = vector.broadcast %select_n3A_918 : vector<256x1xf32> to vector<256x128xf32>
    %eq3A_921 = arith.cmpf oeq, %select_n3A_870, %eq3A_920 : vector<256x128xf32>
    %eq3A_922 = vector.broadcast %select_n3A_919 : vector<256x1xf32> to vector<256x128xf32>
    %eq3A_923 = arith.cmpf oeq, %add3A_379, %eq3A_922 : vector<256x128xf32>
    %and3A_924 = arith.andi %eq3A_921, %eq3A_923 : vector<256x128xi1>
    %jit3A_925 = arith.constant 9.99999968E+37 : f32
    %broadcast_in_dim3A_926 = vector.broadcast %jit3A_925 : f32 to vector<256x128xf32>
    %select_n3A_927 = arith.select %and3A_924, %broadcast_in_dim3A_926, %select_n3A_870 : vector<256x128xi1>, vector<256x128xf32>
    %eq3A_928 = vector.broadcast %select_n3A_918 : vector<256x1xf32> to vector<256x16xf32>
    %eq3A_929 = arith.cmpf oeq, %select_n3A_878, %eq3A_928 : vector<256x16xf32>
    %eq3A_930 = vector.broadcast %select_n3A_919 : vector<256x1xf32> to vector<256x16xf32>
    %eq3A_931 = arith.cmpf oeq, %broadcast_in_dim3A_375, %eq3A_930 : vector<256x16xf32>
    %and3A_932 = arith.andi %eq3A_929, %eq3A_931 : vector<256x16xi1>
    %jit3A_933 = arith.constant 9.99999968E+37 : f32
    %broadcast_in_dim3A_934 = vector.broadcast %jit3A_933 : f32 to vector<256x16xf32>
    %select_n3A_935 = arith.select %and3A_932, %broadcast_in_dim3A_934, %select_n3A_878 : vector<256x16xi1>, vector<256x16xf32>
    %eq3A_936 = arith.constant 9 : i32
    %eq3A_937 = vector.broadcast %eq3A_936 : i32 to vector<256x16xi32>
    %eq3A_938 = arith.cmpi eq, %iota3A_362, %eq3A_937 : vector<256x16xi32>
    %broadcast_in_dim3A_939 = vector.shape_cast %select_n3A_918 : vector<256x1xf32> to vector<256x1xf32>
    %broadcast_in_dim3A_940 = vector.broadcast %broadcast_in_dim3A_939 : vector<256x1xf32> to vector<256x16xf32>
    %select_n3A_941 = arith.select %eq3A_938, %broadcast_in_dim3A_940, %select_n3A_884 : vector<256x16xi1>, vector<256x16xf32>
    %eq3A_942 = arith.constant 9 : i32
    %eq3A_943 = vector.broadcast %eq3A_942 : i32 to vector<256x16xi32>
    %eq3A_944 = arith.cmpi eq, %iota3A_362, %eq3A_943 : vector<256x16xi32>
    %broadcast_in_dim3A_945 = vector.shape_cast %select_n3A_919 : vector<256x1xf32> to vector<256x1xf32>
    %broadcast_in_dim3A_946 = vector.broadcast %broadcast_in_dim3A_945 : vector<256x1xf32> to vector<256x16xf32>
    %select_n3A_947 = arith.select %eq3A_944, %broadcast_in_dim3A_946, %select_n3A_890 : vector<256x16xi1>, vector<256x16xf32>
    %reduce_min3A_948 = arith.constant dense<0x7F800000> : vector<256xf32>
    %reduce_min3A_949 = vector.multi_reduction <minimumf>, %select_n3A_927, %reduce_min3A_948 [1] : vector<256x128xf32> to vector<256xf32>
    %broadcast_in_dim3A_950 = vector.shape_cast %reduce_min3A_949 : vector<256xf32> to vector<256x1xf32>
    %eq3A_951 = vector.broadcast %broadcast_in_dim3A_950 : vector<256x1xf32> to vector<256x128xf32>
    %eq3A_952 = arith.cmpf oeq, %select_n3A_927, %eq3A_951 : vector<256x128xf32>
    %jit3A_953 = arith.constant 1.000000e+09 : f32
    %broadcast_in_dim3A_954 = vector.broadcast %jit3A_953 : f32 to vector<256x128xf32>
    %select_n3A_955 = arith.select %eq3A_952, %add3A_379, %broadcast_in_dim3A_954 : vector<256x128xi1>, vector<256x128xf32>
    %reduce_min3A_956 = arith.constant dense<0x7F800000> : vector<256xf32>
    %reduce_min3A_957 = vector.multi_reduction <minimumf>, %select_n3A_955, %reduce_min3A_956 [1] : vector<256x128xf32> to vector<256xf32>
    %broadcast_in_dim3A_958 = vector.shape_cast %reduce_min3A_957 : vector<256xf32> to vector<256x1xf32>
    %reduce_min3A_959 = arith.constant dense<0x7F800000> : vector<256xf32>
    %reduce_min3A_960 = vector.multi_reduction <minimumf>, %select_n3A_935, %reduce_min3A_959 [1] : vector<256x16xf32> to vector<256xf32>
    %broadcast_in_dim3A_961 = vector.shape_cast %reduce_min3A_960 : vector<256xf32> to vector<256x1xf32>
    %eq3A_962 = vector.broadcast %broadcast_in_dim3A_961 : vector<256x1xf32> to vector<256x16xf32>
    %eq3A_963 = arith.cmpf oeq, %select_n3A_935, %eq3A_962 : vector<256x16xf32>
    %jit3A_964 = arith.constant 1.000000e+09 : f32
    %broadcast_in_dim3A_965 = vector.broadcast %jit3A_964 : f32 to vector<256x16xf32>
    %select_n3A_966 = arith.select %eq3A_963, %broadcast_in_dim3A_375, %broadcast_in_dim3A_965 : vector<256x16xi1>, vector<256x16xf32>
    %reduce_min3A_967 = arith.constant dense<0x7F800000> : vector<256xf32>
    %reduce_min3A_968 = vector.multi_reduction <minimumf>, %select_n3A_966, %reduce_min3A_967 [1] : vector<256x16xf32> to vector<256xf32>
    %broadcast_in_dim3A_969 = vector.shape_cast %reduce_min3A_968 : vector<256xf32> to vector<256x1xf32>
    %lt3A_970 = arith.cmpf olt, %broadcast_in_dim3A_950, %broadcast_in_dim3A_961 : vector<256x1xf32>
    %eq3A_971 = arith.cmpf oeq, %broadcast_in_dim3A_950, %broadcast_in_dim3A_961 : vector<256x1xf32>
    %lt3A_972 = arith.cmpf olt, %broadcast_in_dim3A_958, %broadcast_in_dim3A_969 : vector<256x1xf32>
    %and3A_973 = arith.andi %eq3A_971, %lt3A_972 : vector<256x1xi1>
    %or3A_974 = arith.ori %lt3A_970, %and3A_973 : vector<256x1xi1>
    %select_n3A_975 = arith.select %or3A_974, %broadcast_in_dim3A_950, %broadcast_in_dim3A_961 : vector<256x1xi1>, vector<256x1xf32>
    %select_n3A_976 = arith.select %or3A_974, %broadcast_in_dim3A_958, %broadcast_in_dim3A_969 : vector<256x1xi1>, vector<256x1xf32>
    %eq3A_977 = vector.broadcast %select_n3A_975 : vector<256x1xf32> to vector<256x128xf32>
    %eq3A_978 = arith.cmpf oeq, %select_n3A_927, %eq3A_977 : vector<256x128xf32>
    %eq3A_979 = vector.broadcast %select_n3A_976 : vector<256x1xf32> to vector<256x128xf32>
    %eq3A_980 = arith.cmpf oeq, %add3A_379, %eq3A_979 : vector<256x128xf32>
    %and3A_981 = arith.andi %eq3A_978, %eq3A_980 : vector<256x128xi1>
    %jit3A_982 = arith.constant 9.99999968E+37 : f32
    %broadcast_in_dim3A_983 = vector.broadcast %jit3A_982 : f32 to vector<256x128xf32>
    %select_n3A_984 = arith.select %and3A_981, %broadcast_in_dim3A_983, %select_n3A_927 : vector<256x128xi1>, vector<256x128xf32>
    %eq3A_985 = vector.broadcast %select_n3A_975 : vector<256x1xf32> to vector<256x16xf32>
    %eq3A_986 = arith.cmpf oeq, %select_n3A_935, %eq3A_985 : vector<256x16xf32>
    %eq3A_987 = vector.broadcast %select_n3A_976 : vector<256x1xf32> to vector<256x16xf32>
    %eq3A_988 = arith.cmpf oeq, %broadcast_in_dim3A_375, %eq3A_987 : vector<256x16xf32>
    %and3A_989 = arith.andi %eq3A_986, %eq3A_988 : vector<256x16xi1>
    %jit3A_990 = arith.constant 9.99999968E+37 : f32
    %broadcast_in_dim3A_991 = vector.broadcast %jit3A_990 : f32 to vector<256x16xf32>
    %select_n3A_992 = arith.select %and3A_989, %broadcast_in_dim3A_991, %select_n3A_935 : vector<256x16xi1>, vector<256x16xf32>
    %eq3A_993 = arith.constant 10 : i32
    %eq3A_994 = vector.broadcast %eq3A_993 : i32 to vector<256x16xi32>
    %eq3A_995 = arith.cmpi eq, %iota3A_362, %eq3A_994 : vector<256x16xi32>
    %broadcast_in_dim3A_996 = vector.shape_cast %select_n3A_975 : vector<256x1xf32> to vector<256x1xf32>
    %broadcast_in_dim3A_997 = vector.broadcast %broadcast_in_dim3A_996 : vector<256x1xf32> to vector<256x16xf32>
    %select_n3A_998 = arith.select %eq3A_995, %broadcast_in_dim3A_997, %select_n3A_941 : vector<256x16xi1>, vector<256x16xf32>
    %eq3A_999 = arith.constant 10 : i32
    %eq3A_1000 = vector.broadcast %eq3A_999 : i32 to vector<256x16xi32>
    %eq3A_1001 = arith.cmpi eq, %iota3A_362, %eq3A_1000 : vector<256x16xi32>
    %broadcast_in_dim3A_1002 = vector.shape_cast %select_n3A_976 : vector<256x1xf32> to vector<256x1xf32>
    %broadcast_in_dim3A_1003 = vector.broadcast %broadcast_in_dim3A_1002 : vector<256x1xf32> to vector<256x16xf32>
    %select_n3A_1004 = arith.select %eq3A_1001, %broadcast_in_dim3A_1003, %select_n3A_947 : vector<256x16xi1>, vector<256x16xf32>
    %reduce_min3A_1005 = arith.constant dense<0x7F800000> : vector<256xf32>
    %reduce_min3A_1006 = vector.multi_reduction <minimumf>, %select_n3A_984, %reduce_min3A_1005 [1] : vector<256x128xf32> to vector<256xf32>
    %broadcast_in_dim3A_1007 = vector.shape_cast %reduce_min3A_1006 : vector<256xf32> to vector<256x1xf32>
    %eq3A_1008 = vector.broadcast %broadcast_in_dim3A_1007 : vector<256x1xf32> to vector<256x128xf32>
    %eq3A_1009 = arith.cmpf oeq, %select_n3A_984, %eq3A_1008 : vector<256x128xf32>
    %jit3A_1010 = arith.constant 1.000000e+09 : f32
    %broadcast_in_dim3A_1011 = vector.broadcast %jit3A_1010 : f32 to vector<256x128xf32>
    %select_n3A_1012 = arith.select %eq3A_1009, %add3A_379, %broadcast_in_dim3A_1011 : vector<256x128xi1>, vector<256x128xf32>
    %reduce_min3A_1013 = arith.constant dense<0x7F800000> : vector<256xf32>
    %reduce_min3A_1014 = vector.multi_reduction <minimumf>, %select_n3A_1012, %reduce_min3A_1013 [1] : vector<256x128xf32> to vector<256xf32>
    %broadcast_in_dim3A_1015 = vector.shape_cast %reduce_min3A_1014 : vector<256xf32> to vector<256x1xf32>
    %reduce_min3A_1016 = arith.constant dense<0x7F800000> : vector<256xf32>
    %reduce_min3A_1017 = vector.multi_reduction <minimumf>, %select_n3A_992, %reduce_min3A_1016 [1] : vector<256x16xf32> to vector<256xf32>
    %broadcast_in_dim3A_1018 = vector.shape_cast %reduce_min3A_1017 : vector<256xf32> to vector<256x1xf32>
    %eq3A_1019 = vector.broadcast %broadcast_in_dim3A_1018 : vector<256x1xf32> to vector<256x16xf32>
    %eq3A_1020 = arith.cmpf oeq, %select_n3A_992, %eq3A_1019 : vector<256x16xf32>
    %jit3A_1021 = arith.constant 1.000000e+09 : f32
    %broadcast_in_dim3A_1022 = vector.broadcast %jit3A_1021 : f32 to vector<256x16xf32>
    %select_n3A_1023 = arith.select %eq3A_1020, %broadcast_in_dim3A_375, %broadcast_in_dim3A_1022 : vector<256x16xi1>, vector<256x16xf32>
    %reduce_min3A_1024 = arith.constant dense<0x7F800000> : vector<256xf32>
    %reduce_min3A_1025 = vector.multi_reduction <minimumf>, %select_n3A_1023, %reduce_min3A_1024 [1] : vector<256x16xf32> to vector<256xf32>
    %broadcast_in_dim3A_1026 = vector.shape_cast %reduce_min3A_1025 : vector<256xf32> to vector<256x1xf32>
    %lt3A_1027 = arith.cmpf olt, %broadcast_in_dim3A_1007, %broadcast_in_dim3A_1018 : vector<256x1xf32>
    %eq3A_1028 = arith.cmpf oeq, %broadcast_in_dim3A_1007, %broadcast_in_dim3A_1018 : vector<256x1xf32>
    %lt3A_1029 = arith.cmpf olt, %broadcast_in_dim3A_1015, %broadcast_in_dim3A_1026 : vector<256x1xf32>
    %and3A_1030 = arith.andi %eq3A_1028, %lt3A_1029 : vector<256x1xi1>
    %or3A_1031 = arith.ori %lt3A_1027, %and3A_1030 : vector<256x1xi1>
    %select_n3A_1032 = arith.select %or3A_1031, %broadcast_in_dim3A_1007, %broadcast_in_dim3A_1018 : vector<256x1xi1>, vector<256x1xf32>
    %select_n3A_1033 = arith.select %or3A_1031, %broadcast_in_dim3A_1015, %broadcast_in_dim3A_1026 : vector<256x1xi1>, vector<256x1xf32>
    %eq3A_1034 = vector.broadcast %select_n3A_1032 : vector<256x1xf32> to vector<256x128xf32>
    %eq3A_1035 = arith.cmpf oeq, %select_n3A_984, %eq3A_1034 : vector<256x128xf32>
    %eq3A_1036 = vector.broadcast %select_n3A_1033 : vector<256x1xf32> to vector<256x128xf32>
    %eq3A_1037 = arith.cmpf oeq, %add3A_379, %eq3A_1036 : vector<256x128xf32>
    %and3A_1038 = arith.andi %eq3A_1035, %eq3A_1037 : vector<256x128xi1>
    %jit3A_1039 = arith.constant 9.99999968E+37 : f32
    %broadcast_in_dim3A_1040 = vector.broadcast %jit3A_1039 : f32 to vector<256x128xf32>
    %select_n3A_1041 = arith.select %and3A_1038, %broadcast_in_dim3A_1040, %select_n3A_984 : vector<256x128xi1>, vector<256x128xf32>
    %eq3A_1042 = vector.broadcast %select_n3A_1032 : vector<256x1xf32> to vector<256x16xf32>
    %eq3A_1043 = arith.cmpf oeq, %select_n3A_992, %eq3A_1042 : vector<256x16xf32>
    %eq3A_1044 = vector.broadcast %select_n3A_1033 : vector<256x1xf32> to vector<256x16xf32>
    %eq3A_1045 = arith.cmpf oeq, %broadcast_in_dim3A_375, %eq3A_1044 : vector<256x16xf32>
    %and3A_1046 = arith.andi %eq3A_1043, %eq3A_1045 : vector<256x16xi1>
    %jit3A_1047 = arith.constant 9.99999968E+37 : f32
    %broadcast_in_dim3A_1048 = vector.broadcast %jit3A_1047 : f32 to vector<256x16xf32>
    %select_n3A_1049 = arith.select %and3A_1046, %broadcast_in_dim3A_1048, %select_n3A_992 : vector<256x16xi1>, vector<256x16xf32>
    %eq3A_1050 = arith.constant 11 : i32
    %eq3A_1051 = vector.broadcast %eq3A_1050 : i32 to vector<256x16xi32>
    %eq3A_1052 = arith.cmpi eq, %iota3A_362, %eq3A_1051 : vector<256x16xi32>
    %broadcast_in_dim3A_1053 = vector.shape_cast %select_n3A_1032 : vector<256x1xf32> to vector<256x1xf32>
    %broadcast_in_dim3A_1054 = vector.broadcast %broadcast_in_dim3A_1053 : vector<256x1xf32> to vector<256x16xf32>
    %select_n3A_1055 = arith.select %eq3A_1052, %broadcast_in_dim3A_1054, %select_n3A_998 : vector<256x16xi1>, vector<256x16xf32>
    %eq3A_1056 = arith.constant 11 : i32
    %eq3A_1057 = vector.broadcast %eq3A_1056 : i32 to vector<256x16xi32>
    %eq3A_1058 = arith.cmpi eq, %iota3A_362, %eq3A_1057 : vector<256x16xi32>
    %broadcast_in_dim3A_1059 = vector.shape_cast %select_n3A_1033 : vector<256x1xf32> to vector<256x1xf32>
    %broadcast_in_dim3A_1060 = vector.broadcast %broadcast_in_dim3A_1059 : vector<256x1xf32> to vector<256x16xf32>
    %select_n3A_1061 = arith.select %eq3A_1058, %broadcast_in_dim3A_1060, %select_n3A_1004 : vector<256x16xi1>, vector<256x16xf32>
    %reduce_min3A_1062 = arith.constant dense<0x7F800000> : vector<256xf32>
    %reduce_min3A_1063 = vector.multi_reduction <minimumf>, %select_n3A_1041, %reduce_min3A_1062 [1] : vector<256x128xf32> to vector<256xf32>
    %broadcast_in_dim3A_1064 = vector.shape_cast %reduce_min3A_1063 : vector<256xf32> to vector<256x1xf32>
    %eq3A_1065 = vector.broadcast %broadcast_in_dim3A_1064 : vector<256x1xf32> to vector<256x128xf32>
    %eq3A_1066 = arith.cmpf oeq, %select_n3A_1041, %eq3A_1065 : vector<256x128xf32>
    %jit3A_1067 = arith.constant 1.000000e+09 : f32
    %broadcast_in_dim3A_1068 = vector.broadcast %jit3A_1067 : f32 to vector<256x128xf32>
    %select_n3A_1069 = arith.select %eq3A_1066, %add3A_379, %broadcast_in_dim3A_1068 : vector<256x128xi1>, vector<256x128xf32>
    %reduce_min3A_1070 = arith.constant dense<0x7F800000> : vector<256xf32>
    %reduce_min3A_1071 = vector.multi_reduction <minimumf>, %select_n3A_1069, %reduce_min3A_1070 [1] : vector<256x128xf32> to vector<256xf32>
    %broadcast_in_dim3A_1072 = vector.shape_cast %reduce_min3A_1071 : vector<256xf32> to vector<256x1xf32>
    %reduce_min3A_1073 = arith.constant dense<0x7F800000> : vector<256xf32>
    %reduce_min3A_1074 = vector.multi_reduction <minimumf>, %select_n3A_1049, %reduce_min3A_1073 [1] : vector<256x16xf32> to vector<256xf32>
    %broadcast_in_dim3A_1075 = vector.shape_cast %reduce_min3A_1074 : vector<256xf32> to vector<256x1xf32>
    %eq3A_1076 = vector.broadcast %broadcast_in_dim3A_1075 : vector<256x1xf32> to vector<256x16xf32>
    %eq3A_1077 = arith.cmpf oeq, %select_n3A_1049, %eq3A_1076 : vector<256x16xf32>
    %jit3A_1078 = arith.constant 1.000000e+09 : f32
    %broadcast_in_dim3A_1079 = vector.broadcast %jit3A_1078 : f32 to vector<256x16xf32>
    %select_n3A_1080 = arith.select %eq3A_1077, %broadcast_in_dim3A_375, %broadcast_in_dim3A_1079 : vector<256x16xi1>, vector<256x16xf32>
    %reduce_min3A_1081 = arith.constant dense<0x7F800000> : vector<256xf32>
    %reduce_min3A_1082 = vector.multi_reduction <minimumf>, %select_n3A_1080, %reduce_min3A_1081 [1] : vector<256x16xf32> to vector<256xf32>
    %broadcast_in_dim3A_1083 = vector.shape_cast %reduce_min3A_1082 : vector<256xf32> to vector<256x1xf32>
    %lt3A_1084 = arith.cmpf olt, %broadcast_in_dim3A_1064, %broadcast_in_dim3A_1075 : vector<256x1xf32>
    %eq3A_1085 = arith.cmpf oeq, %broadcast_in_dim3A_1064, %broadcast_in_dim3A_1075 : vector<256x1xf32>
    %lt3A_1086 = arith.cmpf olt, %broadcast_in_dim3A_1072, %broadcast_in_dim3A_1083 : vector<256x1xf32>
    %and3A_1087 = arith.andi %eq3A_1085, %lt3A_1086 : vector<256x1xi1>
    %or3A_1088 = arith.ori %lt3A_1084, %and3A_1087 : vector<256x1xi1>
    %select_n3A_1089 = arith.select %or3A_1088, %broadcast_in_dim3A_1064, %broadcast_in_dim3A_1075 : vector<256x1xi1>, vector<256x1xf32>
    %select_n3A_1090 = arith.select %or3A_1088, %broadcast_in_dim3A_1072, %broadcast_in_dim3A_1083 : vector<256x1xi1>, vector<256x1xf32>
    %eq3A_1091 = vector.broadcast %select_n3A_1089 : vector<256x1xf32> to vector<256x128xf32>
    %eq3A_1092 = arith.cmpf oeq, %select_n3A_1041, %eq3A_1091 : vector<256x128xf32>
    %eq3A_1093 = vector.broadcast %select_n3A_1090 : vector<256x1xf32> to vector<256x128xf32>
    %eq3A_1094 = arith.cmpf oeq, %add3A_379, %eq3A_1093 : vector<256x128xf32>
    %and3A_1095 = arith.andi %eq3A_1092, %eq3A_1094 : vector<256x128xi1>
    %jit3A_1096 = arith.constant 9.99999968E+37 : f32
    %broadcast_in_dim3A_1097 = vector.broadcast %jit3A_1096 : f32 to vector<256x128xf32>
    %select_n3A_1098 = arith.select %and3A_1095, %broadcast_in_dim3A_1097, %select_n3A_1041 : vector<256x128xi1>, vector<256x128xf32>
    %eq3A_1099 = vector.broadcast %select_n3A_1089 : vector<256x1xf32> to vector<256x16xf32>
    %eq3A_1100 = arith.cmpf oeq, %select_n3A_1049, %eq3A_1099 : vector<256x16xf32>
    %eq3A_1101 = vector.broadcast %select_n3A_1090 : vector<256x1xf32> to vector<256x16xf32>
    %eq3A_1102 = arith.cmpf oeq, %broadcast_in_dim3A_375, %eq3A_1101 : vector<256x16xf32>
    %and3A_1103 = arith.andi %eq3A_1100, %eq3A_1102 : vector<256x16xi1>
    %jit3A_1104 = arith.constant 9.99999968E+37 : f32
    %broadcast_in_dim3A_1105 = vector.broadcast %jit3A_1104 : f32 to vector<256x16xf32>
    %select_n3A_1106 = arith.select %and3A_1103, %broadcast_in_dim3A_1105, %select_n3A_1049 : vector<256x16xi1>, vector<256x16xf32>
    %eq3A_1107 = arith.constant 12 : i32
    %eq3A_1108 = vector.broadcast %eq3A_1107 : i32 to vector<256x16xi32>
    %eq3A_1109 = arith.cmpi eq, %iota3A_362, %eq3A_1108 : vector<256x16xi32>
    %broadcast_in_dim3A_1110 = vector.shape_cast %select_n3A_1089 : vector<256x1xf32> to vector<256x1xf32>
    %broadcast_in_dim3A_1111 = vector.broadcast %broadcast_in_dim3A_1110 : vector<256x1xf32> to vector<256x16xf32>
    %select_n3A_1112 = arith.select %eq3A_1109, %broadcast_in_dim3A_1111, %select_n3A_1055 : vector<256x16xi1>, vector<256x16xf32>
    %eq3A_1113 = arith.constant 12 : i32
    %eq3A_1114 = vector.broadcast %eq3A_1113 : i32 to vector<256x16xi32>
    %eq3A_1115 = arith.cmpi eq, %iota3A_362, %eq3A_1114 : vector<256x16xi32>
    %broadcast_in_dim3A_1116 = vector.shape_cast %select_n3A_1090 : vector<256x1xf32> to vector<256x1xf32>
    %broadcast_in_dim3A_1117 = vector.broadcast %broadcast_in_dim3A_1116 : vector<256x1xf32> to vector<256x16xf32>
    %select_n3A_1118 = arith.select %eq3A_1115, %broadcast_in_dim3A_1117, %select_n3A_1061 : vector<256x16xi1>, vector<256x16xf32>
    %reduce_min3A_1119 = arith.constant dense<0x7F800000> : vector<256xf32>
    %reduce_min3A_1120 = vector.multi_reduction <minimumf>, %select_n3A_1098, %reduce_min3A_1119 [1] : vector<256x128xf32> to vector<256xf32>
    %broadcast_in_dim3A_1121 = vector.shape_cast %reduce_min3A_1120 : vector<256xf32> to vector<256x1xf32>
    %eq3A_1122 = vector.broadcast %broadcast_in_dim3A_1121 : vector<256x1xf32> to vector<256x128xf32>
    %eq3A_1123 = arith.cmpf oeq, %select_n3A_1098, %eq3A_1122 : vector<256x128xf32>
    %jit3A_1124 = arith.constant 1.000000e+09 : f32
    %broadcast_in_dim3A_1125 = vector.broadcast %jit3A_1124 : f32 to vector<256x128xf32>
    %select_n3A_1126 = arith.select %eq3A_1123, %add3A_379, %broadcast_in_dim3A_1125 : vector<256x128xi1>, vector<256x128xf32>
    %reduce_min3A_1127 = arith.constant dense<0x7F800000> : vector<256xf32>
    %reduce_min3A_1128 = vector.multi_reduction <minimumf>, %select_n3A_1126, %reduce_min3A_1127 [1] : vector<256x128xf32> to vector<256xf32>
    %broadcast_in_dim3A_1129 = vector.shape_cast %reduce_min3A_1128 : vector<256xf32> to vector<256x1xf32>
    %reduce_min3A_1130 = arith.constant dense<0x7F800000> : vector<256xf32>
    %reduce_min3A_1131 = vector.multi_reduction <minimumf>, %select_n3A_1106, %reduce_min3A_1130 [1] : vector<256x16xf32> to vector<256xf32>
    %broadcast_in_dim3A_1132 = vector.shape_cast %reduce_min3A_1131 : vector<256xf32> to vector<256x1xf32>
    %eq3A_1133 = vector.broadcast %broadcast_in_dim3A_1132 : vector<256x1xf32> to vector<256x16xf32>
    %eq3A_1134 = arith.cmpf oeq, %select_n3A_1106, %eq3A_1133 : vector<256x16xf32>
    %jit3A_1135 = arith.constant 1.000000e+09 : f32
    %broadcast_in_dim3A_1136 = vector.broadcast %jit3A_1135 : f32 to vector<256x16xf32>
    %select_n3A_1137 = arith.select %eq3A_1134, %broadcast_in_dim3A_375, %broadcast_in_dim3A_1136 : vector<256x16xi1>, vector<256x16xf32>
    %reduce_min3A_1138 = arith.constant dense<0x7F800000> : vector<256xf32>
    %reduce_min3A_1139 = vector.multi_reduction <minimumf>, %select_n3A_1137, %reduce_min3A_1138 [1] : vector<256x16xf32> to vector<256xf32>
    %broadcast_in_dim3A_1140 = vector.shape_cast %reduce_min3A_1139 : vector<256xf32> to vector<256x1xf32>
    %lt3A_1141 = arith.cmpf olt, %broadcast_in_dim3A_1121, %broadcast_in_dim3A_1132 : vector<256x1xf32>
    %eq3A_1142 = arith.cmpf oeq, %broadcast_in_dim3A_1121, %broadcast_in_dim3A_1132 : vector<256x1xf32>
    %lt3A_1143 = arith.cmpf olt, %broadcast_in_dim3A_1129, %broadcast_in_dim3A_1140 : vector<256x1xf32>
    %and3A_1144 = arith.andi %eq3A_1142, %lt3A_1143 : vector<256x1xi1>
    %or3A_1145 = arith.ori %lt3A_1141, %and3A_1144 : vector<256x1xi1>
    %select_n3A_1146 = arith.select %or3A_1145, %broadcast_in_dim3A_1121, %broadcast_in_dim3A_1132 : vector<256x1xi1>, vector<256x1xf32>
    %select_n3A_1147 = arith.select %or3A_1145, %broadcast_in_dim3A_1129, %broadcast_in_dim3A_1140 : vector<256x1xi1>, vector<256x1xf32>
    %eq3A_1148 = vector.broadcast %select_n3A_1146 : vector<256x1xf32> to vector<256x128xf32>
    %eq3A_1149 = arith.cmpf oeq, %select_n3A_1098, %eq3A_1148 : vector<256x128xf32>
    %eq3A_1150 = vector.broadcast %select_n3A_1147 : vector<256x1xf32> to vector<256x128xf32>
    %eq3A_1151 = arith.cmpf oeq, %add3A_379, %eq3A_1150 : vector<256x128xf32>
    %and3A_1152 = arith.andi %eq3A_1149, %eq3A_1151 : vector<256x128xi1>
    %jit3A_1153 = arith.constant 9.99999968E+37 : f32
    %broadcast_in_dim3A_1154 = vector.broadcast %jit3A_1153 : f32 to vector<256x128xf32>
    %select_n3A_1155 = arith.select %and3A_1152, %broadcast_in_dim3A_1154, %select_n3A_1098 : vector<256x128xi1>, vector<256x128xf32>
    %eq3A_1156 = vector.broadcast %select_n3A_1146 : vector<256x1xf32> to vector<256x16xf32>
    %eq3A_1157 = arith.cmpf oeq, %select_n3A_1106, %eq3A_1156 : vector<256x16xf32>
    %eq3A_1158 = vector.broadcast %select_n3A_1147 : vector<256x1xf32> to vector<256x16xf32>
    %eq3A_1159 = arith.cmpf oeq, %broadcast_in_dim3A_375, %eq3A_1158 : vector<256x16xf32>
    %and3A_1160 = arith.andi %eq3A_1157, %eq3A_1159 : vector<256x16xi1>
    %jit3A_1161 = arith.constant 9.99999968E+37 : f32
    %broadcast_in_dim3A_1162 = vector.broadcast %jit3A_1161 : f32 to vector<256x16xf32>
    %select_n3A_1163 = arith.select %and3A_1160, %broadcast_in_dim3A_1162, %select_n3A_1106 : vector<256x16xi1>, vector<256x16xf32>
    %eq3A_1164 = arith.constant 13 : i32
    %eq3A_1165 = vector.broadcast %eq3A_1164 : i32 to vector<256x16xi32>
    %eq3A_1166 = arith.cmpi eq, %iota3A_362, %eq3A_1165 : vector<256x16xi32>
    %broadcast_in_dim3A_1167 = vector.shape_cast %select_n3A_1146 : vector<256x1xf32> to vector<256x1xf32>
    %broadcast_in_dim3A_1168 = vector.broadcast %broadcast_in_dim3A_1167 : vector<256x1xf32> to vector<256x16xf32>
    %select_n3A_1169 = arith.select %eq3A_1166, %broadcast_in_dim3A_1168, %select_n3A_1112 : vector<256x16xi1>, vector<256x16xf32>
    %eq3A_1170 = arith.constant 13 : i32
    %eq3A_1171 = vector.broadcast %eq3A_1170 : i32 to vector<256x16xi32>
    %eq3A_1172 = arith.cmpi eq, %iota3A_362, %eq3A_1171 : vector<256x16xi32>
    %broadcast_in_dim3A_1173 = vector.shape_cast %select_n3A_1147 : vector<256x1xf32> to vector<256x1xf32>
    %broadcast_in_dim3A_1174 = vector.broadcast %broadcast_in_dim3A_1173 : vector<256x1xf32> to vector<256x16xf32>
    %select_n3A_1175 = arith.select %eq3A_1172, %broadcast_in_dim3A_1174, %select_n3A_1118 : vector<256x16xi1>, vector<256x16xf32>
    %reduce_min3A_1176 = arith.constant dense<0x7F800000> : vector<256xf32>
    %reduce_min3A_1177 = vector.multi_reduction <minimumf>, %select_n3A_1155, %reduce_min3A_1176 [1] : vector<256x128xf32> to vector<256xf32>
    %broadcast_in_dim3A_1178 = vector.shape_cast %reduce_min3A_1177 : vector<256xf32> to vector<256x1xf32>
    %eq3A_1179 = vector.broadcast %broadcast_in_dim3A_1178 : vector<256x1xf32> to vector<256x128xf32>
    %eq3A_1180 = arith.cmpf oeq, %select_n3A_1155, %eq3A_1179 : vector<256x128xf32>
    %jit3A_1181 = arith.constant 1.000000e+09 : f32
    %broadcast_in_dim3A_1182 = vector.broadcast %jit3A_1181 : f32 to vector<256x128xf32>
    %select_n3A_1183 = arith.select %eq3A_1180, %add3A_379, %broadcast_in_dim3A_1182 : vector<256x128xi1>, vector<256x128xf32>
    %reduce_min3A_1184 = arith.constant dense<0x7F800000> : vector<256xf32>
    %reduce_min3A_1185 = vector.multi_reduction <minimumf>, %select_n3A_1183, %reduce_min3A_1184 [1] : vector<256x128xf32> to vector<256xf32>
    %broadcast_in_dim3A_1186 = vector.shape_cast %reduce_min3A_1185 : vector<256xf32> to vector<256x1xf32>
    %reduce_min3A_1187 = arith.constant dense<0x7F800000> : vector<256xf32>
    %reduce_min3A_1188 = vector.multi_reduction <minimumf>, %select_n3A_1163, %reduce_min3A_1187 [1] : vector<256x16xf32> to vector<256xf32>
    %broadcast_in_dim3A_1189 = vector.shape_cast %reduce_min3A_1188 : vector<256xf32> to vector<256x1xf32>
    %eq3A_1190 = vector.broadcast %broadcast_in_dim3A_1189 : vector<256x1xf32> to vector<256x16xf32>
    %eq3A_1191 = arith.cmpf oeq, %select_n3A_1163, %eq3A_1190 : vector<256x16xf32>
    %jit3A_1192 = arith.constant 1.000000e+09 : f32
    %broadcast_in_dim3A_1193 = vector.broadcast %jit3A_1192 : f32 to vector<256x16xf32>
    %select_n3A_1194 = arith.select %eq3A_1191, %broadcast_in_dim3A_375, %broadcast_in_dim3A_1193 : vector<256x16xi1>, vector<256x16xf32>
    %reduce_min3A_1195 = arith.constant dense<0x7F800000> : vector<256xf32>
    %reduce_min3A_1196 = vector.multi_reduction <minimumf>, %select_n3A_1194, %reduce_min3A_1195 [1] : vector<256x16xf32> to vector<256xf32>
    %broadcast_in_dim3A_1197 = vector.shape_cast %reduce_min3A_1196 : vector<256xf32> to vector<256x1xf32>
    %lt3A_1198 = arith.cmpf olt, %broadcast_in_dim3A_1178, %broadcast_in_dim3A_1189 : vector<256x1xf32>
    %eq3A_1199 = arith.cmpf oeq, %broadcast_in_dim3A_1178, %broadcast_in_dim3A_1189 : vector<256x1xf32>
    %lt3A_1200 = arith.cmpf olt, %broadcast_in_dim3A_1186, %broadcast_in_dim3A_1197 : vector<256x1xf32>
    %and3A_1201 = arith.andi %eq3A_1199, %lt3A_1200 : vector<256x1xi1>
    %or3A_1202 = arith.ori %lt3A_1198, %and3A_1201 : vector<256x1xi1>
    %select_n3A_1203 = arith.select %or3A_1202, %broadcast_in_dim3A_1178, %broadcast_in_dim3A_1189 : vector<256x1xi1>, vector<256x1xf32>
    %select_n3A_1204 = arith.select %or3A_1202, %broadcast_in_dim3A_1186, %broadcast_in_dim3A_1197 : vector<256x1xi1>, vector<256x1xf32>
    %eq3A_1205 = vector.broadcast %select_n3A_1203 : vector<256x1xf32> to vector<256x128xf32>
    %eq3A_1206 = arith.cmpf oeq, %select_n3A_1155, %eq3A_1205 : vector<256x128xf32>
    %eq3A_1207 = vector.broadcast %select_n3A_1204 : vector<256x1xf32> to vector<256x128xf32>
    %eq3A_1208 = arith.cmpf oeq, %add3A_379, %eq3A_1207 : vector<256x128xf32>
    %and3A_1209 = arith.andi %eq3A_1206, %eq3A_1208 : vector<256x128xi1>
    %jit3A_1210 = arith.constant 9.99999968E+37 : f32
    %broadcast_in_dim3A_1211 = vector.broadcast %jit3A_1210 : f32 to vector<256x128xf32>
    %select_n3A_1212 = arith.select %and3A_1209, %broadcast_in_dim3A_1211, %select_n3A_1155 : vector<256x128xi1>, vector<256x128xf32>
    %eq3A_1213 = vector.broadcast %select_n3A_1203 : vector<256x1xf32> to vector<256x16xf32>
    %eq3A_1214 = arith.cmpf oeq, %select_n3A_1163, %eq3A_1213 : vector<256x16xf32>
    %eq3A_1215 = vector.broadcast %select_n3A_1204 : vector<256x1xf32> to vector<256x16xf32>
    %eq3A_1216 = arith.cmpf oeq, %broadcast_in_dim3A_375, %eq3A_1215 : vector<256x16xf32>
    %and3A_1217 = arith.andi %eq3A_1214, %eq3A_1216 : vector<256x16xi1>
    %jit3A_1218 = arith.constant 9.99999968E+37 : f32
    %broadcast_in_dim3A_1219 = vector.broadcast %jit3A_1218 : f32 to vector<256x16xf32>
    %select_n3A_1220 = arith.select %and3A_1217, %broadcast_in_dim3A_1219, %select_n3A_1163 : vector<256x16xi1>, vector<256x16xf32>
    %eq3A_1221 = arith.constant 14 : i32
    %eq3A_1222 = vector.broadcast %eq3A_1221 : i32 to vector<256x16xi32>
    %eq3A_1223 = arith.cmpi eq, %iota3A_362, %eq3A_1222 : vector<256x16xi32>
    %broadcast_in_dim3A_1224 = vector.shape_cast %select_n3A_1203 : vector<256x1xf32> to vector<256x1xf32>
    %broadcast_in_dim3A_1225 = vector.broadcast %broadcast_in_dim3A_1224 : vector<256x1xf32> to vector<256x16xf32>
    %select_n3A_1226 = arith.select %eq3A_1223, %broadcast_in_dim3A_1225, %select_n3A_1169 : vector<256x16xi1>, vector<256x16xf32>
    %eq3A_1227 = arith.constant 14 : i32
    %eq3A_1228 = vector.broadcast %eq3A_1227 : i32 to vector<256x16xi32>
    %eq3A_1229 = arith.cmpi eq, %iota3A_362, %eq3A_1228 : vector<256x16xi32>
    %broadcast_in_dim3A_1230 = vector.shape_cast %select_n3A_1204 : vector<256x1xf32> to vector<256x1xf32>
    %broadcast_in_dim3A_1231 = vector.broadcast %broadcast_in_dim3A_1230 : vector<256x1xf32> to vector<256x16xf32>
    %select_n3A_1232 = arith.select %eq3A_1229, %broadcast_in_dim3A_1231, %select_n3A_1175 : vector<256x16xi1>, vector<256x16xf32>
    %reduce_min3A_1233 = arith.constant dense<0x7F800000> : vector<256xf32>
    %reduce_min3A_1234 = vector.multi_reduction <minimumf>, %select_n3A_1212, %reduce_min3A_1233 [1] : vector<256x128xf32> to vector<256xf32>
    %broadcast_in_dim3A_1235 = vector.shape_cast %reduce_min3A_1234 : vector<256xf32> to vector<256x1xf32>
    %eq3A_1236 = vector.broadcast %broadcast_in_dim3A_1235 : vector<256x1xf32> to vector<256x128xf32>
    %eq3A_1237 = arith.cmpf oeq, %select_n3A_1212, %eq3A_1236 : vector<256x128xf32>
    %jit3A_1238 = arith.constant 1.000000e+09 : f32
    %broadcast_in_dim3A_1239 = vector.broadcast %jit3A_1238 : f32 to vector<256x128xf32>
    %select_n3A_1240 = arith.select %eq3A_1237, %add3A_379, %broadcast_in_dim3A_1239 : vector<256x128xi1>, vector<256x128xf32>
    %reduce_min3A_1241 = arith.constant dense<0x7F800000> : vector<256xf32>
    %reduce_min3A_1242 = vector.multi_reduction <minimumf>, %select_n3A_1240, %reduce_min3A_1241 [1] : vector<256x128xf32> to vector<256xf32>
    %broadcast_in_dim3A_1243 = vector.shape_cast %reduce_min3A_1242 : vector<256xf32> to vector<256x1xf32>
    %reduce_min3A_1244 = arith.constant dense<0x7F800000> : vector<256xf32>
    %reduce_min3A_1245 = vector.multi_reduction <minimumf>, %select_n3A_1220, %reduce_min3A_1244 [1] : vector<256x16xf32> to vector<256xf32>
    %broadcast_in_dim3A_1246 = vector.shape_cast %reduce_min3A_1245 : vector<256xf32> to vector<256x1xf32>
    %eq3A_1247 = vector.broadcast %broadcast_in_dim3A_1246 : vector<256x1xf32> to vector<256x16xf32>
    %eq3A_1248 = arith.cmpf oeq, %select_n3A_1220, %eq3A_1247 : vector<256x16xf32>
    %jit3A_1249 = arith.constant 1.000000e+09 : f32
    %broadcast_in_dim3A_1250 = vector.broadcast %jit3A_1249 : f32 to vector<256x16xf32>
    %select_n3A_1251 = arith.select %eq3A_1248, %broadcast_in_dim3A_375, %broadcast_in_dim3A_1250 : vector<256x16xi1>, vector<256x16xf32>
    %reduce_min3A_1252 = arith.constant dense<0x7F800000> : vector<256xf32>
    %reduce_min3A_1253 = vector.multi_reduction <minimumf>, %select_n3A_1251, %reduce_min3A_1252 [1] : vector<256x16xf32> to vector<256xf32>
    %broadcast_in_dim3A_1254 = vector.shape_cast %reduce_min3A_1253 : vector<256xf32> to vector<256x1xf32>
    %lt3A_1255 = arith.cmpf olt, %broadcast_in_dim3A_1235, %broadcast_in_dim3A_1246 : vector<256x1xf32>
    %eq3A_1256 = arith.cmpf oeq, %broadcast_in_dim3A_1235, %broadcast_in_dim3A_1246 : vector<256x1xf32>
    %lt3A_1257 = arith.cmpf olt, %broadcast_in_dim3A_1243, %broadcast_in_dim3A_1254 : vector<256x1xf32>
    %and3A_1258 = arith.andi %eq3A_1256, %lt3A_1257 : vector<256x1xi1>
    %or3A_1259 = arith.ori %lt3A_1255, %and3A_1258 : vector<256x1xi1>
    %select_n3A_1260 = arith.select %or3A_1259, %broadcast_in_dim3A_1235, %broadcast_in_dim3A_1246 : vector<256x1xi1>, vector<256x1xf32>
    %select_n3A_1261 = arith.select %or3A_1259, %broadcast_in_dim3A_1243, %broadcast_in_dim3A_1254 : vector<256x1xi1>, vector<256x1xf32>
    %eq3A_1262 = vector.broadcast %select_n3A_1260 : vector<256x1xf32> to vector<256x128xf32>
    %eq3A_1263 = arith.cmpf oeq, %select_n3A_1212, %eq3A_1262 : vector<256x128xf32>
    %eq3A_1264 = vector.broadcast %select_n3A_1261 : vector<256x1xf32> to vector<256x128xf32>
    %eq3A_1265 = arith.cmpf oeq, %add3A_379, %eq3A_1264 : vector<256x128xf32>
    %and3A_1266 = arith.andi %eq3A_1263, %eq3A_1265 : vector<256x128xi1>
    %jit3A_1267 = arith.constant 9.99999968E+37 : f32
    %broadcast_in_dim3A_1268 = vector.broadcast %jit3A_1267 : f32 to vector<256x128xf32>
    %select_n3A_1269 = arith.select %and3A_1266, %broadcast_in_dim3A_1268, %select_n3A_1212 : vector<256x128xi1>, vector<256x128xf32>
    %eq3A_1270 = arith.constant 15 : i32
    %eq3A_1271 = vector.broadcast %eq3A_1270 : i32 to vector<256x16xi32>
    %eq3A_1272 = arith.cmpi eq, %iota3A_362, %eq3A_1271 : vector<256x16xi32>
    %broadcast_in_dim3A_1273 = vector.shape_cast %select_n3A_1260 : vector<256x1xf32> to vector<256x1xf32>
    %broadcast_in_dim3A_1274 = vector.broadcast %broadcast_in_dim3A_1273 : vector<256x1xf32> to vector<256x16xf32>
    %select_n3A_1275 = arith.select %eq3A_1272, %broadcast_in_dim3A_1274, %select_n3A_1226 : vector<256x16xi1>, vector<256x16xf32>
    %eq3A_1276 = arith.constant 15 : i32
    %eq3A_1277 = vector.broadcast %eq3A_1276 : i32 to vector<256x16xi32>
    %eq3A_1278 = arith.cmpi eq, %iota3A_362, %eq3A_1277 : vector<256x16xi32>
    %broadcast_in_dim3A_1279 = vector.shape_cast %select_n3A_1261 : vector<256x1xf32> to vector<256x1xf32>
    %broadcast_in_dim3A_1280 = vector.broadcast %broadcast_in_dim3A_1279 : vector<256x1xf32> to vector<256x16xf32>
    %select_n3A_1281 = arith.select %eq3A_1278, %broadcast_in_dim3A_1280, %select_n3A_1232 : vector<256x16xi1>, vector<256x16xf32>
    %eq3A_1282 = arith.constant 9.99999968E+37 : f32
    %eq3A_1283 = vector.broadcast %eq3A_1282 : f32 to vector<256x128xf32>
    %eq3A_1284 = arith.cmpf oeq, %select_n3A_1269, %eq3A_1283 : vector<256x128xf32>
    %jit3A_1285 = arith.constant 1 : i32
    %jit3A_1286 = arith.constant 0 : i32
    %broadcast_in_dim3A_1287 = vector.broadcast %jit3A_1285 : i32 to vector<256x128xi32>
    %broadcast_in_dim3A_1288 = vector.broadcast %jit3A_1286 : i32 to vector<256x128xi32>
    %select_n3A_1289 = arith.select %eq3A_1284, %broadcast_in_dim3A_1287, %broadcast_in_dim3A_1288 : vector<256x128xi1>, vector<256x128xi32>
    %while3A = arith.constant 1 : i32
    %while3A_1290 = arith.constant false
    %while3A_1291:6 = scf.while (%while3A_1301 = %while3A, %while3A_1302 = %while3A_1290, %while3A_1303 = %select_n3A_1289, %while3A_1304 = %scan3A_370#1, %while3A_1305 = %select_n3A_1275, %while3A_1306 = %select_n3A_1281) : (i32, i1, vector<256x128xi32>, vector<256x128xf32>, vector<256x16xf32>, vector<256x16xf32>) -> (i32, i1, vector<256x128xi32>, vector<256x128xf32>, vector<256x16xf32>, vector<256x16xf32>) {
      %lt3A_1307 = arith.constant 20 : i32
      %lt3A_1308 = arith.cmpi slt, %while3A_1301, %lt3A_1307 : i32
      %not3A = arith.constant true
      %not3A_1309 = arith.xori %while3A_1302, %not3A : i1
      %and3A_1310 = arith.andi %lt3A_1308, %not3A_1309 : i1
      scf.condition(%and3A_1310) %while3A_1301, %while3A_1302, %while3A_1303, %while3A_1304, %while3A_1305, %while3A_1306 : i32, i1, vector<256x128xi32>, vector<256x128xf32>, vector<256x16xf32>, vector<256x16xf32>
    } do {
    ^bb0(%while3A_1301: i32, %while3A_1302: i1, %while3A_1303: vector<256x128xi32>, %while3A_1304: vector<256x128xf32>, %while3A_1305: vector<256x16xf32>, %while3A_1306: vector<256x16xf32>):
      %eq3A_1307 = arith.constant 1 : i32
      %eq3A_1308 = vector.broadcast %eq3A_1307 : i32 to vector<256x128xi32>
      %eq3A_1309 = arith.cmpi eq, %while3A_1303, %eq3A_1308 : vector<256x128xi32>
      %broadcast_in_dim3A_1310 = arith.constant 9.99999968E+37 : f32
      %broadcast_in_dim3A_1311 = vector.broadcast %broadcast_in_dim3A_1310 : f32 to vector<256x128xf32>
      %broadcast_in_dim3A_1312 = arith.constant 0.000000e+00 : f32
      %broadcast_in_dim3A_1313 = vector.broadcast %broadcast_in_dim3A_1312 : f32 to vector<256x128xf32>
      %scan3A_1314 = arith.constant 0 : i32
      %scan3A_1315 = arith.constant 80 : i32
      %scan3A_1316 = arith.addi %scan3A_1314, %scan3A_1315 : i32
      %scan3A_1317 = arith.constant 1 : i32
      %scan3A_1318:2 = scf.for %scan3A_2264 = %scan3A_1314 to %scan3A_1316 step %scan3A_1317 iter_args(%scan3A_2265 = %broadcast_in_dim3A_1311, %scan3A_2266 = %broadcast_in_dim3A_1313) -> (vector<256x128xf32>, vector<256x128xf32>)  : i32 {
        %convert_element_type3A_2267 = arith.sitofp %scan3A_2264 : i32 to f32
        %mul3A_2268 = arith.constant 128 : i32
        %mul3A_2269 = arith.muli %scan3A_2264, %mul3A_2268 : i32
        %get3A_2270 = arith.constant 0 : index
        %get3A_2271 = arith.index_cast %mul3A_2269 : i32 to index
        %get3A_2272 = vector.load %arg4[%get3A_2270, %get3A_2271] : memref<256x10240xf32, #tpu.memory_space<vmem>>, vector<256x128xf32>
        %eq3A_2273 = vector.broadcast %convert_element_type3A_2267 : f32 to vector<256x128xf32>
        %eq3A_2274 = arith.cmpf oeq, %while3A_1304, %eq3A_2273 : vector<256x128xf32>
        %and3A_2275 = arith.andi %eq3A_1309, %eq3A_2274 : vector<256x128xi1>
        %jit3A_2276 = arith.constant 9.99999993E+36 : f32
        %broadcast_in_dim3A_2277 = vector.broadcast %jit3A_2276 : f32 to vector<256x128xf32>
        %select_n3A_2278 = arith.select %and3A_2275, %broadcast_in_dim3A_2277, %get3A_2272 : vector<256x128xi1>, vector<256x128xf32>
        %mul3A_2279 = arith.constant 128 : i32
        %mul3A_2280 = arith.muli %scan3A_2264, %mul3A_2279 : i32
        %swap3A_2281 = arith.constant 0 : index
        %swap3A_2282 = arith.index_cast %mul3A_2280 : i32 to index
        %swap3A_2283 = vector.load %arg4[%swap3A_2281, %swap3A_2282] : memref<256x10240xf32, #tpu.memory_space<vmem>>, vector<256x128xf32>
        tpu.vector_store %arg4[%swap3A_2281, %swap3A_2282], %select_n3A_2278 {strides = array<i32>} : memref<256x10240xf32, #tpu.memory_space<vmem>>, vector<256x128xf32>,
        %lt3A_2284 = arith.cmpf olt, %select_n3A_2278, %scan3A_2265 : vector<256x128xf32>
        %broadcast_in_dim3A_2285 = vector.broadcast %convert_element_type3A_2267 : f32 to vector<256x128xf32>
        %select_n3A_2286 = arith.select %lt3A_2284, %broadcast_in_dim3A_2285, %scan3A_2266 : vector<256x128xi1>, vector<256x128xf32>
        %select_n3A_2287 = arith.select %lt3A_2284, %select_n3A_2278, %scan3A_2265 : vector<256x128xi1>, vector<256x128xf32>
        scf.yield %select_n3A_2287, %select_n3A_2286 : vector<256x128xf32>, vector<256x128xf32>
      }
      %scan3A_1319 = arith.constant 80 : i32
      %mul3A_1320 = arith.constant 1.280000e+02 : f32
      %mul3A_1321 = vector.broadcast %mul3A_1320 : f32 to vector<256x128xf32>
      %mul3A_1322 = arith.mulf %scan3A_1318#1, %mul3A_1321 : vector<256x128xf32>
      %add3A_1323 = arith.addf %mul3A_1322, %convert_element_type3A_361 : vector<256x128xf32>
      %reduce_max3A = arith.constant dense<0xFF800000> : vector<256xf32>
      %reduce_max3A_1324 = vector.multi_reduction <maximumf>, %while3A_1305, %reduce_max3A [1] : vector<256x16xf32> to vector<256xf32>
      %broadcast_in_dim3A_1325 = vector.shape_cast %reduce_max3A_1324 : vector<256xf32> to vector<256x1xf32>
      %broadcast_in_dim3A_1326 = arith.constant 9.99999968E+37 : f32
      %broadcast_in_dim3A_1327 = vector.broadcast %broadcast_in_dim3A_1326 : f32 to vector<256x16xf32>
      %broadcast_in_dim3A_1328 = arith.constant 1.000000e+09 : f32
      %broadcast_in_dim3A_1329 = vector.broadcast %broadcast_in_dim3A_1328 : f32 to vector<256x16xf32>
      %reduce_min3A_1330 = arith.constant dense<0x7F800000> : vector<256xf32>
      %reduce_min3A_1331 = vector.multi_reduction <minimumf>, %scan3A_1318#0, %reduce_min3A_1330 [1] : vector<256x128xf32> to vector<256xf32>
      %broadcast_in_dim3A_1332 = vector.shape_cast %reduce_min3A_1331 : vector<256xf32> to vector<256x1xf32>
      %eq3A_1333 = vector.broadcast %broadcast_in_dim3A_1332 : vector<256x1xf32> to vector<256x128xf32>
      %eq3A_1334 = arith.cmpf oeq, %scan3A_1318#0, %eq3A_1333 : vector<256x128xf32>
      %jit3A_1335 = arith.constant 1.000000e+09 : f32
      %broadcast_in_dim3A_1336 = vector.broadcast %jit3A_1335 : f32 to vector<256x128xf32>
      %select_n3A_1337 = arith.select %eq3A_1334, %add3A_1323, %broadcast_in_dim3A_1336 : vector<256x128xi1>, vector<256x128xf32>
      %reduce_min3A_1338 = arith.constant dense<0x7F800000> : vector<256xf32>
      %reduce_min3A_1339 = vector.multi_reduction <minimumf>, %select_n3A_1337, %reduce_min3A_1338 [1] : vector<256x128xf32> to vector<256xf32>
      %broadcast_in_dim3A_1340 = vector.shape_cast %reduce_min3A_1339 : vector<256xf32> to vector<256x1xf32>
      %lt3A_1341 = arith.cmpf olt, %broadcast_in_dim3A_1325, %broadcast_in_dim3A_1332 : vector<256x1xf32>
      %reduce_and3A = arith.constant 1.000000e+00 : f32
      %reduce_and3A_1342 = arith.constant 0.000000e+00 : f32
      %reduce_and3A_1343 = vector.broadcast %reduce_and3A : f32 to vector<256x1xf32>
      %reduce_and3A_1344 = vector.broadcast %reduce_and3A_1342 : f32 to vector<256x1xf32>
      %reduce_and3A_1345 = arith.select %lt3A_1341, %reduce_and3A_1343, %reduce_and3A_1344 : vector<256x1xi1>, vector<256x1xf32>
      %reduce_and3A_1346 = vector.shape_cast %reduce_and3A_1345 : vector<256x1xf32> to vector<1x256x1xf32>
      %reduce_and3A_1347 = arith.constant dense<0x7F800000> : vector<1xf32>
      %reduce_and3A_1348 = vector.multi_reduction <minimumf>, %reduce_and3A_1346, %reduce_and3A_1347 [1, 2] : vector<1x256x1xf32> to vector<1xf32>
      %reduce_and3A_1349 = vector.shape_cast %reduce_and3A_1348 : vector<1xf32> to vector<1x1x1xf32>
      %reduce_and3A_1350 = vector.extract %reduce_and3A_1349[0, 0, 0] : f32 from vector<1x1x1xf32>
      %reduce_and3A_1351 = arith.constant 0.000000e+00 : f32
      %reduce_and3A_1352 = arith.cmpf ogt, %reduce_and3A_1350, %reduce_and3A_1351 : f32
      %reduce_min3A_1353 = arith.constant dense<0x7F800000> : vector<256xf32>
      %reduce_min3A_1354 = vector.multi_reduction <minimumf>, %while3A_1305, %reduce_min3A_1353 [1] : vector<256x16xf32> to vector<256xf32>
      %broadcast_in_dim3A_1355 = vector.shape_cast %reduce_min3A_1354 : vector<256xf32> to vector<256x1xf32>
      %eq3A_1356 = vector.broadcast %broadcast_in_dim3A_1355 : vector<256x1xf32> to vector<256x16xf32>
      %eq3A_1357 = arith.cmpf oeq, %while3A_1305, %eq3A_1356 : vector<256x16xf32>
      %jit3A_1358 = arith.constant 1.000000e+09 : f32
      %broadcast_in_dim3A_1359 = vector.broadcast %jit3A_1358 : f32 to vector<256x16xf32>
      %select_n3A_1360 = arith.select %eq3A_1357, %while3A_1306, %broadcast_in_dim3A_1359 : vector<256x16xi1>, vector<256x16xf32>
      %reduce_min3A_1361 = arith.constant dense<0x7F800000> : vector<256xf32>
      %reduce_min3A_1362 = vector.multi_reduction <minimumf>, %select_n3A_1360, %reduce_min3A_1361 [1] : vector<256x16xf32> to vector<256xf32>
      %broadcast_in_dim3A_1363 = vector.shape_cast %reduce_min3A_1362 : vector<256xf32> to vector<256x1xf32>
      %lt3A_1364 = arith.cmpf olt, %broadcast_in_dim3A_1332, %broadcast_in_dim3A_1355 : vector<256x1xf32>
      %eq3A_1365 = arith.cmpf oeq, %broadcast_in_dim3A_1332, %broadcast_in_dim3A_1355 : vector<256x1xf32>
      %lt3A_1366 = arith.cmpf olt, %broadcast_in_dim3A_1340, %broadcast_in_dim3A_1363 : vector<256x1xf32>
      %and3A_1367 = arith.andi %eq3A_1365, %lt3A_1366 : vector<256x1xi1>
      %or3A_1368 = arith.ori %lt3A_1364, %and3A_1367 : vector<256x1xi1>
      %select_n3A_1369 = arith.select %or3A_1368, %broadcast_in_dim3A_1332, %broadcast_in_dim3A_1355 : vector<256x1xi1>, vector<256x1xf32>
      %select_n3A_1370 = arith.select %or3A_1368, %broadcast_in_dim3A_1340, %broadcast_in_dim3A_1363 : vector<256x1xi1>, vector<256x1xf32>
      %eq3A_1371 = vector.broadcast %select_n3A_1369 : vector<256x1xf32> to vector<256x128xf32>
      %eq3A_1372 = arith.cmpf oeq, %scan3A_1318#0, %eq3A_1371 : vector<256x128xf32>
      %eq3A_1373 = vector.broadcast %select_n3A_1370 : vector<256x1xf32> to vector<256x128xf32>
      %eq3A_1374 = arith.cmpf oeq, %add3A_1323, %eq3A_1373 : vector<256x128xf32>
      %and3A_1375 = arith.andi %eq3A_1372, %eq3A_1374 : vector<256x128xi1>
      %jit3A_1376 = arith.constant 9.99999968E+37 : f32
      %broadcast_in_dim3A_1377 = vector.broadcast %jit3A_1376 : f32 to vector<256x128xf32>
      %select_n3A_1378 = arith.select %and3A_1375, %broadcast_in_dim3A_1377, %scan3A_1318#0 : vector<256x128xi1>, vector<256x128xf32>
      %eq3A_1379 = vector.broadcast %select_n3A_1369 : vector<256x1xf32> to vector<256x16xf32>
      %eq3A_1380 = arith.cmpf oeq, %while3A_1305, %eq3A_1379 : vector<256x16xf32>
      %eq3A_1381 = vector.broadcast %select_n3A_1370 : vector<256x1xf32> to vector<256x16xf32>
      %eq3A_1382 = arith.cmpf oeq, %while3A_1306, %eq3A_1381 : vector<256x16xf32>
      %and3A_1383 = arith.andi %eq3A_1380, %eq3A_1382 : vector<256x16xi1>
      %jit3A_1384 = arith.constant 9.99999968E+37 : f32
      %broadcast_in_dim3A_1385 = vector.broadcast %jit3A_1384 : f32 to vector<256x16xf32>
      %select_n3A_1386 = arith.select %and3A_1383, %broadcast_in_dim3A_1385, %while3A_1305 : vector<256x16xi1>, vector<256x16xf32>
      %eq3A_1387 = arith.constant 0 : i32
      %eq3A_1388 = vector.broadcast %eq3A_1387 : i32 to vector<256x16xi32>
      %eq3A_1389 = arith.cmpi eq, %iota3A_362, %eq3A_1388 : vector<256x16xi32>
      %broadcast_in_dim3A_1390 = vector.shape_cast %select_n3A_1369 : vector<256x1xf32> to vector<256x1xf32>
      %broadcast_in_dim3A_1391 = vector.broadcast %broadcast_in_dim3A_1390 : vector<256x1xf32> to vector<256x16xf32>
      %select_n3A_1392 = arith.select %eq3A_1389, %broadcast_in_dim3A_1391, %broadcast_in_dim3A_1327 : vector<256x16xi1>, vector<256x16xf32>
      %eq3A_1393 = arith.constant 0 : i32
      %eq3A_1394 = vector.broadcast %eq3A_1393 : i32 to vector<256x16xi32>
      %eq3A_1395 = arith.cmpi eq, %iota3A_362, %eq3A_1394 : vector<256x16xi32>
      %broadcast_in_dim3A_1396 = vector.shape_cast %select_n3A_1370 : vector<256x1xf32> to vector<256x1xf32>
      %broadcast_in_dim3A_1397 = vector.broadcast %broadcast_in_dim3A_1396 : vector<256x1xf32> to vector<256x16xf32>
      %select_n3A_1398 = arith.select %eq3A_1395, %broadcast_in_dim3A_1397, %broadcast_in_dim3A_1329 : vector<256x16xi1>, vector<256x16xf32>
      %reduce_min3A_1399 = arith.constant dense<0x7F800000> : vector<256xf32>
      %reduce_min3A_1400 = vector.multi_reduction <minimumf>, %select_n3A_1378, %reduce_min3A_1399 [1] : vector<256x128xf32> to vector<256xf32>
      %broadcast_in_dim3A_1401 = vector.shape_cast %reduce_min3A_1400 : vector<256xf32> to vector<256x1xf32>
      %eq3A_1402 = vector.broadcast %broadcast_in_dim3A_1401 : vector<256x1xf32> to vector<256x128xf32>
      %eq3A_1403 = arith.cmpf oeq, %select_n3A_1378, %eq3A_1402 : vector<256x128xf32>
      %jit3A_1404 = arith.constant 1.000000e+09 : f32
      %broadcast_in_dim3A_1405 = vector.broadcast %jit3A_1404 : f32 to vector<256x128xf32>
      %select_n3A_1406 = arith.select %eq3A_1403, %add3A_1323, %broadcast_in_dim3A_1405 : vector<256x128xi1>, vector<256x128xf32>
      %reduce_min3A_1407 = arith.constant dense<0x7F800000> : vector<256xf32>
      %reduce_min3A_1408 = vector.multi_reduction <minimumf>, %select_n3A_1406, %reduce_min3A_1407 [1] : vector<256x128xf32> to vector<256xf32>
      %broadcast_in_dim3A_1409 = vector.shape_cast %reduce_min3A_1408 : vector<256xf32> to vector<256x1xf32>
      %reduce_min3A_1410 = arith.constant dense<0x7F800000> : vector<256xf32>
      %reduce_min3A_1411 = vector.multi_reduction <minimumf>, %select_n3A_1386, %reduce_min3A_1410 [1] : vector<256x16xf32> to vector<256xf32>
      %broadcast_in_dim3A_1412 = vector.shape_cast %reduce_min3A_1411 : vector<256xf32> to vector<256x1xf32>
      %eq3A_1413 = vector.broadcast %broadcast_in_dim3A_1412 : vector<256x1xf32> to vector<256x16xf32>
      %eq3A_1414 = arith.cmpf oeq, %select_n3A_1386, %eq3A_1413 : vector<256x16xf32>
      %jit3A_1415 = arith.constant 1.000000e+09 : f32
      %broadcast_in_dim3A_1416 = vector.broadcast %jit3A_1415 : f32 to vector<256x16xf32>
      %select_n3A_1417 = arith.select %eq3A_1414, %while3A_1306, %broadcast_in_dim3A_1416 : vector<256x16xi1>, vector<256x16xf32>
      %reduce_min3A_1418 = arith.constant dense<0x7F800000> : vector<256xf32>
      %reduce_min3A_1419 = vector.multi_reduction <minimumf>, %select_n3A_1417, %reduce_min3A_1418 [1] : vector<256x16xf32> to vector<256xf32>
      %broadcast_in_dim3A_1420 = vector.shape_cast %reduce_min3A_1419 : vector<256xf32> to vector<256x1xf32>
      %lt3A_1421 = arith.cmpf olt, %broadcast_in_dim3A_1401, %broadcast_in_dim3A_1412 : vector<256x1xf32>
      %eq3A_1422 = arith.cmpf oeq, %broadcast_in_dim3A_1401, %broadcast_in_dim3A_1412 : vector<256x1xf32>
      %lt3A_1423 = arith.cmpf olt, %broadcast_in_dim3A_1409, %broadcast_in_dim3A_1420 : vector<256x1xf32>
      %and3A_1424 = arith.andi %eq3A_1422, %lt3A_1423 : vector<256x1xi1>
      %or3A_1425 = arith.ori %lt3A_1421, %and3A_1424 : vector<256x1xi1>
      %select_n3A_1426 = arith.select %or3A_1425, %broadcast_in_dim3A_1401, %broadcast_in_dim3A_1412 : vector<256x1xi1>, vector<256x1xf32>
      %select_n3A_1427 = arith.select %or3A_1425, %broadcast_in_dim3A_1409, %broadcast_in_dim3A_1420 : vector<256x1xi1>, vector<256x1xf32>
      %eq3A_1428 = vector.broadcast %select_n3A_1426 : vector<256x1xf32> to vector<256x128xf32>
      %eq3A_1429 = arith.cmpf oeq, %select_n3A_1378, %eq3A_1428 : vector<256x128xf32>
      %eq3A_1430 = vector.broadcast %select_n3A_1427 : vector<256x1xf32> to vector<256x128xf32>
      %eq3A_1431 = arith.cmpf oeq, %add3A_1323, %eq3A_1430 : vector<256x128xf32>
      %and3A_1432 = arith.andi %eq3A_1429, %eq3A_1431 : vector<256x128xi1>
      %jit3A_1433 = arith.constant 9.99999968E+37 : f32
      %broadcast_in_dim3A_1434 = vector.broadcast %jit3A_1433 : f32 to vector<256x128xf32>
      %select_n3A_1435 = arith.select %and3A_1432, %broadcast_in_dim3A_1434, %select_n3A_1378 : vector<256x128xi1>, vector<256x128xf32>
      %eq3A_1436 = vector.broadcast %select_n3A_1426 : vector<256x1xf32> to vector<256x16xf32>
      %eq3A_1437 = arith.cmpf oeq, %select_n3A_1386, %eq3A_1436 : vector<256x16xf32>
      %eq3A_1438 = vector.broadcast %select_n3A_1427 : vector<256x1xf32> to vector<256x16xf32>
      %eq3A_1439 = arith.cmpf oeq, %while3A_1306, %eq3A_1438 : vector<256x16xf32>
      %and3A_1440 = arith.andi %eq3A_1437, %eq3A_1439 : vector<256x16xi1>
      %jit3A_1441 = arith.constant 9.99999968E+37 : f32
      %broadcast_in_dim3A_1442 = vector.broadcast %jit3A_1441 : f32 to vector<256x16xf32>
      %select_n3A_1443 = arith.select %and3A_1440, %broadcast_in_dim3A_1442, %select_n3A_1386 : vector<256x16xi1>, vector<256x16xf32>
      %eq3A_1444 = arith.constant 1 : i32
      %eq3A_1445 = vector.broadcast %eq3A_1444 : i32 to vector<256x16xi32>
      %eq3A_1446 = arith.cmpi eq, %iota3A_362, %eq3A_1445 : vector<256x16xi32>
      %broadcast_in_dim3A_1447 = vector.shape_cast %select_n3A_1426 : vector<256x1xf32> to vector<256x1xf32>
      %broadcast_in_dim3A_1448 = vector.broadcast %broadcast_in_dim3A_1447 : vector<256x1xf32> to vector<256x16xf32>
      %select_n3A_1449 = arith.select %eq3A_1446, %broadcast_in_dim3A_1448, %select_n3A_1392 : vector<256x16xi1>, vector<256x16xf32>
      %eq3A_1450 = arith.constant 1 : i32
      %eq3A_1451 = vector.broadcast %eq3A_1450 : i32 to vector<256x16xi32>
      %eq3A_1452 = arith.cmpi eq, %iota3A_362, %eq3A_1451 : vector<256x16xi32>
      %broadcast_in_dim3A_1453 = vector.shape_cast %select_n3A_1427 : vector<256x1xf32> to vector<256x1xf32>
      %broadcast_in_dim3A_1454 = vector.broadcast %broadcast_in_dim3A_1453 : vector<256x1xf32> to vector<256x16xf32>
      %select_n3A_1455 = arith.select %eq3A_1452, %broadcast_in_dim3A_1454, %select_n3A_1398 : vector<256x16xi1>, vector<256x16xf32>
      %reduce_min3A_1456 = arith.constant dense<0x7F800000> : vector<256xf32>
      %reduce_min3A_1457 = vector.multi_reduction <minimumf>, %select_n3A_1435, %reduce_min3A_1456 [1] : vector<256x128xf32> to vector<256xf32>
      %broadcast_in_dim3A_1458 = vector.shape_cast %reduce_min3A_1457 : vector<256xf32> to vector<256x1xf32>
      %eq3A_1459 = vector.broadcast %broadcast_in_dim3A_1458 : vector<256x1xf32> to vector<256x128xf32>
      %eq3A_1460 = arith.cmpf oeq, %select_n3A_1435, %eq3A_1459 : vector<256x128xf32>
      %jit3A_1461 = arith.constant 1.000000e+09 : f32
      %broadcast_in_dim3A_1462 = vector.broadcast %jit3A_1461 : f32 to vector<256x128xf32>
      %select_n3A_1463 = arith.select %eq3A_1460, %add3A_1323, %broadcast_in_dim3A_1462 : vector<256x128xi1>, vector<256x128xf32>
      %reduce_min3A_1464 = arith.constant dense<0x7F800000> : vector<256xf32>
      %reduce_min3A_1465 = vector.multi_reduction <minimumf>, %select_n3A_1463, %reduce_min3A_1464 [1] : vector<256x128xf32> to vector<256xf32>
      %broadcast_in_dim3A_1466 = vector.shape_cast %reduce_min3A_1465 : vector<256xf32> to vector<256x1xf32>
      %reduce_min3A_1467 = arith.constant dense<0x7F800000> : vector<256xf32>
      %reduce_min3A_1468 = vector.multi_reduction <minimumf>, %select_n3A_1443, %reduce_min3A_1467 [1] : vector<256x16xf32> to vector<256xf32>
      %broadcast_in_dim3A_1469 = vector.shape_cast %reduce_min3A_1468 : vector<256xf32> to vector<256x1xf32>
      %eq3A_1470 = vector.broadcast %broadcast_in_dim3A_1469 : vector<256x1xf32> to vector<256x16xf32>
      %eq3A_1471 = arith.cmpf oeq, %select_n3A_1443, %eq3A_1470 : vector<256x16xf32>
      %jit3A_1472 = arith.constant 1.000000e+09 : f32
      %broadcast_in_dim3A_1473 = vector.broadcast %jit3A_1472 : f32 to vector<256x16xf32>
      %select_n3A_1474 = arith.select %eq3A_1471, %while3A_1306, %broadcast_in_dim3A_1473 : vector<256x16xi1>, vector<256x16xf32>
      %reduce_min3A_1475 = arith.constant dense<0x7F800000> : vector<256xf32>
      %reduce_min3A_1476 = vector.multi_reduction <minimumf>, %select_n3A_1474, %reduce_min3A_1475 [1] : vector<256x16xf32> to vector<256xf32>
      %broadcast_in_dim3A_1477 = vector.shape_cast %reduce_min3A_1476 : vector<256xf32> to vector<256x1xf32>
      %lt3A_1478 = arith.cmpf olt, %broadcast_in_dim3A_1458, %broadcast_in_dim3A_1469 : vector<256x1xf32>
      %eq3A_1479 = arith.cmpf oeq, %broadcast_in_dim3A_1458, %broadcast_in_dim3A_1469 : vector<256x1xf32>
      %lt3A_1480 = arith.cmpf olt, %broadcast_in_dim3A_1466, %broadcast_in_dim3A_1477 : vector<256x1xf32>
      %and3A_1481 = arith.andi %eq3A_1479, %lt3A_1480 : vector<256x1xi1>
      %or3A_1482 = arith.ori %lt3A_1478, %and3A_1481 : vector<256x1xi1>
      %select_n3A_1483 = arith.select %or3A_1482, %broadcast_in_dim3A_1458, %broadcast_in_dim3A_1469 : vector<256x1xi1>, vector<256x1xf32>
      %select_n3A_1484 = arith.select %or3A_1482, %broadcast_in_dim3A_1466, %broadcast_in_dim3A_1477 : vector<256x1xi1>, vector<256x1xf32>
      %eq3A_1485 = vector.broadcast %select_n3A_1483 : vector<256x1xf32> to vector<256x128xf32>
      %eq3A_1486 = arith.cmpf oeq, %select_n3A_1435, %eq3A_1485 : vector<256x128xf32>
      %eq3A_1487 = vector.broadcast %select_n3A_1484 : vector<256x1xf32> to vector<256x128xf32>
      %eq3A_1488 = arith.cmpf oeq, %add3A_1323, %eq3A_1487 : vector<256x128xf32>
      %and3A_1489 = arith.andi %eq3A_1486, %eq3A_1488 : vector<256x128xi1>
      %jit3A_1490 = arith.constant 9.99999968E+37 : f32
      %broadcast_in_dim3A_1491 = vector.broadcast %jit3A_1490 : f32 to vector<256x128xf32>
      %select_n3A_1492 = arith.select %and3A_1489, %broadcast_in_dim3A_1491, %select_n3A_1435 : vector<256x128xi1>, vector<256x128xf32>
      %eq3A_1493 = vector.broadcast %select_n3A_1483 : vector<256x1xf32> to vector<256x16xf32>
      %eq3A_1494 = arith.cmpf oeq, %select_n3A_1443, %eq3A_1493 : vector<256x16xf32>
      %eq3A_1495 = vector.broadcast %select_n3A_1484 : vector<256x1xf32> to vector<256x16xf32>
      %eq3A_1496 = arith.cmpf oeq, %while3A_1306, %eq3A_1495 : vector<256x16xf32>
      %and3A_1497 = arith.andi %eq3A_1494, %eq3A_1496 : vector<256x16xi1>
      %jit3A_1498 = arith.constant 9.99999968E+37 : f32
      %broadcast_in_dim3A_1499 = vector.broadcast %jit3A_1498 : f32 to vector<256x16xf32>
      %select_n3A_1500 = arith.select %and3A_1497, %broadcast_in_dim3A_1499, %select_n3A_1443 : vector<256x16xi1>, vector<256x16xf32>
      %eq3A_1501 = arith.constant 2 : i32
      %eq3A_1502 = vector.broadcast %eq3A_1501 : i32 to vector<256x16xi32>
      %eq3A_1503 = arith.cmpi eq, %iota3A_362, %eq3A_1502 : vector<256x16xi32>
      %broadcast_in_dim3A_1504 = vector.shape_cast %select_n3A_1483 : vector<256x1xf32> to vector<256x1xf32>
      %broadcast_in_dim3A_1505 = vector.broadcast %broadcast_in_dim3A_1504 : vector<256x1xf32> to vector<256x16xf32>
      %select_n3A_1506 = arith.select %eq3A_1503, %broadcast_in_dim3A_1505, %select_n3A_1449 : vector<256x16xi1>, vector<256x16xf32>
      %eq3A_1507 = arith.constant 2 : i32
      %eq3A_1508 = vector.broadcast %eq3A_1507 : i32 to vector<256x16xi32>
      %eq3A_1509 = arith.cmpi eq, %iota3A_362, %eq3A_1508 : vector<256x16xi32>
      %broadcast_in_dim3A_1510 = vector.shape_cast %select_n3A_1484 : vector<256x1xf32> to vector<256x1xf32>
      %broadcast_in_dim3A_1511 = vector.broadcast %broadcast_in_dim3A_1510 : vector<256x1xf32> to vector<256x16xf32>
      %select_n3A_1512 = arith.select %eq3A_1509, %broadcast_in_dim3A_1511, %select_n3A_1455 : vector<256x16xi1>, vector<256x16xf32>
      %reduce_min3A_1513 = arith.constant dense<0x7F800000> : vector<256xf32>
      %reduce_min3A_1514 = vector.multi_reduction <minimumf>, %select_n3A_1492, %reduce_min3A_1513 [1] : vector<256x128xf32> to vector<256xf32>
      %broadcast_in_dim3A_1515 = vector.shape_cast %reduce_min3A_1514 : vector<256xf32> to vector<256x1xf32>
      %eq3A_1516 = vector.broadcast %broadcast_in_dim3A_1515 : vector<256x1xf32> to vector<256x128xf32>
      %eq3A_1517 = arith.cmpf oeq, %select_n3A_1492, %eq3A_1516 : vector<256x128xf32>
      %jit3A_1518 = arith.constant 1.000000e+09 : f32
      %broadcast_in_dim3A_1519 = vector.broadcast %jit3A_1518 : f32 to vector<256x128xf32>
      %select_n3A_1520 = arith.select %eq3A_1517, %add3A_1323, %broadcast_in_dim3A_1519 : vector<256x128xi1>, vector<256x128xf32>
      %reduce_min3A_1521 = arith.constant dense<0x7F800000> : vector<256xf32>
      %reduce_min3A_1522 = vector.multi_reduction <minimumf>, %select_n3A_1520, %reduce_min3A_1521 [1] : vector<256x128xf32> to vector<256xf32>
      %broadcast_in_dim3A_1523 = vector.shape_cast %reduce_min3A_1522 : vector<256xf32> to vector<256x1xf32>
      %reduce_min3A_1524 = arith.constant dense<0x7F800000> : vector<256xf32>
      %reduce_min3A_1525 = vector.multi_reduction <minimumf>, %select_n3A_1500, %reduce_min3A_1524 [1] : vector<256x16xf32> to vector<256xf32>
      %broadcast_in_dim3A_1526 = vector.shape_cast %reduce_min3A_1525 : vector<256xf32> to vector<256x1xf32>
      %eq3A_1527 = vector.broadcast %broadcast_in_dim3A_1526 : vector<256x1xf32> to vector<256x16xf32>
      %eq3A_1528 = arith.cmpf oeq, %select_n3A_1500, %eq3A_1527 : vector<256x16xf32>
      %jit3A_1529 = arith.constant 1.000000e+09 : f32
      %broadcast_in_dim3A_1530 = vector.broadcast %jit3A_1529 : f32 to vector<256x16xf32>
      %select_n3A_1531 = arith.select %eq3A_1528, %while3A_1306, %broadcast_in_dim3A_1530 : vector<256x16xi1>, vector<256x16xf32>
      %reduce_min3A_1532 = arith.constant dense<0x7F800000> : vector<256xf32>
      %reduce_min3A_1533 = vector.multi_reduction <minimumf>, %select_n3A_1531, %reduce_min3A_1532 [1] : vector<256x16xf32> to vector<256xf32>
      %broadcast_in_dim3A_1534 = vector.shape_cast %reduce_min3A_1533 : vector<256xf32> to vector<256x1xf32>
      %lt3A_1535 = arith.cmpf olt, %broadcast_in_dim3A_1515, %broadcast_in_dim3A_1526 : vector<256x1xf32>
      %eq3A_1536 = arith.cmpf oeq, %broadcast_in_dim3A_1515, %broadcast_in_dim3A_1526 : vector<256x1xf32>
      %lt3A_1537 = arith.cmpf olt, %broadcast_in_dim3A_1523, %broadcast_in_dim3A_1534 : vector<256x1xf32>
      %and3A_1538 = arith.andi %eq3A_1536, %lt3A_1537 : vector<256x1xi1>
      %or3A_1539 = arith.ori %lt3A_1535, %and3A_1538 : vector<256x1xi1>
      %select_n3A_1540 = arith.select %or3A_1539, %broadcast_in_dim3A_1515, %broadcast_in_dim3A_1526 : vector<256x1xi1>, vector<256x1xf32>
      %select_n3A_1541 = arith.select %or3A_1539, %broadcast_in_dim3A_1523, %broadcast_in_dim3A_1534 : vector<256x1xi1>, vector<256x1xf32>
      %eq3A_1542 = vector.broadcast %select_n3A_1540 : vector<256x1xf32> to vector<256x128xf32>
      %eq3A_1543 = arith.cmpf oeq, %select_n3A_1492, %eq3A_1542 : vector<256x128xf32>
      %eq3A_1544 = vector.broadcast %select_n3A_1541 : vector<256x1xf32> to vector<256x128xf32>
      %eq3A_1545 = arith.cmpf oeq, %add3A_1323, %eq3A_1544 : vector<256x128xf32>
      %and3A_1546 = arith.andi %eq3A_1543, %eq3A_1545 : vector<256x128xi1>
      %jit3A_1547 = arith.constant 9.99999968E+37 : f32
      %broadcast_in_dim3A_1548 = vector.broadcast %jit3A_1547 : f32 to vector<256x128xf32>
      %select_n3A_1549 = arith.select %and3A_1546, %broadcast_in_dim3A_1548, %select_n3A_1492 : vector<256x128xi1>, vector<256x128xf32>
      %eq3A_1550 = vector.broadcast %select_n3A_1540 : vector<256x1xf32> to vector<256x16xf32>
      %eq3A_1551 = arith.cmpf oeq, %select_n3A_1500, %eq3A_1550 : vector<256x16xf32>
      %eq3A_1552 = vector.broadcast %select_n3A_1541 : vector<256x1xf32> to vector<256x16xf32>
      %eq3A_1553 = arith.cmpf oeq, %while3A_1306, %eq3A_1552 : vector<256x16xf32>
      %and3A_1554 = arith.andi %eq3A_1551, %eq3A_1553 : vector<256x16xi1>
      %jit3A_1555 = arith.constant 9.99999968E+37 : f32
      %broadcast_in_dim3A_1556 = vector.broadcast %jit3A_1555 : f32 to vector<256x16xf32>
      %select_n3A_1557 = arith.select %and3A_1554, %broadcast_in_dim3A_1556, %select_n3A_1500 : vector<256x16xi1>, vector<256x16xf32>
      %eq3A_1558 = arith.constant 3 : i32
      %eq3A_1559 = vector.broadcast %eq3A_1558 : i32 to vector<256x16xi32>
      %eq3A_1560 = arith.cmpi eq, %iota3A_362, %eq3A_1559 : vector<256x16xi32>
      %broadcast_in_dim3A_1561 = vector.shape_cast %select_n3A_1540 : vector<256x1xf32> to vector<256x1xf32>
      %broadcast_in_dim3A_1562 = vector.broadcast %broadcast_in_dim3A_1561 : vector<256x1xf32> to vector<256x16xf32>
      %select_n3A_1563 = arith.select %eq3A_1560, %broadcast_in_dim3A_1562, %select_n3A_1506 : vector<256x16xi1>, vector<256x16xf32>
      %eq3A_1564 = arith.constant 3 : i32
      %eq3A_1565 = vector.broadcast %eq3A_1564 : i32 to vector<256x16xi32>
      %eq3A_1566 = arith.cmpi eq, %iota3A_362, %eq3A_1565 : vector<256x16xi32>
      %broadcast_in_dim3A_1567 = vector.shape_cast %select_n3A_1541 : vector<256x1xf32> to vector<256x1xf32>
      %broadcast_in_dim3A_1568 = vector.broadcast %broadcast_in_dim3A_1567 : vector<256x1xf32> to vector<256x16xf32>
      %select_n3A_1569 = arith.select %eq3A_1566, %broadcast_in_dim3A_1568, %select_n3A_1512 : vector<256x16xi1>, vector<256x16xf32>
      %reduce_min3A_1570 = arith.constant dense<0x7F800000> : vector<256xf32>
      %reduce_min3A_1571 = vector.multi_reduction <minimumf>, %select_n3A_1549, %reduce_min3A_1570 [1] : vector<256x128xf32> to vector<256xf32>
      %broadcast_in_dim3A_1572 = vector.shape_cast %reduce_min3A_1571 : vector<256xf32> to vector<256x1xf32>
      %eq3A_1573 = vector.broadcast %broadcast_in_dim3A_1572 : vector<256x1xf32> to vector<256x128xf32>
      %eq3A_1574 = arith.cmpf oeq, %select_n3A_1549, %eq3A_1573 : vector<256x128xf32>
      %jit3A_1575 = arith.constant 1.000000e+09 : f32
      %broadcast_in_dim3A_1576 = vector.broadcast %jit3A_1575 : f32 to vector<256x128xf32>
      %select_n3A_1577 = arith.select %eq3A_1574, %add3A_1323, %broadcast_in_dim3A_1576 : vector<256x128xi1>, vector<256x128xf32>
      %reduce_min3A_1578 = arith.constant dense<0x7F800000> : vector<256xf32>
      %reduce_min3A_1579 = vector.multi_reduction <minimumf>, %select_n3A_1577, %reduce_min3A_1578 [1] : vector<256x128xf32> to vector<256xf32>
      %broadcast_in_dim3A_1580 = vector.shape_cast %reduce_min3A_1579 : vector<256xf32> to vector<256x1xf32>
      %reduce_min3A_1581 = arith.constant dense<0x7F800000> : vector<256xf32>
      %reduce_min3A_1582 = vector.multi_reduction <minimumf>, %select_n3A_1557, %reduce_min3A_1581 [1] : vector<256x16xf32> to vector<256xf32>
      %broadcast_in_dim3A_1583 = vector.shape_cast %reduce_min3A_1582 : vector<256xf32> to vector<256x1xf32>
      %eq3A_1584 = vector.broadcast %broadcast_in_dim3A_1583 : vector<256x1xf32> to vector<256x16xf32>
      %eq3A_1585 = arith.cmpf oeq, %select_n3A_1557, %eq3A_1584 : vector<256x16xf32>
      %jit3A_1586 = arith.constant 1.000000e+09 : f32
      %broadcast_in_dim3A_1587 = vector.broadcast %jit3A_1586 : f32 to vector<256x16xf32>
      %select_n3A_1588 = arith.select %eq3A_1585, %while3A_1306, %broadcast_in_dim3A_1587 : vector<256x16xi1>, vector<256x16xf32>
      %reduce_min3A_1589 = arith.constant dense<0x7F800000> : vector<256xf32>
      %reduce_min3A_1590 = vector.multi_reduction <minimumf>, %select_n3A_1588, %reduce_min3A_1589 [1] : vector<256x16xf32> to vector<256xf32>
      %broadcast_in_dim3A_1591 = vector.shape_cast %reduce_min3A_1590 : vector<256xf32> to vector<256x1xf32>
      %lt3A_1592 = arith.cmpf olt, %broadcast_in_dim3A_1572, %broadcast_in_dim3A_1583 : vector<256x1xf32>
      %eq3A_1593 = arith.cmpf oeq, %broadcast_in_dim3A_1572, %broadcast_in_dim3A_1583 : vector<256x1xf32>
      %lt3A_1594 = arith.cmpf olt, %broadcast_in_dim3A_1580, %broadcast_in_dim3A_1591 : vector<256x1xf32>
      %and3A_1595 = arith.andi %eq3A_1593, %lt3A_1594 : vector<256x1xi1>
      %or3A_1596 = arith.ori %lt3A_1592, %and3A_1595 : vector<256x1xi1>
      %select_n3A_1597 = arith.select %or3A_1596, %broadcast_in_dim3A_1572, %broadcast_in_dim3A_1583 : vector<256x1xi1>, vector<256x1xf32>
      %select_n3A_1598 = arith.select %or3A_1596, %broadcast_in_dim3A_1580, %broadcast_in_dim3A_1591 : vector<256x1xi1>, vector<256x1xf32>
      %eq3A_1599 = vector.broadcast %select_n3A_1597 : vector<256x1xf32> to vector<256x128xf32>
      %eq3A_1600 = arith.cmpf oeq, %select_n3A_1549, %eq3A_1599 : vector<256x128xf32>
      %eq3A_1601 = vector.broadcast %select_n3A_1598 : vector<256x1xf32> to vector<256x128xf32>
      %eq3A_1602 = arith.cmpf oeq, %add3A_1323, %eq3A_1601 : vector<256x128xf32>
      %and3A_1603 = arith.andi %eq3A_1600, %eq3A_1602 : vector<256x128xi1>
      %jit3A_1604 = arith.constant 9.99999968E+37 : f32
      %broadcast_in_dim3A_1605 = vector.broadcast %jit3A_1604 : f32 to vector<256x128xf32>
      %select_n3A_1606 = arith.select %and3A_1603, %broadcast_in_dim3A_1605, %select_n3A_1549 : vector<256x128xi1>, vector<256x128xf32>
      %eq3A_1607 = vector.broadcast %select_n3A_1597 : vector<256x1xf32> to vector<256x16xf32>
      %eq3A_1608 = arith.cmpf oeq, %select_n3A_1557, %eq3A_1607 : vector<256x16xf32>
      %eq3A_1609 = vector.broadcast %select_n3A_1598 : vector<256x1xf32> to vector<256x16xf32>
      %eq3A_1610 = arith.cmpf oeq, %while3A_1306, %eq3A_1609 : vector<256x16xf32>
      %and3A_1611 = arith.andi %eq3A_1608, %eq3A_1610 : vector<256x16xi1>
      %jit3A_1612 = arith.constant 9.99999968E+37 : f32
      %broadcast_in_dim3A_1613 = vector.broadcast %jit3A_1612 : f32 to vector<256x16xf32>
      %select_n3A_1614 = arith.select %and3A_1611, %broadcast_in_dim3A_1613, %select_n3A_1557 : vector<256x16xi1>, vector<256x16xf32>
      %eq3A_1615 = arith.constant 4 : i32
      %eq3A_1616 = vector.broadcast %eq3A_1615 : i32 to vector<256x16xi32>
      %eq3A_1617 = arith.cmpi eq, %iota3A_362, %eq3A_1616 : vector<256x16xi32>
      %broadcast_in_dim3A_1618 = vector.shape_cast %select_n3A_1597 : vector<256x1xf32> to vector<256x1xf32>
      %broadcast_in_dim3A_1619 = vector.broadcast %broadcast_in_dim3A_1618 : vector<256x1xf32> to vector<256x16xf32>
      %select_n3A_1620 = arith.select %eq3A_1617, %broadcast_in_dim3A_1619, %select_n3A_1563 : vector<256x16xi1>, vector<256x16xf32>
      %eq3A_1621 = arith.constant 4 : i32
      %eq3A_1622 = vector.broadcast %eq3A_1621 : i32 to vector<256x16xi32>
      %eq3A_1623 = arith.cmpi eq, %iota3A_362, %eq3A_1622 : vector<256x16xi32>
      %broadcast_in_dim3A_1624 = vector.shape_cast %select_n3A_1598 : vector<256x1xf32> to vector<256x1xf32>
      %broadcast_in_dim3A_1625 = vector.broadcast %broadcast_in_dim3A_1624 : vector<256x1xf32> to vector<256x16xf32>
      %select_n3A_1626 = arith.select %eq3A_1623, %broadcast_in_dim3A_1625, %select_n3A_1569 : vector<256x16xi1>, vector<256x16xf32>
      %reduce_min3A_1627 = arith.constant dense<0x7F800000> : vector<256xf32>
      %reduce_min3A_1628 = vector.multi_reduction <minimumf>, %select_n3A_1606, %reduce_min3A_1627 [1] : vector<256x128xf32> to vector<256xf32>
      %broadcast_in_dim3A_1629 = vector.shape_cast %reduce_min3A_1628 : vector<256xf32> to vector<256x1xf32>
      %eq3A_1630 = vector.broadcast %broadcast_in_dim3A_1629 : vector<256x1xf32> to vector<256x128xf32>
      %eq3A_1631 = arith.cmpf oeq, %select_n3A_1606, %eq3A_1630 : vector<256x128xf32>
      %jit3A_1632 = arith.constant 1.000000e+09 : f32
      %broadcast_in_dim3A_1633 = vector.broadcast %jit3A_1632 : f32 to vector<256x128xf32>
      %select_n3A_1634 = arith.select %eq3A_1631, %add3A_1323, %broadcast_in_dim3A_1633 : vector<256x128xi1>, vector<256x128xf32>
      %reduce_min3A_1635 = arith.constant dense<0x7F800000> : vector<256xf32>
      %reduce_min3A_1636 = vector.multi_reduction <minimumf>, %select_n3A_1634, %reduce_min3A_1635 [1] : vector<256x128xf32> to vector<256xf32>
      %broadcast_in_dim3A_1637 = vector.shape_cast %reduce_min3A_1636 : vector<256xf32> to vector<256x1xf32>
      %reduce_min3A_1638 = arith.constant dense<0x7F800000> : vector<256xf32>
      %reduce_min3A_1639 = vector.multi_reduction <minimumf>, %select_n3A_1614, %reduce_min3A_1638 [1] : vector<256x16xf32> to vector<256xf32>
      %broadcast_in_dim3A_1640 = vector.shape_cast %reduce_min3A_1639 : vector<256xf32> to vector<256x1xf32>
      %eq3A_1641 = vector.broadcast %broadcast_in_dim3A_1640 : vector<256x1xf32> to vector<256x16xf32>
      %eq3A_1642 = arith.cmpf oeq, %select_n3A_1614, %eq3A_1641 : vector<256x16xf32>
      %jit3A_1643 = arith.constant 1.000000e+09 : f32
      %broadcast_in_dim3A_1644 = vector.broadcast %jit3A_1643 : f32 to vector<256x16xf32>
      %select_n3A_1645 = arith.select %eq3A_1642, %while3A_1306, %broadcast_in_dim3A_1644 : vector<256x16xi1>, vector<256x16xf32>
      %reduce_min3A_1646 = arith.constant dense<0x7F800000> : vector<256xf32>
      %reduce_min3A_1647 = vector.multi_reduction <minimumf>, %select_n3A_1645, %reduce_min3A_1646 [1] : vector<256x16xf32> to vector<256xf32>
      %broadcast_in_dim3A_1648 = vector.shape_cast %reduce_min3A_1647 : vector<256xf32> to vector<256x1xf32>
      %lt3A_1649 = arith.cmpf olt, %broadcast_in_dim3A_1629, %broadcast_in_dim3A_1640 : vector<256x1xf32>
      %eq3A_1650 = arith.cmpf oeq, %broadcast_in_dim3A_1629, %broadcast_in_dim3A_1640 : vector<256x1xf32>
      %lt3A_1651 = arith.cmpf olt, %broadcast_in_dim3A_1637, %broadcast_in_dim3A_1648 : vector<256x1xf32>
      %and3A_1652 = arith.andi %eq3A_1650, %lt3A_1651 : vector<256x1xi1>
      %or3A_1653 = arith.ori %lt3A_1649, %and3A_1652 : vector<256x1xi1>
      %select_n3A_1654 = arith.select %or3A_1653, %broadcast_in_dim3A_1629, %broadcast_in_dim3A_1640 : vector<256x1xi1>, vector<256x1xf32>
      %select_n3A_1655 = arith.select %or3A_1653, %broadcast_in_dim3A_1637, %broadcast_in_dim3A_1648 : vector<256x1xi1>, vector<256x1xf32>
      %eq3A_1656 = vector.broadcast %select_n3A_1654 : vector<256x1xf32> to vector<256x128xf32>
      %eq3A_1657 = arith.cmpf oeq, %select_n3A_1606, %eq3A_1656 : vector<256x128xf32>
      %eq3A_1658 = vector.broadcast %select_n3A_1655 : vector<256x1xf32> to vector<256x128xf32>
      %eq3A_1659 = arith.cmpf oeq, %add3A_1323, %eq3A_1658 : vector<256x128xf32>
      %and3A_1660 = arith.andi %eq3A_1657, %eq3A_1659 : vector<256x128xi1>
      %jit3A_1661 = arith.constant 9.99999968E+37 : f32
      %broadcast_in_dim3A_1662 = vector.broadcast %jit3A_1661 : f32 to vector<256x128xf32>
      %select_n3A_1663 = arith.select %and3A_1660, %broadcast_in_dim3A_1662, %select_n3A_1606 : vector<256x128xi1>, vector<256x128xf32>
      %eq3A_1664 = vector.broadcast %select_n3A_1654 : vector<256x1xf32> to vector<256x16xf32>
      %eq3A_1665 = arith.cmpf oeq, %select_n3A_1614, %eq3A_1664 : vector<256x16xf32>
      %eq3A_1666 = vector.broadcast %select_n3A_1655 : vector<256x1xf32> to vector<256x16xf32>
      %eq3A_1667 = arith.cmpf oeq, %while3A_1306, %eq3A_1666 : vector<256x16xf32>
      %and3A_1668 = arith.andi %eq3A_1665, %eq3A_1667 : vector<256x16xi1>
      %jit3A_1669 = arith.constant 9.99999968E+37 : f32
      %broadcast_in_dim3A_1670 = vector.broadcast %jit3A_1669 : f32 to vector<256x16xf32>
      %select_n3A_1671 = arith.select %and3A_1668, %broadcast_in_dim3A_1670, %select_n3A_1614 : vector<256x16xi1>, vector<256x16xf32>
      %eq3A_1672 = arith.constant 5 : i32
      %eq3A_1673 = vector.broadcast %eq3A_1672 : i32 to vector<256x16xi32>
      %eq3A_1674 = arith.cmpi eq, %iota3A_362, %eq3A_1673 : vector<256x16xi32>
      %broadcast_in_dim3A_1675 = vector.shape_cast %select_n3A_1654 : vector<256x1xf32> to vector<256x1xf32>
      %broadcast_in_dim3A_1676 = vector.broadcast %broadcast_in_dim3A_1675 : vector<256x1xf32> to vector<256x16xf32>
      %select_n3A_1677 = arith.select %eq3A_1674, %broadcast_in_dim3A_1676, %select_n3A_1620 : vector<256x16xi1>, vector<256x16xf32>
      %eq3A_1678 = arith.constant 5 : i32
      %eq3A_1679 = vector.broadcast %eq3A_1678 : i32 to vector<256x16xi32>
      %eq3A_1680 = arith.cmpi eq, %iota3A_362, %eq3A_1679 : vector<256x16xi32>
      %broadcast_in_dim3A_1681 = vector.shape_cast %select_n3A_1655 : vector<256x1xf32> to vector<256x1xf32>
      %broadcast_in_dim3A_1682 = vector.broadcast %broadcast_in_dim3A_1681 : vector<256x1xf32> to vector<256x16xf32>
      %select_n3A_1683 = arith.select %eq3A_1680, %broadcast_in_dim3A_1682, %select_n3A_1626 : vector<256x16xi1>, vector<256x16xf32>
      %reduce_min3A_1684 = arith.constant dense<0x7F800000> : vector<256xf32>
      %reduce_min3A_1685 = vector.multi_reduction <minimumf>, %select_n3A_1663, %reduce_min3A_1684 [1] : vector<256x128xf32> to vector<256xf32>
      %broadcast_in_dim3A_1686 = vector.shape_cast %reduce_min3A_1685 : vector<256xf32> to vector<256x1xf32>
      %eq3A_1687 = vector.broadcast %broadcast_in_dim3A_1686 : vector<256x1xf32> to vector<256x128xf32>
      %eq3A_1688 = arith.cmpf oeq, %select_n3A_1663, %eq3A_1687 : vector<256x128xf32>
      %jit3A_1689 = arith.constant 1.000000e+09 : f32
      %broadcast_in_dim3A_1690 = vector.broadcast %jit3A_1689 : f32 to vector<256x128xf32>
      %select_n3A_1691 = arith.select %eq3A_1688, %add3A_1323, %broadcast_in_dim3A_1690 : vector<256x128xi1>, vector<256x128xf32>
      %reduce_min3A_1692 = arith.constant dense<0x7F800000> : vector<256xf32>
      %reduce_min3A_1693 = vector.multi_reduction <minimumf>, %select_n3A_1691, %reduce_min3A_1692 [1] : vector<256x128xf32> to vector<256xf32>
      %broadcast_in_dim3A_1694 = vector.shape_cast %reduce_min3A_1693 : vector<256xf32> to vector<256x1xf32>
      %reduce_min3A_1695 = arith.constant dense<0x7F800000> : vector<256xf32>
      %reduce_min3A_1696 = vector.multi_reduction <minimumf>, %select_n3A_1671, %reduce_min3A_1695 [1] : vector<256x16xf32> to vector<256xf32>
      %broadcast_in_dim3A_1697 = vector.shape_cast %reduce_min3A_1696 : vector<256xf32> to vector<256x1xf32>
      %eq3A_1698 = vector.broadcast %broadcast_in_dim3A_1697 : vector<256x1xf32> to vector<256x16xf32>
      %eq3A_1699 = arith.cmpf oeq, %select_n3A_1671, %eq3A_1698 : vector<256x16xf32>
      %jit3A_1700 = arith.constant 1.000000e+09 : f32
      %broadcast_in_dim3A_1701 = vector.broadcast %jit3A_1700 : f32 to vector<256x16xf32>
      %select_n3A_1702 = arith.select %eq3A_1699, %while3A_1306, %broadcast_in_dim3A_1701 : vector<256x16xi1>, vector<256x16xf32>
      %reduce_min3A_1703 = arith.constant dense<0x7F800000> : vector<256xf32>
      %reduce_min3A_1704 = vector.multi_reduction <minimumf>, %select_n3A_1702, %reduce_min3A_1703 [1] : vector<256x16xf32> to vector<256xf32>
      %broadcast_in_dim3A_1705 = vector.shape_cast %reduce_min3A_1704 : vector<256xf32> to vector<256x1xf32>
      %lt3A_1706 = arith.cmpf olt, %broadcast_in_dim3A_1686, %broadcast_in_dim3A_1697 : vector<256x1xf32>
      %eq3A_1707 = arith.cmpf oeq, %broadcast_in_dim3A_1686, %broadcast_in_dim3A_1697 : vector<256x1xf32>
      %lt3A_1708 = arith.cmpf olt, %broadcast_in_dim3A_1694, %broadcast_in_dim3A_1705 : vector<256x1xf32>
      %and3A_1709 = arith.andi %eq3A_1707, %lt3A_1708 : vector<256x1xi1>
      %or3A_1710 = arith.ori %lt3A_1706, %and3A_1709 : vector<256x1xi1>
      %select_n3A_1711 = arith.select %or3A_1710, %broadcast_in_dim3A_1686, %broadcast_in_dim3A_1697 : vector<256x1xi1>, vector<256x1xf32>
      %select_n3A_1712 = arith.select %or3A_1710, %broadcast_in_dim3A_1694, %broadcast_in_dim3A_1705 : vector<256x1xi1>, vector<256x1xf32>
      %eq3A_1713 = vector.broadcast %select_n3A_1711 : vector<256x1xf32> to vector<256x128xf32>
      %eq3A_1714 = arith.cmpf oeq, %select_n3A_1663, %eq3A_1713 : vector<256x128xf32>
      %eq3A_1715 = vector.broadcast %select_n3A_1712 : vector<256x1xf32> to vector<256x128xf32>
      %eq3A_1716 = arith.cmpf oeq, %add3A_1323, %eq3A_1715 : vector<256x128xf32>
      %and3A_1717 = arith.andi %eq3A_1714, %eq3A_1716 : vector<256x128xi1>
      %jit3A_1718 = arith.constant 9.99999968E+37 : f32
      %broadcast_in_dim3A_1719 = vector.broadcast %jit3A_1718 : f32 to vector<256x128xf32>
      %select_n3A_1720 = arith.select %and3A_1717, %broadcast_in_dim3A_1719, %select_n3A_1663 : vector<256x128xi1>, vector<256x128xf32>
      %eq3A_1721 = vector.broadcast %select_n3A_1711 : vector<256x1xf32> to vector<256x16xf32>
      %eq3A_1722 = arith.cmpf oeq, %select_n3A_1671, %eq3A_1721 : vector<256x16xf32>
      %eq3A_1723 = vector.broadcast %select_n3A_1712 : vector<256x1xf32> to vector<256x16xf32>
      %eq3A_1724 = arith.cmpf oeq, %while3A_1306, %eq3A_1723 : vector<256x16xf32>
      %and3A_1725 = arith.andi %eq3A_1722, %eq3A_1724 : vector<256x16xi1>
      %jit3A_1726 = arith.constant 9.99999968E+37 : f32
      %broadcast_in_dim3A_1727 = vector.broadcast %jit3A_1726 : f32 to vector<256x16xf32>
      %select_n3A_1728 = arith.select %and3A_1725, %broadcast_in_dim3A_1727, %select_n3A_1671 : vector<256x16xi1>, vector<256x16xf32>
      %eq3A_1729 = arith.constant 6 : i32
      %eq3A_1730 = vector.broadcast %eq3A_1729 : i32 to vector<256x16xi32>
      %eq3A_1731 = arith.cmpi eq, %iota3A_362, %eq3A_1730 : vector<256x16xi32>
      %broadcast_in_dim3A_1732 = vector.shape_cast %select_n3A_1711 : vector<256x1xf32> to vector<256x1xf32>
      %broadcast_in_dim3A_1733 = vector.broadcast %broadcast_in_dim3A_1732 : vector<256x1xf32> to vector<256x16xf32>
      %select_n3A_1734 = arith.select %eq3A_1731, %broadcast_in_dim3A_1733, %select_n3A_1677 : vector<256x16xi1>, vector<256x16xf32>
      %eq3A_1735 = arith.constant 6 : i32
      %eq3A_1736 = vector.broadcast %eq3A_1735 : i32 to vector<256x16xi32>
      %eq3A_1737 = arith.cmpi eq, %iota3A_362, %eq3A_1736 : vector<256x16xi32>
      %broadcast_in_dim3A_1738 = vector.shape_cast %select_n3A_1712 : vector<256x1xf32> to vector<256x1xf32>
      %broadcast_in_dim3A_1739 = vector.broadcast %broadcast_in_dim3A_1738 : vector<256x1xf32> to vector<256x16xf32>
      %select_n3A_1740 = arith.select %eq3A_1737, %broadcast_in_dim3A_1739, %select_n3A_1683 : vector<256x16xi1>, vector<256x16xf32>
      %reduce_min3A_1741 = arith.constant dense<0x7F800000> : vector<256xf32>
      %reduce_min3A_1742 = vector.multi_reduction <minimumf>, %select_n3A_1720, %reduce_min3A_1741 [1] : vector<256x128xf32> to vector<256xf32>
      %broadcast_in_dim3A_1743 = vector.shape_cast %reduce_min3A_1742 : vector<256xf32> to vector<256x1xf32>
      %eq3A_1744 = vector.broadcast %broadcast_in_dim3A_1743 : vector<256x1xf32> to vector<256x128xf32>
      %eq3A_1745 = arith.cmpf oeq, %select_n3A_1720, %eq3A_1744 : vector<256x128xf32>
      %jit3A_1746 = arith.constant 1.000000e+09 : f32
      %broadcast_in_dim3A_1747 = vector.broadcast %jit3A_1746 : f32 to vector<256x128xf32>
      %select_n3A_1748 = arith.select %eq3A_1745, %add3A_1323, %broadcast_in_dim3A_1747 : vector<256x128xi1>, vector<256x128xf32>
      %reduce_min3A_1749 = arith.constant dense<0x7F800000> : vector<256xf32>
      %reduce_min3A_1750 = vector.multi_reduction <minimumf>, %select_n3A_1748, %reduce_min3A_1749 [1] : vector<256x128xf32> to vector<256xf32>
      %broadcast_in_dim3A_1751 = vector.shape_cast %reduce_min3A_1750 : vector<256xf32> to vector<256x1xf32>
      %reduce_min3A_1752 = arith.constant dense<0x7F800000> : vector<256xf32>
      %reduce_min3A_1753 = vector.multi_reduction <minimumf>, %select_n3A_1728, %reduce_min3A_1752 [1] : vector<256x16xf32> to vector<256xf32>
      %broadcast_in_dim3A_1754 = vector.shape_cast %reduce_min3A_1753 : vector<256xf32> to vector<256x1xf32>
      %eq3A_1755 = vector.broadcast %broadcast_in_dim3A_1754 : vector<256x1xf32> to vector<256x16xf32>
      %eq3A_1756 = arith.cmpf oeq, %select_n3A_1728, %eq3A_1755 : vector<256x16xf32>
      %jit3A_1757 = arith.constant 1.000000e+09 : f32
      %broadcast_in_dim3A_1758 = vector.broadcast %jit3A_1757 : f32 to vector<256x16xf32>
      %select_n3A_1759 = arith.select %eq3A_1756, %while3A_1306, %broadcast_in_dim3A_1758 : vector<256x16xi1>, vector<256x16xf32>
      %reduce_min3A_1760 = arith.constant dense<0x7F800000> : vector<256xf32>
      %reduce_min3A_1761 = vector.multi_reduction <minimumf>, %select_n3A_1759, %reduce_min3A_1760 [1] : vector<256x16xf32> to vector<256xf32>
      %broadcast_in_dim3A_1762 = vector.shape_cast %reduce_min3A_1761 : vector<256xf32> to vector<256x1xf32>
      %lt3A_1763 = arith.cmpf olt, %broadcast_in_dim3A_1743, %broadcast_in_dim3A_1754 : vector<256x1xf32>
      %eq3A_1764 = arith.cmpf oeq, %broadcast_in_dim3A_1743, %broadcast_in_dim3A_1754 : vector<256x1xf32>
      %lt3A_1765 = arith.cmpf olt, %broadcast_in_dim3A_1751, %broadcast_in_dim3A_1762 : vector<256x1xf32>
      %and3A_1766 = arith.andi %eq3A_1764, %lt3A_1765 : vector<256x1xi1>
      %or3A_1767 = arith.ori %lt3A_1763, %and3A_1766 : vector<256x1xi1>
      %select_n3A_1768 = arith.select %or3A_1767, %broadcast_in_dim3A_1743, %broadcast_in_dim3A_1754 : vector<256x1xi1>, vector<256x1xf32>
      %select_n3A_1769 = arith.select %or3A_1767, %broadcast_in_dim3A_1751, %broadcast_in_dim3A_1762 : vector<256x1xi1>, vector<256x1xf32>
      %eq3A_1770 = vector.broadcast %select_n3A_1768 : vector<256x1xf32> to vector<256x128xf32>
      %eq3A_1771 = arith.cmpf oeq, %select_n3A_1720, %eq3A_1770 : vector<256x128xf32>
      %eq3A_1772 = vector.broadcast %select_n3A_1769 : vector<256x1xf32> to vector<256x128xf32>
      %eq3A_1773 = arith.cmpf oeq, %add3A_1323, %eq3A_1772 : vector<256x128xf32>
      %and3A_1774 = arith.andi %eq3A_1771, %eq3A_1773 : vector<256x128xi1>
      %jit3A_1775 = arith.constant 9.99999968E+37 : f32
      %broadcast_in_dim3A_1776 = vector.broadcast %jit3A_1775 : f32 to vector<256x128xf32>
      %select_n3A_1777 = arith.select %and3A_1774, %broadcast_in_dim3A_1776, %select_n3A_1720 : vector<256x128xi1>, vector<256x128xf32>
      %eq3A_1778 = vector.broadcast %select_n3A_1768 : vector<256x1xf32> to vector<256x16xf32>
      %eq3A_1779 = arith.cmpf oeq, %select_n3A_1728, %eq3A_1778 : vector<256x16xf32>
      %eq3A_1780 = vector.broadcast %select_n3A_1769 : vector<256x1xf32> to vector<256x16xf32>
      %eq3A_1781 = arith.cmpf oeq, %while3A_1306, %eq3A_1780 : vector<256x16xf32>
      %and3A_1782 = arith.andi %eq3A_1779, %eq3A_1781 : vector<256x16xi1>
      %jit3A_1783 = arith.constant 9.99999968E+37 : f32
      %broadcast_in_dim3A_1784 = vector.broadcast %jit3A_1783 : f32 to vector<256x16xf32>
      %select_n3A_1785 = arith.select %and3A_1782, %broadcast_in_dim3A_1784, %select_n3A_1728 : vector<256x16xi1>, vector<256x16xf32>
      %eq3A_1786 = arith.constant 7 : i32
      %eq3A_1787 = vector.broadcast %eq3A_1786 : i32 to vector<256x16xi32>
      %eq3A_1788 = arith.cmpi eq, %iota3A_362, %eq3A_1787 : vector<256x16xi32>
      %broadcast_in_dim3A_1789 = vector.shape_cast %select_n3A_1768 : vector<256x1xf32> to vector<256x1xf32>
      %broadcast_in_dim3A_1790 = vector.broadcast %broadcast_in_dim3A_1789 : vector<256x1xf32> to vector<256x16xf32>
      %select_n3A_1791 = arith.select %eq3A_1788, %broadcast_in_dim3A_1790, %select_n3A_1734 : vector<256x16xi1>, vector<256x16xf32>
      %eq3A_1792 = arith.constant 7 : i32
      %eq3A_1793 = vector.broadcast %eq3A_1792 : i32 to vector<256x16xi32>
      %eq3A_1794 = arith.cmpi eq, %iota3A_362, %eq3A_1793 : vector<256x16xi32>
      %broadcast_in_dim3A_1795 = vector.shape_cast %select_n3A_1769 : vector<256x1xf32> to vector<256x1xf32>
      %broadcast_in_dim3A_1796 = vector.broadcast %broadcast_in_dim3A_1795 : vector<256x1xf32> to vector<256x16xf32>
      %select_n3A_1797 = arith.select %eq3A_1794, %broadcast_in_dim3A_1796, %select_n3A_1740 : vector<256x16xi1>, vector<256x16xf32>
      %reduce_min3A_1798 = arith.constant dense<0x7F800000> : vector<256xf32>
      %reduce_min3A_1799 = vector.multi_reduction <minimumf>, %select_n3A_1777, %reduce_min3A_1798 [1] : vector<256x128xf32> to vector<256xf32>
      %broadcast_in_dim3A_1800 = vector.shape_cast %reduce_min3A_1799 : vector<256xf32> to vector<256x1xf32>
      %eq3A_1801 = vector.broadcast %broadcast_in_dim3A_1800 : vector<256x1xf32> to vector<256x128xf32>
      %eq3A_1802 = arith.cmpf oeq, %select_n3A_1777, %eq3A_1801 : vector<256x128xf32>
      %jit3A_1803 = arith.constant 1.000000e+09 : f32
      %broadcast_in_dim3A_1804 = vector.broadcast %jit3A_1803 : f32 to vector<256x128xf32>
      %select_n3A_1805 = arith.select %eq3A_1802, %add3A_1323, %broadcast_in_dim3A_1804 : vector<256x128xi1>, vector<256x128xf32>
      %reduce_min3A_1806 = arith.constant dense<0x7F800000> : vector<256xf32>
      %reduce_min3A_1807 = vector.multi_reduction <minimumf>, %select_n3A_1805, %reduce_min3A_1806 [1] : vector<256x128xf32> to vector<256xf32>
      %broadcast_in_dim3A_1808 = vector.shape_cast %reduce_min3A_1807 : vector<256xf32> to vector<256x1xf32>
      %reduce_min3A_1809 = arith.constant dense<0x7F800000> : vector<256xf32>
      %reduce_min3A_1810 = vector.multi_reduction <minimumf>, %select_n3A_1785, %reduce_min3A_1809 [1] : vector<256x16xf32> to vector<256xf32>
      %broadcast_in_dim3A_1811 = vector.shape_cast %reduce_min3A_1810 : vector<256xf32> to vector<256x1xf32>
      %eq3A_1812 = vector.broadcast %broadcast_in_dim3A_1811 : vector<256x1xf32> to vector<256x16xf32>
      %eq3A_1813 = arith.cmpf oeq, %select_n3A_1785, %eq3A_1812 : vector<256x16xf32>
      %jit3A_1814 = arith.constant 1.000000e+09 : f32
      %broadcast_in_dim3A_1815 = vector.broadcast %jit3A_1814 : f32 to vector<256x16xf32>
      %select_n3A_1816 = arith.select %eq3A_1813, %while3A_1306, %broadcast_in_dim3A_1815 : vector<256x16xi1>, vector<256x16xf32>
      %reduce_min3A_1817 = arith.constant dense<0x7F800000> : vector<256xf32>
      %reduce_min3A_1818 = vector.multi_reduction <minimumf>, %select_n3A_1816, %reduce_min3A_1817 [1] : vector<256x16xf32> to vector<256xf32>
      %broadcast_in_dim3A_1819 = vector.shape_cast %reduce_min3A_1818 : vector<256xf32> to vector<256x1xf32>
      %lt3A_1820 = arith.cmpf olt, %broadcast_in_dim3A_1800, %broadcast_in_dim3A_1811 : vector<256x1xf32>
      %eq3A_1821 = arith.cmpf oeq, %broadcast_in_dim3A_1800, %broadcast_in_dim3A_1811 : vector<256x1xf32>
      %lt3A_1822 = arith.cmpf olt, %broadcast_in_dim3A_1808, %broadcast_in_dim3A_1819 : vector<256x1xf32>
      %and3A_1823 = arith.andi %eq3A_1821, %lt3A_1822 : vector<256x1xi1>
      %or3A_1824 = arith.ori %lt3A_1820, %and3A_1823 : vector<256x1xi1>
      %select_n3A_1825 = arith.select %or3A_1824, %broadcast_in_dim3A_1800, %broadcast_in_dim3A_1811 : vector<256x1xi1>, vector<256x1xf32>
      %select_n3A_1826 = arith.select %or3A_1824, %broadcast_in_dim3A_1808, %broadcast_in_dim3A_1819 : vector<256x1xi1>, vector<256x1xf32>
      %eq3A_1827 = vector.broadcast %select_n3A_1825 : vector<256x1xf32> to vector<256x128xf32>
      %eq3A_1828 = arith.cmpf oeq, %select_n3A_1777, %eq3A_1827 : vector<256x128xf32>
      %eq3A_1829 = vector.broadcast %select_n3A_1826 : vector<256x1xf32> to vector<256x128xf32>
      %eq3A_1830 = arith.cmpf oeq, %add3A_1323, %eq3A_1829 : vector<256x128xf32>
      %and3A_1831 = arith.andi %eq3A_1828, %eq3A_1830 : vector<256x128xi1>
      %jit3A_1832 = arith.constant 9.99999968E+37 : f32
      %broadcast_in_dim3A_1833 = vector.broadcast %jit3A_1832 : f32 to vector<256x128xf32>
      %select_n3A_1834 = arith.select %and3A_1831, %broadcast_in_dim3A_1833, %select_n3A_1777 : vector<256x128xi1>, vector<256x128xf32>
      %eq3A_1835 = vector.broadcast %select_n3A_1825 : vector<256x1xf32> to vector<256x16xf32>
      %eq3A_1836 = arith.cmpf oeq, %select_n3A_1785, %eq3A_1835 : vector<256x16xf32>
      %eq3A_1837 = vector.broadcast %select_n3A_1826 : vector<256x1xf32> to vector<256x16xf32>
      %eq3A_1838 = arith.cmpf oeq, %while3A_1306, %eq3A_1837 : vector<256x16xf32>
      %and3A_1839 = arith.andi %eq3A_1836, %eq3A_1838 : vector<256x16xi1>
      %jit3A_1840 = arith.constant 9.99999968E+37 : f32
      %broadcast_in_dim3A_1841 = vector.broadcast %jit3A_1840 : f32 to vector<256x16xf32>
      %select_n3A_1842 = arith.select %and3A_1839, %broadcast_in_dim3A_1841, %select_n3A_1785 : vector<256x16xi1>, vector<256x16xf32>
      %eq3A_1843 = arith.constant 8 : i32
      %eq3A_1844 = vector.broadcast %eq3A_1843 : i32 to vector<256x16xi32>
      %eq3A_1845 = arith.cmpi eq, %iota3A_362, %eq3A_1844 : vector<256x16xi32>
      %broadcast_in_dim3A_1846 = vector.shape_cast %select_n3A_1825 : vector<256x1xf32> to vector<256x1xf32>
      %broadcast_in_dim3A_1847 = vector.broadcast %broadcast_in_dim3A_1846 : vector<256x1xf32> to vector<256x16xf32>
      %select_n3A_1848 = arith.select %eq3A_1845, %broadcast_in_dim3A_1847, %select_n3A_1791 : vector<256x16xi1>, vector<256x16xf32>
      %eq3A_1849 = arith.constant 8 : i32
      %eq3A_1850 = vector.broadcast %eq3A_1849 : i32 to vector<256x16xi32>
      %eq3A_1851 = arith.cmpi eq, %iota3A_362, %eq3A_1850 : vector<256x16xi32>
      %broadcast_in_dim3A_1852 = vector.shape_cast %select_n3A_1826 : vector<256x1xf32> to vector<256x1xf32>
      %broadcast_in_dim3A_1853 = vector.broadcast %broadcast_in_dim3A_1852 : vector<256x1xf32> to vector<256x16xf32>
      %select_n3A_1854 = arith.select %eq3A_1851, %broadcast_in_dim3A_1853, %select_n3A_1797 : vector<256x16xi1>, vector<256x16xf32>
      %reduce_min3A_1855 = arith.constant dense<0x7F800000> : vector<256xf32>
      %reduce_min3A_1856 = vector.multi_reduction <minimumf>, %select_n3A_1834, %reduce_min3A_1855 [1] : vector<256x128xf32> to vector<256xf32>
      %broadcast_in_dim3A_1857 = vector.shape_cast %reduce_min3A_1856 : vector<256xf32> to vector<256x1xf32>
      %eq3A_1858 = vector.broadcast %broadcast_in_dim3A_1857 : vector<256x1xf32> to vector<256x128xf32>
      %eq3A_1859 = arith.cmpf oeq, %select_n3A_1834, %eq3A_1858 : vector<256x128xf32>
      %jit3A_1860 = arith.constant 1.000000e+09 : f32
      %broadcast_in_dim3A_1861 = vector.broadcast %jit3A_1860 : f32 to vector<256x128xf32>
      %select_n3A_1862 = arith.select %eq3A_1859, %add3A_1323, %broadcast_in_dim3A_1861 : vector<256x128xi1>, vector<256x128xf32>
      %reduce_min3A_1863 = arith.constant dense<0x7F800000> : vector<256xf32>
      %reduce_min3A_1864 = vector.multi_reduction <minimumf>, %select_n3A_1862, %reduce_min3A_1863 [1] : vector<256x128xf32> to vector<256xf32>
      %broadcast_in_dim3A_1865 = vector.shape_cast %reduce_min3A_1864 : vector<256xf32> to vector<256x1xf32>
      %reduce_min3A_1866 = arith.constant dense<0x7F800000> : vector<256xf32>
      %reduce_min3A_1867 = vector.multi_reduction <minimumf>, %select_n3A_1842, %reduce_min3A_1866 [1] : vector<256x16xf32> to vector<256xf32>
      %broadcast_in_dim3A_1868 = vector.shape_cast %reduce_min3A_1867 : vector<256xf32> to vector<256x1xf32>
      %eq3A_1869 = vector.broadcast %broadcast_in_dim3A_1868 : vector<256x1xf32> to vector<256x16xf32>
      %eq3A_1870 = arith.cmpf oeq, %select_n3A_1842, %eq3A_1869 : vector<256x16xf32>
      %jit3A_1871 = arith.constant 1.000000e+09 : f32
      %broadcast_in_dim3A_1872 = vector.broadcast %jit3A_1871 : f32 to vector<256x16xf32>
      %select_n3A_1873 = arith.select %eq3A_1870, %while3A_1306, %broadcast_in_dim3A_1872 : vector<256x16xi1>, vector<256x16xf32>
      %reduce_min3A_1874 = arith.constant dense<0x7F800000> : vector<256xf32>
      %reduce_min3A_1875 = vector.multi_reduction <minimumf>, %select_n3A_1873, %reduce_min3A_1874 [1] : vector<256x16xf32> to vector<256xf32>
      %broadcast_in_dim3A_1876 = vector.shape_cast %reduce_min3A_1875 : vector<256xf32> to vector<256x1xf32>
      %lt3A_1877 = arith.cmpf olt, %broadcast_in_dim3A_1857, %broadcast_in_dim3A_1868 : vector<256x1xf32>
      %eq3A_1878 = arith.cmpf oeq, %broadcast_in_dim3A_1857, %broadcast_in_dim3A_1868 : vector<256x1xf32>
      %lt3A_1879 = arith.cmpf olt, %broadcast_in_dim3A_1865, %broadcast_in_dim3A_1876 : vector<256x1xf32>
      %and3A_1880 = arith.andi %eq3A_1878, %lt3A_1879 : vector<256x1xi1>
      %or3A_1881 = arith.ori %lt3A_1877, %and3A_1880 : vector<256x1xi1>
      %select_n3A_1882 = arith.select %or3A_1881, %broadcast_in_dim3A_1857, %broadcast_in_dim3A_1868 : vector<256x1xi1>, vector<256x1xf32>
      %select_n3A_1883 = arith.select %or3A_1881, %broadcast_in_dim3A_1865, %broadcast_in_dim3A_1876 : vector<256x1xi1>, vector<256x1xf32>
      %eq3A_1884 = vector.broadcast %select_n3A_1882 : vector<256x1xf32> to vector<256x128xf32>
      %eq3A_1885 = arith.cmpf oeq, %select_n3A_1834, %eq3A_1884 : vector<256x128xf32>
      %eq3A_1886 = vector.broadcast %select_n3A_1883 : vector<256x1xf32> to vector<256x128xf32>
      %eq3A_1887 = arith.cmpf oeq, %add3A_1323, %eq3A_1886 : vector<256x128xf32>
      %and3A_1888 = arith.andi %eq3A_1885, %eq3A_1887 : vector<256x128xi1>
      %jit3A_1889 = arith.constant 9.99999968E+37 : f32
      %broadcast_in_dim3A_1890 = vector.broadcast %jit3A_1889 : f32 to vector<256x128xf32>
      %select_n3A_1891 = arith.select %and3A_1888, %broadcast_in_dim3A_1890, %select_n3A_1834 : vector<256x128xi1>, vector<256x128xf32>
      %eq3A_1892 = vector.broadcast %select_n3A_1882 : vector<256x1xf32> to vector<256x16xf32>
      %eq3A_1893 = arith.cmpf oeq, %select_n3A_1842, %eq3A_1892 : vector<256x16xf32>
      %eq3A_1894 = vector.broadcast %select_n3A_1883 : vector<256x1xf32> to vector<256x16xf32>
      %eq3A_1895 = arith.cmpf oeq, %while3A_1306, %eq3A_1894 : vector<256x16xf32>
      %and3A_1896 = arith.andi %eq3A_1893, %eq3A_1895 : vector<256x16xi1>
      %jit3A_1897 = arith.constant 9.99999968E+37 : f32
      %broadcast_in_dim3A_1898 = vector.broadcast %jit3A_1897 : f32 to vector<256x16xf32>
      %select_n3A_1899 = arith.select %and3A_1896, %broadcast_in_dim3A_1898, %select_n3A_1842 : vector<256x16xi1>, vector<256x16xf32>
      %eq3A_1900 = arith.constant 9 : i32
      %eq3A_1901 = vector.broadcast %eq3A_1900 : i32 to vector<256x16xi32>
      %eq3A_1902 = arith.cmpi eq, %iota3A_362, %eq3A_1901 : vector<256x16xi32>
      %broadcast_in_dim3A_1903 = vector.shape_cast %select_n3A_1882 : vector<256x1xf32> to vector<256x1xf32>
      %broadcast_in_dim3A_1904 = vector.broadcast %broadcast_in_dim3A_1903 : vector<256x1xf32> to vector<256x16xf32>
      %select_n3A_1905 = arith.select %eq3A_1902, %broadcast_in_dim3A_1904, %select_n3A_1848 : vector<256x16xi1>, vector<256x16xf32>
      %eq3A_1906 = arith.constant 9 : i32
      %eq3A_1907 = vector.broadcast %eq3A_1906 : i32 to vector<256x16xi32>
      %eq3A_1908 = arith.cmpi eq, %iota3A_362, %eq3A_1907 : vector<256x16xi32>
      %broadcast_in_dim3A_1909 = vector.shape_cast %select_n3A_1883 : vector<256x1xf32> to vector<256x1xf32>
      %broadcast_in_dim3A_1910 = vector.broadcast %broadcast_in_dim3A_1909 : vector<256x1xf32> to vector<256x16xf32>
      %select_n3A_1911 = arith.select %eq3A_1908, %broadcast_in_dim3A_1910, %select_n3A_1854 : vector<256x16xi1>, vector<256x16xf32>
      %reduce_min3A_1912 = arith.constant dense<0x7F800000> : vector<256xf32>
      %reduce_min3A_1913 = vector.multi_reduction <minimumf>, %select_n3A_1891, %reduce_min3A_1912 [1] : vector<256x128xf32> to vector<256xf32>
      %broadcast_in_dim3A_1914 = vector.shape_cast %reduce_min3A_1913 : vector<256xf32> to vector<256x1xf32>
      %eq3A_1915 = vector.broadcast %broadcast_in_dim3A_1914 : vector<256x1xf32> to vector<256x128xf32>
      %eq3A_1916 = arith.cmpf oeq, %select_n3A_1891, %eq3A_1915 : vector<256x128xf32>
      %jit3A_1917 = arith.constant 1.000000e+09 : f32
      %broadcast_in_dim3A_1918 = vector.broadcast %jit3A_1917 : f32 to vector<256x128xf32>
      %select_n3A_1919 = arith.select %eq3A_1916, %add3A_1323, %broadcast_in_dim3A_1918 : vector<256x128xi1>, vector<256x128xf32>
      %reduce_min3A_1920 = arith.constant dense<0x7F800000> : vector<256xf32>
      %reduce_min3A_1921 = vector.multi_reduction <minimumf>, %select_n3A_1919, %reduce_min3A_1920 [1] : vector<256x128xf32> to vector<256xf32>
      %broadcast_in_dim3A_1922 = vector.shape_cast %reduce_min3A_1921 : vector<256xf32> to vector<256x1xf32>
      %reduce_min3A_1923 = arith.constant dense<0x7F800000> : vector<256xf32>
      %reduce_min3A_1924 = vector.multi_reduction <minimumf>, %select_n3A_1899, %reduce_min3A_1923 [1] : vector<256x16xf32> to vector<256xf32>
      %broadcast_in_dim3A_1925 = vector.shape_cast %reduce_min3A_1924 : vector<256xf32> to vector<256x1xf32>
      %eq3A_1926 = vector.broadcast %broadcast_in_dim3A_1925 : vector<256x1xf32> to vector<256x16xf32>
      %eq3A_1927 = arith.cmpf oeq, %select_n3A_1899, %eq3A_1926 : vector<256x16xf32>
      %jit3A_1928 = arith.constant 1.000000e+09 : f32
      %broadcast_in_dim3A_1929 = vector.broadcast %jit3A_1928 : f32 to vector<256x16xf32>
      %select_n3A_1930 = arith.select %eq3A_1927, %while3A_1306, %broadcast_in_dim3A_1929 : vector<256x16xi1>, vector<256x16xf32>
      %reduce_min3A_1931 = arith.constant dense<0x7F800000> : vector<256xf32>
      %reduce_min3A_1932 = vector.multi_reduction <minimumf>, %select_n3A_1930, %reduce_min3A_1931 [1] : vector<256x16xf32> to vector<256xf32>
      %broadcast_in_dim3A_1933 = vector.shape_cast %reduce_min3A_1932 : vector<256xf32> to vector<256x1xf32>
      %lt3A_1934 = arith.cmpf olt, %broadcast_in_dim3A_1914, %broadcast_in_dim3A_1925 : vector<256x1xf32>
      %eq3A_1935 = arith.cmpf oeq, %broadcast_in_dim3A_1914, %broadcast_in_dim3A_1925 : vector<256x1xf32>
      %lt3A_1936 = arith.cmpf olt, %broadcast_in_dim3A_1922, %broadcast_in_dim3A_1933 : vector<256x1xf32>
      %and3A_1937 = arith.andi %eq3A_1935, %lt3A_1936 : vector<256x1xi1>
      %or3A_1938 = arith.ori %lt3A_1934, %and3A_1937 : vector<256x1xi1>
      %select_n3A_1939 = arith.select %or3A_1938, %broadcast_in_dim3A_1914, %broadcast_in_dim3A_1925 : vector<256x1xi1>, vector<256x1xf32>
      %select_n3A_1940 = arith.select %or3A_1938, %broadcast_in_dim3A_1922, %broadcast_in_dim3A_1933 : vector<256x1xi1>, vector<256x1xf32>
      %eq3A_1941 = vector.broadcast %select_n3A_1939 : vector<256x1xf32> to vector<256x128xf32>
      %eq3A_1942 = arith.cmpf oeq, %select_n3A_1891, %eq3A_1941 : vector<256x128xf32>
      %eq3A_1943 = vector.broadcast %select_n3A_1940 : vector<256x1xf32> to vector<256x128xf32>
      %eq3A_1944 = arith.cmpf oeq, %add3A_1323, %eq3A_1943 : vector<256x128xf32>
      %and3A_1945 = arith.andi %eq3A_1942, %eq3A_1944 : vector<256x128xi1>
      %jit3A_1946 = arith.constant 9.99999968E+37 : f32
      %broadcast_in_dim3A_1947 = vector.broadcast %jit3A_1946 : f32 to vector<256x128xf32>
      %select_n3A_1948 = arith.select %and3A_1945, %broadcast_in_dim3A_1947, %select_n3A_1891 : vector<256x128xi1>, vector<256x128xf32>
      %eq3A_1949 = vector.broadcast %select_n3A_1939 : vector<256x1xf32> to vector<256x16xf32>
      %eq3A_1950 = arith.cmpf oeq, %select_n3A_1899, %eq3A_1949 : vector<256x16xf32>
      %eq3A_1951 = vector.broadcast %select_n3A_1940 : vector<256x1xf32> to vector<256x16xf32>
      %eq3A_1952 = arith.cmpf oeq, %while3A_1306, %eq3A_1951 : vector<256x16xf32>
      %and3A_1953 = arith.andi %eq3A_1950, %eq3A_1952 : vector<256x16xi1>
      %jit3A_1954 = arith.constant 9.99999968E+37 : f32
      %broadcast_in_dim3A_1955 = vector.broadcast %jit3A_1954 : f32 to vector<256x16xf32>
      %select_n3A_1956 = arith.select %and3A_1953, %broadcast_in_dim3A_1955, %select_n3A_1899 : vector<256x16xi1>, vector<256x16xf32>
      %eq3A_1957 = arith.constant 10 : i32
      %eq3A_1958 = vector.broadcast %eq3A_1957 : i32 to vector<256x16xi32>
      %eq3A_1959 = arith.cmpi eq, %iota3A_362, %eq3A_1958 : vector<256x16xi32>
      %broadcast_in_dim3A_1960 = vector.shape_cast %select_n3A_1939 : vector<256x1xf32> to vector<256x1xf32>
      %broadcast_in_dim3A_1961 = vector.broadcast %broadcast_in_dim3A_1960 : vector<256x1xf32> to vector<256x16xf32>
      %select_n3A_1962 = arith.select %eq3A_1959, %broadcast_in_dim3A_1961, %select_n3A_1905 : vector<256x16xi1>, vector<256x16xf32>
      %eq3A_1963 = arith.constant 10 : i32
      %eq3A_1964 = vector.broadcast %eq3A_1963 : i32 to vector<256x16xi32>
      %eq3A_1965 = arith.cmpi eq, %iota3A_362, %eq3A_1964 : vector<256x16xi32>
      %broadcast_in_dim3A_1966 = vector.shape_cast %select_n3A_1940 : vector<256x1xf32> to vector<256x1xf32>
      %broadcast_in_dim3A_1967 = vector.broadcast %broadcast_in_dim3A_1966 : vector<256x1xf32> to vector<256x16xf32>
      %select_n3A_1968 = arith.select %eq3A_1965, %broadcast_in_dim3A_1967, %select_n3A_1911 : vector<256x16xi1>, vector<256x16xf32>
      %reduce_min3A_1969 = arith.constant dense<0x7F800000> : vector<256xf32>
      %reduce_min3A_1970 = vector.multi_reduction <minimumf>, %select_n3A_1948, %reduce_min3A_1969 [1] : vector<256x128xf32> to vector<256xf32>
      %broadcast_in_dim3A_1971 = vector.shape_cast %reduce_min3A_1970 : vector<256xf32> to vector<256x1xf32>
      %eq3A_1972 = vector.broadcast %broadcast_in_dim3A_1971 : vector<256x1xf32> to vector<256x128xf32>
      %eq3A_1973 = arith.cmpf oeq, %select_n3A_1948, %eq3A_1972 : vector<256x128xf32>
      %jit3A_1974 = arith.constant 1.000000e+09 : f32
      %broadcast_in_dim3A_1975 = vector.broadcast %jit3A_1974 : f32 to vector<256x128xf32>
      %select_n3A_1976 = arith.select %eq3A_1973, %add3A_1323, %broadcast_in_dim3A_1975 : vector<256x128xi1>, vector<256x128xf32>
      %reduce_min3A_1977 = arith.constant dense<0x7F800000> : vector<256xf32>
      %reduce_min3A_1978 = vector.multi_reduction <minimumf>, %select_n3A_1976, %reduce_min3A_1977 [1] : vector<256x128xf32> to vector<256xf32>
      %broadcast_in_dim3A_1979 = vector.shape_cast %reduce_min3A_1978 : vector<256xf32> to vector<256x1xf32>
      %reduce_min3A_1980 = arith.constant dense<0x7F800000> : vector<256xf32>
      %reduce_min3A_1981 = vector.multi_reduction <minimumf>, %select_n3A_1956, %reduce_min3A_1980 [1] : vector<256x16xf32> to vector<256xf32>
      %broadcast_in_dim3A_1982 = vector.shape_cast %reduce_min3A_1981 : vector<256xf32> to vector<256x1xf32>
      %eq3A_1983 = vector.broadcast %broadcast_in_dim3A_1982 : vector<256x1xf32> to vector<256x16xf32>
      %eq3A_1984 = arith.cmpf oeq, %select_n3A_1956, %eq3A_1983 : vector<256x16xf32>
      %jit3A_1985 = arith.constant 1.000000e+09 : f32
      %broadcast_in_dim3A_1986 = vector.broadcast %jit3A_1985 : f32 to vector<256x16xf32>
      %select_n3A_1987 = arith.select %eq3A_1984, %while3A_1306, %broadcast_in_dim3A_1986 : vector<256x16xi1>, vector<256x16xf32>
      %reduce_min3A_1988 = arith.constant dense<0x7F800000> : vector<256xf32>
      %reduce_min3A_1989 = vector.multi_reduction <minimumf>, %select_n3A_1987, %reduce_min3A_1988 [1] : vector<256x16xf32> to vector<256xf32>
      %broadcast_in_dim3A_1990 = vector.shape_cast %reduce_min3A_1989 : vector<256xf32> to vector<256x1xf32>
      %lt3A_1991 = arith.cmpf olt, %broadcast_in_dim3A_1971, %broadcast_in_dim3A_1982 : vector<256x1xf32>
      %eq3A_1992 = arith.cmpf oeq, %broadcast_in_dim3A_1971, %broadcast_in_dim3A_1982 : vector<256x1xf32>
      %lt3A_1993 = arith.cmpf olt, %broadcast_in_dim3A_1979, %broadcast_in_dim3A_1990 : vector<256x1xf32>
      %and3A_1994 = arith.andi %eq3A_1992, %lt3A_1993 : vector<256x1xi1>
      %or3A_1995 = arith.ori %lt3A_1991, %and3A_1994 : vector<256x1xi1>
      %select_n3A_1996 = arith.select %or3A_1995, %broadcast_in_dim3A_1971, %broadcast_in_dim3A_1982 : vector<256x1xi1>, vector<256x1xf32>
      %select_n3A_1997 = arith.select %or3A_1995, %broadcast_in_dim3A_1979, %broadcast_in_dim3A_1990 : vector<256x1xi1>, vector<256x1xf32>
      %eq3A_1998 = vector.broadcast %select_n3A_1996 : vector<256x1xf32> to vector<256x128xf32>
      %eq3A_1999 = arith.cmpf oeq, %select_n3A_1948, %eq3A_1998 : vector<256x128xf32>
      %eq3A_2000 = vector.broadcast %select_n3A_1997 : vector<256x1xf32> to vector<256x128xf32>
      %eq3A_2001 = arith.cmpf oeq, %add3A_1323, %eq3A_2000 : vector<256x128xf32>
      %and3A_2002 = arith.andi %eq3A_1999, %eq3A_2001 : vector<256x128xi1>
      %jit3A_2003 = arith.constant 9.99999968E+37 : f32
      %broadcast_in_dim3A_2004 = vector.broadcast %jit3A_2003 : f32 to vector<256x128xf32>
      %select_n3A_2005 = arith.select %and3A_2002, %broadcast_in_dim3A_2004, %select_n3A_1948 : vector<256x128xi1>, vector<256x128xf32>
      %eq3A_2006 = vector.broadcast %select_n3A_1996 : vector<256x1xf32> to vector<256x16xf32>
      %eq3A_2007 = arith.cmpf oeq, %select_n3A_1956, %eq3A_2006 : vector<256x16xf32>
      %eq3A_2008 = vector.broadcast %select_n3A_1997 : vector<256x1xf32> to vector<256x16xf32>
      %eq3A_2009 = arith.cmpf oeq, %while3A_1306, %eq3A_2008 : vector<256x16xf32>
      %and3A_2010 = arith.andi %eq3A_2007, %eq3A_2009 : vector<256x16xi1>
      %jit3A_2011 = arith.constant 9.99999968E+37 : f32
      %broadcast_in_dim3A_2012 = vector.broadcast %jit3A_2011 : f32 to vector<256x16xf32>
      %select_n3A_2013 = arith.select %and3A_2010, %broadcast_in_dim3A_2012, %select_n3A_1956 : vector<256x16xi1>, vector<256x16xf32>
      %eq3A_2014 = arith.constant 11 : i32
      %eq3A_2015 = vector.broadcast %eq3A_2014 : i32 to vector<256x16xi32>
      %eq3A_2016 = arith.cmpi eq, %iota3A_362, %eq3A_2015 : vector<256x16xi32>
      %broadcast_in_dim3A_2017 = vector.shape_cast %select_n3A_1996 : vector<256x1xf32> to vector<256x1xf32>
      %broadcast_in_dim3A_2018 = vector.broadcast %broadcast_in_dim3A_2017 : vector<256x1xf32> to vector<256x16xf32>
      %select_n3A_2019 = arith.select %eq3A_2016, %broadcast_in_dim3A_2018, %select_n3A_1962 : vector<256x16xi1>, vector<256x16xf32>
      %eq3A_2020 = arith.constant 11 : i32
      %eq3A_2021 = vector.broadcast %eq3A_2020 : i32 to vector<256x16xi32>
      %eq3A_2022 = arith.cmpi eq, %iota3A_362, %eq3A_2021 : vector<256x16xi32>
      %broadcast_in_dim3A_2023 = vector.shape_cast %select_n3A_1997 : vector<256x1xf32> to vector<256x1xf32>
      %broadcast_in_dim3A_2024 = vector.broadcast %broadcast_in_dim3A_2023 : vector<256x1xf32> to vector<256x16xf32>
      %select_n3A_2025 = arith.select %eq3A_2022, %broadcast_in_dim3A_2024, %select_n3A_1968 : vector<256x16xi1>, vector<256x16xf32>
      %reduce_min3A_2026 = arith.constant dense<0x7F800000> : vector<256xf32>
      %reduce_min3A_2027 = vector.multi_reduction <minimumf>, %select_n3A_2005, %reduce_min3A_2026 [1] : vector<256x128xf32> to vector<256xf32>
      %broadcast_in_dim3A_2028 = vector.shape_cast %reduce_min3A_2027 : vector<256xf32> to vector<256x1xf32>
      %eq3A_2029 = vector.broadcast %broadcast_in_dim3A_2028 : vector<256x1xf32> to vector<256x128xf32>
      %eq3A_2030 = arith.cmpf oeq, %select_n3A_2005, %eq3A_2029 : vector<256x128xf32>
      %jit3A_2031 = arith.constant 1.000000e+09 : f32
      %broadcast_in_dim3A_2032 = vector.broadcast %jit3A_2031 : f32 to vector<256x128xf32>
      %select_n3A_2033 = arith.select %eq3A_2030, %add3A_1323, %broadcast_in_dim3A_2032 : vector<256x128xi1>, vector<256x128xf32>
      %reduce_min3A_2034 = arith.constant dense<0x7F800000> : vector<256xf32>
      %reduce_min3A_2035 = vector.multi_reduction <minimumf>, %select_n3A_2033, %reduce_min3A_2034 [1] : vector<256x128xf32> to vector<256xf32>
      %broadcast_in_dim3A_2036 = vector.shape_cast %reduce_min3A_2035 : vector<256xf32> to vector<256x1xf32>
      %reduce_min3A_2037 = arith.constant dense<0x7F800000> : vector<256xf32>
      %reduce_min3A_2038 = vector.multi_reduction <minimumf>, %select_n3A_2013, %reduce_min3A_2037 [1] : vector<256x16xf32> to vector<256xf32>
      %broadcast_in_dim3A_2039 = vector.shape_cast %reduce_min3A_2038 : vector<256xf32> to vector<256x1xf32>
      %eq3A_2040 = vector.broadcast %broadcast_in_dim3A_2039 : vector<256x1xf32> to vector<256x16xf32>
      %eq3A_2041 = arith.cmpf oeq, %select_n3A_2013, %eq3A_2040 : vector<256x16xf32>
      %jit3A_2042 = arith.constant 1.000000e+09 : f32
      %broadcast_in_dim3A_2043 = vector.broadcast %jit3A_2042 : f32 to vector<256x16xf32>
      %select_n3A_2044 = arith.select %eq3A_2041, %while3A_1306, %broadcast_in_dim3A_2043 : vector<256x16xi1>, vector<256x16xf32>
      %reduce_min3A_2045 = arith.constant dense<0x7F800000> : vector<256xf32>
      %reduce_min3A_2046 = vector.multi_reduction <minimumf>, %select_n3A_2044, %reduce_min3A_2045 [1] : vector<256x16xf32> to vector<256xf32>
      %broadcast_in_dim3A_2047 = vector.shape_cast %reduce_min3A_2046 : vector<256xf32> to vector<256x1xf32>
      %lt3A_2048 = arith.cmpf olt, %broadcast_in_dim3A_2028, %broadcast_in_dim3A_2039 : vector<256x1xf32>
      %eq3A_2049 = arith.cmpf oeq, %broadcast_in_dim3A_2028, %broadcast_in_dim3A_2039 : vector<256x1xf32>
      %lt3A_2050 = arith.cmpf olt, %broadcast_in_dim3A_2036, %broadcast_in_dim3A_2047 : vector<256x1xf32>
      %and3A_2051 = arith.andi %eq3A_2049, %lt3A_2050 : vector<256x1xi1>
      %or3A_2052 = arith.ori %lt3A_2048, %and3A_2051 : vector<256x1xi1>
      %select_n3A_2053 = arith.select %or3A_2052, %broadcast_in_dim3A_2028, %broadcast_in_dim3A_2039 : vector<256x1xi1>, vector<256x1xf32>
      %select_n3A_2054 = arith.select %or3A_2052, %broadcast_in_dim3A_2036, %broadcast_in_dim3A_2047 : vector<256x1xi1>, vector<256x1xf32>
      %eq3A_2055 = vector.broadcast %select_n3A_2053 : vector<256x1xf32> to vector<256x128xf32>
      %eq3A_2056 = arith.cmpf oeq, %select_n3A_2005, %eq3A_2055 : vector<256x128xf32>
      %eq3A_2057 = vector.broadcast %select_n3A_2054 : vector<256x1xf32> to vector<256x128xf32>
      %eq3A_2058 = arith.cmpf oeq, %add3A_1323, %eq3A_2057 : vector<256x128xf32>
      %and3A_2059 = arith.andi %eq3A_2056, %eq3A_2058 : vector<256x128xi1>
      %jit3A_2060 = arith.constant 9.99999968E+37 : f32
      %broadcast_in_dim3A_2061 = vector.broadcast %jit3A_2060 : f32 to vector<256x128xf32>
      %select_n3A_2062 = arith.select %and3A_2059, %broadcast_in_dim3A_2061, %select_n3A_2005 : vector<256x128xi1>, vector<256x128xf32>
      %eq3A_2063 = vector.broadcast %select_n3A_2053 : vector<256x1xf32> to vector<256x16xf32>
      %eq3A_2064 = arith.cmpf oeq, %select_n3A_2013, %eq3A_2063 : vector<256x16xf32>
      %eq3A_2065 = vector.broadcast %select_n3A_2054 : vector<256x1xf32> to vector<256x16xf32>
      %eq3A_2066 = arith.cmpf oeq, %while3A_1306, %eq3A_2065 : vector<256x16xf32>
      %and3A_2067 = arith.andi %eq3A_2064, %eq3A_2066 : vector<256x16xi1>
      %jit3A_2068 = arith.constant 9.99999968E+37 : f32
      %broadcast_in_dim3A_2069 = vector.broadcast %jit3A_2068 : f32 to vector<256x16xf32>
      %select_n3A_2070 = arith.select %and3A_2067, %broadcast_in_dim3A_2069, %select_n3A_2013 : vector<256x16xi1>, vector<256x16xf32>
      %eq3A_2071 = arith.constant 12 : i32
      %eq3A_2072 = vector.broadcast %eq3A_2071 : i32 to vector<256x16xi32>
      %eq3A_2073 = arith.cmpi eq, %iota3A_362, %eq3A_2072 : vector<256x16xi32>
      %broadcast_in_dim3A_2074 = vector.shape_cast %select_n3A_2053 : vector<256x1xf32> to vector<256x1xf32>
      %broadcast_in_dim3A_2075 = vector.broadcast %broadcast_in_dim3A_2074 : vector<256x1xf32> to vector<256x16xf32>
      %select_n3A_2076 = arith.select %eq3A_2073, %broadcast_in_dim3A_2075, %select_n3A_2019 : vector<256x16xi1>, vector<256x16xf32>
      %eq3A_2077 = arith.constant 12 : i32
      %eq3A_2078 = vector.broadcast %eq3A_2077 : i32 to vector<256x16xi32>
      %eq3A_2079 = arith.cmpi eq, %iota3A_362, %eq3A_2078 : vector<256x16xi32>
      %broadcast_in_dim3A_2080 = vector.shape_cast %select_n3A_2054 : vector<256x1xf32> to vector<256x1xf32>
      %broadcast_in_dim3A_2081 = vector.broadcast %broadcast_in_dim3A_2080 : vector<256x1xf32> to vector<256x16xf32>
      %select_n3A_2082 = arith.select %eq3A_2079, %broadcast_in_dim3A_2081, %select_n3A_2025 : vector<256x16xi1>, vector<256x16xf32>
      %reduce_min3A_2083 = arith.constant dense<0x7F800000> : vector<256xf32>
      %reduce_min3A_2084 = vector.multi_reduction <minimumf>, %select_n3A_2062, %reduce_min3A_2083 [1] : vector<256x128xf32> to vector<256xf32>
      %broadcast_in_dim3A_2085 = vector.shape_cast %reduce_min3A_2084 : vector<256xf32> to vector<256x1xf32>
      %eq3A_2086 = vector.broadcast %broadcast_in_dim3A_2085 : vector<256x1xf32> to vector<256x128xf32>
      %eq3A_2087 = arith.cmpf oeq, %select_n3A_2062, %eq3A_2086 : vector<256x128xf32>
      %jit3A_2088 = arith.constant 1.000000e+09 : f32
      %broadcast_in_dim3A_2089 = vector.broadcast %jit3A_2088 : f32 to vector<256x128xf32>
      %select_n3A_2090 = arith.select %eq3A_2087, %add3A_1323, %broadcast_in_dim3A_2089 : vector<256x128xi1>, vector<256x128xf32>
      %reduce_min3A_2091 = arith.constant dense<0x7F800000> : vector<256xf32>
      %reduce_min3A_2092 = vector.multi_reduction <minimumf>, %select_n3A_2090, %reduce_min3A_2091 [1] : vector<256x128xf32> to vector<256xf32>
      %broadcast_in_dim3A_2093 = vector.shape_cast %reduce_min3A_2092 : vector<256xf32> to vector<256x1xf32>
      %reduce_min3A_2094 = arith.constant dense<0x7F800000> : vector<256xf32>
      %reduce_min3A_2095 = vector.multi_reduction <minimumf>, %select_n3A_2070, %reduce_min3A_2094 [1] : vector<256x16xf32> to vector<256xf32>
      %broadcast_in_dim3A_2096 = vector.shape_cast %reduce_min3A_2095 : vector<256xf32> to vector<256x1xf32>
      %eq3A_2097 = vector.broadcast %broadcast_in_dim3A_2096 : vector<256x1xf32> to vector<256x16xf32>
      %eq3A_2098 = arith.cmpf oeq, %select_n3A_2070, %eq3A_2097 : vector<256x16xf32>
      %jit3A_2099 = arith.constant 1.000000e+09 : f32
      %broadcast_in_dim3A_2100 = vector.broadcast %jit3A_2099 : f32 to vector<256x16xf32>
      %select_n3A_2101 = arith.select %eq3A_2098, %while3A_1306, %broadcast_in_dim3A_2100 : vector<256x16xi1>, vector<256x16xf32>
      %reduce_min3A_2102 = arith.constant dense<0x7F800000> : vector<256xf32>
      %reduce_min3A_2103 = vector.multi_reduction <minimumf>, %select_n3A_2101, %reduce_min3A_2102 [1] : vector<256x16xf32> to vector<256xf32>
      %broadcast_in_dim3A_2104 = vector.shape_cast %reduce_min3A_2103 : vector<256xf32> to vector<256x1xf32>
      %lt3A_2105 = arith.cmpf olt, %broadcast_in_dim3A_2085, %broadcast_in_dim3A_2096 : vector<256x1xf32>
      %eq3A_2106 = arith.cmpf oeq, %broadcast_in_dim3A_2085, %broadcast_in_dim3A_2096 : vector<256x1xf32>
      %lt3A_2107 = arith.cmpf olt, %broadcast_in_dim3A_2093, %broadcast_in_dim3A_2104 : vector<256x1xf32>
      %and3A_2108 = arith.andi %eq3A_2106, %lt3A_2107 : vector<256x1xi1>
      %or3A_2109 = arith.ori %lt3A_2105, %and3A_2108 : vector<256x1xi1>
      %select_n3A_2110 = arith.select %or3A_2109, %broadcast_in_dim3A_2085, %broadcast_in_dim3A_2096 : vector<256x1xi1>, vector<256x1xf32>
      %select_n3A_2111 = arith.select %or3A_2109, %broadcast_in_dim3A_2093, %broadcast_in_dim3A_2104 : vector<256x1xi1>, vector<256x1xf32>
      %eq3A_2112 = vector.broadcast %select_n3A_2110 : vector<256x1xf32> to vector<256x128xf32>
      %eq3A_2113 = arith.cmpf oeq, %select_n3A_2062, %eq3A_2112 : vector<256x128xf32>
      %eq3A_2114 = vector.broadcast %select_n3A_2111 : vector<256x1xf32> to vector<256x128xf32>
      %eq3A_2115 = arith.cmpf oeq, %add3A_1323, %eq3A_2114 : vector<256x128xf32>
      %and3A_2116 = arith.andi %eq3A_2113, %eq3A_2115 : vector<256x128xi1>
      %jit3A_2117 = arith.constant 9.99999968E+37 : f32
      %broadcast_in_dim3A_2118 = vector.broadcast %jit3A_2117 : f32 to vector<256x128xf32>
      %select_n3A_2119 = arith.select %and3A_2116, %broadcast_in_dim3A_2118, %select_n3A_2062 : vector<256x128xi1>, vector<256x128xf32>
      %eq3A_2120 = vector.broadcast %select_n3A_2110 : vector<256x1xf32> to vector<256x16xf32>
      %eq3A_2121 = arith.cmpf oeq, %select_n3A_2070, %eq3A_2120 : vector<256x16xf32>
      %eq3A_2122 = vector.broadcast %select_n3A_2111 : vector<256x1xf32> to vector<256x16xf32>
      %eq3A_2123 = arith.cmpf oeq, %while3A_1306, %eq3A_2122 : vector<256x16xf32>
      %and3A_2124 = arith.andi %eq3A_2121, %eq3A_2123 : vector<256x16xi1>
      %jit3A_2125 = arith.constant 9.99999968E+37 : f32
      %broadcast_in_dim3A_2126 = vector.broadcast %jit3A_2125 : f32 to vector<256x16xf32>
      %select_n3A_2127 = arith.select %and3A_2124, %broadcast_in_dim3A_2126, %select_n3A_2070 : vector<256x16xi1>, vector<256x16xf32>
      %eq3A_2128 = arith.constant 13 : i32
      %eq3A_2129 = vector.broadcast %eq3A_2128 : i32 to vector<256x16xi32>
      %eq3A_2130 = arith.cmpi eq, %iota3A_362, %eq3A_2129 : vector<256x16xi32>
      %broadcast_in_dim3A_2131 = vector.shape_cast %select_n3A_2110 : vector<256x1xf32> to vector<256x1xf32>
      %broadcast_in_dim3A_2132 = vector.broadcast %broadcast_in_dim3A_2131 : vector<256x1xf32> to vector<256x16xf32>
      %select_n3A_2133 = arith.select %eq3A_2130, %broadcast_in_dim3A_2132, %select_n3A_2076 : vector<256x16xi1>, vector<256x16xf32>
      %eq3A_2134 = arith.constant 13 : i32
      %eq3A_2135 = vector.broadcast %eq3A_2134 : i32 to vector<256x16xi32>
      %eq3A_2136 = arith.cmpi eq, %iota3A_362, %eq3A_2135 : vector<256x16xi32>
      %broadcast_in_dim3A_2137 = vector.shape_cast %select_n3A_2111 : vector<256x1xf32> to vector<256x1xf32>
      %broadcast_in_dim3A_2138 = vector.broadcast %broadcast_in_dim3A_2137 : vector<256x1xf32> to vector<256x16xf32>
      %select_n3A_2139 = arith.select %eq3A_2136, %broadcast_in_dim3A_2138, %select_n3A_2082 : vector<256x16xi1>, vector<256x16xf32>
      %reduce_min3A_2140 = arith.constant dense<0x7F800000> : vector<256xf32>
      %reduce_min3A_2141 = vector.multi_reduction <minimumf>, %select_n3A_2119, %reduce_min3A_2140 [1] : vector<256x128xf32> to vector<256xf32>
      %broadcast_in_dim3A_2142 = vector.shape_cast %reduce_min3A_2141 : vector<256xf32> to vector<256x1xf32>
      %eq3A_2143 = vector.broadcast %broadcast_in_dim3A_2142 : vector<256x1xf32> to vector<256x128xf32>
      %eq3A_2144 = arith.cmpf oeq, %select_n3A_2119, %eq3A_2143 : vector<256x128xf32>
      %jit3A_2145 = arith.constant 1.000000e+09 : f32
      %broadcast_in_dim3A_2146 = vector.broadcast %jit3A_2145 : f32 to vector<256x128xf32>
      %select_n3A_2147 = arith.select %eq3A_2144, %add3A_1323, %broadcast_in_dim3A_2146 : vector<256x128xi1>, vector<256x128xf32>
      %reduce_min3A_2148 = arith.constant dense<0x7F800000> : vector<256xf32>
      %reduce_min3A_2149 = vector.multi_reduction <minimumf>, %select_n3A_2147, %reduce_min3A_2148 [1] : vector<256x128xf32> to vector<256xf32>
      %broadcast_in_dim3A_2150 = vector.shape_cast %reduce_min3A_2149 : vector<256xf32> to vector<256x1xf32>
      %reduce_min3A_2151 = arith.constant dense<0x7F800000> : vector<256xf32>
      %reduce_min3A_2152 = vector.multi_reduction <minimumf>, %select_n3A_2127, %reduce_min3A_2151 [1] : vector<256x16xf32> to vector<256xf32>
      %broadcast_in_dim3A_2153 = vector.shape_cast %reduce_min3A_2152 : vector<256xf32> to vector<256x1xf32>
      %eq3A_2154 = vector.broadcast %broadcast_in_dim3A_2153 : vector<256x1xf32> to vector<256x16xf32>
      %eq3A_2155 = arith.cmpf oeq, %select_n3A_2127, %eq3A_2154 : vector<256x16xf32>
      %jit3A_2156 = arith.constant 1.000000e+09 : f32
      %broadcast_in_dim3A_2157 = vector.broadcast %jit3A_2156 : f32 to vector<256x16xf32>
      %select_n3A_2158 = arith.select %eq3A_2155, %while3A_1306, %broadcast_in_dim3A_2157 : vector<256x16xi1>, vector<256x16xf32>
      %reduce_min3A_2159 = arith.constant dense<0x7F800000> : vector<256xf32>
      %reduce_min3A_2160 = vector.multi_reduction <minimumf>, %select_n3A_2158, %reduce_min3A_2159 [1] : vector<256x16xf32> to vector<256xf32>
      %broadcast_in_dim3A_2161 = vector.shape_cast %reduce_min3A_2160 : vector<256xf32> to vector<256x1xf32>
      %lt3A_2162 = arith.cmpf olt, %broadcast_in_dim3A_2142, %broadcast_in_dim3A_2153 : vector<256x1xf32>
      %eq3A_2163 = arith.cmpf oeq, %broadcast_in_dim3A_2142, %broadcast_in_dim3A_2153 : vector<256x1xf32>
      %lt3A_2164 = arith.cmpf olt, %broadcast_in_dim3A_2150, %broadcast_in_dim3A_2161 : vector<256x1xf32>
      %and3A_2165 = arith.andi %eq3A_2163, %lt3A_2164 : vector<256x1xi1>
      %or3A_2166 = arith.ori %lt3A_2162, %and3A_2165 : vector<256x1xi1>
      %select_n3A_2167 = arith.select %or3A_2166, %broadcast_in_dim3A_2142, %broadcast_in_dim3A_2153 : vector<256x1xi1>, vector<256x1xf32>
      %select_n3A_2168 = arith.select %or3A_2166, %broadcast_in_dim3A_2150, %broadcast_in_dim3A_2161 : vector<256x1xi1>, vector<256x1xf32>
      %eq3A_2169 = vector.broadcast %select_n3A_2167 : vector<256x1xf32> to vector<256x128xf32>
      %eq3A_2170 = arith.cmpf oeq, %select_n3A_2119, %eq3A_2169 : vector<256x128xf32>
      %eq3A_2171 = vector.broadcast %select_n3A_2168 : vector<256x1xf32> to vector<256x128xf32>
      %eq3A_2172 = arith.cmpf oeq, %add3A_1323, %eq3A_2171 : vector<256x128xf32>
      %and3A_2173 = arith.andi %eq3A_2170, %eq3A_2172 : vector<256x128xi1>
      %jit3A_2174 = arith.constant 9.99999968E+37 : f32
      %broadcast_in_dim3A_2175 = vector.broadcast %jit3A_2174 : f32 to vector<256x128xf32>
      %select_n3A_2176 = arith.select %and3A_2173, %broadcast_in_dim3A_2175, %select_n3A_2119 : vector<256x128xi1>, vector<256x128xf32>
      %eq3A_2177 = vector.broadcast %select_n3A_2167 : vector<256x1xf32> to vector<256x16xf32>
      %eq3A_2178 = arith.cmpf oeq, %select_n3A_2127, %eq3A_2177 : vector<256x16xf32>
      %eq3A_2179 = vector.broadcast %select_n3A_2168 : vector<256x1xf32> to vector<256x16xf32>
      %eq3A_2180 = arith.cmpf oeq, %while3A_1306, %eq3A_2179 : vector<256x16xf32>
      %and3A_2181 = arith.andi %eq3A_2178, %eq3A_2180 : vector<256x16xi1>
      %jit3A_2182 = arith.constant 9.99999968E+37 : f32
      %broadcast_in_dim3A_2183 = vector.broadcast %jit3A_2182 : f32 to vector<256x16xf32>
      %select_n3A_2184 = arith.select %and3A_2181, %broadcast_in_dim3A_2183, %select_n3A_2127 : vector<256x16xi1>, vector<256x16xf32>
      %eq3A_2185 = arith.constant 14 : i32
      %eq3A_2186 = vector.broadcast %eq3A_2185 : i32 to vector<256x16xi32>
      %eq3A_2187 = arith.cmpi eq, %iota3A_362, %eq3A_2186 : vector<256x16xi32>
      %broadcast_in_dim3A_2188 = vector.shape_cast %select_n3A_2167 : vector<256x1xf32> to vector<256x1xf32>
      %broadcast_in_dim3A_2189 = vector.broadcast %broadcast_in_dim3A_2188 : vector<256x1xf32> to vector<256x16xf32>
      %select_n3A_2190 = arith.select %eq3A_2187, %broadcast_in_dim3A_2189, %select_n3A_2133 : vector<256x16xi1>, vector<256x16xf32>
      %eq3A_2191 = arith.constant 14 : i32
      %eq3A_2192 = vector.broadcast %eq3A_2191 : i32 to vector<256x16xi32>
      %eq3A_2193 = arith.cmpi eq, %iota3A_362, %eq3A_2192 : vector<256x16xi32>
      %broadcast_in_dim3A_2194 = vector.shape_cast %select_n3A_2168 : vector<256x1xf32> to vector<256x1xf32>
      %broadcast_in_dim3A_2195 = vector.broadcast %broadcast_in_dim3A_2194 : vector<256x1xf32> to vector<256x16xf32>
      %select_n3A_2196 = arith.select %eq3A_2193, %broadcast_in_dim3A_2195, %select_n3A_2139 : vector<256x16xi1>, vector<256x16xf32>
      %reduce_min3A_2197 = arith.constant dense<0x7F800000> : vector<256xf32>
      %reduce_min3A_2198 = vector.multi_reduction <minimumf>, %select_n3A_2176, %reduce_min3A_2197 [1] : vector<256x128xf32> to vector<256xf32>
      %broadcast_in_dim3A_2199 = vector.shape_cast %reduce_min3A_2198 : vector<256xf32> to vector<256x1xf32>
      %eq3A_2200 = vector.broadcast %broadcast_in_dim3A_2199 : vector<256x1xf32> to vector<256x128xf32>
      %eq3A_2201 = arith.cmpf oeq, %select_n3A_2176, %eq3A_2200 : vector<256x128xf32>
      %jit3A_2202 = arith.constant 1.000000e+09 : f32
      %broadcast_in_dim3A_2203 = vector.broadcast %jit3A_2202 : f32 to vector<256x128xf32>
      %select_n3A_2204 = arith.select %eq3A_2201, %add3A_1323, %broadcast_in_dim3A_2203 : vector<256x128xi1>, vector<256x128xf32>
      %reduce_min3A_2205 = arith.constant dense<0x7F800000> : vector<256xf32>
      %reduce_min3A_2206 = vector.multi_reduction <minimumf>, %select_n3A_2204, %reduce_min3A_2205 [1] : vector<256x128xf32> to vector<256xf32>
      %broadcast_in_dim3A_2207 = vector.shape_cast %reduce_min3A_2206 : vector<256xf32> to vector<256x1xf32>
      %reduce_min3A_2208 = arith.constant dense<0x7F800000> : vector<256xf32>
      %reduce_min3A_2209 = vector.multi_reduction <minimumf>, %select_n3A_2184, %reduce_min3A_2208 [1] : vector<256x16xf32> to vector<256xf32>
      %broadcast_in_dim3A_2210 = vector.shape_cast %reduce_min3A_2209 : vector<256xf32> to vector<256x1xf32>
      %eq3A_2211 = vector.broadcast %broadcast_in_dim3A_2210 : vector<256x1xf32> to vector<256x16xf32>
      %eq3A_2212 = arith.cmpf oeq, %select_n3A_2184, %eq3A_2211 : vector<256x16xf32>
      %jit3A_2213 = arith.constant 1.000000e+09 : f32
      %broadcast_in_dim3A_2214 = vector.broadcast %jit3A_2213 : f32 to vector<256x16xf32>
      %select_n3A_2215 = arith.select %eq3A_2212, %while3A_1306, %broadcast_in_dim3A_2214 : vector<256x16xi1>, vector<256x16xf32>
      %reduce_min3A_2216 = arith.constant dense<0x7F800000> : vector<256xf32>
      %reduce_min3A_2217 = vector.multi_reduction <minimumf>, %select_n3A_2215, %reduce_min3A_2216 [1] : vector<256x16xf32> to vector<256xf32>
      %broadcast_in_dim3A_2218 = vector.shape_cast %reduce_min3A_2217 : vector<256xf32> to vector<256x1xf32>
      %lt3A_2219 = arith.cmpf olt, %broadcast_in_dim3A_2199, %broadcast_in_dim3A_2210 : vector<256x1xf32>
      %eq3A_2220 = arith.cmpf oeq, %broadcast_in_dim3A_2199, %broadcast_in_dim3A_2210 : vector<256x1xf32>
      %lt3A_2221 = arith.cmpf olt, %broadcast_in_dim3A_2207, %broadcast_in_dim3A_2218 : vector<256x1xf32>
      %and3A_2222 = arith.andi %eq3A_2220, %lt3A_2221 : vector<256x1xi1>
      %or3A_2223 = arith.ori %lt3A_2219, %and3A_2222 : vector<256x1xi1>
      %select_n3A_2224 = arith.select %or3A_2223, %broadcast_in_dim3A_2199, %broadcast_in_dim3A_2210 : vector<256x1xi1>, vector<256x1xf32>
      %select_n3A_2225 = arith.select %or3A_2223, %broadcast_in_dim3A_2207, %broadcast_in_dim3A_2218 : vector<256x1xi1>, vector<256x1xf32>
      %eq3A_2226 = vector.broadcast %select_n3A_2224 : vector<256x1xf32> to vector<256x128xf32>
      %eq3A_2227 = arith.cmpf oeq, %select_n3A_2176, %eq3A_2226 : vector<256x128xf32>
      %eq3A_2228 = vector.broadcast %select_n3A_2225 : vector<256x1xf32> to vector<256x128xf32>
      %eq3A_2229 = arith.cmpf oeq, %add3A_1323, %eq3A_2228 : vector<256x128xf32>
      %and3A_2230 = arith.andi %eq3A_2227, %eq3A_2229 : vector<256x128xi1>
      %jit3A_2231 = arith.constant 9.99999968E+37 : f32
      %broadcast_in_dim3A_2232 = vector.broadcast %jit3A_2231 : f32 to vector<256x128xf32>
      %select_n3A_2233 = arith.select %and3A_2230, %broadcast_in_dim3A_2232, %select_n3A_2176 : vector<256x128xi1>, vector<256x128xf32>
      %eq3A_2234 = vector.broadcast %select_n3A_2224 : vector<256x1xf32> to vector<256x16xf32>
      %eq3A_2235 = arith.cmpf oeq, %select_n3A_2184, %eq3A_2234 : vector<256x16xf32>
      %eq3A_2236 = vector.broadcast %select_n3A_2225 : vector<256x1xf32> to vector<256x16xf32>
      %eq3A_2237 = arith.cmpf oeq, %while3A_1306, %eq3A_2236 : vector<256x16xf32>
      %and3A_2238 = arith.andi %eq3A_2235, %eq3A_2237 : vector<256x16xi1>
      %jit3A_2239 = arith.constant 9.99999968E+37 : f32
      %broadcast_in_dim3A_2240 = vector.broadcast %jit3A_2239 : f32 to vector<256x16xf32>
      %select_n3A_2241 = arith.select %and3A_2238, %broadcast_in_dim3A_2240, %select_n3A_2184 : vector<256x16xi1>, vector<256x16xf32>
      %eq3A_2242 = arith.constant 15 : i32
      %eq3A_2243 = vector.broadcast %eq3A_2242 : i32 to vector<256x16xi32>
      %eq3A_2244 = arith.cmpi eq, %iota3A_362, %eq3A_2243 : vector<256x16xi32>
      %broadcast_in_dim3A_2245 = vector.shape_cast %select_n3A_2224 : vector<256x1xf32> to vector<256x1xf32>
      %broadcast_in_dim3A_2246 = vector.broadcast %broadcast_in_dim3A_2245 : vector<256x1xf32> to vector<256x16xf32>
      %select_n3A_2247 = arith.select %eq3A_2244, %broadcast_in_dim3A_2246, %select_n3A_2190 : vector<256x16xi1>, vector<256x16xf32>
      %eq3A_2248 = arith.constant 15 : i32
      %eq3A_2249 = vector.broadcast %eq3A_2248 : i32 to vector<256x16xi32>
      %eq3A_2250 = arith.cmpi eq, %iota3A_362, %eq3A_2249 : vector<256x16xi32>
      %broadcast_in_dim3A_2251 = vector.shape_cast %select_n3A_2225 : vector<256x1xf32> to vector<256x1xf32>
      %broadcast_in_dim3A_2252 = vector.broadcast %broadcast_in_dim3A_2251 : vector<256x1xf32> to vector<256x16xf32>
      %select_n3A_2253 = arith.select %eq3A_2250, %broadcast_in_dim3A_2252, %select_n3A_2196 : vector<256x16xi1>, vector<256x16xf32>
      %eq3A_2254 = arith.constant 9.99999968E+37 : f32
      %eq3A_2255 = vector.broadcast %eq3A_2254 : f32 to vector<256x128xf32>
      %eq3A_2256 = arith.cmpf oeq, %select_n3A_2233, %eq3A_2255 : vector<256x128xf32>
      %jit3A_2257 = arith.constant 1 : i32
      %jit3A_2258 = arith.constant 0 : i32
      %broadcast_in_dim3A_2259 = vector.broadcast %jit3A_2257 : i32 to vector<256x128xi32>
      %broadcast_in_dim3A_2260 = vector.broadcast %jit3A_2258 : i32 to vector<256x128xi32>
      %select_n3A_2261 = arith.select %eq3A_2256, %broadcast_in_dim3A_2259, %broadcast_in_dim3A_2260 : vector<256x128xi1>, vector<256x128xi32>
      %add3A_2262 = arith.constant 1 : i32
      %add3A_2263 = arith.addi %while3A_1301, %add3A_2262 : i32
      scf.yield %add3A_2263, %reduce_and3A_1352, %select_n3A_2261, %scan3A_1318#1, %select_n3A_2247, %select_n3A_2253 : i32, i1, vector<256x128xi32>, vector<256x128xf32>, vector<256x16xf32>, vector<256x16xf32>
    }
    %convert_element_type3A_1292 = arith.fptosi %while3A_1291#5 : vector<256x16xf32> to vector<256x16xi32>
    %swap3A_1293 = arith.constant 0 : index
    %swap3A_1294 = arith.constant 0 : index
    %swap3A_1295 = vector.load %arg3[%swap3A_1293, %swap3A_1294] : memref<256x128xi32, #tpu.memory_space<vmem>>, vector<256x16xi32>
    tpu.vector_store %arg3[%swap3A_1293, %swap3A_1294], %convert_element_type3A_1292 {strides = array<i32>} : memref<256x128xi32, #tpu.memory_space<vmem>>, vector<256x16xi32>,
    %broadcast_in_dim3A_1296 = arith.constant 0 : i32
    %broadcast_in_dim3A_1297 = vector.broadcast %broadcast_in_dim3A_1296 : i32 to vector<256x112xi32>
    %swap3A_1298 = arith.constant 0 : index
    %swap3A_1299 = arith.constant 16 : index
    %swap3A_1300 = vector.load %arg3[%swap3A_1298, %swap3A_1299] : memref<256x128xi32, #tpu.memory_space<vmem>>, vector<256x112xi32>
    tpu.vector_store %arg3[%swap3A_1298, %swap3A_1299], %broadcast_in_dim3A_1297 {strides = array<i32>} : memref<256x128xi32, #tpu.memory_space<vmem>>, vector<256x112xi32>,
    return
  }
  func.func @transform_0(%arg0: i32) -> (i32, i32) {
    %c0_i32 = arith.constant 0 : i32
    %c0_i32_0 = arith.constant 0 : i32
    return %arg0, %c0_i32 : i32, i32
  }
  func.func @transform_1(%arg0: i32) -> (i32, i32) {
    %c0_i32 = arith.constant 0 : i32
    %c0_i32_0 = arith.constant 0 : i32
    %c0_i32_1 = arith.constant 0 : i32
    return %c0_i32, %c0_i32_0 : i32, i32
  }
  func.func @transform_2(%arg0: i32) -> (i32, i32) {
    %c0_i32 = arith.constant 0 : i32
    %c0_i32_0 = arith.constant 0 : i32
    return %arg0, %c0_i32 : i32, i32
  }
}

module attributes {stable_mosaic.version = 14 : i64} {
  func.func @_mm_body(%arg0: i32, %arg1: memref<512x128xf32, #tpu.memory_space<vmem>>, %arg2: memref<128x128xf32, #tpu.memory_space<vmem>>, %arg3: memref<512x128xf32, #tpu.memory_space<vmem>>) attributes {dimension_semantics = [#tpu.dimension_semantics<arbitrary>], iteration_bounds = array<i64: 20>, scalar_prefetch = 0 : i64, scratch_operands = 0 : i64, tpu.core_type = #tpu.core_type<tc>, window_params = [{transform_indices = @transform_0, window_bounds = array<i64: 512, 128>}, {pipeline_mode = #tpu.pipeline_mode<synchronous>, transform_indices = @transform_1, window_bounds = array<i64: 128, 128>}, {transform_indices = @transform_2, window_bounds = array<i64: 512, 128>}]} {
    %get3A = arith.constant 0 : index
    %get3A_0 = arith.constant 0 : index
    %get3A_1 = vector.load %arg1[%get3A, %get3A_0] : memref<512x128xf32, #tpu.memory_space<vmem>>, vector<512x128xf32>
    %get3A_2 = arith.constant 0 : index
    %get3A_3 = arith.constant 0 : index
    %get3A_4 = vector.load %arg2[%get3A_2, %get3A_3] : memref<128x128xf32, #tpu.memory_space<vmem>>, vector<128x128xf32>
    %dot_general3A = arith.constant dense<0.000000e+00> : vector<512x128xf32>
    %dot_general3A_5 = tpu.matmul %get3A_1, %get3A_4, %dot_general3A {dimension_numbers = #tpu.dot_dimension_numbers<[1], [0], [0], [1], [0, 0, 1, 1], [], []>, transpose_lhs_hint = false} : vector<512x128xf32>, vector<128x128xf32>, vector<512x128xf32> -> vector<512x128xf32>
    %swap3A = arith.constant 0 : index
    %swap3A_6 = arith.constant 0 : index
    %swap3A_7 = vector.load %arg3[%swap3A, %swap3A_6] : memref<512x128xf32, #tpu.memory_space<vmem>>, vector<512x128xf32>
    tpu.vector_store %arg3[%swap3A, %swap3A_6], %dot_general3A_5 {strides = array<i32>} : memref<512x128xf32, #tpu.memory_space<vmem>>, vector<512x128xf32>,
    return
  }
  func.func @transform_0(%arg0: i32) -> (i32, i32) {
    %c0_i32 = arith.constant 0 : i32
    %c0_i32_0 = arith.constant 0 : i32
    return %arg0, %c0_i32 : i32, i32
  }
  func.func @transform_1(%arg0: i32) -> (i32, i32) {
    %c0_i32 = arith.constant 0 : i32
    %c0_i32_0 = arith.constant 0 : i32
    %c0_i32_1 = arith.constant 0 : i32
    return %c0_i32, %c0_i32_0 : i32, i32
  }
  func.func @transform_2(%arg0: i32) -> (i32, i32) {
    %c0_i32 = arith.constant 0 : i32
    %c0_i32_0 = arith.constant 0 : i32
    return %arg0, %c0_i32 : i32, i32
  }
}

module attributes {stable_mosaic.version = 14 : i64} {
  func.func @_comb_body(%arg0: i32, %arg1: memref<512x64xf32, #tpu.memory_space<vmem>>, %arg2: memref<512x64xf32, #tpu.memory_space<vmem>>, %arg3: memref<512x1xf32, #tpu.memory_space<vmem>>, %arg4: memref<1x128xf32, #tpu.memory_space<vmem>>, %arg5: memref<512x128xf32, #tpu.memory_space<vmem>>) attributes {dimension_semantics = [#tpu.dimension_semantics<arbitrary>], iteration_bounds = array<i64: 20>, scalar_prefetch = 0 : i64, scratch_operands = 0 : i64, tpu.core_type = #tpu.core_type<tc>, window_params = [{transform_indices = @transform_0, window_bounds = array<i64: 512, 64>}, {transform_indices = @transform_1, window_bounds = array<i64: 512, 64>}, {transform_indices = @transform_2, window_bounds = array<i64: 512, 1>}, {pipeline_mode = #tpu.pipeline_mode<synchronous>, transform_indices = @transform_3, window_bounds = array<i64: 1, 128>}, {transform_indices = @transform_4, window_bounds = array<i64: 512, 128>}]} {
    %get3A = arith.constant 0 : index
    %get3A_0 = arith.constant 0 : index
    %get3A_1 = vector.load %arg1[%get3A, %get3A_0] : memref<512x64xf32, #tpu.memory_space<vmem>>, vector<512x64xf32>
    %get3A_2 = arith.constant 0 : index
    %get3A_3 = arith.constant 0 : index
    %get3A_4 = vector.load %arg2[%get3A_2, %get3A_3] : memref<512x64xf32, #tpu.memory_space<vmem>>, vector<512x64xf32>
    %concatenate3A = tpu.concatenate %get3A_1, %get3A_4 in 1 : vector<512x64xf32>, vector<512x64xf32> -> vector<512x128xf32>
    %get3A_5 = arith.constant 0 : index
    %get3A_6 = arith.constant 0 : index
    %get3A_7 = vector.load %arg3[%get3A_5, %get3A_6] : memref<512x1xf32, #tpu.memory_space<vmem>>, vector<512x1xf32>
    %max3A = arith.constant 1.000000e+00 : f32
    %max3A_8 = vector.broadcast %max3A : f32 to vector<512x1xf32>
    %max3A_9 = arith.maximumf %get3A_7, %max3A_8 : vector<512x1xf32>
    %div3A = vector.broadcast %max3A_9 : vector<512x1xf32> to vector<512x128xf32>
    %div3A_10 = arith.divf %concatenate3A, %div3A : vector<512x128xf32>
    %get3A_11 = arith.constant 0 : index
    %get3A_12 = arith.constant 0 : index
    %get3A_13 = vector.load %arg4[%get3A_11, %get3A_12] : memref<1x128xf32, #tpu.memory_space<vmem>>, vector<1x128xf32>
    %add3A = vector.broadcast %get3A_13 : vector<1x128xf32> to vector<512x128xf32>
    %add3A_14 = arith.addf %div3A_10, %add3A : vector<512x128xf32>
    %ge3A = arith.constant 0.000000e+00 : f32
    %ge3A_15 = vector.broadcast %ge3A : f32 to vector<512x128xf32>
    %ge3A_16 = arith.cmpf oge, %add3A_14, %ge3A_15 : vector<512x128xf32>
    %mul3A = arith.constant 0.00999999977 : f32
    %mul3A_17 = vector.broadcast %mul3A : f32 to vector<512x128xf32>
    %mul3A_18 = arith.mulf %mul3A_17, %add3A_14 : vector<512x128xf32>
    %select_n3A = arith.select %ge3A_16, %add3A_14, %mul3A_18 : vector<512x128xi1>, vector<512x128xf32>
    %swap3A = arith.constant 0 : index
    %swap3A_19 = arith.constant 0 : index
    %swap3A_20 = vector.load %arg5[%swap3A, %swap3A_19] : memref<512x128xf32, #tpu.memory_space<vmem>>, vector<512x128xf32>
    tpu.vector_store %arg5[%swap3A, %swap3A_19], %select_n3A {strides = array<i32>} : memref<512x128xf32, #tpu.memory_space<vmem>>, vector<512x128xf32>,
    return
  }
  func.func @transform_0(%arg0: i32) -> (i32, i32) {
    %c0_i32 = arith.constant 0 : i32
    %c0_i32_0 = arith.constant 0 : i32
    return %arg0, %c0_i32 : i32, i32
  }
  func.func @transform_1(%arg0: i32) -> (i32, i32) {
    %c0_i32 = arith.constant 0 : i32
    %c0_i32_0 = arith.constant 0 : i32
    return %arg0, %c0_i32 : i32, i32
  }
  func.func @transform_2(%arg0: i32) -> (i32, i32) {
    %c0_i32 = arith.constant 0 : i32
    %c0_i32_0 = arith.constant 0 : i32
    return %arg0, %c0_i32 : i32, i32
  }
  func.func @transform_3(%arg0: i32) -> (i32, i32) {
    %c0_i32 = arith.constant 0 : i32
    %c0_i32_0 = arith.constant 0 : i32
    %c0_i32_1 = arith.constant 0 : i32
    return %c0_i32, %c0_i32_0 : i32, i32
  }
  func.func @transform_4(%arg0: i32) -> (i32, i32) {
    %c0_i32 = arith.constant 0 : i32
    %c0_i32_0 = arith.constant 0 : i32
    return %arg0, %c0_i32 : i32, i32
  }
}

</mosaic_0001>

<sc_bundles>
// kernel: closed_call.12.cloned.1.call-start
scs
__scs_entry_jumppad:
0x0: {  	(pc) =	sbr.rel $0x88, $3  }
0x1: {  	(tag) =	ssettag $0x0;
	lr =	simm.s32 $0x1  }
0x2: {  	[smem:$0x3F9C] =	sst lr;
	_ =	strace $0xD0000000  }
0x3: {  	_ = 	snop  }
0x4: {  	_ = 	snop  }
0x5: {  	_ = 	snop  }
0x6: {  	_ = 	snop  }
0x7: {  	_ = 	snop  }
__scs_overlays_trampoline_lowered:
0x8: {  	[smem:$0x3FAB] =	sst s0  }
0x9: {  	[smem:$0x3FAC] =	sst s1  }
0xa: {  	[smem:$0x3FAD] =	sst s2  }
0xb: {  	[smem:$0x3FAE] =	sst s3  }
0xc: {  	[smem:$0x3FAF] =	sst s4  }
0xd: {  	[smem:$0x3FB0] =	sst s5  }
0xe: {  	[smem:$0x3FB1] =	sst s6  }
0xf: {  	[smem:$0x3FB2] =	sst s7  }
0x10: {  	[smem:$0x3FB3] =	sst s8  }
0x11: {  	[smem:$0x3FB4] =	sst s9;
	s0 =	simm.s32 @!p0 $0x0  }
0x12: {  	s1 =	sld [smem:$0x3F9A];
	s0 =	simm.s32 @p0 $0x1  }
0x13: {  	[smem:$0x3FB5] =	sst s0;
	s0 =	simm.s32 @!p1 $0x0  }
0x14: {  	s2 =	sld [smem:$0x3F99];
	s0 =	simm.s32 @p1 $0x1  }
0x15: {  	[smem:$0x3FB6] =	sst s0;
	s0 =	simm.s32 @!p2 $0x0  }
0x16: {  	s3 =	sld [smem:$0x3FDB];
	s0 =	simm.s32 @p2 $0x1  }
0x17: {  	s4 =	simm.s32 $0x1BF5;
	[smem:$0x3FB8] =	sst s0  }
0x18: {  	s0 =	sld [smem:$0x3F9B];
	_ =	swait.ge [sflag:s4], $0x0  }
0x19: {  	s7 =	sld [smem:$0x3F9C]  }
0x1a: {  	s8 =	sadd.s32 $0xFFFFE003, lr  }
0x1b: {  	s9 =	sadd.s32 $0xFFFFFEF7, lr;
	s5 =	simm.s32 $0xFFFFFFFF;
	p2 =	slt.u32 s8, $0xFFFFF086  }
0x1c: {  	p1 =	slt.u32 s9, $0xF7A;
	s5 =	simm.s32 @!p2 $0x0  }
0x1d: {  	s5 =	simm.s32 @p1 $0x1;
	p0 =	seq.s32 s7, s2  }
0x1e: {  	s7 =	smul.u32 @!p0 $0xF7A, s2;
	p2 =	seq.s32 @!p0 s5, $0x0  }
0x1f: {  	s9 =	smul.u32 $0xF7A, s1;
	s8 =	simm.s32 @!p0 $0x1BF5;
	p2 =	por !p2, p0  }
0x20: {  	[sflag:s8] =	ssyncset.s32 @!p0 $0xFFFFF086;
	s6 =	sadd.s32 @!p0 s3, s7;
	s7 =	simm.s32 @!p0 $0x108  }
0x21: {  	s3 =	sadd.s32 s3, s9;
	s6 =	sadd.s32 @!p0 $0x88, s6;
	s7 =	simm.s32 @p2 $0x1082  }
0x22: {  	[simem:s7], [sflag:s8] =	dma.local @!p0 [hbm:s6], $0xF7A  }
0x23: {  	s9 =	sor.u32 $0xD0000000, s2;
	s6 =	simm.s32 $0x108;
	_ =	swait.ge @!p0 [sflag:s8], $0x0  }
0x24: {  	s3 =	sadd.s32 $0x88, s3;
	s6 =	simm.s32 @!p1 $0x1082;
	[sflag:s4] =	ssyncset.s32 $0xFFFFF086  }
0x25: {  	[simem:s6], [sflag:s4] =	dma.local [hbm:s3], $0xF7A  }
0x26: {  	[smem:$0x3F9C] =	sst s1;
	(tag) =	ssettag s2;
	_ =	strace s9  }
0x27: {  	s1 =	sld [smem:$0x3FAC]  }
0x28: {  	s2 =	sld [smem:$0x3FAD]  }
0x29: {  	s4 =	sld [smem:$0x3FAF]  }
0x2a: {  	p0 =	seq.s32 s5, $0x0;
	s5 =	sld [smem:$0x3FB0]  }
0x2b: {  	s6 =	sld [smem:$0x3FB1]  }
0x2c: {  	s7 =	sld [smem:$0x3FB2]  }
0x2d: {  	s3 =	simm.s32 $0x108;
	s8 =	sld [smem:$0x3FB3]  }
0x2e: {  	s3 =	simm.s32 @!p0 $0x1082;
	s9 =	sld [smem:$0x3FB4]  }
0x2f: {  	lr =	sadd.s32 s0, s3;
	s0 =	sld [smem:$0x3FAB]  }
0x30: {  	s3 =	sld [smem:$0x3FAE]  }
0x31: {  	[smem:$0x3FB7] =	sst s10  }
0x32: {  	s10 =	sld [smem:$0x3FB5];
	_ =	sdelay $0x3  }
0x33: {  	p0 =	seq.s32 s10, $0x1;
	s10 =	sld [smem:$0x3FB7];
	_ =	sdelay $0x3  }
0x34: {  	[smem:$0x3FB7] =	sst s10  }
0x35: {  	s10 =	sld [smem:$0x3FB6];
	_ =	sdelay $0x3  }
0x36: {  	p1 =	seq.s32 s10, $0x1;
	s10 =	sld [smem:$0x3FB7];
	_ =	sdelay $0x3  }
0x37: {  	[smem:$0x3FB7] =	sst s10  }
0x38: {  	s10 =	sld [smem:$0x3FB8]  }
0x39: {  	_ = 	snop;
	(pc) =	sbr.ind lr, $3  }
0x3a: {  	_ = 	snop  }
0x3b: {  	_ = 	snop  }
0x3c: {  	p2 =	seq.s32 s10, $0x1;
	s10 =	sld [smem:$0x3FB7]  }
0x3d: {  	_ =	shalt  }
0x3e: {  	_ =	shalt  }
0x3f: {  	_ =	shalt  }
0x40: {  	_ =	shalt  }
0x41: {  	_ =	shalt  }
0x42: {  	_ =	shalt  }
0x43: {  	_ =	shalt  }
0x44: {  	_ =	shalt  }
0x45: {  	_ =	shalt  }
0x46: {  	_ =	shalt  }
0x47: {  	_ =	shalt  }
0x48: {  	_ =	shalt  }
0x49: {  	_ =	shalt  }
0x4a: {  	_ =	shalt  }
0x4b: {  	_ =	shalt  }
0x4c: {  	_ =	shalt  }
0x4d: {  	_ =	shalt  }
0x4e: {  	_ =	shalt  }
0x4f: {  	_ =	shalt  }
0x50: {  	_ =	shalt  }
0x51: {  	_ =	shalt  }
0x52: {  	_ =	shalt  }
0x53: {  	_ =	shalt  }
0x54: {  	_ =	shalt  }
0x55: {  	_ =	shalt  }
0x56: {  	_ =	shalt  }
0x57: {  	_ =	shalt  }
0x58: {  	_ =	shalt  }
0x59: {  	_ =	shalt  }
0x5a: {  	_ =	shalt  }
0x5b: {  	_ =	shalt  }
0x5c: {  	_ =	shalt  }
0x5d: {  	_ =	shalt  }
0x5e: {  	_ =	shalt  }
0x5f: {  	_ =	shalt  }
0x60: {  	_ =	shalt  }
0x61: {  	_ =	shalt  }
0x62: {  	_ =	shalt  }
0x63: {  	_ =	shalt  }
0x64: {  	_ =	shalt  }
0x65: {  	_ =	shalt  }
0x66: {  	_ =	shalt  }
0x67: {  	_ =	shalt  }
0x68: {  	_ =	shalt  }
0x69: {  	_ =	shalt  }
0x6a: {  	_ =	shalt  }
0x6b: {  	_ =	shalt  }
0x6c: {  	_ =	shalt  }
0x6d: {  	_ =	shalt  }
0x6e: {  	_ =	shalt  }
0x6f: {  	_ =	shalt  }
0x70: {  	_ =	shalt  }
0x71: {  	_ =	shalt  }
0x72: {  	_ =	shalt  }
0x73: {  	_ =	shalt  }
0x74: {  	_ =	shalt  }
0x75: {  	_ =	shalt  }
0x76: {  	_ =	shalt  }
0x77: {  	_ =	shalt  }
0x78: {  	_ =	shalt  }
0x79: {  	_ =	shalt  }
0x7a: {  	_ =	shalt  }
0x7b: {  	_ =	shalt  }
0x7c: {  	_ =	shalt  }
0x7d: {  	_ =	shalt  }
0x7e: {  	_ =	shalt  }
0x7f: {  	_ =	shalt  }
0x80: {  	_ =	shalt  }
0x81: {  	_ =	shalt  }
0x82: {  	_ =	shalt  }
0x83: {  	_ =	shalt  }
0x84: {  	_ =	shalt  }
0x85: {  	_ =	shalt  }
0x86: {  	_ =	shalt  }
0x87: {  	_ =	shalt  }
.Lfunc_end0:
.L_simem_size_0:
called_computation_lowered:
.L_overlay_start_0:
0x88: {  	s2 =	sld [smem:$0x3FD9]  }
0x89: {  	s3 =	sld [smem:$0x3FFE];
	_ =	sdelay $0x1  }
0x8a: {  	s1 =	srdreg.scid  }
0x8b: {  	s0 =	sand.u32 $0x1, s1  }
0x8c: {  	s17 =	sshll.u32 s0, $0xA;
	s2 =	sadd.s32 s3, s2  }
0x8d: {  	s2 =	sadd.s32 s2, s17  }
0x8e: {  	[smem:$0x3FC3] =	sst s2  }
0x8f: {  	_ = 	snop  }
0x90: {  	s2 =	sld [smem:$0x3FD0];
	(tm) =	ssettm $0x1  }
0x91: {  	s18 =	sld [smem:$0x3FFB];
	_ =	sdelay $0x3  }
0x92: {  	_ =	strace s18  }
0x93: {  	s3 =	sld [smem:$0x3FFC];
	_ =	sdelay $0x3  }
0x94: {  	_ =	strace s3  }
0x95: {  	s3 =	sld [smem:$0x3FFD];
	_ =	sdelay $0x3  }
0x96: {  	_ =	strace s3  }
0x97: {  	_ =	strace $0x8FFFFFFF  }
0x98: {  	s19 =	sld [smem:$0x3FDB];
	_ =	sdelay $0x1  }
0x99: {  	s4 =	simm.s32 $_scs_section_size  }
0x9a: {  	s5 =	simm.s32 $_size__tile_overlayer_lowered;
	s6 =	simm.s32 $_tile_overlayer_lowered  }
0x9b: {  	s22 =	simm.s32 $0x1BFF;
	s21 =	sshll.u32 s6, $0x1;
	s3 =	sadd.s32 s4, s19  }
0x9c: {  	s7 =	simm.s32 $0x0;
	s20 =	sshll.u32 s5, $0x1;
	s5 =	sadd.s32 s21, s3  }
0x9d: {  	[timem:s7], [sflag:s22] =	dma.local [hbm:s5], s20  }
0x9e: {  	_ =	swait.ge [sflag:s22], s20  }
0x9f: {  	s4 =	ssub.s32 $0x0, s20;
	[sflag:s22] =	ssyncset.done $0x0  }
0xa0: {  	[sflag:s22] =	ssyncadd.s32 s4;
	_ =	sdelay $0x1  }
0xa1: {  	s23 =	simm.s32 $0x1B8B  }
0xa2: {  	_ =	swait.ge [sflag:s23], $0x1  }
0xa3: {  	[sflag:s23] =	ssyncset.done $0x0  }
0xa4: {  	s25 =	simm.s32 $0x1B8E;
	s24 =	sld [smem:$0x3FFE];
	[sflag:s23] =	ssyncadd.s32 $0xFFFFFFFF  }
0xa5: {  	s26 =	simm.s32 $execute0_lowered;
	[smem:$0x3FD2] =	sst s25  }
0xa6: {  	s5 =	sshll.u32 s26, $0x1;
	_ =	strace $0x80000046;
	[dreg:$0x1] =	wrdreg $0xFFFFFFFF  }
0xa7: {  	s28 =	simm.s32 $_size_execute0_lowered;
	s3 =	sadd.s32 s3, s5;
	[dreg:$0x0] =	wrdreg $0x0  }
0xa8: {  	s5 =	sshll.u32 s28, $0x1;
	[dreg:$0x2] =	wrdreg s3  }
0xa9: {  	[dreg:$0x3] =	wrdreg s5  }
0xaa: {  	[dreg:$0x4] =	wrdreg $0xC0  }
0xab: {  	_ =	task [dreg:s7], $0x5FFFF  }
0xac: {  	[dreg:$0x1] =	wrdreg $0xFFFFFFFF  }
0xad: {  	[dreg:$0x0] =	wrdreg $0x60  }
0xae: {  	[dreg:$0x2] =	wrdreg s24  }
0xaf: {  	[dreg:$0x3] =	wrdreg s2  }
0xb0: {  	[dreg:$0x4] =	wrdreg $0xB8000  }
0xb1: {  	[dreg:$0x5] =	wrdreg $0x158000  }
0xb2: {  	[dreg:$0x6] =	wrdreg $0x9  }
0xb3: {  	_ =	task.clear_ibuf [dreg:s7], $0x7FFFF;
	_ =	strace $0x90000046  }
0xb4: {  	s29 =	simm.s32 $0x9;
	_ =	strace $0x80000048  }
0xb5: {  	_ =	swait.ge [sflag:s29], $0x1  }
0xb6: {  	[sflag:s29] =	ssyncadd.s32 $0xFFFFFFFF  }
0xb7: {  	_ =	strace $0x90000048  }
0xb8: {  	_ =	sfence  }
0xb9: {  	s30 =	sld [smem:$0x0];
	_ =	sdelay $0x2  }
0xba: {  	s31 =	sshll.u32 s1, $0xD;
	s1 =	sshrl.u32 s1, $0x2  }
0xbb: {  	s3 =	sand.u32 $0x4000, s31;
	s1 =	sadd.s32 s1, s30  }
0xbc: {  	s0 =	sor.u32 s3, s0;
	s1 =	sshll.u32 s1, $0x11  }
0xbd: {  	s0 =	sor.u32 s1, s0  }
0xbe: {  	s0 =	sadd.s32 $0x8F2B, s0  }
0xbf: {  	[sflag:s0] =	ssyncadd.remote.s32 $0x1  }
0xc0: {  	_ =	sfence.sel $0xFFFF  }
0xc1: {  	[dreg:$0x0] =	wrdreg $0xFFFFFFFF;
	(pc) =	sbr.abs _section_cstart, $3  }
0xc2: {  	[dreg:$0x1] =	wrdreg $0xFFFFFFFF  }
0xc3: {  	_ =	task.clear_ibuf [dreg:s7], $0x2FFFF;
	_ =	strace $0x9FFFFFFF  }
0xc4: {  	(tm) =	ssettm $0x7FFFFFFF  }
0xc5: {  	_ =	shalt  }
tec
execute0_lowered:
.L_overlay_start_1:
0x0: {  	(tag) =	ssettag $0x1  }
0x1: {  	s2 =	rddreg [dreg:$0x0]  }
0x2: {  	s0 =	srdreg.scid;
	s3 =	rddreg [dreg:$0x1]  }
0x3: {  	s21 =	stileid.u32;
	s6 =	simm.s32 $0x0;
	s12 =	rddreg [dreg:$0x3]  }
0x4: {  	s1 =	sand.u32 $0x1, s0;
	s0 =	smul.u32 $0xA000, s21;
	[smem:$0x7FF] =	sst s6  }
0x5: {  	s6 =	sadd.s32 $0x30E00, s2;
	s4 =	smul.u32 $0xA0000, s1;
	s5 =	ssub.s32 $0x2, s1  }
0x6: {  	p0 =	seq.s32 s1, $0x0;
	p1 =	sne.s32 s1, $0x0;
	s7 =	sshrl.u32 s5, $0x1  }
0x7: {  	s8 =	sor.u32 $0x1000, s0;
	s11 =	sadd.s32 $0x2000, s0;
	s13 =	sadd.s32 $0x4000, s0  }
0x8: {  	s14 =	sadd.s32 $0x5000, s0;
	s5 =	ssub.s32 s5, s7;
	s15 =	sadd.s32 s4, s0  }
0x9: {  	s9 =	sadd.s32 s4, s8;
	s17 =	sadd.s32 s4, s11;
	s10 =	sadd.s32 s4, s13  }
0xa: {  	s22 =	sadd.s32 s4, s14;
	s7 =	sshrl.u32 s15, $0x3;
	s16 =	sshrl.u32 s9, $0x3  }
0xb: {  	s18 =	sshrl.u32 s17, $0x3;
	s9 =	sadd.s32 $0x3000, s0;
	s20 =	sshrl.u32 s10, $0x3  }
0xc: {  	s23 =	sshrl.u32 s22, $0x3;
	s15 =	sadd.s32 $0x6000, s0;
	s17 =	sadd.s32 $0x7000, s0  }
0xd: {  	s10 =	rddreg [dreg:$0x2];
	s7 =	sadd.s32 s6, s7;
	s19 =	sadd.s32 s4, s9  }
0xe: {  	s24 =	sadd.s32 s4, s15;
	s25 =	sadd.s32 s4, s17;
	s13 =	sadd.s32 s13, s10  }
0xf: {  	s14 =	sadd.s32 s14, s10;
	s15 =	sadd.s32 s15, s10;
	[dreg:$0x5] =	wrdreg s7  }
0x10: {  	s7 =	sadd.s32 s6, s16;
	s26 =	sshrl.u32 s25, $0x3;
	s16 =	smul.u32 $0x500, s21  }
0x11: {  	s25 =	sadd.s32 $0x2F400, s2;
	s30 =	sshrl.u32 s14, $0x3;
	s31 =	sshrl.u32 s15, $0x3  }
0x12: {  	s14 =	simm.s32 $0x4;
	[dreg:$0x6] =	wrdreg s7;
	s7 =	sadd.s32 s6, s18  }
0x13: {  	s15 =	simm.s32 $0x0;
	s18 =	sadd.s32 $0x8000, s0;
	[dreg:$0x7] =	wrdreg s7  }
0x14: {  	s7 =	sshrl.u32 s19, $0x3;
	s28 =	sadd.s32 s4, s18;
	s19 =	sadd.s32 $0x9000, s0  }
0x15: {  	s3 =	sadd.s32 s3, s16;
	s0 =	sadd.s32 s0, s10;
	s7 =	sadd.s32 s6, s7  }
0x16: {  	s29 =	sshrl.u32 s28, $0x3;
	s4 =	sadd.s32 s4, s19;
	s0 =	sshrl.u32 s0, $0x3  }
0x17: {  	[dreg:$0x8] =	wrdreg s7;
	s7 =	sadd.s32 s6, s20;
	s4 =	sshrl.u32 s4, $0x3  }
0x18: {  	s20 =	smul.u32 $0x2800, s21;
	[dreg:$0x9] =	wrdreg s7;
	s7 =	sadd.s32 s6, s23  }
0x19: {  	s4 =	sadd.s32 s6, s4;
	s23 =	sadd.s32 s16, s2;
	s16 =	sadd.s32 $0x7400, s2  }
0x1a: {  	[dreg:$0xa] =	wrdreg s7;
	s7 =	sshrl.u32 s24, $0x3;
	s24 =	smul.u32 $0x28000, s21  }
0x1b: {  	[dreg:$0xe] =	wrdreg s4;
	s22 =	sshrl.u32 s20, $0x3;
	s21 =	smul.u32 $0x2800, s1  }
0x1c: {  	s28 =	sadd.s32 $0x2400, s23;
	s20 =	sadd.s32 s20, s12;
	s7 =	sadd.s32 s6, s7  }
0x1d: {  	s23 =	sadd.s32 s18, s10;
	[dreg:$0xb] =	wrdreg s7;
	s7 =	sadd.s32 s6, s26  }
0x1e: {  	s26 =	sshrl.u32 s24, $0x2;
	s24 =	sadd.s32 s19, s10;
	[dreg:$0xc] =	wrdreg s7  }
0x1f: {  	s7 =	sadd.s32 s6, s29;
	s29 =	sadd.s32 s26, s10;
	s6 =	smax.u32 s5, $0x1  }
0x20: {  	s5 =	simm.s32 $0x7000;
	[dreg:$0xd] =	wrdreg s7;
	s7 =	sadd.s32 s8, s10  }
0x21: {  	s8 =	sadd.s32 s11, s10;
	_ =	strace $0x80000047;
	[dreg:$0xf] =	wrdreg s3  }
0x22: {  	s11 =	sadd.s32 s9, s10;
	s1 =	sshrl.u32 s29, $0x3;
	[dreg:$0x10] =	wrdreg s25  }
0x23: {  	s29 =	sshrl.u32 s13, $0x3;
	s9 =	simm.s32 $0xB000;
	[dreg:$0x12] =	wrdreg s28  }
0x24: {  	s13 =	simm.s32 $0x3;
	s3 =	sadd.s32 s22, s2;
	[dreg:$0x14] =	wrdreg s6  }
0x25: {  	s2 =	sadd.s32 $0x30800, s2;
	s22 =	sadd.s32 s17, s10;
	[dreg:$0x15] =	wrdreg s1  }
0x26: {  	[dreg:$0x16] =	wrdreg s0;
	s25 =	sshrl.u32 s7, $0x3;
	s26 =	sshrl.u32 s8, $0x3  }
0x27: {  	s28 =	sshrl.u32 s11, $0x3;
	[dreg:$0x1a] =	wrdreg s29;
	s0 =	sshrl.u32 s23, $0x3  }
.Ltmp0:
0x28: {  	s1 =	sshrl.u32 s24, $0x3;
	[dreg:$0x11] =	wrdreg s2;
	(pc) =	sbr.rel .LBB2_1-.Ltmp0, $4  }
0x29: {  	s6 =	simm.s32 $0x1;
	s7 =	simm.s32 $0x2;
	[dreg:$0x17] =	wrdreg s25  }
0x2a: {  	s8 =	simm.s32 $0x9000;
	s4 =	sadd.s32 $0x58E00, s3;
	[dreg:$0x18] =	wrdreg s26  }
0x2b: {  	[dreg:$0x19] =	wrdreg s28;
	s11 =	sshrl.u32 s22, $0x3;
	s2 =	simm.s32 $0x5  }
0x2c: {  	v1 =	vimm.f32 $1.000000000e+00;
	v0 =	vmov s21;
	s3 =	simm.s32 $0x80;
	[dreg:$0x13] =	wrdreg s4;
	s4 =	simm.s32 $0x5000  }
.LBB2_22:
0x2d: {  	_ =	swait.ge [sflag:s14], $0x800  }
0x2e: {  	[sflag:s14] =	ssyncset.done $0x0  }
0x2f: {  	[sflag:s14] =	ssyncadd.s32 $0xFFFFF800  }
0x30: {  	_ =	swait.ge [sflag:s13], $0x2000  }
0x31: {  	[sflag:s13] =	ssyncset.done $0x0  }
0x32: {  	[sflag:s13] =	ssyncadd.s32 $0xFFFFE000  }
0x33: {  	_ =	swait.ge [sflag:s14], $0x800  }
0x34: {  	[sflag:s14] =	ssyncset.done $0x0  }
0x35: {  	[sflag:s14] =	ssyncadd.s32 $0xFFFFF800  }
0x36: {  	_ =	swait.ge [sflag:s13], $0x2000  }
0x37: {  	[sflag:s13] =	ssyncset.done $0x0  }
0x38: {  	[sflag:s13] =	ssyncadd.s32 $0xFFFFE000  }
0x39: {  	_ =	swait.ge [sflag:s14], $0x800  }
0x3a: {  	[sflag:s14] =	ssyncset.done $0x0  }
0x3b: {  	[sflag:s14] =	ssyncadd.s32 $0xFFFFF800  }
0x3c: {  	_ =	swait.ge [sflag:s13], $0x2000  }
0x3d: {  	[sflag:s13] =	ssyncset.done $0x0  }
0x3e: {  	[sflag:s13] =	ssyncadd.s32 $0xFFFFE000  }
0x3f: {  	_ =	swait.ge [sflag:s14], $0x800  }
0x40: {  	[sflag:s14] =	ssyncset.done $0x0  }
0x41: {  	[sflag:s14] =	ssyncadd.s32 $0xFFFFF800  }
0x42: {  	_ =	swait.ge [sflag:s13], $0x2000  }
0x43: {  	[sflag:s13] =	ssyncset.done $0x0  }
0x44: {  	[sflag:s13] =	ssyncadd.s32 $0xFFFFE000  }
0x45: {  	_ =	swait.ge [sflag:s14], $0x800  }
0x46: {  	[sflag:s14] =	ssyncset.done $0x0  }
0x47: {  	[sflag:s14] =	ssyncadd.s32 $0xFFFFF800  }
0x48: {  	_ =	swait.ge [sflag:s13], $0x2000  }
0x49: {  	[sflag:s13] =	ssyncset.done $0x0  }
0x4a: {  	[sflag:s13] =	ssyncadd.s32 $0xFFFFE000  }
0x4b: {  	_ =	swait.ge [sflag:s14], $0x800  }
0x4c: {  	[sflag:s14] =	ssyncset.done $0x0  }
0x4d: {  	[sflag:s14] =	ssyncadd.s32 $0xFFFFF800  }
0x4e: {  	_ =	swait.ge [sflag:s13], $0x2000  }
0x4f: {  	[sflag:s13] =	ssyncset.done $0x0  }
0x50: {  	[sflag:s13] =	ssyncadd.s32 $0xFFFFE000  }
0x51: {  	_ =	swait.ge [sflag:s14], $0x800  }
0x52: {  	[sflag:s14] =	ssyncset.done $0x0  }
0x53: {  	[sflag:s14] =	ssyncadd.s32 $0xFFFFF800  }
0x54: {  	_ =	swait.ge [sflag:s13], $0x2000  }
0x55: {  	[sflag:s13] =	ssyncset.done $0x0  }
0x56: {  	[sflag:s13] =	ssyncadd.s32 $0xFFFFE000  }
0x57: {  	_ =	swait.ge [sflag:s14], $0x800  }
0x58: {  	[sflag:s14] =	ssyncset.done $0x0  }
0x59: {  	[sflag:s14] =	ssyncadd.s32 $0xFFFFF800  }
0x5a: {  	_ =	swait.ge [sflag:s13], $0x2000  }
0x5b: {  	[sflag:s13] =	ssyncset.done $0x0  }
0x5c: {  	[sflag:s13] =	ssyncadd.s32 $0xFFFFE000  }
0x5d: {  	_ =	swait.ge [sflag:s14], $0x800  }
0x5e: {  	[sflag:s14] =	ssyncset.done $0x0  }
0x5f: {  	[sflag:s14] =	ssyncadd.s32 $0xFFFFF800  }
0x60: {  	_ =	swait.ge [sflag:s13], $0x2000  }
0x61: {  	[sflag:s13] =	ssyncset.done $0x0  }
0x62: {  	[sflag:s13] =	ssyncadd.s32 $0xFFFFE000  }
0x63: {  	_ =	swait.ge [sflag:s14], $0x800  }
0x64: {  	[sflag:s14] =	ssyncset.done $0x0  }
0x65: {  	[sflag:s14] =	ssyncadd.s32 $0xFFFFF800  }
0x66: {  	_ =	swait.ge [sflag:s13], $0x2000  }
0x67: {  	[sflag:s13] =	ssyncset.done $0x0  }
0x68: {  	[sflag:s13] =	ssyncadd.s32 $0xFFFFE000  }
0x69: {  	_ =	swait.ge [sflag:s14], $0x800  }
0x6a: {  	[sflag:s14] =	ssyncset.done $0x0  }
0x6b: {  	[sflag:s14] =	ssyncadd.s32 $0xFFFFF800  }
0x6c: {  	_ =	swait.ge [sflag:s13], $0x2000  }
0x6d: {  	[sflag:s13] =	ssyncset.done $0x0  }
0x6e: {  	[sflag:s13] =	ssyncadd.s32 $0xFFFFE000  }
0x6f: {  	_ =	swait.ge [sflag:s14], $0x800  }
0x70: {  	[sflag:s14] =	ssyncset.done $0x0  }
0x71: {  	[sflag:s14] =	ssyncadd.s32 $0xFFFFF800  }
0x72: {  	_ =	swait.ge [sflag:s13], $0x2000  }
0x73: {  	[sflag:s13] =	ssyncset.done $0x0  }
0x74: {  	[sflag:s13] =	ssyncadd.s32 $0xFFFFE000  }
0x75: {  	_ =	swait.ge [sflag:s14], $0x800  }
0x76: {  	[sflag:s14] =	ssyncset.done $0x0  }
0x77: {  	[sflag:s14] =	ssyncadd.s32 $0xFFFFF800  }
0x78: {  	_ =	swait.ge [sflag:s13], $0x2000  }
0x79: {  	[sflag:s13] =	ssyncset.done $0x0  }
0x7a: {  	[sflag:s13] =	ssyncadd.s32 $0xFFFFE000  }
0x7b: {  	_ =	swait.ge [sflag:s14], $0x800  }
0x7c: {  	[sflag:s14] =	ssyncset.done $0x0  }
0x7d: {  	[sflag:s14] =	ssyncadd.s32 $0xFFFFF800  }
0x7e: {  	_ =	swait.ge [sflag:s13], $0x2000  }
0x7f: {  	[sflag:s13] =	ssyncset.done $0x0  }
0x80: {  	[sflag:s13] =	ssyncadd.s32 $0xFFFFE000  }
0x81: {  	_ =	swait.ge [sflag:s14], $0x800  }
0x82: {  	[sflag:s14] =	ssyncset.done $0x0  }
0x83: {  	[sflag:s14] =	ssyncadd.s32 $0xFFFFF800  }
0x84: {  	_ =	swait.ge [sflag:s13], $0x2000  }
0x85: {  	[sflag:s13] =	ssyncset.done $0x0  }
0x86: {  	[sflag:s13] =	ssyncadd.s32 $0xFFFFE000  }
0x87: {  	_ =	swait.ge [sflag:s14], $0x800  }
0x88: {  	[sflag:s14] =	ssyncset.done $0x0  }
0x89: {  	[sflag:s14] =	ssyncadd.s32 $0xFFFFF800  }
.LBB2_23:
0x8a: {  	[bflag:$0x0] =	sbarrier.arrive $0xFFFF  }
0x8b: {  	s18 =	rddreg [dreg:$0x5]  }
0x8c: {  	s19 =	rddreg [dreg:$0x16]  }
0x8d: {  	[hbm:s18], [sflag:s17] =	dma.local [spmem:s19], $0x200  }
0x8e: {  	_ =	swait.ge [sflag:s2], $0x200  }
0x8f: {  	[sflag:s2] =	ssyncset.done $0x0;
	s23 =	rddreg [dreg:$0x6]  }
0x90: {  	s24 =	rddreg [dreg:$0x17];
	[sflag:s2] =	ssyncadd.s32 $0xFFFFFE00  }
0x91: {  	[hbm:s23], [sflag:s17] =	dma.local [spmem:s24], $0x200  }
0x92: {  	_ =	swait.ge [sflag:s2], $0x200  }
0x93: {  	[sflag:s2] =	ssyncset.done $0x0;
	s25 =	rddreg [dreg:$0x7]  }
0x94: {  	s26 =	rddreg [dreg:$0x18];
	[sflag:s2] =	ssyncadd.s32 $0xFFFFFE00  }
0x95: {  	[hbm:s25], [sflag:s17] =	dma.local [spmem:s26], $0x200  }
0x96: {  	_ =	swait.ge [sflag:s2], $0x200  }
0x97: {  	[sflag:s2] =	ssyncset.done $0x0;
	s28 =	rddreg [dreg:$0x8]  }
0x98: {  	s29 =	rddreg [dreg:$0x19];
	[sflag:s2] =	ssyncadd.s32 $0xFFFFFE00  }
0x99: {  	[hbm:s28], [sflag:s17] =	dma.local [spmem:s29], $0x200  }
0x9a: {  	_ =	swait.ge [sflag:s2], $0x200  }
0x9b: {  	[sflag:s2] =	ssyncset.done $0x0;
	s21 =	rddreg [dreg:$0x9]  }
0x9c: {  	s22 =	rddreg [dreg:$0x1a];
	[sflag:s2] =	ssyncadd.s32 $0xFFFFFE00  }
0x9d: {  	[hbm:s21], [sflag:s17] =	dma.local [spmem:s22], $0x200  }
0x9e: {  	_ =	swait.ge [sflag:s2], $0x200  }
0x9f: {  	[sflag:s2] =	ssyncset.done $0x0  }
0xa0: {  	s23 =	rddreg [dreg:$0xa];
	[sflag:s2] =	ssyncadd.s32 $0xFFFFFE00  }
0xa1: {  	[hbm:s23], [sflag:s17] =	dma.local [spmem:s30], $0x200  }
0xa2: {  	_ =	swait.ge [sflag:s2], $0x200  }
0xa3: {  	[sflag:s2] =	ssyncset.done $0x0  }
0xa4: {  	s24 =	rddreg [dreg:$0xb];
	[sflag:s2] =	ssyncadd.s32 $0xFFFFFE00  }
0xa5: {  	[hbm:s24], [sflag:s17] =	dma.local [spmem:s31], $0x200  }
0xa6: {  	_ =	swait.ge [sflag:s2], $0x200  }
0xa7: {  	[sflag:s2] =	ssyncset.done $0x0  }
0xa8: {  	s25 =	rddreg [dreg:$0xc];
	[sflag:s2] =	ssyncadd.s32 $0xFFFFFE00  }
0xa9: {  	[hbm:s25], [sflag:s17] =	dma.local [spmem:s11], $0x200  }
0xaa: {  	_ =	swait.ge [sflag:s2], $0x200  }
0xab: {  	[sflag:s2] =	ssyncset.done $0x0  }
0xac: {  	s26 =	rddreg [dreg:$0xd];
	[sflag:s2] =	ssyncadd.s32 $0xFFFFFE00  }
0xad: {  	[hbm:s26], [sflag:s17] =	dma.local [spmem:s0], $0x200  }
0xae: {  	_ =	swait.ge [sflag:s2], $0x200  }
0xaf: {  	[sflag:s2] =	ssyncset.done $0x0  }
0xb0: {  	s28 =	rddreg [dreg:$0xe];
	[sflag:s2] =	ssyncadd.s32 $0xFFFFFE00  }
0xb1: {  	[hbm:s28], [sflag:s17] =	dma.local [spmem:s1], $0x200  }
0xb2: {  	_ =	swait.ge [sflag:s2], $0x200  }
0xb3: {  	[sflag:s2] =	ssyncset.done $0x0  }
0xb4: {  	s18 =	sshrl.u32 @!p1 s20, $0x3;
	s19 =	rddreg [dreg:$0x13];
	[sflag:s2] =	ssyncadd.s32 $0xFFFFFE00  }
0xb5: {  	[hbm:s19], [sflag:s17] =	dma.local @!p1 [spmem:s18], $0x500  }
0xb6: {  	s17 =	simm.s32 @!p1 $0x5  }
0xb7: {  	_ =	swait.ge @!p1 [sflag:s17], $0x500  }
0xb8: {  	s15 =	sadd.s32 $0x1, s15;
	s29 =	rddreg [dreg:$0x14]  }
0xb9: {  	p2 =	sne.s32 s15, s29  }
.Ltmp1:
0xba: {  	_ = 	snop;
	(pc) =	sbr.rel @!p2 .LBB2_24-.Ltmp1, $3  }
0xbb: {  	_ =	sdelay $0x1  }
0xbc: {  	[sflag:s17] =	ssyncset.done @!p1 $0x0  }
0xbd: {  	[sflag:s17] =	ssyncadd.s32 @!p1 $0xFFFFFB00  }
.LBB2_1:
0xbe: {  	s17 =	simm.s32 $0x0;
	s18 =	rddreg [dreg:$0xf]  }
0xbf: {  	[tilespmem:s17], [sflag:$0x5] =	stream.linear.gather [hbm4b:s18+s17], $0x2800, $0x38;
	[tilespmem:$0x18000] =	vst v63  }
0xc0: {  	_ =	swait.ge [sflag:s2], $0x2800  }
0xc1: {  	[sflag:s2] =	ssyncset.done $0x0  }
0xc2: {  	s19 =	simm.s32 $0x2800;
	s29 =	rddreg [dreg:$0x12];
	[sflag:s2] =	ssyncadd.s32 $0xFFFFD800  }
0xc3: {  	[tilespmem:s19], [sflag:$0x5] =	stream.linear.gather [hbm4b:s29+s17], $0x2800, $0x38;
	[tilespmem:$0x18000] =	vst v63  }
0xc4: {  	_ =	swait.ge [sflag:s2], $0x2800  }
0xc5: {  	[sflag:s2] =	ssyncset.done $0x0  }
0xc6: {  	s17 =	simm.s32 $0x70;
	[sflag:s2] =	ssyncadd.s32 $0xFFFFD800  }
0xc7: {  	v4 =	vld [tilespmem:s17+$0xFFFFFF90]  }
0xc8: {  	v6 =	vld [tilespmem:s17+$0xFFFFFFA0]  }
0xc9: {  	v5 =	vld [tilespmem:s17+$0xFFFFFFB0]  }
0xca: {  	v3 =	vld [tilespmem:s17+$0xFFFFFFC0]  }
0xcb: {  	v2 =	vld [tilespmem:s17+$0xFFFFFFD0]  }
0xcc: {  	s18 =	simm.s32 $0x3C0;
	v7 =	vadd.s32 v0, v4;
	v4 =	vld [tilespmem:s17+$0xFFFFFFE0]  }
.LBB2_2:
0xcd: {  	p2 =	sne.s32 s18, $0x9FC0;
	[tilespmem:s17+$0xFFFFFF90] =	vst v7;
	v6 =	vadd.s32 v0, v6;
	v7 =	vld [tilespmem:s17+$0x0]  }
0xce: {  	s19 =	sshra.s32 s18, $0x2;
	[tilespmem:s17+$0xFFFFFFA0] =	vst v6;
	v5 =	vadd.s32 v0, v5;
	v8 =	vld [tilespmem:s17+$0xFFFFFFF0]  }
0xcf: {  	v9 =	vld [tilespmem:s19+$0xFFFFFF90];
	[tilespmem:s17+$0xFFFFFFB0] =	vst v5;
	v3 =	vadd.s32 v0, v3  }
.Ltmp2:
0xd0: {  	v6 =	vld [tilespmem:s19+$0xFFFFFFA0];
	[tilespmem:s17+$0xFFFFFFC0] =	vst v3;
	v2 =	vadd.s32 v0, v2;
	(pc) =	sbr.rel @p2 .LBB2_2-.Ltmp2, $4  }
0xd1: {  	v5 =	vld [tilespmem:s19+$0xFFFFFFB0];
	[tilespmem:s17+$0xFFFFFFD0] =	vst v2;
	v2 =	vadd.s32 v0, v4  }
0xd2: {  	v3 =	vld [tilespmem:s19+$0xFFFFFFC0];
	[tilespmem:s17+$0xFFFFFFE0] =	vst v2;
	v4 =	vadd.s32 v0, v7  }
0xd3: {  	v2 =	vld [tilespmem:s19+$0xFFFFFFD0];
	v8 =	vadd.s32 v0, v8;
	[tilespmem:s17+$0x0] =	vst v4  }
0xd4: {  	s18 =	sadd.s32 $0x200, s18;
	v7 =	vadd.s32 v0, v9;
	v4 =	vld [tilespmem:s19+$0xFFFFFFE0];
	[tilespmem:s17+$0xFFFFFFF0] =	vst v8;
	s17 =	smov.u32 s19  }
0xd5: {  	[tilespmem:s17+$0xFFFFFF90] =	vst v7;
	v6 =	vadd.s32 v0, v6;
	v62 =	vld [tilespmem:s17+$0x0]  }
0xd6: {  	v63 =	vld [tilespmem:s17+$0xFFFFFFF0];
	[tilespmem:s17+$0xFFFFFFA0] =	vst v6;
	v5 =	vadd.s32 v0, v5  }
0xd7: {  	[tilespmem:s17+$0xFFFFFFB0] =	vst v5;
	v3 =	vadd.s32 v0, v3  }
0xd8: {  	[tilespmem:s17+$0xFFFFFFC0] =	vst v3;
	v2 =	vadd.s32 v0, v2  }
0xd9: {  	[tilespmem:s17+$0xFFFFFFD0] =	vst v2;
	v2 =	vadd.s32 v0, v4  }
0xda: {  	s18 =	stileid.u32;
	[tilespmem:s17+$0xFFFFFFE0] =	vst v2;
	v2 =	vadd.s32 v0, v62  }
0xdb: {  	s26 =	rddreg [dreg:$0x10];
	s18 =	sshll.u32 s18, $0x6;
	v3 =	vadd.s32 v0, v63;
	[tilespmem:s17+$0x0] =	vst v2  }
0xdc: {  	s19 =	rddreg [dreg:$0x15];
	[tilespmem:s17+$0xFFFFFFF0] =	vst v3;
	s17 =	sor.u32 $0x1C05, s18  }
0xdd: {  	[spmem:s19], [sflag:s17] =	dma.local [hbm:s26], $0x1400  }
0xde: {  	_ =	swait.ge [sflag:s2], $0x1400  }
0xdf: {  	[sflag:s2] =	ssyncset.done $0x0  }
0xe0: {  	s28 =	sshrl.u32 s20, $0x3;
	s29 =	rddreg [dreg:$0x11];
	[sflag:s2] =	ssyncadd.s32 $0xFFFFEC00  }
0xe1: {  	[spmem:s28], [sflag:s17] =	dma.local [hbm:s29], $0x500  }
0xe2: {  	_ =	swait.ge [sflag:s2], $0x500  }
0xe3: {  	[sflag:s2] =	ssyncset.done $0x0  }
0xe4: {  	s18 =	simm.s32 $0x40;
	s19 =	simm.s32 $0x0;
	[sflag:s2] =	ssyncadd.s32 $0xFFFFFB00  }
.LBB2_4:
0xe5: {  	p2 =	sne.s32 s18, $0x1FC0;
	[tilespmem:s19+$0xB000] =	vst v1;
	s19 =	smov.u32 s18;
	s18 =	sadd.s32 $0x40, s18  }
.Ltmp3:
0xe6: {  	(pc) =	sbr.rel @p2 .LBB2_4-.Ltmp3, $2  }
0xe7: {  	_ =	sdelay $0x2  }
0xe8: {  	s19 =	sshra.s32 s19, $0x2  }
.Ltmp4:
0xe9: {  	(pc) =	sbr.rel .LBB2_6-.Ltmp4, $4  }
0xea: {  	_ = 	snop  }
0xeb: {  	[tilespmem:s19+$0xB000] =	vst v1  }
0xec: {  	[bflag:$0x0] =	sbarrier.arrive $0xFFFF  }
0xed: {  	s18 =	simm.s32 $0x0  }
.LBB2_18:
0xee: {  	[spmem:s12] =	stream.indirect.scatter.add.f32 [tilespmem:s9], [sflag:$0x4], $0x10, s23, s3, $0xb8;
	[tilespmem:$0x18000] =	vst v63  }
0xef: {  	_ = 	snop  }
0xf0: {  	[spmem:s10] =	stream.indirect.scatter.add.f32 [tilespmem:s8], [sflag:$0x3], $0x40, s22, s3, $0xb8;
	[tilespmem:$0x18000] =	vst v63  }
0xf1: {  	_ = 	snop  }
0xf2: {  	[spmem:s12] =	stream.indirect.scatter.add.f32 [tilespmem:s9], [sflag:$0x4], $0x10, s22, s3, $0xb8;
	[tilespmem:$0x18000] =	vst v63  }
0xf3: {  	_ = 	snop  }
0xf4: {  	[spmem:s10] =	stream.indirect.scatter.add.f32 [tilespmem:s8], [sflag:$0x3], $0x40, s21, s3, $0xb8;
	[tilespmem:$0x18000] =	vst v63  }
0xf5: {  	_ = 	snop  }
0xf6: {  	[spmem:s12] =	stream.indirect.scatter.add.f32 [tilespmem:s9], [sflag:$0x4], $0x10, s21, s3, $0xb8;
	[tilespmem:$0x18000] =	vst v63  }
0xf7: {  	s23 =	sadd.s32 $0x2F80, s19  }
0xf8: {  	[spmem:s10] =	stream.indirect.scatter.add.f32 [tilespmem:s8], [sflag:$0x3], $0x40, s23, s3, $0xb8;
	[tilespmem:$0x18000] =	vst v63  }
0xf9: {  	_ = 	snop  }
0xfa: {  	[spmem:s12] =	stream.indirect.scatter.add.f32 [tilespmem:s9], [sflag:$0x4], $0x10, s23, s3, $0xb8;
	[tilespmem:$0x18000] =	vst v63  }
0xfb: {  	s24 =	sadd.s32 $0x3200, s19  }
0xfc: {  	[spmem:s10] =	stream.indirect.scatter.add.f32 [tilespmem:s8], [sflag:$0x3], $0x40, s24, s3, $0xb8;
	[tilespmem:$0x18000] =	vst v63  }
0xfd: {  	_ = 	snop  }
0xfe: {  	[spmem:s12] =	stream.indirect.scatter.add.f32 [tilespmem:s9], [sflag:$0x4], $0x10, s24, s3, $0xb8;
	[tilespmem:$0x18000] =	vst v63  }
0xff: {  	s25 =	sadd.s32 $0x3480, s19  }
0x100: {  	[spmem:s10] =	stream.indirect.scatter.add.f32 [tilespmem:s8], [sflag:$0x3], $0x40, s25, s3, $0xb8;
	[tilespmem:$0x18000] =	vst v63  }
0x101: {  	_ = 	snop  }
0x102: {  	[spmem:s12] =	stream.indirect.scatter.add.f32 [tilespmem:s9], [sflag:$0x4], $0x10, s25, s3, $0xb8;
	[tilespmem:$0x18000] =	vst v63  }
0x103: {  	s26 =	sadd.s32 $0x3700, s19  }
0x104: {  	[spmem:s10] =	stream.indirect.scatter.add.f32 [tilespmem:s8], [sflag:$0x3], $0x40, s26, s3, $0xb8;
	[tilespmem:$0x18000] =	vst v63  }
0x105: {  	_ = 	snop  }
0x106: {  	[spmem:s12] =	stream.indirect.scatter.add.f32 [tilespmem:s9], [sflag:$0x4], $0x10, s26, s3, $0xb8;
	[tilespmem:$0x18000] =	vst v63  }
0x107: {  	s28 =	sadd.s32 $0x3980, s19  }
0x108: {  	[spmem:s10] =	stream.indirect.scatter.add.f32 [tilespmem:s8], [sflag:$0x3], $0x40, s28, s3, $0xb8;
	[tilespmem:$0x18000] =	vst v63  }
0x109: {  	_ = 	snop  }
0x10a: {  	[spmem:s12] =	stream.indirect.scatter.add.f32 [tilespmem:s9], [sflag:$0x4], $0x10, s28, s3, $0xb8;
	[tilespmem:$0x18000] =	vst v63  }
0x10b: {  	s29 =	sadd.s32 $0x3C00, s19  }
0x10c: {  	[spmem:s10] =	stream.indirect.scatter.add.f32 [tilespmem:s8], [sflag:$0x3], $0x40, s29, s3, $0xb8;
	[tilespmem:$0x18000] =	vst v63  }
0x10d: {  	_ = 	snop  }
0x10e: {  	[spmem:s12] =	stream.indirect.scatter.add.f32 [tilespmem:s9], [sflag:$0x4], $0x10, s29, s3, $0xb8;
	[tilespmem:$0x18000] =	vst v63  }
0x10f: {  	s22 =	sadd.s32 $0x3E80, s19  }
0x110: {  	[spmem:s10] =	stream.indirect.scatter.add.f32 [tilespmem:s8], [sflag:$0x3], $0x40, s22, s3, $0xb8;
	[tilespmem:$0x18000] =	vst v63  }
0x111: {  	_ = 	snop  }
0x112: {  	[spmem:s12] =	stream.indirect.scatter.add.f32 [tilespmem:s9], [sflag:$0x4], $0x10, s22, s3, $0xb8;
	[tilespmem:$0x18000] =	vst v63  }
0x113: {  	s23 =	sadd.s32 $0x4100, s19  }
0x114: {  	[spmem:s10] =	stream.indirect.scatter.add.f32 [tilespmem:s8], [sflag:$0x3], $0x40, s23, s3, $0xb8;
	[tilespmem:$0x18000] =	vst v63  }
0x115: {  	_ = 	snop  }
0x116: {  	[spmem:s12] =	stream.indirect.scatter.add.f32 [tilespmem:s9], [sflag:$0x4], $0x10, s23, s3, $0xb8;
	[tilespmem:$0x18000] =	vst v63  }
0x117: {  	s24 =	sadd.s32 $0x4380, s19  }
0x118: {  	[spmem:s10] =	stream.indirect.scatter.add.f32 [tilespmem:s8], [sflag:$0x3], $0x40, s24, s3, $0xb8;
	[tilespmem:$0x18000] =	vst v63  }
0x119: {  	_ = 	snop  }
0x11a: {  	[spmem:s12] =	stream.indirect.scatter.add.f32 [tilespmem:s9], [sflag:$0x4], $0x10, s24, s3, $0xb8;
	[tilespmem:$0x18000] =	vst v63  }
0x11b: {  	s25 =	sadd.s32 $0x4600, s19  }
0x11c: {  	[spmem:s10] =	stream.indirect.scatter.add.f32 [tilespmem:s8], [sflag:$0x3], $0x40, s25, s3, $0xb8;
	[tilespmem:$0x18000] =	vst v63  }
0x11d: {  	_ = 	snop  }
0x11e: {  	[spmem:s12] =	stream.indirect.scatter.add.f32 [tilespmem:s9], [sflag:$0x4], $0x10, s25, s3, $0xb8;
	[tilespmem:$0x18000] =	vst v63  }
0x11f: {  	s26 =	sadd.s32 $0x4880, s19  }
0x120: {  	[spmem:s10] =	stream.indirect.scatter.add.f32 [tilespmem:s8], [sflag:$0x3], $0x40, s26, s3, $0xb8;
	[tilespmem:$0x18000] =	vst v63  }
0x121: {  	_ = 	snop  }
0x122: {  	[spmem:s12] =	stream.indirect.scatter.add.f32 [tilespmem:s9], [sflag:$0x4], $0x10, s26, s3, $0xb8;
	[tilespmem:$0x18000] =	vst v63  }
0x123: {  	s28 =	sadd.s32 $0x4B00, s19  }
0x124: {  	[spmem:s10] =	stream.indirect.scatter.add.f32 [tilespmem:s8], [sflag:$0x3], $0x40, s28, s3, $0xb8;
	[tilespmem:$0x18000] =	vst v63  }
0x125: {  	_ = 	snop  }
0x126: {  	[spmem:s12] =	stream.indirect.scatter.add.f32 [tilespmem:s9], [sflag:$0x4], $0x10, s28, s3, $0xb8;
	[tilespmem:$0x18000] =	vst v63  }
0x127: {  	s29 =	sadd.s32 $0x4D80, s19  }
0x128: {  	[spmem:s10] =	stream.indirect.scatter.add.f32 [tilespmem:s8], [sflag:$0x3], $0x40, s29, s3, $0xb8;
	[tilespmem:$0x18000] =	vst v63  }
0x129: {  	_ = 	snop  }
0x12a: {  	[spmem:s12] =	stream.indirect.scatter.add.f32 [tilespmem:s9], [sflag:$0x4], $0x10, s29, s3, $0xb8;
	[tilespmem:$0x18000] =	vst v63  }
.LBB2_19:
0x12b: {  	s18 =	sadd.s32 $0x1, s18  }
0x12c: {  	p2 =	sne.s32 s18, $0x5  }
.Ltmp5:
0x12d: {  	_ = 	snop;
	(pc) =	sbr.rel @!p2 .LBB2_20-.Ltmp5, $1  }
0x12e: {  	_ =	sdelay $0x3  }
.LBB2_6:
0x12f: {  	p2 =	seq.s32 s18, $0x0  }
.Ltmp6:
0x130: {  	_ = 	snop;
	(pc) =	sbr.rel @p2 .LBB2_10-.Ltmp6, $4  }
0x131: {  	_ = 	snop  }
0x132: {  	s19 =	sshll.u32 s18, $0xB  }
0x133: {  	s19 =	sand.u32 $0x3FFFF800, s19  }
0x134: {  	[tilespmem:s4], [sflag:$0x1] =	stream.indirect.gather [hbm4b:s16+s3], $0x40, s19, s3, $0xb8;
	[tilespmem:$0x18000] =	vst v63  }
.Ltmp7:
0x135: {  	(pc) =	sbr.rel @!p0 .LBB2_8-.Ltmp7, $4  }
0x136: {  	_ = 	snop  }
0x137: {  	_ =	swait.ge [sflag:s13], $0x2000  }
0x138: {  	[sflag:s13] =	ssyncset.done $0x0  }
0x139: {  	[sflag:s13] =	ssyncadd.s32 $0xFFFFE000  }
0x13a: {  	_ =	swait.ge [sflag:s14], $0x800  }
0x13b: {  	[sflag:s14] =	ssyncset.done $0x0  }
0x13c: {  	[sflag:s14] =	ssyncadd.s32 $0xFFFFF800  }
0x13d: {  	_ =	swait.ge [sflag:s13], $0x2000  }
0x13e: {  	[sflag:s13] =	ssyncset.done $0x0  }
0x13f: {  	[sflag:s13] =	ssyncadd.s32 $0xFFFFE000  }
0x140: {  	_ =	swait.ge [sflag:s14], $0x800  }
0x141: {  	[sflag:s14] =	ssyncset.done $0x0  }
0x142: {  	[sflag:s14] =	ssyncadd.s32 $0xFFFFF800  }
0x143: {  	_ =	swait.ge [sflag:s13], $0x2000  }
0x144: {  	[sflag:s13] =	ssyncset.done $0x0  }
0x145: {  	[sflag:s13] =	ssyncadd.s32 $0xFFFFE000  }
0x146: {  	_ =	swait.ge [sflag:s14], $0x800  }
0x147: {  	[sflag:s14] =	ssyncset.done $0x0  }
0x148: {  	[sflag:s14] =	ssyncadd.s32 $0xFFFFF800  }
0x149: {  	_ =	swait.ge [sflag:s13], $0x2000  }
0x14a: {  	[sflag:s13] =	ssyncset.done $0x0  }
0x14b: {  	[sflag:s13] =	ssyncadd.s32 $0xFFFFE000  }
0x14c: {  	_ =	swait.ge [sflag:s14], $0x800  }
0x14d: {  	[sflag:s14] =	ssyncset.done $0x0  }
0x14e: {  	[sflag:s14] =	ssyncadd.s32 $0xFFFFF800  }
0x14f: {  	_ =	swait.ge [sflag:s13], $0x2000  }
0x150: {  	[sflag:s13] =	ssyncset.done $0x0  }
0x151: {  	[sflag:s13] =	ssyncadd.s32 $0xFFFFE000  }
0x152: {  	_ =	swait.ge [sflag:s14], $0x800  }
0x153: {  	[sflag:s14] =	ssyncset.done $0x0  }
0x154: {  	[sflag:s14] =	ssyncadd.s32 $0xFFFFF800  }
0x155: {  	_ =	swait.ge [sflag:s13], $0x2000  }
0x156: {  	[sflag:s13] =	ssyncset.done $0x0  }
0x157: {  	[sflag:s13] =	ssyncadd.s32 $0xFFFFE000  }
0x158: {  	_ =	swait.ge [sflag:s14], $0x800  }
0x159: {  	[sflag:s14] =	ssyncset.done $0x0  }
0x15a: {  	[sflag:s14] =	ssyncadd.s32 $0xFFFFF800  }
0x15b: {  	_ =	swait.ge [sflag:s13], $0x2000  }
0x15c: {  	[sflag:s13] =	ssyncset.done $0x0  }
0x15d: {  	[sflag:s13] =	ssyncadd.s32 $0xFFFFE000  }
0x15e: {  	_ =	swait.ge [sflag:s14], $0x800  }
0x15f: {  	[sflag:s14] =	ssyncset.done $0x0  }
0x160: {  	[sflag:s14] =	ssyncadd.s32 $0xFFFFF800  }
0x161: {  	_ =	swait.ge [sflag:s13], $0x2000  }
0x162: {  	[sflag:s13] =	ssyncset.done $0x0  }
0x163: {  	[sflag:s13] =	ssyncadd.s32 $0xFFFFE000  }
0x164: {  	_ =	swait.ge [sflag:s14], $0x800  }
0x165: {  	[sflag:s14] =	ssyncset.done $0x0  }
0x166: {  	[sflag:s14] =	ssyncadd.s32 $0xFFFFF800  }
0x167: {  	_ =	swait.ge [sflag:s13], $0x2000  }
0x168: {  	[sflag:s13] =	ssyncset.done $0x0  }
0x169: {  	[sflag:s13] =	ssyncadd.s32 $0xFFFFE000  }
0x16a: {  	_ =	swait.ge [sflag:s14], $0x800  }
0x16b: {  	[sflag:s14] =	ssyncset.done $0x0  }
0x16c: {  	[sflag:s14] =	ssyncadd.s32 $0xFFFFF800  }
0x16d: {  	_ =	swait.ge [sflag:s13], $0x2000  }
0x16e: {  	[sflag:s13] =	ssyncset.done $0x0  }
0x16f: {  	[sflag:s13] =	ssyncadd.s32 $0xFFFFE000  }
0x170: {  	_ =	swait.ge [sflag:s14], $0x800  }
0x171: {  	[sflag:s14] =	ssyncset.done $0x0  }
0x172: {  	[sflag:s14] =	ssyncadd.s32 $0xFFFFF800  }
0x173: {  	_ =	swait.ge [sflag:s13], $0x2000  }
0x174: {  	[sflag:s13] =	ssyncset.done $0x0  }
0x175: {  	[sflag:s13] =	ssyncadd.s32 $0xFFFFE000  }
0x176: {  	_ =	swait.ge [sflag:s14], $0x800  }
0x177: {  	[sflag:s14] =	ssyncset.done $0x0  }
0x178: {  	[sflag:s14] =	ssyncadd.s32 $0xFFFFF800  }
0x179: {  	_ =	swait.ge [sflag:s13], $0x2000  }
0x17a: {  	[sflag:s13] =	ssyncset.done $0x0  }
0x17b: {  	[sflag:s13] =	ssyncadd.s32 $0xFFFFE000  }
0x17c: {  	_ =	swait.ge [sflag:s14], $0x800  }
0x17d: {  	[sflag:s14] =	ssyncset.done $0x0  }
0x17e: {  	[sflag:s14] =	ssyncadd.s32 $0xFFFFF800  }
0x17f: {  	_ =	swait.ge [sflag:s13], $0x2000  }
0x180: {  	[sflag:s13] =	ssyncset.done $0x0  }
0x181: {  	[sflag:s13] =	ssyncadd.s32 $0xFFFFE000  }
0x182: {  	_ =	swait.ge [sflag:s14], $0x800  }
0x183: {  	[sflag:s14] =	ssyncset.done $0x0  }
0x184: {  	[sflag:s14] =	ssyncadd.s32 $0xFFFFF800  }
0x185: {  	_ =	swait.ge [sflag:s13], $0x2000  }
0x186: {  	[sflag:s13] =	ssyncset.done $0x0  }
0x187: {  	[sflag:s13] =	ssyncadd.s32 $0xFFFFE000  }
0x188: {  	_ =	swait.ge [sflag:s14], $0x800  }
0x189: {  	[sflag:s14] =	ssyncset.done $0x0  }
0x18a: {  	[sflag:s14] =	ssyncadd.s32 $0xFFFFF800  }
0x18b: {  	_ =	swait.ge [sflag:s13], $0x2000  }
0x18c: {  	[sflag:s13] =	ssyncset.done $0x0  }
0x18d: {  	[sflag:s13] =	ssyncadd.s32 $0xFFFFE000  }
0x18e: {  	_ =	swait.ge [sflag:s14], $0x800  }
0x18f: {  	[sflag:s14] =	ssyncset.done $0x0  }
0x190: {  	[sflag:s14] =	ssyncadd.s32 $0xFFFFF800  }
0x191: {  	_ =	swait.ge [sflag:s13], $0x2000  }
.Ltmp8:
0x192: {  	[sflag:s13] =	ssyncset.done $0x0;
	(pc) =	sbr.rel .LBB2_10-.Ltmp8, $4  }
0x193: {  	[sflag:s13] =	ssyncadd.s32 $0xFFFFE000  }
0x194: {  	_ =	swait.ge [sflag:s14], $0x800  }
0x195: {  	[sflag:s14] =	ssyncset.done $0x0  }
0x196: {  	[sflag:s14] =	ssyncadd.s32 $0xFFFFF800  }
.LBB2_8:
0x197: {  	_ =	swait.ge [sflag:s13], $0x2000  }
0x198: {  	[sflag:s13] =	ssyncset.done $0x0  }
0x199: {  	[sflag:s13] =	ssyncadd.s32 $0xFFFFE000  }
0x19a: {  	_ =	swait.ge [sflag:s13], $0x2000  }
0x19b: {  	[sflag:s13] =	ssyncset.done $0x0  }
0x19c: {  	[sflag:s13] =	ssyncadd.s32 $0xFFFFE000  }
0x19d: {  	_ =	swait.ge [sflag:s13], $0x2000  }
0x19e: {  	[sflag:s13] =	ssyncset.done $0x0  }
0x19f: {  	[sflag:s13] =	ssyncadd.s32 $0xFFFFE000  }
0x1a0: {  	_ =	swait.ge [sflag:s13], $0x2000  }
0x1a1: {  	[sflag:s13] =	ssyncset.done $0x0  }
0x1a2: {  	[sflag:s13] =	ssyncadd.s32 $0xFFFFE000  }
0x1a3: {  	_ =	swait.ge [sflag:s13], $0x2000  }
0x1a4: {  	[sflag:s13] =	ssyncset.done $0x0  }
0x1a5: {  	[sflag:s13] =	ssyncadd.s32 $0xFFFFE000  }
0x1a6: {  	_ =	swait.ge [sflag:s13], $0x2000  }
0x1a7: {  	[sflag:s13] =	ssyncset.done $0x0  }
0x1a8: {  	[sflag:s13] =	ssyncadd.s32 $0xFFFFE000  }
0x1a9: {  	_ =	swait.ge [sflag:s13], $0x2000  }
0x1aa: {  	[sflag:s13] =	ssyncset.done $0x0  }
0x1ab: {  	[sflag:s13] =	ssyncadd.s32 $0xFFFFE000  }
0x1ac: {  	_ =	swait.ge [sflag:s13], $0x2000  }
0x1ad: {  	[sflag:s13] =	ssyncset.done $0x0  }
0x1ae: {  	[sflag:s13] =	ssyncadd.s32 $0xFFFFE000  }
0x1af: {  	_ =	swait.ge [sflag:s13], $0x2000  }
0x1b0: {  	[sflag:s13] =	ssyncset.done $0x0  }
0x1b1: {  	[sflag:s13] =	ssyncadd.s32 $0xFFFFE000  }
0x1b2: {  	_ =	swait.ge [sflag:s13], $0x2000  }
0x1b3: {  	[sflag:s13] =	ssyncset.done $0x0  }
0x1b4: {  	[sflag:s13] =	ssyncadd.s32 $0xFFFFE000  }
0x1b5: {  	_ =	swait.ge [sflag:s13], $0x2000  }
0x1b6: {  	[sflag:s13] =	ssyncset.done $0x0  }
0x1b7: {  	[sflag:s13] =	ssyncadd.s32 $0xFFFFE000  }
0x1b8: {  	_ =	swait.ge [sflag:s13], $0x2000  }
0x1b9: {  	[sflag:s13] =	ssyncset.done $0x0  }
0x1ba: {  	[sflag:s13] =	ssyncadd.s32 $0xFFFFE000  }
0x1bb: {  	_ =	swait.ge [sflag:s13], $0x2000  }
0x1bc: {  	[sflag:s13] =	ssyncset.done $0x0  }
0x1bd: {  	[sflag:s13] =	ssyncadd.s32 $0xFFFFE000  }
0x1be: {  	_ =	swait.ge [sflag:s13], $0x2000  }
0x1bf: {  	[sflag:s13] =	ssyncset.done $0x0  }
0x1c0: {  	[sflag:s13] =	ssyncadd.s32 $0xFFFFE000  }
0x1c1: {  	_ =	swait.ge [sflag:s13], $0x2000  }
0x1c2: {  	[sflag:s13] =	ssyncset.done $0x0  }
0x1c3: {  	[sflag:s13] =	ssyncadd.s32 $0xFFFFE000  }
.LBB2_10:
0x1c4: {  	s21 =	simm.s32 $0x0;
	s22 =	simm.s32 $0x9030;
	s23 =	simm.s32 $0x9230  }
.LBB2_11:
0x1c5: {  	s24 =	sshll.u32 s21, $0x8  }
0x1c6: {  	s24 =	sand.u32 $0x3FFFFF00, s24  }
0x1c7: {  	s24 =	sadd.s32 s24, s19  }
0x1c8: {  	s25 =	sadd.s32 $0x80, s24  }
0x1c9: {  	[tilespmem:s5], [sflag:$0x2] =	stream.indirect.gather [hbm4b:s16+s3], $0x40, s25, s3, $0xb8;
	[tilespmem:$0x18000] =	vst v63  }
0x1ca: {  	_ =	swait.ge [sflag:s6], $0x2000  }
0x1cb: {  	[sflag:s6] =	ssyncset.done $0x0  }
0x1cc: {  	s25 =	simm.s32 $0x5200;
	[sflag:s6] =	ssyncadd.s32 $0xFFFFE000  }
0x1cd: {  	v2 =	vld [tilespmem:s25+$0xFFFFFE40]  }
0x1ce: {  	v3 =	vld [tilespmem:s25+$0xFFFFFE00];
	_ =	sdelay $0x1  }
0x1cf: {  	v4 =	vld [tilespmem:s25+$0xFFFFFE80];
	_ =	sdelay $0x1  }
0x1d0: {  	v5 =	vld [tilespmem:s25+$0xFFFFFEC0]  }
0x1d1: {  	v2 =	vadd.f32 v2, v3  }
0x1d2: {  	v3 =	vld [tilespmem:s25+$0xFFFFFF00]  }
0x1d3: {  	v2 =	vadd.f32 v4, v2  }
0x1d4: {  	v4 =	vld [tilespmem:s25+$0xFFFFFF40]  }
0x1d5: {  	v2 =	vadd.f32 v5, v2  }
0x1d6: {  	v5 =	vld [tilespmem:s25+$0xFFFFFF80]  }
0x1d7: {  	v2 =	vadd.f32 v3, v2  }
0x1d8: {  	v3 =	vld [tilespmem:s25+$0xFFFFFFC0]  }
0x1d9: {  	v2 =	vadd.f32 v4, v2  }
0x1da: {  	v4 =	vld [tilespmem:s25+$0x0]  }
0x1db: {  	v2 =	vadd.f32 v5, v2  }
0x1dc: {  	v5 =	vld [tilespmem:s25+$0x40]  }
0x1dd: {  	v2 =	vadd.f32 v3, v2  }
0x1de: {  	v3 =	vld [tilespmem:s25+$0x80]  }
0x1df: {  	v2 =	vadd.f32 v4, v2  }
0x1e0: {  	v4 =	vld [tilespmem:s25+$0xC0]  }
0x1e1: {  	v2 =	vadd.f32 v5, v2  }
0x1e2: {  	v5 =	vld [tilespmem:s25+$0x100]  }
0x1e3: {  	v2 =	vadd.f32 v3, v2  }
0x1e4: {  	v3 =	vld [tilespmem:s25+$0x140]  }
0x1e5: {  	v2 =	vadd.f32 v4, v2  }
0x1e6: {  	v4 =	vld [tilespmem:s25+$0x180]  }
0x1e7: {  	v2 =	vadd.f32 v5, v2  }
0x1e8: {  	v5 =	vld [tilespmem:s25+$0x1C0]  }
0x1e9: {  	v2 =	vadd.f32 v3, v2;
	_ =	sdelay $0x1  }
0x1ea: {  	v3 =	vadd.f32 v4, v2  }
0x1eb: {  	v2 =	vmov s22  }
0x1ec: {  	v3 =	vadd.f32 v5, v3;
	_ =	sdelay $0x1  }
0x1ed: {  	v3 =	vmul.f32 $6.250000000e-02, v3  }
0x1ee: {  	s26 =	simm.s32 $0x0  }
0x1ef: {  	[tilespmem:v2+s26+$0xFFFFFFD0 ss:$0x1] =	vst.idx.msk $0xffff, v3  }
0x1f0: {  	v3 =	vld [tilespmem:s25+$0xFFFFFE10]  }
0x1f1: {  	v4 =	vld [tilespmem:s25+$0xFFFFFE50];
	_ =	sdelay $0x1  }
0x1f2: {  	v5 =	vld [tilespmem:s25+$0xFFFFFE90];
	_ =	sdelay $0x1  }
0x1f3: {  	v6 =	vld [tilespmem:s25+$0xFFFFFED0]  }
0x1f4: {  	v3 =	vadd.f32 v4, v3  }
0x1f5: {  	v4 =	vld [tilespmem:s25+$0xFFFFFF10]  }
0x1f6: {  	v3 =	vadd.f32 v5, v3  }
0x1f7: {  	v5 =	vld [tilespmem:s25+$0xFFFFFF50]  }
0x1f8: {  	v3 =	vadd.f32 v6, v3  }
0x1f9: {  	v6 =	vld [tilespmem:s25+$0xFFFFFF90]  }
0x1fa: {  	v3 =	vadd.f32 v4, v3  }
0x1fb: {  	v4 =	vld [tilespmem:s25+$0xFFFFFFD0]  }
0x1fc: {  	v3 =	vadd.f32 v5, v3  }
0x1fd: {  	v5 =	vld [tilespmem:s25+$0x10]  }
0x1fe: {  	v3 =	vadd.f32 v6, v3  }
0x1ff: {  	v6 =	vld [tilespmem:s25+$0x50]  }
0x200: {  	v3 =	vadd.f32 v4, v3  }
0x201: {  	v4 =	vld [tilespmem:s25+$0x90]  }
0x202: {  	v3 =	vadd.f32 v5, v3  }
0x203: {  	v5 =	vld [tilespmem:s25+$0xD0]  }
0x204: {  	v3 =	vadd.f32 v6, v3  }
0x205: {  	v6 =	vld [tilespmem:s25+$0x110]  }
0x206: {  	v3 =	vadd.f32 v4, v3  }
0x207: {  	v4 =	vld [tilespmem:s25+$0x150]  }
0x208: {  	v3 =	vadd.f32 v5, v3  }
0x209: {  	v5 =	vld [tilespmem:s25+$0x190]  }
0x20a: {  	v3 =	vadd.f32 v6, v3  }
0x20b: {  	v6 =	vld [tilespmem:s25+$0x1D0]  }
0x20c: {  	v3 =	vadd.f32 v4, v3;
	_ =	sdelay $0x1  }
0x20d: {  	v3 =	vadd.f32 v5, v3;
	_ =	sdelay $0x1  }
0x20e: {  	v3 =	vadd.f32 v6, v3;
	_ =	sdelay $0x1  }
0x20f: {  	v3 =	vmul.f32 $6.250000000e-02, v3;
	_ =	sdelay $0x1  }
0x210: {  	[tilespmem:v2+s26+$0xFFFFFFE0 ss:$0x1] =	vst.idx.msk $0xffff, v3  }
0x211: {  	v3 =	vld [tilespmem:s25+$0xFFFFFE20]  }
0x212: {  	v4 =	vld [tilespmem:s25+$0xFFFFFE60];
	_ =	sdelay $0x1  }
0x213: {  	v5 =	vld [tilespmem:s25+$0xFFFFFEA0];
	_ =	sdelay $0x1  }
0x214: {  	v6 =	vld [tilespmem:s25+$0xFFFFFEE0]  }
0x215: {  	v3 =	vadd.f32 v4, v3  }
0x216: {  	v4 =	vld [tilespmem:s25+$0xFFFFFF20]  }
0x217: {  	v3 =	vadd.f32 v5, v3  }
0x218: {  	v5 =	vld [tilespmem:s25+$0xFFFFFF60]  }
0x219: {  	v3 =	vadd.f32 v6, v3  }
0x21a: {  	v6 =	vld [tilespmem:s25+$0xFFFFFFA0]  }
0x21b: {  	v3 =	vadd.f32 v4, v3  }
0x21c: {  	v4 =	vld [tilespmem:s25+$0xFFFFFFE0]  }
0x21d: {  	v3 =	vadd.f32 v5, v3  }
0x21e: {  	v5 =	vld [tilespmem:s25+$0x20]  }
0x21f: {  	v3 =	vadd.f32 v6, v3  }
0x220: {  	v6 =	vld [tilespmem:s25+$0x60]  }
0x221: {  	v3 =	vadd.f32 v4, v3  }
0x222: {  	v4 =	vld [tilespmem:s25+$0xA0]  }
0x223: {  	v3 =	vadd.f32 v5, v3  }
0x224: {  	v5 =	vld [tilespmem:s25+$0xE0]  }
0x225: {  	v3 =	vadd.f32 v6, v3  }
0x226: {  	v6 =	vld [tilespmem:s25+$0x120]  }
0x227: {  	v3 =	vadd.f32 v4, v3  }
0x228: {  	v4 =	vld [tilespmem:s25+$0x160]  }
0x229: {  	v3 =	vadd.f32 v5, v3  }
0x22a: {  	v5 =	vld [tilespmem:s25+$0x1A0]  }
0x22b: {  	v3 =	vadd.f32 v6, v3  }
0x22c: {  	v6 =	vld [tilespmem:s25+$0x1E0]  }
0x22d: {  	v3 =	vadd.f32 v4, v3;
	_ =	sdelay $0x1  }
0x22e: {  	v3 =	vadd.f32 v5, v3;
	_ =	sdelay $0x1  }
0x22f: {  	v3 =	vadd.f32 v6, v3;
	_ =	sdelay $0x1  }
0x230: {  	v3 =	vmul.f32 $6.250000000e-02, v3;
	_ =	sdelay $0x1  }
0x231: {  	[tilespmem:v2+s26+$0xFFFFFFF0 ss:$0x1] =	vst.idx.msk $0xffff, v3  }
0x232: {  	v3 =	vld [tilespmem:s25+$0xFFFFFE30]  }
0x233: {  	v4 =	vld [tilespmem:s25+$0xFFFFFE70];
	_ =	sdelay $0x1  }
0x234: {  	v5 =	vld [tilespmem:s25+$0xFFFFFEB0];
	_ =	sdelay $0x1  }
0x235: {  	v6 =	vld [tilespmem:s25+$0xFFFFFEF0]  }
0x236: {  	v3 =	vadd.f32 v4, v3  }
0x237: {  	v4 =	vld [tilespmem:s25+$0xFFFFFF30]  }
0x238: {  	v3 =	vadd.f32 v5, v3  }
0x239: {  	v5 =	vld [tilespmem:s25+$0xFFFFFF70]  }
0x23a: {  	v3 =	vadd.f32 v6, v3  }
0x23b: {  	v6 =	vld [tilespmem:s25+$0xFFFFFFB0]  }
0x23c: {  	v3 =	vadd.f32 v4, v3  }
0x23d: {  	v4 =	vld [tilespmem:s25+$0xFFFFFFF0]  }
0x23e: {  	v3 =	vadd.f32 v5, v3  }
0x23f: {  	v5 =	vld [tilespmem:s25+$0x30]  }
0x240: {  	v3 =	vadd.f32 v6, v3  }
0x241: {  	v6 =	vld [tilespmem:s25+$0x70]  }
0x242: {  	v3 =	vadd.f32 v4, v3  }
0x243: {  	v4 =	vld [tilespmem:s25+$0xB0]  }
0x244: {  	v3 =	vadd.f32 v5, v3  }
0x245: {  	v5 =	vld [tilespmem:s25+$0xF0]  }
0x246: {  	v3 =	vadd.f32 v6, v3  }
0x247: {  	v6 =	vld [tilespmem:s25+$0x130]  }
0x248: {  	v3 =	vadd.f32 v4, v3  }
0x249: {  	v4 =	vld [tilespmem:s25+$0x170]  }
0x24a: {  	v3 =	vadd.f32 v5, v3;
	_ =	sdelay $0x1  }
0x24b: {  	v5 =	vld [tilespmem:s25+$0x1B0];
	v3 =	vadd.f32 v6, v3;
	_ =	sdelay $0x1  }
0x24c: {  	v4 =	vadd.f32 v4, v3;
	v3 =	vld [tilespmem:s25+$0x1F0];
	_ =	sdelay $0x2  }
0x24d: {  	s28 =	simm.s32 $0x100;
	v4 =	vadd.f32 v5, v4  }
.LBB2_12:
0x24e: {  	p2 =	sne.s32 s28, $0x700  }
0x24f: {  	s25 =	sadd.s32 $0x400, s25;
	s29 =	smov.u32 s28;
	s28 =	sadd.s32 $0x100, s28;
	v3 =	vadd.f32 v3, v4  }
0x250: {  	_ = 	snop  }
0x251: {  	v3 =	vmul.f32 $6.250000000e-02, v3;
	_ =	sdelay $0x1  }
0x252: {  	[tilespmem:v2+s26+$0x0 ss:$0x1] =	vst.idx.msk $0xffff, v3  }
0x253: {  	v3 =	vld [tilespmem:s25+$0xFFFFFE40]  }
0x254: {  	v4 =	vld [tilespmem:s25+$0xFFFFFE00];
	_ =	sdelay $0x1  }
0x255: {  	v5 =	vld [tilespmem:s25+$0xFFFFFE80];
	_ =	sdelay $0x1  }
0x256: {  	v6 =	vld [tilespmem:s25+$0xFFFFFEC0]  }
0x257: {  	v3 =	vadd.f32 v3, v4  }
0x258: {  	v4 =	vld [tilespmem:s25+$0xFFFFFF00]  }
0x259: {  	v3 =	vadd.f32 v5, v3  }
0x25a: {  	v5 =	vld [tilespmem:s25+$0xFFFFFF40]  }
0x25b: {  	v3 =	vadd.f32 v6, v3  }
0x25c: {  	v6 =	vld [tilespmem:s25+$0xFFFFFF80]  }
0x25d: {  	v3 =	vadd.f32 v4, v3  }
0x25e: {  	v4 =	vld [tilespmem:s25+$0xFFFFFFC0]  }
0x25f: {  	v3 =	vadd.f32 v5, v3  }
0x260: {  	v5 =	vld [tilespmem:s25+$0x0]  }
0x261: {  	v3 =	vadd.f32 v6, v3  }
0x262: {  	v6 =	vld [tilespmem:s25+$0x40]  }
0x263: {  	v3 =	vadd.f32 v4, v3  }
0x264: {  	v4 =	vld [tilespmem:s25+$0x80]  }
0x265: {  	v3 =	vadd.f32 v5, v3  }
0x266: {  	v5 =	vld [tilespmem:s25+$0xC0]  }
0x267: {  	v3 =	vadd.f32 v6, v3  }
0x268: {  	v6 =	vld [tilespmem:s25+$0x100]  }
0x269: {  	v3 =	vadd.f32 v4, v3  }
0x26a: {  	v4 =	vld [tilespmem:s25+$0x140]  }
0x26b: {  	v3 =	vadd.f32 v5, v3  }
0x26c: {  	v5 =	vld [tilespmem:s25+$0x180]  }
0x26d: {  	v3 =	vadd.f32 v6, v3  }
0x26e: {  	v6 =	vld [tilespmem:s25+$0x1C0]  }
0x26f: {  	v3 =	vadd.f32 v4, v3;
	_ =	sdelay $0x1  }
0x270: {  	v3 =	vadd.f32 v5, v3;
	_ =	sdelay $0x1  }
0x271: {  	v3 =	vadd.f32 v6, v3;
	_ =	sdelay $0x1  }
0x272: {  	v3 =	vmul.f32 $6.250000000e-02, v3  }
0x273: {  	s26 =	sshra.s32 s29, $0x2  }
0x274: {  	[tilespmem:v2+s26+$0xFFFFFFD0 ss:$0x1] =	vst.idx.msk $0xffff, v3  }
0x275: {  	v3 =	vld [tilespmem:s25+$0xFFFFFE10]  }
0x276: {  	v4 =	vld [tilespmem:s25+$0xFFFFFE50];
	_ =	sdelay $0x1  }
0x277: {  	v5 =	vld [tilespmem:s25+$0xFFFFFE90];
	_ =	sdelay $0x1  }
0x278: {  	v6 =	vld [tilespmem:s25+$0xFFFFFED0]  }
0x279: {  	v3 =	vadd.f32 v4, v3  }
0x27a: {  	v4 =	vld [tilespmem:s25+$0xFFFFFF10]  }
0x27b: {  	v3 =	vadd.f32 v5, v3  }
0x27c: {  	v5 =	vld [tilespmem:s25+$0xFFFFFF50]  }
0x27d: {  	v3 =	vadd.f32 v6, v3  }
0x27e: {  	v6 =	vld [tilespmem:s25+$0xFFFFFF90]  }
0x27f: {  	v3 =	vadd.f32 v4, v3  }
0x280: {  	v4 =	vld [tilespmem:s25+$0xFFFFFFD0]  }
0x281: {  	v3 =	vadd.f32 v5, v3  }
0x282: {  	v5 =	vld [tilespmem:s25+$0x10]  }
0x283: {  	v3 =	vadd.f32 v6, v3  }
0x284: {  	v6 =	vld [tilespmem:s25+$0x50]  }
0x285: {  	v3 =	vadd.f32 v4, v3  }
0x286: {  	v4 =	vld [tilespmem:s25+$0x90]  }
0x287: {  	v3 =	vadd.f32 v5, v3  }
0x288: {  	v5 =	vld [tilespmem:s25+$0xD0]  }
0x289: {  	v3 =	vadd.f32 v6, v3  }
0x28a: {  	v6 =	vld [tilespmem:s25+$0x110]  }
0x28b: {  	v3 =	vadd.f32 v4, v3  }
0x28c: {  	v4 =	vld [tilespmem:s25+$0x150]  }
0x28d: {  	v3 =	vadd.f32 v5, v3  }
0x28e: {  	v5 =	vld [tilespmem:s25+$0x190]  }
0x28f: {  	v3 =	vadd.f32 v6, v3  }
0x290: {  	v6 =	vld [tilespmem:s25+$0x1D0]  }
0x291: {  	v3 =	vadd.f32 v4, v3;
	_ =	sdelay $0x1  }
0x292: {  	v3 =	vadd.f32 v5, v3;
	_ =	sdelay $0x1  }
0x293: {  	v3 =	vadd.f32 v6, v3;
	_ =	sdelay $0x1  }
0x294: {  	v3 =	vmul.f32 $6.250000000e-02, v3;
	_ =	sdelay $0x1  }
0x295: {  	[tilespmem:v2+s26+$0xFFFFFFE0 ss:$0x1] =	vst.idx.msk $0xffff, v3  }
0x296: {  	v3 =	vld [tilespmem:s25+$0xFFFFFE20]  }
0x297: {  	v4 =	vld [tilespmem:s25+$0xFFFFFE60];
	_ =	sdelay $0x1  }
0x298: {  	v5 =	vld [tilespmem:s25+$0xFFFFFEA0];
	_ =	sdelay $0x1  }
0x299: {  	v6 =	vld [tilespmem:s25+$0xFFFFFEE0]  }
0x29a: {  	v3 =	vadd.f32 v4, v3  }
0x29b: {  	v4 =	vld [tilespmem:s25+$0xFFFFFF20]  }
0x29c: {  	v3 =	vadd.f32 v5, v3  }
0x29d: {  	v5 =	vld [tilespmem:s25+$0xFFFFFF60]  }
0x29e: {  	v3 =	vadd.f32 v6, v3  }
0x29f: {  	v6 =	vld [tilespmem:s25+$0xFFFFFFA0]  }
0x2a0: {  	v3 =	vadd.f32 v4, v3  }
0x2a1: {  	v4 =	vld [tilespmem:s25+$0xFFFFFFE0]  }
0x2a2: {  	v3 =	vadd.f32 v5, v3  }
0x2a3: {  	v5 =	vld [tilespmem:s25+$0x20]  }
0x2a4: {  	v3 =	vadd.f32 v6, v3  }
0x2a5: {  	v6 =	vld [tilespmem:s25+$0x60]  }
0x2a6: {  	v3 =	vadd.f32 v4, v3  }
0x2a7: {  	v4 =	vld [tilespmem:s25+$0xA0]  }
0x2a8: {  	v3 =	vadd.f32 v5, v3  }
0x2a9: {  	v5 =	vld [tilespmem:s25+$0xE0]  }
0x2aa: {  	v3 =	vadd.f32 v6, v3  }
0x2ab: {  	v6 =	vld [tilespmem:s25+$0x120]  }
0x2ac: {  	v3 =	vadd.f32 v4, v3  }
0x2ad: {  	v4 =	vld [tilespmem:s25+$0x160]  }
0x2ae: {  	v3 =	vadd.f32 v5, v3  }
0x2af: {  	v5 =	vld [tilespmem:s25+$0x1A0]  }
0x2b0: {  	v3 =	vadd.f32 v6, v3  }
0x2b1: {  	v6 =	vld [tilespmem:s25+$0x1E0]  }
0x2b2: {  	v3 =	vadd.f32 v4, v3;
	_ =	sdelay $0x1  }
0x2b3: {  	v3 =	vadd.f32 v5, v3;
	_ =	sdelay $0x1  }
0x2b4: {  	v3 =	vadd.f32 v6, v3;
	_ =	sdelay $0x1  }
0x2b5: {  	v3 =	vmul.f32 $6.250000000e-02, v3;
	_ =	sdelay $0x1  }
0x2b6: {  	[tilespmem:v2+s26+$0xFFFFFFF0 ss:$0x1] =	vst.idx.msk $0xffff, v3  }
0x2b7: {  	v3 =	vld [tilespmem:s25+$0xFFFFFE30]  }
0x2b8: {  	v4 =	vld [tilespmem:s25+$0xFFFFFE70]  }
0x2b9: {  	v5 =	vld [tilespmem:s25+$0xFFFFFEB0]  }
0x2ba: {  	v6 =	vld [tilespmem:s25+$0xFFFFFEF0]  }
0x2bb: {  	v7 =	vld [tilespmem:s25+$0xFFFFFF30]  }
0x2bc: {  	v8 =	vld [tilespmem:s25+$0xFFFFFF70]  }
0x2bd: {  	v3 =	vadd.f32 v4, v3;
	v4 =	vld [tilespmem:s25+$0xFFFFFFB0]  }
0x2be: {  	v9 =	vld [tilespmem:s25+$0xFFFFFFF0]  }
0x2bf: {  	v3 =	vadd.f32 v5, v3;
	v5 =	vld [tilespmem:s25+$0x30]  }
0x2c0: {  	v10 =	vld [tilespmem:s25+$0x70]  }
0x2c1: {  	v3 =	vadd.f32 v6, v3;
	v6 =	vld [tilespmem:s25+$0xB0]  }
0x2c2: {  	v11 =	vld [tilespmem:s25+$0xF0]  }
0x2c3: {  	v3 =	vadd.f32 v7, v3;
	v7 =	vld [tilespmem:s25+$0x130]  }
0x2c4: {  	v12 =	vld [tilespmem:s25+$0x170]  }
0x2c5: {  	v8 =	vadd.f32 v8, v3;
	v13 =	vld [tilespmem:s25+$0x1B0]  }
0x2c6: {  	v3 =	vld [tilespmem:s25+$0x1F0]  }
0x2c7: {  	v4 =	vadd.f32 v4, v8;
	_ =	sdelay $0x1  }
0x2c8: {  	v4 =	vadd.f32 v9, v4;
	_ =	sdelay $0x1  }
0x2c9: {  	v4 =	vadd.f32 v5, v4;
	_ =	sdelay $0x1  }
0x2ca: {  	v4 =	vadd.f32 v10, v4;
	_ =	sdelay $0x1  }
0x2cb: {  	v4 =	vadd.f32 v6, v4;
	_ =	sdelay $0x1  }
0x2cc: {  	v4 =	vadd.f32 v11, v4;
	_ =	sdelay $0x1  }
.Ltmp9:
0x2cd: {  	v4 =	vadd.f32 v7, v4;
	(pc) =	sbr.rel @p2 .LBB2_12-.Ltmp9, $3  }
0x2ce: {  	_ = 	snop  }
0x2cf: {  	v4 =	vadd.f32 v12, v4;
	_ =	sdelay $0x1  }
0x2d0: {  	v4 =	vadd.f32 v13, v4  }
0x2d1: {  	_ = 	snop  }
0x2d2: {  	v3 =	vadd.f32 v3, v4;
	_ =	sdelay $0x1  }
0x2d3: {  	v3 =	vmul.f32 $6.250000000e-02, v3  }
0x2d4: {  	p2 =	seq.s32 s21, $0x7  }
0x2d5: {  	s24 =	sadd.s32 @!p2 $0x100, s24;
	s25 =	simm.s32 @!p2 $0x80;
	[tilespmem:v2+s26+$0x0 ss:$0x1] =	vst.idx.msk $0xffff, v3;
	s26 =	simm.s32 @!p2 $0x5000  }
0x2d6: {  	[tilespmem:s26], [sflag:$0x1] =	stream.indirect.gather @!p2 [hbm4b:s16+s25], $0x40, s24, s25, $0xb8;
	[tilespmem:$0x18000] =	vst v63  }
0x2d7: {  	_ =	swait.ge [sflag:s7], $0x2000  }
0x2d8: {  	[sflag:s7] =	ssyncset.done $0x0  }
0x2d9: {  	s24 =	simm.s32 $0x7200;
	[sflag:s7] =	ssyncadd.s32 $0xFFFFE000  }
0x2da: {  	v2 =	vld [tilespmem:s24+$0xFFFFFE40]  }
0x2db: {  	v3 =	vld [tilespmem:s24+$0xFFFFFE00];
	_ =	sdelay $0x1  }
0x2dc: {  	v4 =	vld [tilespmem:s24+$0xFFFFFE80];
	_ =	sdelay $0x1  }
0x2dd: {  	v5 =	vld [tilespmem:s24+$0xFFFFFEC0]  }
0x2de: {  	v2 =	vadd.f32 v2, v3  }
0x2df: {  	v3 =	vld [tilespmem:s24+$0xFFFFFF00]  }
0x2e0: {  	v2 =	vadd.f32 v4, v2  }
0x2e1: {  	v4 =	vld [tilespmem:s24+$0xFFFFFF40]  }
0x2e2: {  	v2 =	vadd.f32 v5, v2  }
0x2e3: {  	v5 =	vld [tilespmem:s24+$0xFFFFFF80]  }
0x2e4: {  	v2 =	vadd.f32 v3, v2  }
0x2e5: {  	v3 =	vld [tilespmem:s24+$0xFFFFFFC0]  }
0x2e6: {  	v2 =	vadd.f32 v4, v2  }
0x2e7: {  	v4 =	vld [tilespmem:s24+$0x0]  }
0x2e8: {  	v2 =	vadd.f32 v5, v2  }
0x2e9: {  	v5 =	vld [tilespmem:s24+$0x40]  }
0x2ea: {  	v2 =	vadd.f32 v3, v2  }
0x2eb: {  	v3 =	vld [tilespmem:s24+$0x80]  }
0x2ec: {  	v2 =	vadd.f32 v4, v2  }
0x2ed: {  	v4 =	vld [tilespmem:s24+$0xC0]  }
0x2ee: {  	v2 =	vadd.f32 v5, v2  }
0x2ef: {  	v5 =	vld [tilespmem:s24+$0x100]  }
0x2f0: {  	v2 =	vadd.f32 v3, v2  }
0x2f1: {  	v3 =	vld [tilespmem:s24+$0x140]  }
0x2f2: {  	v2 =	vadd.f32 v4, v2  }
0x2f3: {  	v4 =	vld [tilespmem:s24+$0x180]  }
0x2f4: {  	v2 =	vadd.f32 v5, v2  }
0x2f5: {  	v5 =	vld [tilespmem:s24+$0x1C0]  }
0x2f6: {  	v2 =	vadd.f32 v3, v2;
	_ =	sdelay $0x1  }
0x2f7: {  	v3 =	vadd.f32 v4, v2  }
0x2f8: {  	v2 =	vmov s23  }
0x2f9: {  	v3 =	vadd.f32 v5, v3;
	_ =	sdelay $0x1  }
0x2fa: {  	v3 =	vmul.f32 $6.250000000e-02, v3  }
0x2fb: {  	s25 =	simm.s32 $0x0  }
0x2fc: {  	[tilespmem:v2+s25+$0xFFFFFFD0 ss:$0x1] =	vst.idx.msk $0xffff, v3  }
0x2fd: {  	v3 =	vld [tilespmem:s24+$0xFFFFFE10]  }
0x2fe: {  	v4 =	vld [tilespmem:s24+$0xFFFFFE50];
	_ =	sdelay $0x1  }
0x2ff: {  	v5 =	vld [tilespmem:s24+$0xFFFFFE90];
	_ =	sdelay $0x1  }
0x300: {  	v6 =	vld [tilespmem:s24+$0xFFFFFED0]  }
0x301: {  	v3 =	vadd.f32 v4, v3  }
0x302: {  	v4 =	vld [tilespmem:s24+$0xFFFFFF10]  }
0x303: {  	v3 =	vadd.f32 v5, v3  }
0x304: {  	v5 =	vld [tilespmem:s24+$0xFFFFFF50]  }
0x305: {  	v3 =	vadd.f32 v6, v3  }
0x306: {  	v6 =	vld [tilespmem:s24+$0xFFFFFF90]  }
0x307: {  	v3 =	vadd.f32 v4, v3  }
0x308: {  	v4 =	vld [tilespmem:s24+$0xFFFFFFD0]  }
0x309: {  	v3 =	vadd.f32 v5, v3  }
0x30a: {  	v5 =	vld [tilespmem:s24+$0x10]  }
0x30b: {  	v3 =	vadd.f32 v6, v3  }
0x30c: {  	v6 =	vld [tilespmem:s24+$0x50]  }
0x30d: {  	v3 =	vadd.f32 v4, v3  }
0x30e: {  	v4 =	vld [tilespmem:s24+$0x90]  }
0x30f: {  	v3 =	vadd.f32 v5, v3  }
0x310: {  	v5 =	vld [tilespmem:s24+$0xD0]  }
0x311: {  	v3 =	vadd.f32 v6, v3  }
0x312: {  	v6 =	vld [tilespmem:s24+$0x110]  }
0x313: {  	v3 =	vadd.f32 v4, v3  }
0x314: {  	v4 =	vld [tilespmem:s24+$0x150]  }
0x315: {  	v3 =	vadd.f32 v5, v3  }
0x316: {  	v5 =	vld [tilespmem:s24+$0x190]  }
0x317: {  	v3 =	vadd.f32 v6, v3  }
0x318: {  	v6 =	vld [tilespmem:s24+$0x1D0]  }
0x319: {  	v3 =	vadd.f32 v4, v3;
	_ =	sdelay $0x1  }
0x31a: {  	v3 =	vadd.f32 v5, v3;
	_ =	sdelay $0x1  }
0x31b: {  	v3 =	vadd.f32 v6, v3;
	_ =	sdelay $0x1  }
0x31c: {  	v3 =	vmul.f32 $6.250000000e-02, v3;
	_ =	sdelay $0x1  }
0x31d: {  	[tilespmem:v2+s25+$0xFFFFFFE0 ss:$0x1] =	vst.idx.msk $0xffff, v3  }
0x31e: {  	v3 =	vld [tilespmem:s24+$0xFFFFFE20]  }
0x31f: {  	v4 =	vld [tilespmem:s24+$0xFFFFFE60];
	_ =	sdelay $0x1  }
0x320: {  	v5 =	vld [tilespmem:s24+$0xFFFFFEA0];
	_ =	sdelay $0x1  }
0x321: {  	v6 =	vld [tilespmem:s24+$0xFFFFFEE0]  }
0x322: {  	v3 =	vadd.f32 v4, v3  }
0x323: {  	v4 =	vld [tilespmem:s24+$0xFFFFFF20]  }
0x324: {  	v3 =	vadd.f32 v5, v3  }
0x325: {  	v5 =	vld [tilespmem:s24+$0xFFFFFF60]  }
0x326: {  	v3 =	vadd.f32 v6, v3  }
0x327: {  	v6 =	vld [tilespmem:s24+$0xFFFFFFA0]  }
0x328: {  	v3 =	vadd.f32 v4, v3  }
0x329: {  	v4 =	vld [tilespmem:s24+$0xFFFFFFE0]  }
0x32a: {  	v3 =	vadd.f32 v5, v3  }
0x32b: {  	v5 =	vld [tilespmem:s24+$0x20]  }
0x32c: {  	v3 =	vadd.f32 v6, v3  }
0x32d: {  	v6 =	vld [tilespmem:s24+$0x60]  }
0x32e: {  	v3 =	vadd.f32 v4, v3  }
0x32f: {  	v4 =	vld [tilespmem:s24+$0xA0]  }
0x330: {  	v3 =	vadd.f32 v5, v3  }
0x331: {  	v5 =	vld [tilespmem:s24+$0xE0]  }
0x332: {  	v3 =	vadd.f32 v6, v3  }
0x333: {  	v6 =	vld [tilespmem:s24+$0x120]  }
0x334: {  	v3 =	vadd.f32 v4, v3  }
0x335: {  	v4 =	vld [tilespmem:s24+$0x160]  }
0x336: {  	v3 =	vadd.f32 v5, v3  }
0x337: {  	v5 =	vld [tilespmem:s24+$0x1A0]  }
0x338: {  	v3 =	vadd.f32 v6, v3  }
0x339: {  	v6 =	vld [tilespmem:s24+$0x1E0]  }
0x33a: {  	v3 =	vadd.f32 v4, v3;
	_ =	sdelay $0x1  }
0x33b: {  	v3 =	vadd.f32 v5, v3;
	_ =	sdelay $0x1  }
0x33c: {  	v3 =	vadd.f32 v6, v3;
	_ =	sdelay $0x1  }
0x33d: {  	v3 =	vmul.f32 $6.250000000e-02, v3;
	_ =	sdelay $0x1  }
0x33e: {  	[tilespmem:v2+s25+$0xFFFFFFF0 ss:$0x1] =	vst.idx.msk $0xffff, v3  }
0x33f: {  	v3 =	vld [tilespmem:s24+$0xFFFFFE30]  }
0x340: {  	v4 =	vld [tilespmem:s24+$0xFFFFFE70];
	_ =	sdelay $0x1  }
0x341: {  	v5 =	vld [tilespmem:s24+$0xFFFFFEB0];
	_ =	sdelay $0x1  }
0x342: {  	v6 =	vld [tilespmem:s24+$0xFFFFFEF0]  }
0x343: {  	v3 =	vadd.f32 v4, v3  }
0x344: {  	v4 =	vld [tilespmem:s24+$0xFFFFFF30]  }
0x345: {  	v3 =	vadd.f32 v5, v3  }
0x346: {  	v5 =	vld [tilespmem:s24+$0xFFFFFF70]  }
0x347: {  	v3 =	vadd.f32 v6, v3  }
0x348: {  	v6 =	vld [tilespmem:s24+$0xFFFFFFB0]  }
0x349: {  	v3 =	vadd.f32 v4, v3  }
0x34a: {  	v4 =	vld [tilespmem:s24+$0xFFFFFFF0]  }
0x34b: {  	v3 =	vadd.f32 v5, v3  }
0x34c: {  	v5 =	vld [tilespmem:s24+$0x30]  }
0x34d: {  	v3 =	vadd.f32 v6, v3  }
0x34e: {  	v6 =	vld [tilespmem:s24+$0x70]  }
0x34f: {  	v3 =	vadd.f32 v4, v3  }
0x350: {  	v4 =	vld [tilespmem:s24+$0xB0]  }
0x351: {  	v3 =	vadd.f32 v5, v3  }
0x352: {  	v5 =	vld [tilespmem:s24+$0xF0]  }
0x353: {  	v3 =	vadd.f32 v6, v3  }
0x354: {  	v6 =	vld [tilespmem:s24+$0x130]  }
0x355: {  	v3 =	vadd.f32 v4, v3  }
0x356: {  	v4 =	vld [tilespmem:s24+$0x170]  }
0x357: {  	v3 =	vadd.f32 v5, v3;
	_ =	sdelay $0x1  }
0x358: {  	v5 =	vld [tilespmem:s24+$0x1B0];
	v3 =	vadd.f32 v6, v3;
	_ =	sdelay $0x1  }
0x359: {  	v4 =	vadd.f32 v4, v3;
	v3 =	vld [tilespmem:s24+$0x1F0];
	_ =	sdelay $0x2  }
0x35a: {  	s26 =	simm.s32 $0x100;
	v4 =	vadd.f32 v5, v4  }
.LBB2_14:
0x35b: {  	p2 =	sne.s32 s26, $0x700  }
0x35c: {  	s24 =	sadd.s32 $0x400, s24;
	s28 =	smov.u32 s26;
	s26 =	sadd.s32 $0x100, s26;
	v3 =	vadd.f32 v3, v4  }
0x35d: {  	_ = 	snop  }
0x35e: {  	v3 =	vmul.f32 $6.250000000e-02, v3;
	_ =	sdelay $0x1  }
0x35f: {  	[tilespmem:v2+s25+$0x0 ss:$0x1] =	vst.idx.msk $0xffff, v3  }
0x360: {  	v3 =	vld [tilespmem:s24+$0xFFFFFE40]  }
0x361: {  	v4 =	vld [tilespmem:s24+$0xFFFFFE00];
	_ =	sdelay $0x1  }
0x362: {  	v5 =	vld [tilespmem:s24+$0xFFFFFE80];
	_ =	sdelay $0x1  }
0x363: {  	v6 =	vld [tilespmem:s24+$0xFFFFFEC0]  }
0x364: {  	v3 =	vadd.f32 v3, v4  }
0x365: {  	v4 =	vld [tilespmem:s24+$0xFFFFFF00]  }
0x366: {  	v3 =	vadd.f32 v5, v3  }
0x367: {  	v5 =	vld [tilespmem:s24+$0xFFFFFF40]  }
0x368: {  	v3 =	vadd.f32 v6, v3  }
0x369: {  	v6 =	vld [tilespmem:s24+$0xFFFFFF80]  }
0x36a: {  	v3 =	vadd.f32 v4, v3  }
0x36b: {  	v4 =	vld [tilespmem:s24+$0xFFFFFFC0]  }
0x36c: {  	v3 =	vadd.f32 v5, v3  }
0x36d: {  	v5 =	vld [tilespmem:s24+$0x0]  }
0x36e: {  	v3 =	vadd.f32 v6, v3  }
0x36f: {  	v6 =	vld [tilespmem:s24+$0x40]  }
0x370: {  	v3 =	vadd.f32 v4, v3  }
0x371: {  	v4 =	vld [tilespmem:s24+$0x80]  }
0x372: {  	v3 =	vadd.f32 v5, v3  }
0x373: {  	v5 =	vld [tilespmem:s24+$0xC0]  }
0x374: {  	v3 =	vadd.f32 v6, v3  }
0x375: {  	v6 =	vld [tilespmem:s24+$0x100]  }
0x376: {  	v3 =	vadd.f32 v4, v3  }
0x377: {  	v4 =	vld [tilespmem:s24+$0x140]  }
0x378: {  	v3 =	vadd.f32 v5, v3  }
0x379: {  	v5 =	vld [tilespmem:s24+$0x180]  }
0x37a: {  	v3 =	vadd.f32 v6, v3  }
0x37b: {  	v6 =	vld [tilespmem:s24+$0x1C0]  }
0x37c: {  	v3 =	vadd.f32 v4, v3;
	_ =	sdelay $0x1  }
0x37d: {  	v3 =	vadd.f32 v5, v3;
	_ =	sdelay $0x1  }
0x37e: {  	v3 =	vadd.f32 v6, v3;
	_ =	sdelay $0x1  }
0x37f: {  	v3 =	vmul.f32 $6.250000000e-02, v3  }
0x380: {  	s25 =	sshra.s32 s28, $0x2  }
0x381: {  	[tilespmem:v2+s25+$0xFFFFFFD0 ss:$0x1] =	vst.idx.msk $0xffff, v3  }
0x382: {  	v3 =	vld [tilespmem:s24+$0xFFFFFE10]  }
0x383: {  	v4 =	vld [tilespmem:s24+$0xFFFFFE50];
	_ =	sdelay $0x1  }
0x384: {  	v5 =	vld [tilespmem:s24+$0xFFFFFE90];
	_ =	sdelay $0x1  }
0x385: {  	v6 =	vld [tilespmem:s24+$0xFFFFFED0]  }
0x386: {  	v3 =	vadd.f32 v4, v3  }
0x387: {  	v4 =	vld [tilespmem:s24+$0xFFFFFF10]  }
0x388: {  	v3 =	vadd.f32 v5, v3  }
0x389: {  	v5 =	vld [tilespmem:s24+$0xFFFFFF50]  }
0x38a: {  	v3 =	vadd.f32 v6, v3  }
0x38b: {  	v6 =	vld [tilespmem:s24+$0xFFFFFF90]  }
0x38c: {  	v3 =	vadd.f32 v4, v3  }
0x38d: {  	v4 =	vld [tilespmem:s24+$0xFFFFFFD0]  }
0x38e: {  	v3 =	vadd.f32 v5, v3  }
0x38f: {  	v5 =	vld [tilespmem:s24+$0x10]  }
0x390: {  	v3 =	vadd.f32 v6, v3  }
0x391: {  	v6 =	vld [tilespmem:s24+$0x50]  }
0x392: {  	v3 =	vadd.f32 v4, v3  }
0x393: {  	v4 =	vld [tilespmem:s24+$0x90]  }
0x394: {  	v3 =	vadd.f32 v5, v3  }
0x395: {  	v5 =	vld [tilespmem:s24+$0xD0]  }
0x396: {  	v3 =	vadd.f32 v6, v3  }
0x397: {  	v6 =	vld [tilespmem:s24+$0x110]  }
0x398: {  	v3 =	vadd.f32 v4, v3  }
0x399: {  	v4 =	vld [tilespmem:s24+$0x150]  }
0x39a: {  	v3 =	vadd.f32 v5, v3  }
0x39b: {  	v5 =	vld [tilespmem:s24+$0x190]  }
0x39c: {  	v3 =	vadd.f32 v6, v3  }
0x39d: {  	v6 =	vld [tilespmem:s24+$0x1D0]  }
0x39e: {  	v3 =	vadd.f32 v4, v3;
	_ =	sdelay $0x1  }
0x39f: {  	v3 =	vadd.f32 v5, v3;
	_ =	sdelay $0x1  }
0x3a0: {  	v3 =	vadd.f32 v6, v3;
	_ =	sdelay $0x1  }
0x3a1: {  	v3 =	vmul.f32 $6.250000000e-02, v3;
	_ =	sdelay $0x1  }
0x3a2: {  	[tilespmem:v2+s25+$0xFFFFFFE0 ss:$0x1] =	vst.idx.msk $0xffff, v3  }
0x3a3: {  	v3 =	vld [tilespmem:s24+$0xFFFFFE20]  }
0x3a4: {  	v4 =	vld [tilespmem:s24+$0xFFFFFE60];
	_ =	sdelay $0x1  }
0x3a5: {  	v5 =	vld [tilespmem:s24+$0xFFFFFEA0];
	_ =	sdelay $0x1  }
0x3a6: {  	v6 =	vld [tilespmem:s24+$0xFFFFFEE0]  }
0x3a7: {  	v3 =	vadd.f32 v4, v3  }
0x3a8: {  	v4 =	vld [tilespmem:s24+$0xFFFFFF20]  }
0x3a9: {  	v3 =	vadd.f32 v5, v3  }
0x3aa: {  	v5 =	vld [tilespmem:s24+$0xFFFFFF60]  }
0x3ab: {  	v3 =	vadd.f32 v6, v3  }
0x3ac: {  	v6 =	vld [tilespmem:s24+$0xFFFFFFA0]  }
0x3ad: {  	v3 =	vadd.f32 v4, v3  }
0x3ae: {  	v4 =	vld [tilespmem:s24+$0xFFFFFFE0]  }
0x3af: {  	v3 =	vadd.f32 v5, v3  }
0x3b0: {  	v5 =	vld [tilespmem:s24+$0x20]  }
0x3b1: {  	v3 =	vadd.f32 v6, v3  }
0x3b2: {  	v6 =	vld [tilespmem:s24+$0x60]  }
0x3b3: {  	v3 =	vadd.f32 v4, v3  }
0x3b4: {  	v4 =	vld [tilespmem:s24+$0xA0]  }
0x3b5: {  	v3 =	vadd.f32 v5, v3  }
0x3b6: {  	v5 =	vld [tilespmem:s24+$0xE0]  }
0x3b7: {  	v3 =	vadd.f32 v6, v3  }
0x3b8: {  	v6 =	vld [tilespmem:s24+$0x120]  }
0x3b9: {  	v3 =	vadd.f32 v4, v3  }
0x3ba: {  	v4 =	vld [tilespmem:s24+$0x160]  }
0x3bb: {  	v3 =	vadd.f32 v5, v3  }
0x3bc: {  	v5 =	vld [tilespmem:s24+$0x1A0]  }
0x3bd: {  	v3 =	vadd.f32 v6, v3  }
0x3be: {  	v6 =	vld [tilespmem:s24+$0x1E0]  }
0x3bf: {  	v3 =	vadd.f32 v4, v3;
	_ =	sdelay $0x1  }
0x3c0: {  	v3 =	vadd.f32 v5, v3;
	_ =	sdelay $0x1  }
0x3c1: {  	v3 =	vadd.f32 v6, v3;
	_ =	sdelay $0x1  }
0x3c2: {  	v3 =	vmul.f32 $6.250000000e-02, v3;
	_ =	sdelay $0x1  }
0x3c3: {  	[tilespmem:v2+s25+$0xFFFFFFF0 ss:$0x1] =	vst.idx.msk $0xffff, v3  }
0x3c4: {  	v3 =	vld [tilespmem:s24+$0xFFFFFE30]  }
0x3c5: {  	v4 =	vld [tilespmem:s24+$0xFFFFFE70]  }
0x3c6: {  	v5 =	vld [tilespmem:s24+$0xFFFFFEB0]  }
0x3c7: {  	v6 =	vld [tilespmem:s24+$0xFFFFFEF0]  }
0x3c8: {  	v7 =	vld [tilespmem:s24+$0xFFFFFF30]  }
0x3c9: {  	v8 =	vld [tilespmem:s24+$0xFFFFFF70]  }
0x3ca: {  	v3 =	vadd.f32 v4, v3;
	v4 =	vld [tilespmem:s24+$0xFFFFFFB0]  }
0x3cb: {  	v9 =	vld [tilespmem:s24+$0xFFFFFFF0]  }
0x3cc: {  	v3 =	vadd.f32 v5, v3;
	v5 =	vld [tilespmem:s24+$0x30]  }
0x3cd: {  	v10 =	vld [tilespmem:s24+$0x70]  }
0x3ce: {  	v3 =	vadd.f32 v6, v3;
	v6 =	vld [tilespmem:s24+$0xB0]  }
0x3cf: {  	v11 =	vld [tilespmem:s24+$0xF0]  }
0x3d0: {  	v3 =	vadd.f32 v7, v3;
	v7 =	vld [tilespmem:s24+$0x130]  }
0x3d1: {  	v12 =	vld [tilespmem:s24+$0x170]  }
0x3d2: {  	v8 =	vadd.f32 v8, v3;
	v13 =	vld [tilespmem:s24+$0x1B0]  }
0x3d3: {  	v3 =	vld [tilespmem:s24+$0x1F0]  }
0x3d4: {  	v4 =	vadd.f32 v4, v8;
	_ =	sdelay $0x1  }
0x3d5: {  	v4 =	vadd.f32 v9, v4;
	_ =	sdelay $0x1  }
0x3d6: {  	v4 =	vadd.f32 v5, v4;
	_ =	sdelay $0x1  }
0x3d7: {  	v4 =	vadd.f32 v10, v4;
	_ =	sdelay $0x1  }
0x3d8: {  	v4 =	vadd.f32 v6, v4;
	_ =	sdelay $0x1  }
0x3d9: {  	v4 =	vadd.f32 v11, v4;
	_ =	sdelay $0x1  }
.Ltmp10:
0x3da: {  	v4 =	vadd.f32 v7, v4;
	(pc) =	sbr.rel @p2 .LBB2_14-.Ltmp10, $3  }
0x3db: {  	_ = 	snop  }
0x3dc: {  	v4 =	vadd.f32 v12, v4;
	_ =	sdelay $0x1  }
0x3dd: {  	v4 =	vadd.f32 v13, v4  }
0x3de: {  	s21 =	sadd.s32 $0x1, s21  }
0x3df: {  	p2 =	sne.s32 s21, $0x8  }
.Ltmp11:
0x3e0: {  	v3 =	vadd.f32 v3, v4;
	(pc) =	sbr.rel @p2 .LBB2_11-.Ltmp11, $3  }
0x3e1: {  	_ = 	snop  }
0x3e2: {  	v3 =	vmul.f32 $6.250000000e-02, v3;
	_ =	sdelay $0x1  }
0x3e3: {  	s22 =	sadd.s32 $0x400, s22;
	s23 =	sadd.s32 $0x400, s23;
	[tilespmem:v2+s25+$0x0 ss:$0x1] =	vst.idx.msk $0xffff, v3  }
.Ltmp12:
0x3e4: {  	(pc) =	sbr.rel @p0 .LBB2_18-.Ltmp12, $4  }
0x3e5: {  	s19 =	sshll.u32 s18, $0x9  }
0x3e6: {  	s19 =	sshra.s32 s19, $0x2  }
0x3e7: {  	s23 =	sadd.s32 $0x2800, s19;
	s22 =	sadd.s32 $0x2A80, s19;
	s21 =	sadd.s32 $0x2D00, s19  }
0x3e8: {  	[spmem:s10] =	stream.indirect.scatter.add.f32 [tilespmem:s8], [sflag:$0x3], $0x40, s23, s3, $0xb8;
	[tilespmem:$0x18000] =	vst v63  }
0x3e9: {  	[spmem:s10] =	stream.indirect.scatter.add.f32 [tilespmem:s8], [sflag:$0x3], $0x40, s22, s3, $0xb8;
	[tilespmem:$0x18000] =	vst v63  }
0x3ea: {  	_ = 	snop  }
0x3eb: {  	[spmem:s10] =	stream.indirect.scatter.add.f32 [tilespmem:s8], [sflag:$0x3], $0x40, s21, s3, $0xb8;
	[tilespmem:$0x18000] =	vst v63  }
0x3ec: {  	s23 =	sadd.s32 $0x2F80, s19  }
0x3ed: {  	[spmem:s10] =	stream.indirect.scatter.add.f32 [tilespmem:s8], [sflag:$0x3], $0x40, s23, s3, $0xb8;
	[tilespmem:$0x18000] =	vst v63  }
0x3ee: {  	s24 =	sadd.s32 $0x3200, s19  }
0x3ef: {  	[spmem:s10] =	stream.indirect.scatter.add.f32 [tilespmem:s8], [sflag:$0x3], $0x40, s24, s3, $0xb8;
	[tilespmem:$0x18000] =	vst v63  }
0x3f0: {  	s25 =	sadd.s32 $0x3480, s19  }
0x3f1: {  	[spmem:s10] =	stream.indirect.scatter.add.f32 [tilespmem:s8], [sflag:$0x3], $0x40, s25, s3, $0xb8;
	[tilespmem:$0x18000] =	vst v63  }
0x3f2: {  	s26 =	sadd.s32 $0x3700, s19  }
0x3f3: {  	[spmem:s10] =	stream.indirect.scatter.add.f32 [tilespmem:s8], [sflag:$0x3], $0x40, s26, s3, $0xb8;
	[tilespmem:$0x18000] =	vst v63  }
0x3f4: {  	s28 =	sadd.s32 $0x3980, s19  }
0x3f5: {  	[spmem:s10] =	stream.indirect.scatter.add.f32 [tilespmem:s8], [sflag:$0x3], $0x40, s28, s3, $0xb8;
	[tilespmem:$0x18000] =	vst v63  }
0x3f6: {  	s29 =	sadd.s32 $0x3C00, s19  }
0x3f7: {  	[spmem:s10] =	stream.indirect.scatter.add.f32 [tilespmem:s8], [sflag:$0x3], $0x40, s29, s3, $0xb8;
	[tilespmem:$0x18000] =	vst v63  }
0x3f8: {  	s22 =	sadd.s32 $0x3E80, s19  }
0x3f9: {  	[spmem:s10] =	stream.indirect.scatter.add.f32 [tilespmem:s8], [sflag:$0x3], $0x40, s22, s3, $0xb8;
	[tilespmem:$0x18000] =	vst v63  }
0x3fa: {  	s23 =	sadd.s32 $0x4100, s19  }
0x3fb: {  	[spmem:s10] =	stream.indirect.scatter.add.f32 [tilespmem:s8], [sflag:$0x3], $0x40, s23, s3, $0xb8;
	[tilespmem:$0x18000] =	vst v63  }
0x3fc: {  	s24 =	sadd.s32 $0x4380, s19  }
0x3fd: {  	[spmem:s10] =	stream.indirect.scatter.add.f32 [tilespmem:s8], [sflag:$0x3], $0x40, s24, s3, $0xb8;
	[tilespmem:$0x18000] =	vst v63  }
0x3fe: {  	s25 =	sadd.s32 $0x4600, s19  }
0x3ff: {  	[spmem:s10] =	stream.indirect.scatter.add.f32 [tilespmem:s8], [sflag:$0x3], $0x40, s25, s3, $0xb8;
	[tilespmem:$0x18000] =	vst v63  }
0x400: {  	s26 =	sadd.s32 $0x4880, s19  }
0x401: {  	[spmem:s10] =	stream.indirect.scatter.add.f32 [tilespmem:s8], [sflag:$0x3], $0x40, s26, s3, $0xb8;
	[tilespmem:$0x18000] =	vst v63  }
.Ltmp13:
0x402: {  	_ = 	snop;
	(pc) =	sbr.rel .LBB2_19-.Ltmp13, $4  }
0x403: {  	s28 =	sadd.s32 $0x4B00, s19  }
0x404: {  	[spmem:s10] =	stream.indirect.scatter.add.f32 [tilespmem:s8], [sflag:$0x3], $0x40, s28, s3, $0xb8;
	[tilespmem:$0x18000] =	vst v63  }
0x405: {  	s29 =	sadd.s32 $0x4D80, s19  }
0x406: {  	[spmem:s10] =	stream.indirect.scatter.add.f32 [tilespmem:s8], [sflag:$0x3], $0x40, s29, s3, $0xb8;
	[tilespmem:$0x18000] =	vst v63  }
.LBB2_20:
.Ltmp14:
0x407: {  	(pc) =	sbr.rel @p0 .LBB2_22-.Ltmp14, $4  }
0x408: {  	_ = 	snop  }
0x409: {  	_ =	swait.ge [sflag:s13], $0x2000  }
0x40a: {  	[sflag:s13] =	ssyncset.done $0x0  }
0x40b: {  	[sflag:s13] =	ssyncadd.s32 $0xFFFFE000  }
0x40c: {  	_ =	swait.ge [sflag:s13], $0x2000  }
0x40d: {  	[sflag:s13] =	ssyncset.done $0x0  }
0x40e: {  	[sflag:s13] =	ssyncadd.s32 $0xFFFFE000  }
0x40f: {  	_ =	swait.ge [sflag:s13], $0x2000  }
0x410: {  	[sflag:s13] =	ssyncset.done $0x0  }
0x411: {  	[sflag:s13] =	ssyncadd.s32 $0xFFFFE000  }
0x412: {  	_ =	swait.ge [sflag:s13], $0x2000  }
0x413: {  	[sflag:s13] =	ssyncset.done $0x0  }
0x414: {  	[sflag:s13] =	ssyncadd.s32 $0xFFFFE000  }
0x415: {  	_ =	swait.ge [sflag:s13], $0x2000  }
0x416: {  	[sflag:s13] =	ssyncset.done $0x0  }
0x417: {  	[sflag:s13] =	ssyncadd.s32 $0xFFFFE000  }
0x418: {  	_ =	swait.ge [sflag:s13], $0x2000  }
0x419: {  	[sflag:s13] =	ssyncset.done $0x0  }
0x41a: {  	[sflag:s13] =	ssyncadd.s32 $0xFFFFE000  }
0x41b: {  	_ =	swait.ge [sflag:s13], $0x2000  }
0x41c: {  	[sflag:s13] =	ssyncset.done $0x0  }
0x41d: {  	[sflag:s13] =	ssyncadd.s32 $0xFFFFE000  }
0x41e: {  	_ =	swait.ge [sflag:s13], $0x2000  }
0x41f: {  	[sflag:s13] =	ssyncset.done $0x0  }
0x420: {  	[sflag:s13] =	ssyncadd.s32 $0xFFFFE000  }
0x421: {  	_ =	swait.ge [sflag:s13], $0x2000  }
0x422: {  	[sflag:s13] =	ssyncset.done $0x0  }
0x423: {  	[sflag:s13] =	ssyncadd.s32 $0xFFFFE000  }
0x424: {  	_ =	swait.ge [sflag:s13], $0x2000  }
0x425: {  	[sflag:s13] =	ssyncset.done $0x0  }
0x426: {  	[sflag:s13] =	ssyncadd.s32 $0xFFFFE000  }
0x427: {  	_ =	swait.ge [sflag:s13], $0x2000  }
0x428: {  	[sflag:s13] =	ssyncset.done $0x0  }
0x429: {  	[sflag:s13] =	ssyncadd.s32 $0xFFFFE000  }
0x42a: {  	_ =	swait.ge [sflag:s13], $0x2000  }
0x42b: {  	[sflag:s13] =	ssyncset.done $0x0  }
0x42c: {  	[sflag:s13] =	ssyncadd.s32 $0xFFFFE000  }
0x42d: {  	_ =	swait.ge [sflag:s13], $0x2000  }
0x42e: {  	[sflag:s13] =	ssyncset.done $0x0  }
0x42f: {  	[sflag:s13] =	ssyncadd.s32 $0xFFFFE000  }
0x430: {  	_ =	swait.ge [sflag:s13], $0x2000  }
0x431: {  	[sflag:s13] =	ssyncset.done $0x0  }
0x432: {  	[sflag:s13] =	ssyncadd.s32 $0xFFFFE000  }
0x433: {  	_ =	swait.ge [sflag:s13], $0x2000  }
.Ltmp15:
0x434: {  	[sflag:s13] =	ssyncset.done $0x0;
	(pc) =	sbr.rel .LBB2_23-.Ltmp15, $4  }
0x435: {  	[sflag:s13] =	ssyncadd.s32 $0xFFFFE000  }
0x436: {  	_ =	swait.ge [sflag:s13], $0x2000  }
0x437: {  	[sflag:s13] =	ssyncset.done $0x0  }
0x438: {  	[sflag:s13] =	ssyncadd.s32 $0xFFFFE000  }
.LBB2_24:
0x439: {  	_ =	sfence.sel $0x180000  }
0x43a: {  	[bflag:$0x0] =	sbarrier.arrive $0xFFFF  }
0x43b: {  	_ =	strace $0x90000047  }
0x43c: {  	s0 =	stileid.u32;
	[bflag:$0x2] =	sbarrier.arrive $0xFFFF  }
0x43d: {  	p0 =	sne.s32 s0, $0x0;
	s0 =	rddreg [dreg:$0x4]  }
0x43e: {  	s0 =	sadd.s32 @!p0 $0x100000, s0  }
0x43f: {  	[sflag:s0] =	ssyncadd.tile.s32 @!p0 $0x1;
	_ =	shalt  }
.Lfunc_end2:
_tile_overlayer_lowered:
.L_overlay_start_2:
0x440: {  	(tag) =	ssettag $0x2  }
0x441: {  	s0 =	rddreg [dreg:$0x0];
	s2 =	stileid.u32  }
0x442: {  	s1 =	rddreg [dreg:$0x1];
	p0 =	sne.s32 s2, $0x0  }
0x443: {  	s3 =	rddreg [dreg:$0x2];
	[bflag:$0x3] =	sbarrier.arrive $0xFFFF;
	s2 =	simm.s32 @!p0 $0x1C05  }
0x444: {  	[timem:s3], [sflag:s2] =	dma.local @!p0 [hbm:s0], s1  }
0x445: {  	s0 =	simm.s32 @!p0 $0x5  }
0x446: {  	_ =	swait.ge @!p0 [sflag:s0], s1  }
0x447: {  	s1 =	ssub.s32 @!p0 $0x0, s1;
	[sflag:s0] =	ssyncset.done @!p0 $0x0  }
0x448: {  	[sflag:s0] =	ssyncadd.s32 @!p0 s1  }
0x449: {  	[bflag:$0x3] =	sbarrier.arrive $0xFFFF  }
0x44a: {  	_ =	shalt  }

</sc_bundles>
